<compile_context>
chip_gen: v7x
topology: tpu7x:2x2x1
jax: 0.10.2.dev20260603
libtpu: 0.0.44.dev20260713+nightly
codegen_flags: <defaults>
</compile_context>

<pallas_src>
import functools

import jax
import jax.numpy as jnp
from jax import lax
from jax.experimental import pallas as pl
from jax.experimental.pallas import tpu as pltpu
from jax.experimental.pallas import tpu_sc as plsc

NSC = 2
NSUB = 16
HF = 64
CK = 128
BR = 512


def _round_up(v, m):
    return (v + m - 1) // m * m



@functools.lru_cache(maxsize=None)
def _make_sc_scatter(np_, ch):
    mesh = plsc.VectorSubcoreMesh(core_axis_name="c", subcore_axis_name="s",
                                  num_cores=NSC, num_subcores=NSUB)
    rpt = np_ // NSUB

    @functools.partial(
        pl.kernel,
        mesh=mesh,
        out_type=jax.ShapeDtypeStruct((np_, 128), jnp.float32),
        compiler_params=pltpu.CompilerParams(use_tc_tiling_on_sc=False),
        scratch_types=[
            [pltpu.VMEM((2, CK), jnp.int32) for _ in range(8)],
            [pltpu.VMEM((CK, HF), jnp.float32) for _ in range(4)],
            pltpu.VMEM((CK, HF), jnp.float32),
            pltpu.VMEM_SHARED((np_, HF), jnp.float32),
            pltpu.VMEM_SHARED((np_, HF), jnp.float32),
            [pltpu.SemaphoreType.DMA for _ in range(8)],
            [pltpu.SemaphoreType.DMA for _ in range(4)],
            [pltpu.SemaphoreType.DMA for _ in range(4)],
            pltpu.SemaphoreType.DMA,
        ],
    )
    def sc_scatter(hs_hbm, rc_hbm, out_hbm,
                   ibufs, bufs, zbuf, table, acc, isems, gsems, ssems, stsem):
        c = lax.axis_index("c")
        s = lax.axis_index("s")

        base = s * rpt
        stripe = pl.ds(base, rpt)
        fcols = pl.ds(c * HF, HF)
        pltpu.async_copy(hs_hbm.at[stripe, fcols], table.at[stripe], stsem)

        zeros16 = jnp.zeros((16,), jnp.float32)
        nsl = HF // 16

        def _fill(i, _):
            zbuf[i // nsl, pl.ds((i % nsl) * 16, 16)] = zeros16
            return 0

        lax.fori_loop(0, CK * nsl, _fill, 0)

        for t in range(rpt // CK):
            pltpu.sync_copy(zbuf, acc.at[pl.ds(base + t * CK, CK)])
        pltpu.make_async_copy(hs_hbm.at[stripe, fcols], table.at[stripe],
                              stsem).wait()
        plsc.subcore_barrier()

        edges = rc_hbm.at[s]

        def _idx(jj, b8):
            return pltpu.async_copy(edges.at[jj], ibufs[b8], isems[b8])

        def _gather(b4, b8):
            return pltpu.async_copy(table.at[ibufs[b8].at[0]], bufs[b4],
                                    gsems[b4])

        def _scatter(b4, b8):
            return pltpu.async_copy(bufs[b4], acc.at[ibufs[b8].at[1]],
                                    ssems[b4], add=True)

        def _swait(b4, b8):
            pltpu.make_async_copy(bufs[b4], acc.at[ibufs[b8].at[1]],
                                  ssems[b4]).wait()

        for k in range(4):
            _idx(k, k)
        pltpu.make_async_copy(edges.at[0], ibufs[0], isems[0]).wait()
        _gather(0, 0)

        def _step(j2, _):
            j = j2 * 8
            for p in range(8):
                jj = j + p
                p4 = p % 4
                pltpu.make_async_copy(table.at[ibufs[p].at[0]], bufs[p4],
                                      gsems[p4]).wait()
                _scatter(p4, p)

                @pl.when(jj + 2 < ch)
                def _():
                    @pl.when(jj - 2 >= 0)
                    def _():
                        _swait((p + 2) % 4, (p + 6) % 8)

                @pl.when(jj + 4 < ch)
                def _():
                    _idx(jj + 4, (p + 4) % 8)

                @pl.when(jj + 1 < ch)
                def _():
                    pltpu.make_async_copy(edges.at[jj + 1],
                                          ibufs[(p + 1) % 8],
                                          isems[(p + 1) % 8]).wait()
                    _gather((p + 1) % 4, (p + 1) % 8)
            return 0

        lax.fori_loop(0, ch // 8, _step, 0)
        for k in range(ch - 4, ch):
            _swait(k % 4, k % 8)
        plsc.subcore_barrier()

        for t in range(rpt // CK):
            sl = pl.ds(base + t * CK, CK)
            pltpu.sync_copy(acc.at[sl], out_hbm.at[sl, fcols])

    return sc_scatter


@functools.lru_cache(maxsize=None)
def _make_sc_degree(np_, ch):
    mesh = plsc.VectorSubcoreMesh(core_axis_name="c", subcore_axis_name="s",
                                  num_cores=NSC, num_subcores=NSUB)
    rpt = np_ // NSUB

    @functools.partial(
        pl.kernel,
        mesh=mesh,
        out_type=jax.ShapeDtypeStruct((NSC, np_, 16), jnp.float32),
        compiler_params=pltpu.CompilerParams(use_tc_tiling_on_sc=False),
        scratch_types=[
            pltpu.VMEM((ch, CK), jnp.int32),
            pltpu.VMEM((CK, 16), jnp.float32),
            pltpu.VMEM((CK, 16), jnp.float32),
            pltpu.VMEM_SHARED((np_, 16), jnp.float32),
        ],
    )
    def sc_degree(cols_hbm, out_hbm, col_v, ones_v, zbuf, acc):
        c = lax.axis_index("c")
        s = lax.axis_index("s")

        pltpu.sync_copy(cols_hbm.at[s], col_v)

        ones16 = jnp.ones((16,), jnp.float32)
        zeros16 = jnp.zeros((16,), jnp.float32)

        def _fill(i, _):
            ones_v[i, :] = ones16
            zbuf[i, :] = zeros16
            return 0

        lax.fori_loop(0, CK, _fill, 0)

        base = s * rpt
        for t in range(rpt // CK):
            pltpu.sync_copy(zbuf, acc.at[pl.ds(base + t * CK, CK)])
        plsc.subcore_barrier()

        def _step(j, _):
            pltpu.sync_copy(ones_v, acc.at[col_v.at[j]], add=True)
            return 0

        lax.fori_loop(0, ch, _step, 0)
        plsc.subcore_barrier()

        for t in range(rpt // CK):
            sl = pl.ds(base + t * CK, CK)
            pltpu.sync_copy(acc.at[sl], out_hbm.at[c, sl])

    return sc_degree



def _deg_stats(d0_ref):
    deg = d0_ref[:, 0:1] + 1.0
    dis = lax.rsqrt(deg)
    return deg, dis


def _row_mask(n):
    rid = pl.program_id(0) * BR + lax.broadcasted_iota(jnp.int32, (BR, 1), 0)
    return rid < n


def _prep1_body(n, x_ref, imp_ref, w_ref, b_ref, d0_ref, o_ref):
    xb = x_ref[...] * imp_ref[...]
    h = jnp.dot(xb, w_ref[...], preferred_element_type=jnp.float32) + b_ref[...]
    _, dis = _deg_stats(d0_ref)
    o_ref[...] = jnp.where(_row_mask(n), dis * h, 0.0)


def _mid_body(n, a_ref, hs_ref, d0_ref, bias_ref, w_ref, b_ref, o_ref):
    deg, dis = _deg_stats(d0_ref)
    sv = a_ref[...] + hs_ref[...]
    xk = jnp.maximum(sv * (dis / deg) + bias_ref[...], 0.0)
    h = jnp.dot(xk, w_ref[...], preferred_element_type=jnp.float32) + b_ref[...]
    o_ref[...] = jnp.where(_row_mask(n), dis * h, 0.0)


def _final_body(nclass, a_ref, hs_ref, d0_ref, bias_ref,
                w1_ref, b1_ref, w2_ref, b2_ref, o_ref):
    deg, dis = _deg_stats(d0_ref)
    sv = a_ref[...] + hs_ref[...]
    x4 = jnp.maximum(sv * (dis / deg) + bias_ref[...], 0.0)
    h = jnp.maximum(
        jnp.dot(x4, w1_ref[...], preferred_element_type=jnp.float32)
        + b1_ref[...], 0.0)
    o = jnp.dot(h, w2_ref[...], preferred_element_type=jnp.float32) + b2_ref[...]
    cm = lax.broadcasted_iota(jnp.int32, (BR, 128), 1) < nclass
    m = jnp.max(jnp.where(cm, o, -1e30), axis=1, keepdims=True)
    e = jnp.where(cm, jnp.exp(o - m), 0.0)
    o_ref[...] = o - m - jnp.log(jnp.sum(e, axis=1, keepdims=True))


def _vec_spec():
    return pl.BlockSpec((1, 128), lambda i: (0, 0))


def _mat_spec():
    return pl.BlockSpec((128, 128), lambda i: (0, 0))


def _blk_spec():
    return pl.BlockSpec((BR, 128), lambda i: (i, 0))


def _deg_spec():
    return pl.BlockSpec((BR, 16), lambda i: (i, 0))



def kernel(x, edge_index, importance, conv1_W, conv1_b, conv1_bias,
           conv2_W, conv2_b, conv2_bias, conv3_W, conv3_b, conv3_bias,
           lin1_W, lin1_b, lin2_W, lin2_b):
    n, d = x.shape
    nclass = lin2_W.shape[0]
    e = edge_index.shape[1]
    np_ = _round_up(n, NSUB * CK)
    ch = max(8, _round_up(-(-e // (NSUB * CK)), 8))
    ep = NSUB * ch * CK
    grid = np_ // BR

    rows = edge_index[0].astype(jnp.int32)
    cols = edge_index[1].astype(jnp.int32)
    pad = jnp.full((ep - e,), n, jnp.int32)
    rows3 = jnp.concatenate([rows, pad]).reshape(NSUB, ch, CK)
    cols3 = jnp.concatenate([cols, pad]).reshape(NSUB, ch, CK)
    rc3 = jnp.stack([rows3, cols3], axis=2)

    xp = jnp.pad(x, ((0, np_ - n), (0, 0)))
    imp = importance.reshape(1, d)
    w1t, w2t, w3t = conv1_W.T, conv2_W.T, conv3_W.T
    l1t = lin1_W.T
    l2t = jnp.pad(lin2_W.T, ((0, 0), (0, 128 - nclass)))
    b1r, b2r, b3r = (conv1_b.reshape(1, d), conv2_b.reshape(1, d),
                     conv3_b.reshape(1, d))
    bias1, bias2, bias3 = (conv1_bias.reshape(1, d), conv2_bias.reshape(1, d),
                           conv3_bias.reshape(1, d))
    l1b = lin1_b.reshape(1, d)
    l2b = jnp.pad(lin2_b.reshape(1, nclass), ((0, 0), (0, 128 - nclass)))

    sc_deg = _make_sc_degree(np_, ch)
    sc_scatter = _make_sc_scatter(np_, ch)

    d0 = sc_deg(cols3)[0]

    wide_out = jax.ShapeDtypeStruct((np_, 128), jnp.float32)

    hs1 = pl.pallas_call(
        functools.partial(_prep1_body, n),
        grid=(grid,),
        in_specs=[_blk_spec(), _vec_spec(), _mat_spec(), _vec_spec(),
                  _deg_spec()],
        out_specs=_blk_spec(),
        out_shape=wide_out,
    )(xp, imp, w1t, b1r, d0)

    mid = pl.pallas_call(
        functools.partial(_mid_body, n),
        grid=(grid,),
        in_specs=[_blk_spec(), _blk_spec(), _deg_spec(), _vec_spec(),
                  _mat_spec(), _vec_spec()],
        out_specs=_blk_spec(),
        out_shape=wide_out,
    )

    agg1 = sc_scatter(hs1, rc3)
    hs2 = mid(agg1, hs1, d0, bias1, w2t, b2r)

    agg2 = sc_scatter(hs2, rc3)
    hs3 = mid(agg2, hs2, d0, bias2, w3t, b3r)

    agg3 = sc_scatter(hs3, rc3)
    out = pl.pallas_call(
        functools.partial(_final_body, nclass),
        grid=(grid,),
        in_specs=[_blk_spec(), _blk_spec(), _deg_spec(), _vec_spec(),
                  _mat_spec(), _vec_spec(), _mat_spec(), _vec_spec()],
        out_specs=_blk_spec(),
        out_shape=wide_out,
    )(agg3, hs3, d0, bias3, l1t, l1b, l2t, l2b)
    return out[:n, :nclass]

# --- scband reference (transcript-rebuilt; emitter-appended) ---
"""Pipeline reference for scband-improved-graph-sage-74053826117923 (READ-ONLY COPY).

The authoritative reference and input builder live on the scoring server;
editing this copy changes nothing except your own understanding.
"""

import jax, jax.numpy as jnp
import numpy as np

N = 10000
E = 320000
D = 128
H = 128
C = 40


def balanced_conv(x, edge_index, W, b_lin, bias):
    n = x.shape[0]
    self_loops = jnp.arange(n, dtype=edge_index.dtype)
    row = jnp.concatenate([edge_index[0], self_loops])
    col = jnp.concatenate([edge_index[1], self_loops])
    h = x @ W.T + b_lin
    deg = jax.ops.segment_sum(jnp.ones(row.shape[0], dtype=h.dtype), col, num_segments=n)
    deg_inv_sqrt = deg ** -0.5
    norm = deg_inv_sqrt[row] * deg_inv_sqrt[col]
    msg = norm[:, None] * h[row]
    agg = jax.ops.segment_sum(msg, col, num_segments=n)
    mean = agg / deg[:, None]
    return mean + bias


def setup_inputs(seed: int = 0) -> dict:
    key = jax.random.key(seed)
    ks = jax.random.split(key, 16)
    inp = {}
    inp['x'] = jax.random.normal(ks[0], (N, D), dtype=jnp.float32)
    inp['edge_index'] = jax.random.randint(ks[1], (2, E), 0, N, dtype=jnp.int64)
    inp['importance'] = jnp.ones((D,), dtype=jnp.float32)
    s_in = 1.0 / np.sqrt(D)
    s_h = 1.0 / np.sqrt(H)
    inp['conv1_W'] = jax.random.normal(ks[2], (H, D), dtype=jnp.float32) * s_in
    inp['conv1_b'] = jnp.zeros((H,), dtype=jnp.float32)
    inp['conv1_bias'] = jnp.zeros((H,), dtype=jnp.float32)
    inp['conv2_W'] = jax.random.normal(ks[3], (H, H), dtype=jnp.float32) * s_h
    inp['conv2_b'] = jnp.zeros((H,), dtype=jnp.float32)
    inp['conv2_bias'] = jnp.zeros((H,), dtype=jnp.float32)
    inp['conv3_W'] = jax.random.normal(ks[4], (H, H), dtype=jnp.float32) * s_h
    inp['conv3_b'] = jnp.zeros((H,), dtype=jnp.float32)
    inp['conv3_bias'] = jnp.zeros((H,), dtype=jnp.float32)
    inp['lin1_W'] = jax.random.normal(ks[5], (H, H), dtype=jnp.float32) * s_h
    inp['lin1_b'] = jnp.zeros((H,), dtype=jnp.float32)
    inp['lin2_W'] = jax.random.normal(ks[6], (C, H), dtype=jnp.float32) * s_h
    inp['lin2_b'] = jnp.zeros((C,), dtype=jnp.float32)
    return inp


def reference(x, edge_index, importance, conv1_W, conv1_b, conv1_bias, conv2_W, conv2_b, conv2_bias, conv3_W, conv3_b, conv3_bias, lin1_W, lin1_b, lin2_W, lin2_b):
    # dropout is identity in eval mode
    h = x * importance
    h = jax.nn.relu(balanced_conv(h, edge_index, conv1_W, conv1_b, conv1_bias))
    h = jax.nn.relu(balanced_conv(h, edge_index, conv2_W, conv2_b, conv2_bias))
    h = jax.nn.relu(balanced_conv(h, edge_index, conv3_W, conv3_b, conv3_bias))
    h = jax.nn.relu(h @ lin1_W.T + lin1_b)
    out = h @ lin2_W.T + lin2_b
    return jax.nn.log_softmax(out, axis=-1)

if __name__ == "__main__":
    import jax
    _d = setup_inputs()
    print(jax.jit(kernel)(*tuple(_d.values())))

</pallas_src>

<mosaic_0001>
#map = affine_map<(d0, d1) -> (0, 0)>
#map1 = affine_map<(d0, d1) -> (0, 0, 0, 0)>
module attributes {stable_mosaic.version = 14 : i64} {
  func.func @sc_scatter(%arg0: i32, %arg1: i32, %arg2: memref<10240x128xf32, #tpu.memory_space<hbm>>, %arg3: memref<16x160x2x128xi32, #tpu.memory_space<hbm>>, %arg4: memref<10240x128xf32, #tpu.memory_space<hbm>>, %arg5: memref<2x128xi32, #tpu.memory_space<vmem>>, %arg6: memref<2x128xi32, #tpu.memory_space<vmem>>, %arg7: memref<2x128xi32, #tpu.memory_space<vmem>>, %arg8: memref<2x128xi32, #tpu.memory_space<vmem>>, %arg9: memref<2x128xi32, #tpu.memory_space<vmem>>, %arg10: memref<2x128xi32, #tpu.memory_space<vmem>>, %arg11: memref<2x128xi32, #tpu.memory_space<vmem>>, %arg12: memref<2x128xi32, #tpu.memory_space<vmem>>, %arg13: memref<128x64xf32, #tpu.memory_space<vmem>>, %arg14: memref<128x64xf32, #tpu.memory_space<vmem>>, %arg15: memref<128x64xf32, #tpu.memory_space<vmem>>, %arg16: memref<128x64xf32, #tpu.memory_space<vmem>>, %arg17: memref<128x64xf32, #tpu.memory_space<vmem>>, %arg18: memref<10240x64xf32, #tpu.memory_space<vmem_shared>>, %arg19: memref<10240x64xf32, #tpu.memory_space<vmem_shared>>, %arg20: memref<!tpu.dma_semaphore, #tpu.memory_space<semaphore_mem>>, %arg21: memref<!tpu.dma_semaphore, #tpu.memory_space<semaphore_mem>>, %arg22: memref<!tpu.dma_semaphore, #tpu.memory_space<semaphore_mem>>, %arg23: memref<!tpu.dma_semaphore, #tpu.memory_space<semaphore_mem>>, %arg24: memref<!tpu.dma_semaphore, #tpu.memory_space<semaphore_mem>>, %arg25: memref<!tpu.dma_semaphore, #tpu.memory_space<semaphore_mem>>, %arg26: memref<!tpu.dma_semaphore, #tpu.memory_space<semaphore_mem>>, %arg27: memref<!tpu.dma_semaphore, #tpu.memory_space<semaphore_mem>>, %arg28: memref<!tpu.dma_semaphore, #tpu.memory_space<semaphore_mem>>, %arg29: memref<!tpu.dma_semaphore, #tpu.memory_space<semaphore_mem>>, %arg30: memref<!tpu.dma_semaphore, #tpu.memory_space<semaphore_mem>>, %arg31: memref<!tpu.dma_semaphore, #tpu.memory_space<semaphore_mem>>, %arg32: memref<!tpu.dma_semaphore, #tpu.memory_space<semaphore_mem>>, %arg33: memref<!tpu.dma_semaphore, #tpu.memory_space<semaphore_mem>>, %arg34: memref<!tpu.dma_semaphore, #tpu.memory_space<semaphore_mem>>, %arg35: memref<!tpu.dma_semaphore, #tpu.memory_space<semaphore_mem>>, %arg36: memref<!tpu.dma_semaphore, #tpu.memory_space<semaphore_mem>>) attributes {dimension_semantics = [#tpu.dimension_semantics<core_parallel>, #tpu.dimension_semantics<subcore_parallel>], iteration_bounds = array<i64: 2, 16>, scalar_prefetch = 0 : i64, scratch_operands = 32 : i64, tpu.core_type = #tpu.core_type<sc_vector_subcore>, window_params = [{transform_indices = #map}, {transform_indices = #map1}, {transform_indices = #map}]} {
    %mul3A = arith.constant 640 : i32
    %mul3A_0 = arith.muli %arg1, %mul3A : i32
    %mul3A_1 = arith.constant 64 : i32
    %mul3A_2 = arith.muli %arg0, %mul3A_1 : i32
    %dma_start3A = arith.constant 0 : i32
    %dma_start3A_3 = tpu.memref_slice %arg18[%mul3A_0, %dma_start3A] : memref<10240x64xf32, #tpu.memory_space<vmem_shared>> -> memref<640x64xf32, #tpu.memory_space<vmem_shared>>
    %dma_start3A_4 = tpu.memref_slice %arg2[%mul3A_0, %mul3A_2] : memref<10240x128xf32, #tpu.memory_space<hbm>> -> memref<640x64xf32, #tpu.memory_space<hbm>>
    tpu.enqueue_dma source(%dma_start3A_4 : memref<640x64xf32, #tpu.memory_space<hbm>>) target(%dma_start3A_3 : memref<640x64xf32, #tpu.memory_space<vmem_shared>>) target_semaphore(%arg36 : memref<!tpu.dma_semaphore, #tpu.memory_space<semaphore_mem>>)
    %broadcast_in_dim3A = arith.constant 0.000000e+00 : f32
    %broadcast_in_dim3A_5 = vector.broadcast %broadcast_in_dim3A : f32 to vector<16xf32>
    %scan3A = arith.constant 0 : i32
    %scan3A_6 = arith.constant 0 : i32
    %scan3A_7 = arith.constant 512 : i32
    %scan3A_8 = arith.addi %scan3A_6, %scan3A_7 : i32
    %scan3A_9 = arith.constant 1 : i32
    %scan3A_10 = scf.for %scan3A_171 = %scan3A_6 to %scan3A_8 step %scan3A_9 iter_args(%scan3A_172 = %scan3A) -> (i32)  : i32 {
      %jit3A = arith.constant 4 : i32
      %div3A = arith.divsi %scan3A_171, %jit3A : i32
      %sign3A = arith.constant 0 : i32
      %sign3A_173 = arith.cmpi sgt, %scan3A_171, %sign3A : i32
      %sign3A_174 = arith.extui %sign3A_173 : i1 to i32
      %sign3A_175 = arith.constant 0 : i32
      %sign3A_176 = arith.cmpi slt, %scan3A_171, %sign3A_175 : i32
      %sign3A_177 = arith.extui %sign3A_176 : i1 to i32
      %sign3A_178 = arith.subi %sign3A_174, %sign3A_177 : i32
      %sign3A_179 = arith.constant 0 : i32
      %sign3A_180 = arith.cmpi sgt, %jit3A, %sign3A_179 : i32
      %sign3A_181 = arith.extui %sign3A_180 : i1 to i32
      %sign3A_182 = arith.constant 0 : i32
      %sign3A_183 = arith.cmpi slt, %jit3A, %sign3A_182 : i32
      %sign3A_184 = arith.extui %sign3A_183 : i1 to i32
      %sign3A_185 = arith.subi %sign3A_181, %sign3A_184 : i32
      %ne3A = arith.cmpi ne, %sign3A_178, %sign3A_185 : i32
      %rem3A = arith.remsi %scan3A_171, %jit3A : i32
      %ne3A_186 = arith.constant 0 : i32
      %ne3A_187 = arith.cmpi ne, %rem3A, %ne3A_186 : i32
      %and3A = arith.andi %ne3A, %ne3A_187 : i1
      %sub3A = arith.constant 1 : i32
      %sub3A_188 = arith.subi %div3A, %sub3A : i32
      %select_n3A = arith.select %and3A, %sub3A_188, %div3A : i32
      %jit3A_189 = arith.constant 4 : i32
      %eq3A = arith.constant 0 : i32
      %eq3A_190 = arith.cmpi eq, %jit3A_189, %eq3A : i32
      %jit3A_191 = arith.constant 1 : i32
      %select_n3A_192 = arith.select %eq3A_190, %jit3A_191, %jit3A_189 : i32
      %rem3A_193 = arith.remsi %scan3A_171, %select_n3A_192 : i32
      %ne3A_194 = arith.constant 0 : i32
      %ne3A_195 = arith.cmpi ne, %rem3A_193, %ne3A_194 : i32
      %lt3A = arith.constant 0 : i32
      %lt3A_196 = arith.cmpi slt, %rem3A_193, %lt3A : i32
      %lt3A_197 = arith.constant 0 : i32
      %lt3A_198 = arith.cmpi slt, %select_n3A_192, %lt3A_197 : i32
      %ne3A_199 = arith.xori %lt3A_196, %lt3A_198 : i1
      %and3A_200 = arith.andi %ne3A_199, %ne3A_195 : i1
      %add3A_201 = arith.addi %rem3A_193, %select_n3A_192 : i32
      %select_n3A_202 = arith.select %and3A_200, %add3A_201, %rem3A_193 : i32
      %mul3A_203 = arith.constant 16 : i32
      %mul3A_204 = arith.muli %select_n3A_202, %mul3A_203 : i32
      %swap3A = arith.index_cast %select_n3A : i32 to index
      %swap3A_205 = arith.index_cast %mul3A_204 : i32 to index
      %swap3A_206 = tpu.vector_load %arg17[%swap3A, %swap3A_205] {strides = array<i32>} : memref<128x64xf32, #tpu.memory_space<vmem>>, vector<1x16xf32>,
      %swap3A_207 = vector.shape_cast %swap3A_206 : vector<1x16xf32> to vector<16xf32>
      %swap3A_208 = vector.shape_cast %broadcast_in_dim3A_5 : vector<16xf32> to vector<1x16xf32>
      tpu.vector_store %arg17[%swap3A, %swap3A_205], %swap3A_208 {strides = array<i32>} : memref<128x64xf32, #tpu.memory_space<vmem>>, vector<1x16xf32>,
      %scan3A_209 = arith.constant 0 : i32
      scf.yield %scan3A_209 : i32
    }
    %scan3A_11 = arith.constant 512 : i32
    %add3A = arith.constant 0 : i32
    %add3A_12 = arith.addi %mul3A_0, %add3A : i32
    "tpu.region"() ({
      %run_scoped3A = tpu.sem_alloc : memref<!tpu.dma_semaphore, #tpu.memory_space<semaphore_mem>>
      %dma_start3A_171 = arith.constant 0 : i32
      %dma_start3A_172 = tpu.memref_slice %arg19[%add3A_12, %dma_start3A_171] : memref<10240x64xf32, #tpu.memory_space<vmem_shared>> -> memref<128x64xf32, #tpu.memory_space<vmem_shared>>
      %dma_start3A_173 = arith.constant 0 : i32
      %dma_start3A_174 = tpu.memref_slice %arg19[%add3A_12, %dma_start3A_173] : memref<10240x64xf32, #tpu.memory_space<vmem_shared>> -> memref<128x64xf32, #tpu.memory_space<vmem_shared>>
      tpu.enqueue_dma source(%arg17 : memref<128x64xf32, #tpu.memory_space<vmem>>) target(%dma_start3A_174 : memref<128x64xf32, #tpu.memory_space<vmem_shared>>) target_semaphore(%run_scoped3A : memref<!tpu.dma_semaphore, #tpu.memory_space<semaphore_mem>>)
      %dma_wait3A_175 = arith.constant 0 : i32
      %dma_wait3A_176 = tpu.memref_slice %arg19[%add3A_12, %dma_wait3A_175] : memref<10240x64xf32, #tpu.memory_space<vmem_shared>> -> memref<128x64xf32, #tpu.memory_space<vmem_shared>>
      %dma_wait3A_177 = arith.constant 0 : i32
      %dma_wait3A_178 = tpu.memref_slice %arg19[%add3A_12, %dma_wait3A_177] : memref<10240x64xf32, #tpu.memory_space<vmem_shared>> -> memref<128x64xf32, #tpu.memory_space<vmem_shared>>
      tpu.wait_dma2 semaphore(%run_scoped3A : memref<!tpu.dma_semaphore, #tpu.memory_space<semaphore_mem>>) src(%arg17 : memref<128x64xf32, #tpu.memory_space<vmem>>) dst(%dma_wait3A_178 : memref<128x64xf32, #tpu.memory_space<vmem_shared>>)
      tpu.yield
    }) : () -> ()
    %add3A_13 = arith.constant 128 : i32
    %add3A_14 = arith.addi %mul3A_0, %add3A_13 : i32
    "tpu.region"() ({
      %run_scoped3A = tpu.sem_alloc : memref<!tpu.dma_semaphore, #tpu.memory_space<semaphore_mem>>
      %dma_start3A_171 = arith.constant 0 : i32
      %dma_start3A_172 = tpu.memref_slice %arg19[%add3A_14, %dma_start3A_171] : memref<10240x64xf32, #tpu.memory_space<vmem_shared>> -> memref<128x64xf32, #tpu.memory_space<vmem_shared>>
      %dma_start3A_173 = arith.constant 0 : i32
      %dma_start3A_174 = tpu.memref_slice %arg19[%add3A_14, %dma_start3A_173] : memref<10240x64xf32, #tpu.memory_space<vmem_shared>> -> memref<128x64xf32, #tpu.memory_space<vmem_shared>>
      tpu.enqueue_dma source(%arg17 : memref<128x64xf32, #tpu.memory_space<vmem>>) target(%dma_start3A_174 : memref<128x64xf32, #tpu.memory_space<vmem_shared>>) target_semaphore(%run_scoped3A : memref<!tpu.dma_semaphore, #tpu.memory_space<semaphore_mem>>)
      %dma_wait3A_175 = arith.constant 0 : i32
      %dma_wait3A_176 = tpu.memref_slice %arg19[%add3A_14, %dma_wait3A_175] : memref<10240x64xf32, #tpu.memory_space<vmem_shared>> -> memref<128x64xf32, #tpu.memory_space<vmem_shared>>
      %dma_wait3A_177 = arith.constant 0 : i32
      %dma_wait3A_178 = tpu.memref_slice %arg19[%add3A_14, %dma_wait3A_177] : memref<10240x64xf32, #tpu.memory_space<vmem_shared>> -> memref<128x64xf32, #tpu.memory_space<vmem_shared>>
      tpu.wait_dma2 semaphore(%run_scoped3A : memref<!tpu.dma_semaphore, #tpu.memory_space<semaphore_mem>>) src(%arg17 : memref<128x64xf32, #tpu.memory_space<vmem>>) dst(%dma_wait3A_178 : memref<128x64xf32, #tpu.memory_space<vmem_shared>>)
      tpu.yield
    }) : () -> ()
    %add3A_15 = arith.constant 256 : i32
    %add3A_16 = arith.addi %mul3A_0, %add3A_15 : i32
    "tpu.region"() ({
      %run_scoped3A = tpu.sem_alloc : memref<!tpu.dma_semaphore, #tpu.memory_space<semaphore_mem>>
      %dma_start3A_171 = arith.constant 0 : i32
      %dma_start3A_172 = tpu.memref_slice %arg19[%add3A_16, %dma_start3A_171] : memref<10240x64xf32, #tpu.memory_space<vmem_shared>> -> memref<128x64xf32, #tpu.memory_space<vmem_shared>>
      %dma_start3A_173 = arith.constant 0 : i32
      %dma_start3A_174 = tpu.memref_slice %arg19[%add3A_16, %dma_start3A_173] : memref<10240x64xf32, #tpu.memory_space<vmem_shared>> -> memref<128x64xf32, #tpu.memory_space<vmem_shared>>
      tpu.enqueue_dma source(%arg17 : memref<128x64xf32, #tpu.memory_space<vmem>>) target(%dma_start3A_174 : memref<128x64xf32, #tpu.memory_space<vmem_shared>>) target_semaphore(%run_scoped3A : memref<!tpu.dma_semaphore, #tpu.memory_space<semaphore_mem>>)
      %dma_wait3A_175 = arith.constant 0 : i32
      %dma_wait3A_176 = tpu.memref_slice %arg19[%add3A_16, %dma_wait3A_175] : memref<10240x64xf32, #tpu.memory_space<vmem_shared>> -> memref<128x64xf32, #tpu.memory_space<vmem_shared>>
      %dma_wait3A_177 = arith.constant 0 : i32
      %dma_wait3A_178 = tpu.memref_slice %arg19[%add3A_16, %dma_wait3A_177] : memref<10240x64xf32, #tpu.memory_space<vmem_shared>> -> memref<128x64xf32, #tpu.memory_space<vmem_shared>>
      tpu.wait_dma2 semaphore(%run_scoped3A : memref<!tpu.dma_semaphore, #tpu.memory_space<semaphore_mem>>) src(%arg17 : memref<128x64xf32, #tpu.memory_space<vmem>>) dst(%dma_wait3A_178 : memref<128x64xf32, #tpu.memory_space<vmem_shared>>)
      tpu.yield
    }) : () -> ()
    %add3A_17 = arith.constant 384 : i32
    %add3A_18 = arith.addi %mul3A_0, %add3A_17 : i32
    "tpu.region"() ({
      %run_scoped3A = tpu.sem_alloc : memref<!tpu.dma_semaphore, #tpu.memory_space<semaphore_mem>>
      %dma_start3A_171 = arith.constant 0 : i32
      %dma_start3A_172 = tpu.memref_slice %arg19[%add3A_18, %dma_start3A_171] : memref<10240x64xf32, #tpu.memory_space<vmem_shared>> -> memref<128x64xf32, #tpu.memory_space<vmem_shared>>
      %dma_start3A_173 = arith.constant 0 : i32
      %dma_start3A_174 = tpu.memref_slice %arg19[%add3A_18, %dma_start3A_173] : memref<10240x64xf32, #tpu.memory_space<vmem_shared>> -> memref<128x64xf32, #tpu.memory_space<vmem_shared>>
      tpu.enqueue_dma source(%arg17 : memref<128x64xf32, #tpu.memory_space<vmem>>) target(%dma_start3A_174 : memref<128x64xf32, #tpu.memory_space<vmem_shared>>) target_semaphore(%run_scoped3A : memref<!tpu.dma_semaphore, #tpu.memory_space<semaphore_mem>>)
      %dma_wait3A_175 = arith.constant 0 : i32
      %dma_wait3A_176 = tpu.memref_slice %arg19[%add3A_18, %dma_wait3A_175] : memref<10240x64xf32, #tpu.memory_space<vmem_shared>> -> memref<128x64xf32, #tpu.memory_space<vmem_shared>>
      %dma_wait3A_177 = arith.constant 0 : i32
      %dma_wait3A_178 = tpu.memref_slice %arg19[%add3A_18, %dma_wait3A_177] : memref<10240x64xf32, #tpu.memory_space<vmem_shared>> -> memref<128x64xf32, #tpu.memory_space<vmem_shared>>
      tpu.wait_dma2 semaphore(%run_scoped3A : memref<!tpu.dma_semaphore, #tpu.memory_space<semaphore_mem>>) src(%arg17 : memref<128x64xf32, #tpu.memory_space<vmem>>) dst(%dma_wait3A_178 : memref<128x64xf32, #tpu.memory_space<vmem_shared>>)
      tpu.yield
    }) : () -> ()
    %add3A_19 = arith.constant 512 : i32
    %add3A_20 = arith.addi %mul3A_0, %add3A_19 : i32
    "tpu.region"() ({
      %run_scoped3A = tpu.sem_alloc : memref<!tpu.dma_semaphore, #tpu.memory_space<semaphore_mem>>
      %dma_start3A_171 = arith.constant 0 : i32
      %dma_start3A_172 = tpu.memref_slice %arg19[%add3A_20, %dma_start3A_171] : memref<10240x64xf32, #tpu.memory_space<vmem_shared>> -> memref<128x64xf32, #tpu.memory_space<vmem_shared>>
      %dma_start3A_173 = arith.constant 0 : i32
      %dma_start3A_174 = tpu.memref_slice %arg19[%add3A_20, %dma_start3A_173] : memref<10240x64xf32, #tpu.memory_space<vmem_shared>> -> memref<128x64xf32, #tpu.memory_space<vmem_shared>>
      tpu.enqueue_dma source(%arg17 : memref<128x64xf32, #tpu.memory_space<vmem>>) target(%dma_start3A_174 : memref<128x64xf32, #tpu.memory_space<vmem_shared>>) target_semaphore(%run_scoped3A : memref<!tpu.dma_semaphore, #tpu.memory_space<semaphore_mem>>)
      %dma_wait3A_175 = arith.constant 0 : i32
      %dma_wait3A_176 = tpu.memref_slice %arg19[%add3A_20, %dma_wait3A_175] : memref<10240x64xf32, #tpu.memory_space<vmem_shared>> -> memref<128x64xf32, #tpu.memory_space<vmem_shared>>
      %dma_wait3A_177 = arith.constant 0 : i32
      %dma_wait3A_178 = tpu.memref_slice %arg19[%add3A_20, %dma_wait3A_177] : memref<10240x64xf32, #tpu.memory_space<vmem_shared>> -> memref<128x64xf32, #tpu.memory_space<vmem_shared>>
      tpu.wait_dma2 semaphore(%run_scoped3A : memref<!tpu.dma_semaphore, #tpu.memory_space<semaphore_mem>>) src(%arg17 : memref<128x64xf32, #tpu.memory_space<vmem>>) dst(%dma_wait3A_178 : memref<128x64xf32, #tpu.memory_space<vmem_shared>>)
      tpu.yield
    }) : () -> ()
    %dma_wait3A = arith.constant 0 : i32
    %dma_wait3A_21 = tpu.memref_slice %arg18[%mul3A_0, %dma_wait3A] : memref<10240x64xf32, #tpu.memory_space<vmem_shared>> -> memref<640x64xf32, #tpu.memory_space<vmem_shared>>
    %dma_wait3A_22 = tpu.memref_slice %arg2[%mul3A_0, %mul3A_2] : memref<10240x128xf32, #tpu.memory_space<hbm>> -> memref<640x64xf32, #tpu.memory_space<hbm>>
    tpu.wait_dma2 semaphore(%arg36 : memref<!tpu.dma_semaphore, #tpu.memory_space<semaphore_mem>>) src(%dma_wait3A_22 : memref<640x64xf32, #tpu.memory_space<hbm>>) dst(%dma_wait3A_21 : memref<640x64xf32, #tpu.memory_space<vmem_shared>>)
    %barrier3A = arith.constant 0 : index
    tpu.barrier barrier_id(%barrier3A)
    %dma_start3A_23 = arith.constant 0 : i32
    %dma_start3A_24 = arith.constant 0 : i32
    %dma_start3A_25 = arith.constant 0 : i32
    %dma_start3A_26 = arith.constant 0 : i32
    %dma_start3A_27 = tpu.memref_slice %arg3[%arg1, %dma_start3A_24, %dma_start3A_25, %dma_start3A_26] : memref<16x160x2x128xi32, #tpu.memory_space<hbm>> -> memref<1x160x2x128xi32, #tpu.memory_space<hbm>>
    %dma_start3A_28 = tpu.memref_squeeze %dma_start3A_27 : memref<1x160x2x128xi32, #tpu.memory_space<hbm>> -> memref<160x2x128xi32, #tpu.memory_space<hbm>>
    %dma_start3A_29 = arith.constant 0 : i32
    %dma_start3A_30 = arith.constant 0 : i32
    %dma_start3A_31 = tpu.memref_slice %dma_start3A_28[%dma_start3A_23, %dma_start3A_29, %dma_start3A_30] : memref<160x2x128xi32, #tpu.memory_space<hbm>> -> memref<1x2x128xi32, #tpu.memory_space<hbm>>
    %dma_start3A_32 = tpu.memref_squeeze %dma_start3A_31 : memref<1x2x128xi32, #tpu.memory_space<hbm>> -> memref<2x128xi32, #tpu.memory_space<hbm>>
    %dma_start3A_33 = arith.constant 0 : i32
    %dma_start3A_34 = arith.constant 0 : i32
    %dma_start3A_35 = arith.constant 0 : i32
    %dma_start3A_36 = tpu.memref_slice %arg3[%arg1, %dma_start3A_33, %dma_start3A_34, %dma_start3A_35] : memref<16x160x2x128xi32, #tpu.memory_space<hbm>> -> memref<1x160x2x128xi32, #tpu.memory_space<hbm>>
    %dma_start3A_37 = tpu.memref_squeeze %dma_start3A_36 : memref<1x160x2x128xi32, #tpu.memory_space<hbm>> -> memref<160x2x128xi32, #tpu.memory_space<hbm>>
    %dma_start3A_38 = arith.constant 0 : i32
    %dma_start3A_39 = arith.constant 0 : i32
    %dma_start3A_40 = tpu.memref_slice %dma_start3A_37[%dma_start3A_23, %dma_start3A_38, %dma_start3A_39] : memref<160x2x128xi32, #tpu.memory_space<hbm>> -> memref<1x2x128xi32, #tpu.memory_space<hbm>>
    %dma_start3A_41 = tpu.memref_squeeze %dma_start3A_40 : memref<1x2x128xi32, #tpu.memory_space<hbm>> -> memref<2x128xi32, #tpu.memory_space<hbm>>
    tpu.enqueue_dma source(%dma_start3A_41 : memref<2x128xi32, #tpu.memory_space<hbm>>) target(%arg5 : memref<2x128xi32, #tpu.memory_space<vmem>>) target_semaphore(%arg20 : memref<!tpu.dma_semaphore, #tpu.memory_space<semaphore_mem>>)
    %dma_start3A_42 = arith.constant 1 : i32
    %dma_start3A_43 = arith.constant 0 : i32
    %dma_start3A_44 = arith.constant 0 : i32
    %dma_start3A_45 = arith.constant 0 : i32
    %dma_start3A_46 = tpu.memref_slice %arg3[%arg1, %dma_start3A_43, %dma_start3A_44, %dma_start3A_45] : memref<16x160x2x128xi32, #tpu.memory_space<hbm>> -> memref<1x160x2x128xi32, #tpu.memory_space<hbm>>
    %dma_start3A_47 = tpu.memref_squeeze %dma_start3A_46 : memref<1x160x2x128xi32, #tpu.memory_space<hbm>> -> memref<160x2x128xi32, #tpu.memory_space<hbm>>
    %dma_start3A_48 = arith.constant 0 : i32
    %dma_start3A_49 = arith.constant 0 : i32
    %dma_start3A_50 = tpu.memref_slice %dma_start3A_47[%dma_start3A_42, %dma_start3A_48, %dma_start3A_49] : memref<160x2x128xi32, #tpu.memory_space<hbm>> -> memref<1x2x128xi32, #tpu.memory_space<hbm>>
    %dma_start3A_51 = tpu.memref_squeeze %dma_start3A_50 : memref<1x2x128xi32, #tpu.memory_space<hbm>> -> memref<2x128xi32, #tpu.memory_space<hbm>>
    %dma_start3A_52 = arith.constant 0 : i32
    %dma_start3A_53 = arith.constant 0 : i32
    %dma_start3A_54 = arith.constant 0 : i32
    %dma_start3A_55 = tpu.memref_slice %arg3[%arg1, %dma_start3A_52, %dma_start3A_53, %dma_start3A_54] : memref<16x160x2x128xi32, #tpu.memory_space<hbm>> -> memref<1x160x2x128xi32, #tpu.memory_space<hbm>>
    %dma_start3A_56 = tpu.memref_squeeze %dma_start3A_55 : memref<1x160x2x128xi32, #tpu.memory_space<hbm>> -> memref<160x2x128xi32, #tpu.memory_space<hbm>>
    %dma_start3A_57 = arith.constant 0 : i32
    %dma_start3A_58 = arith.constant 0 : i32
    %dma_start3A_59 = tpu.memref_slice %dma_start3A_56[%dma_start3A_42, %dma_start3A_57, %dma_start3A_58] : memref<160x2x128xi32, #tpu.memory_space<hbm>> -> memref<1x2x128xi32, #tpu.memory_space<hbm>>
    %dma_start3A_60 = tpu.memref_squeeze %dma_start3A_59 : memref<1x2x128xi32, #tpu.memory_space<hbm>> -> memref<2x128xi32, #tpu.memory_space<hbm>>
    tpu.enqueue_dma source(%dma_start3A_60 : memref<2x128xi32, #tpu.memory_space<hbm>>) target(%arg6 : memref<2x128xi32, #tpu.memory_space<vmem>>) target_semaphore(%arg21 : memref<!tpu.dma_semaphore, #tpu.memory_space<semaphore_mem>>)
    %dma_start3A_61 = arith.constant 2 : i32
    %dma_start3A_62 = arith.constant 0 : i32
    %dma_start3A_63 = arith.constant 0 : i32
    %dma_start3A_64 = arith.constant 0 : i32
    %dma_start3A_65 = tpu.memref_slice %arg3[%arg1, %dma_start3A_62, %dma_start3A_63, %dma_start3A_64] : memref<16x160x2x128xi32, #tpu.memory_space<hbm>> -> memref<1x160x2x128xi32, #tpu.memory_space<hbm>>
    %dma_start3A_66 = tpu.memref_squeeze %dma_start3A_65 : memref<1x160x2x128xi32, #tpu.memory_space<hbm>> -> memref<160x2x128xi32, #tpu.memory_space<hbm>>
    %dma_start3A_67 = arith.constant 0 : i32
    %dma_start3A_68 = arith.constant 0 : i32
    %dma_start3A_69 = tpu.memref_slice %dma_start3A_66[%dma_start3A_61, %dma_start3A_67, %dma_start3A_68] : memref<160x2x128xi32, #tpu.memory_space<hbm>> -> memref<1x2x128xi32, #tpu.memory_space<hbm>>
    %dma_start3A_70 = tpu.memref_squeeze %dma_start3A_69 : memref<1x2x128xi32, #tpu.memory_space<hbm>> -> memref<2x128xi32, #tpu.memory_space<hbm>>
    %dma_start3A_71 = arith.constant 0 : i32
    %dma_start3A_72 = arith.constant 0 : i32
    %dma_start3A_73 = arith.constant 0 : i32
    %dma_start3A_74 = tpu.memref_slice %arg3[%arg1, %dma_start3A_71, %dma_start3A_72, %dma_start3A_73] : memref<16x160x2x128xi32, #tpu.memory_space<hbm>> -> memref<1x160x2x128xi32, #tpu.memory_space<hbm>>
    %dma_start3A_75 = tpu.memref_squeeze %dma_start3A_74 : memref<1x160x2x128xi32, #tpu.memory_space<hbm>> -> memref<160x2x128xi32, #tpu.memory_space<hbm>>
    %dma_start3A_76 = arith.constant 0 : i32
    %dma_start3A_77 = arith.constant 0 : i32
    %dma_start3A_78 = tpu.memref_slice %dma_start3A_75[%dma_start3A_61, %dma_start3A_76, %dma_start3A_77] : memref<160x2x128xi32, #tpu.memory_space<hbm>> -> memref<1x2x128xi32, #tpu.memory_space<hbm>>
    %dma_start3A_79 = tpu.memref_squeeze %dma_start3A_78 : memref<1x2x128xi32, #tpu.memory_space<hbm>> -> memref<2x128xi32, #tpu.memory_space<hbm>>
    tpu.enqueue_dma source(%dma_start3A_79 : memref<2x128xi32, #tpu.memory_space<hbm>>) target(%arg7 : memref<2x128xi32, #tpu.memory_space<vmem>>) target_semaphore(%arg22 : memref<!tpu.dma_semaphore, #tpu.memory_space<semaphore_mem>>)
    %dma_start3A_80 = arith.constant 3 : i32
    %dma_start3A_81 = arith.constant 0 : i32
    %dma_start3A_82 = arith.constant 0 : i32
    %dma_start3A_83 = arith.constant 0 : i32
    %dma_start3A_84 = tpu.memref_slice %arg3[%arg1, %dma_start3A_81, %dma_start3A_82, %dma_start3A_83] : memref<16x160x2x128xi32, #tpu.memory_space<hbm>> -> memref<1x160x2x128xi32, #tpu.memory_space<hbm>>
    %dma_start3A_85 = tpu.memref_squeeze %dma_start3A_84 : memref<1x160x2x128xi32, #tpu.memory_space<hbm>> -> memref<160x2x128xi32, #tpu.memory_space<hbm>>
    %dma_start3A_86 = arith.constant 0 : i32
    %dma_start3A_87 = arith.constant 0 : i32
    %dma_start3A_88 = tpu.memref_slice %dma_start3A_85[%dma_start3A_80, %dma_start3A_86, %dma_start3A_87] : memref<160x2x128xi32, #tpu.memory_space<hbm>> -> memref<1x2x128xi32, #tpu.memory_space<hbm>>
    %dma_start3A_89 = tpu.memref_squeeze %dma_start3A_88 : memref<1x2x128xi32, #tpu.memory_space<hbm>> -> memref<2x128xi32, #tpu.memory_space<hbm>>
    %dma_start3A_90 = arith.constant 0 : i32
    %dma_start3A_91 = arith.constant 0 : i32
    %dma_start3A_92 = arith.constant 0 : i32
    %dma_start3A_93 = tpu.memref_slice %arg3[%arg1, %dma_start3A_90, %dma_start3A_91, %dma_start3A_92] : memref<16x160x2x128xi32, #tpu.memory_space<hbm>> -> memref<1x160x2x128xi32, #tpu.memory_space<hbm>>
    %dma_start3A_94 = tpu.memref_squeeze %dma_start3A_93 : memref<1x160x2x128xi32, #tpu.memory_space<hbm>> -> memref<160x2x128xi32, #tpu.memory_space<hbm>>
    %dma_start3A_95 = arith.constant 0 : i32
    %dma_start3A_96 = arith.constant 0 : i32
    %dma_start3A_97 = tpu.memref_slice %dma_start3A_94[%dma_start3A_80, %dma_start3A_95, %dma_start3A_96] : memref<160x2x128xi32, #tpu.memory_space<hbm>> -> memref<1x2x128xi32, #tpu.memory_space<hbm>>
    %dma_start3A_98 = tpu.memref_squeeze %dma_start3A_97 : memref<1x2x128xi32, #tpu.memory_space<hbm>> -> memref<2x128xi32, #tpu.memory_space<hbm>>
    tpu.enqueue_dma source(%dma_start3A_98 : memref<2x128xi32, #tpu.memory_space<hbm>>) target(%arg8 : memref<2x128xi32, #tpu.memory_space<vmem>>) target_semaphore(%arg23 : memref<!tpu.dma_semaphore, #tpu.memory_space<semaphore_mem>>)
    %dma_wait3A_99 = arith.constant 0 : i32
    %dma_wait3A_100 = arith.constant 0 : i32
    %dma_wait3A_101 = arith.constant 0 : i32
    %dma_wait3A_102 = arith.constant 0 : i32
    %dma_wait3A_103 = tpu.memref_slice %arg3[%arg1, %dma_wait3A_100, %dma_wait3A_101, %dma_wait3A_102] : memref<16x160x2x128xi32, #tpu.memory_space<hbm>> -> memref<1x160x2x128xi32, #tpu.memory_space<hbm>>
    %dma_wait3A_104 = tpu.memref_squeeze %dma_wait3A_103 : memref<1x160x2x128xi32, #tpu.memory_space<hbm>> -> memref<160x2x128xi32, #tpu.memory_space<hbm>>
    %dma_wait3A_105 = arith.constant 0 : i32
    %dma_wait3A_106 = arith.constant 0 : i32
    %dma_wait3A_107 = tpu.memref_slice %dma_wait3A_104[%dma_wait3A_99, %dma_wait3A_105, %dma_wait3A_106] : memref<160x2x128xi32, #tpu.memory_space<hbm>> -> memref<1x2x128xi32, #tpu.memory_space<hbm>>
    %dma_wait3A_108 = tpu.memref_squeeze %dma_wait3A_107 : memref<1x2x128xi32, #tpu.memory_space<hbm>> -> memref<2x128xi32, #tpu.memory_space<hbm>>
    %dma_wait3A_109 = arith.constant 0 : i32
    %dma_wait3A_110 = arith.constant 0 : i32
    %dma_wait3A_111 = arith.constant 0 : i32
    %dma_wait3A_112 = tpu.memref_slice %arg3[%arg1, %dma_wait3A_109, %dma_wait3A_110, %dma_wait3A_111] : memref<16x160x2x128xi32, #tpu.memory_space<hbm>> -> memref<1x160x2x128xi32, #tpu.memory_space<hbm>>
    %dma_wait3A_113 = tpu.memref_squeeze %dma_wait3A_112 : memref<1x160x2x128xi32, #tpu.memory_space<hbm>> -> memref<160x2x128xi32, #tpu.memory_space<hbm>>
    %dma_wait3A_114 = arith.constant 0 : i32
    %dma_wait3A_115 = arith.constant 0 : i32
    %dma_wait3A_116 = tpu.memref_slice %dma_wait3A_113[%dma_wait3A_99, %dma_wait3A_114, %dma_wait3A_115] : memref<160x2x128xi32, #tpu.memory_space<hbm>> -> memref<1x2x128xi32, #tpu.memory_space<hbm>>
    %dma_wait3A_117 = tpu.memref_squeeze %dma_wait3A_116 : memref<1x2x128xi32, #tpu.memory_space<hbm>> -> memref<2x128xi32, #tpu.memory_space<hbm>>
    tpu.wait_dma2 semaphore(%arg20 : memref<!tpu.dma_semaphore, #tpu.memory_space<semaphore_mem>>) src(%dma_wait3A_117 : memref<2x128xi32, #tpu.memory_space<hbm>>) dst(%arg5 : memref<2x128xi32, #tpu.memory_space<vmem>>)
    %dma_start3A_118 = arith.constant 0 : i32
    %dma_start3A_119 = arith.constant 0 : i32
    %dma_start3A_120 = tpu.memref_slice %arg5[%dma_start3A_118, %dma_start3A_119] : memref<2x128xi32, #tpu.memory_space<vmem>> -> memref<1x128xi32, #tpu.memory_space<vmem>>
    %dma_start3A_121 = tpu.memref_squeeze %dma_start3A_120 : memref<1x128xi32, #tpu.memory_space<vmem>> -> memref<128xi32, #tpu.memory_space<vmem>>
    %dma_start3A_122 = arith.constant 0 : i32
    %dma_start3A_123 = arith.constant 0 : i32
    %dma_start3A_124 = tpu.memref_slice %arg18[%dma_start3A_122, %dma_start3A_123] : memref<10240x64xf32, #tpu.memory_space<vmem_shared>> -> memref<10240x64xf32, #tpu.memory_space<vmem_shared>>
    tpu.enqueue_indirect_dma source(%dma_start3A_124 : memref<10240x64xf32, #tpu.memory_space<vmem_shared>>) target(%arg13 : memref<128x64xf32, #tpu.memory_space<vmem>>) offsets(%dma_start3A_121 : memref<128xi32, #tpu.memory_space<vmem>>) semaphore(%arg28 : memref<!tpu.dma_semaphore, #tpu.memory_space<semaphore_mem>>)
    %scan3A_125 = arith.constant 0 : i32
    %scan3A_126 = arith.constant 0 : i32
    %scan3A_127 = arith.constant 20 : i32
    %scan3A_128 = arith.addi %scan3A_126, %scan3A_127 : i32
    %scan3A_129 = arith.constant 1 : i32
    %scan3A_130 = scf.for %scan3A_171 = %scan3A_126 to %scan3A_128 step %scan3A_129 iter_args(%scan3A_172 = %scan3A_125) -> (i32)  : i32 {
      %mul3A_173 = arith.constant 8 : i32
      %mul3A_174 = arith.muli %scan3A_171, %mul3A_173 : i32
      %add3A_175 = arith.constant 0 : i32
      %add3A_176 = arith.addi %mul3A_174, %add3A_175 : i32
      %dma_wait3A_177 = arith.constant 0 : i32
      %dma_wait3A_178 = arith.constant 0 : i32
      %dma_wait3A_179 = tpu.memref_slice %arg5[%dma_wait3A_177, %dma_wait3A_178] : memref<2x128xi32, #tpu.memory_space<vmem>> -> memref<1x128xi32, #tpu.memory_space<vmem>>
      %dma_wait3A_180 = tpu.memref_squeeze %dma_wait3A_179 : memref<1x128xi32, #tpu.memory_space<vmem>> -> memref<128xi32, #tpu.memory_space<vmem>>
      %dma_wait3A_181 = arith.constant 0 : i32
      %dma_wait3A_182 = arith.constant 0 : i32
      %dma_wait3A_183 = tpu.memref_slice %arg18[%dma_wait3A_181, %dma_wait3A_182] : memref<10240x64xf32, #tpu.memory_space<vmem_shared>> -> memref<10240x64xf32, #tpu.memory_space<vmem_shared>>
      tpu.wait_indirect_dma semaphore(%arg28 : memref<!tpu.dma_semaphore, #tpu.memory_space<semaphore_mem>>) src(%dma_wait3A_183 : memref<10240x64xf32, #tpu.memory_space<vmem_shared>>) dst(%arg13 : memref<128x64xf32, #tpu.memory_space<vmem>>)
      %dma_start3A_184 = arith.constant 1 : i32
      %dma_start3A_185 = arith.constant 0 : i32
      %dma_start3A_186 = tpu.memref_slice %arg5[%dma_start3A_184, %dma_start3A_185] : memref<2x128xi32, #tpu.memory_space<vmem>> -> memref<1x128xi32, #tpu.memory_space<vmem>>
      %dma_start3A_187 = tpu.memref_squeeze %dma_start3A_186 : memref<1x128xi32, #tpu.memory_space<vmem>> -> memref<128xi32, #tpu.memory_space<vmem>>
      %dma_start3A_188 = arith.constant 0 : i32
      %dma_start3A_189 = arith.constant 0 : i32
      %dma_start3A_190 = tpu.memref_slice %arg19[%dma_start3A_188, %dma_start3A_189] : memref<10240x64xf32, #tpu.memory_space<vmem_shared>> -> memref<10240x64xf32, #tpu.memory_space<vmem_shared>>
      tpu.enqueue_indirect_dma source(%arg13 : memref<128x64xf32, #tpu.memory_space<vmem>>) target(%dma_start3A_190 : memref<10240x64xf32, #tpu.memory_space<vmem_shared>>) offsets(%dma_start3A_187 : memref<128xi32, #tpu.memory_space<vmem>>) semaphore(%arg32 : memref<!tpu.dma_semaphore, #tpu.memory_space<semaphore_mem>>) {add = true}
      %add3A_191 = arith.constant 2 : i32
      %add3A_192 = arith.addi %add3A_176, %add3A_191 : i32
      %lt3A = arith.constant 160 : i32
      %lt3A_193 = arith.cmpi slt, %add3A_192, %lt3A : i32
      %convert_element_type3A = arith.extui %lt3A_193 : i1 to i32
      %cond3A = arith.constant 0 : i32
      %cond3A_194 = arith.cmpi ne, %convert_element_type3A, %cond3A : i32
      scf.if %cond3A_194 {
        %sub3A = arith.constant 2 : i32
        %sub3A_469 = arith.subi %add3A_176, %sub3A : i32
        %ge3A = arith.constant 0 : i32
        %ge3A_470 = arith.cmpi sge, %sub3A_469, %ge3A : i32
        %convert_element_type3A_471 = arith.extui %ge3A_470 : i1 to i32
        %cond3A_472 = arith.constant 0 : i32
        %cond3A_473 = arith.cmpi ne, %convert_element_type3A_471, %cond3A_472 : i32
        scf.if %cond3A_473 {
          %dma_wait3A_474 = arith.constant 1 : i32
          %dma_wait3A_475 = arith.constant 0 : i32
          %dma_wait3A_476 = tpu.memref_slice %arg11[%dma_wait3A_474, %dma_wait3A_475] : memref<2x128xi32, #tpu.memory_space<vmem>> -> memref<1x128xi32, #tpu.memory_space<vmem>>
          %dma_wait3A_477 = tpu.memref_squeeze %dma_wait3A_476 : memref<1x128xi32, #tpu.memory_space<vmem>> -> memref<128xi32, #tpu.memory_space<vmem>>
          %dma_wait3A_478 = arith.constant 0 : i32
          %dma_wait3A_479 = arith.constant 0 : i32
          %dma_wait3A_480 = tpu.memref_slice %arg19[%dma_wait3A_478, %dma_wait3A_479] : memref<10240x64xf32, #tpu.memory_space<vmem_shared>> -> memref<10240x64xf32, #tpu.memory_space<vmem_shared>>
          tpu.wait_indirect_dma semaphore(%arg34 : memref<!tpu.dma_semaphore, #tpu.memory_space<semaphore_mem>>) src(%arg15 : memref<128x64xf32, #tpu.memory_space<vmem>>) dst(%dma_wait3A_480 : memref<10240x64xf32, #tpu.memory_space<vmem_shared>>)
        } else {
        }
      } else {
      }
      %add3A_195 = arith.constant 4 : i32
      %add3A_196 = arith.addi %add3A_176, %add3A_195 : i32
      %lt3A_197 = arith.constant 160 : i32
      %lt3A_198 = arith.cmpi slt, %add3A_196, %lt3A_197 : i32
      %convert_element_type3A_199 = arith.extui %lt3A_198 : i1 to i32
      %cond3A_200 = arith.constant 0 : i32
      %cond3A_201 = arith.cmpi ne, %convert_element_type3A_199, %cond3A_200 : i32
      scf.if %cond3A_201 {
        %add3A_469 = arith.constant 4 : i32
        %add3A_470 = arith.addi %add3A_176, %add3A_469 : i32
        %dma_start3A_471 = arith.constant 0 : i32
        %dma_start3A_472 = arith.constant 0 : i32
        %dma_start3A_473 = arith.constant 0 : i32
        %dma_start3A_474 = tpu.memref_slice %arg3[%arg1, %dma_start3A_471, %dma_start3A_472, %dma_start3A_473] : memref<16x160x2x128xi32, #tpu.memory_space<hbm>> -> memref<1x160x2x128xi32, #tpu.memory_space<hbm>>
        %dma_start3A_475 = tpu.memref_squeeze %dma_start3A_474 : memref<1x160x2x128xi32, #tpu.memory_space<hbm>> -> memref<160x2x128xi32, #tpu.memory_space<hbm>>
        %dma_start3A_476 = arith.constant 0 : i32
        %dma_start3A_477 = arith.constant 0 : i32
        %dma_start3A_478 = tpu.memref_slice %dma_start3A_475[%add3A_470, %dma_start3A_476, %dma_start3A_477] : memref<160x2x128xi32, #tpu.memory_space<hbm>> -> memref<1x2x128xi32, #tpu.memory_space<hbm>>
        %dma_start3A_479 = tpu.memref_squeeze %dma_start3A_478 : memref<1x2x128xi32, #tpu.memory_space<hbm>> -> memref<2x128xi32, #tpu.memory_space<hbm>>
        %dma_start3A_480 = arith.constant 0 : i32
        %dma_start3A_481 = arith.constant 0 : i32
        %dma_start3A_482 = arith.constant 0 : i32
        %dma_start3A_483 = tpu.memref_slice %arg3[%arg1, %dma_start3A_480, %dma_start3A_481, %dma_start3A_482] : memref<16x160x2x128xi32, #tpu.memory_space<hbm>> -> memref<1x160x2x128xi32, #tpu.memory_space<hbm>>
        %dma_start3A_484 = tpu.memref_squeeze %dma_start3A_483 : memref<1x160x2x128xi32, #tpu.memory_space<hbm>> -> memref<160x2x128xi32, #tpu.memory_space<hbm>>
        %dma_start3A_485 = arith.constant 0 : i32
        %dma_start3A_486 = arith.constant 0 : i32
        %dma_start3A_487 = tpu.memref_slice %dma_start3A_484[%add3A_470, %dma_start3A_485, %dma_start3A_486] : memref<160x2x128xi32, #tpu.memory_space<hbm>> -> memref<1x2x128xi32, #tpu.memory_space<hbm>>
        %dma_start3A_488 = tpu.memref_squeeze %dma_start3A_487 : memref<1x2x128xi32, #tpu.memory_space<hbm>> -> memref<2x128xi32, #tpu.memory_space<hbm>>
        tpu.enqueue_dma source(%dma_start3A_488 : memref<2x128xi32, #tpu.memory_space<hbm>>) target(%arg9 : memref<2x128xi32, #tpu.memory_space<vmem>>) target_semaphore(%arg24 : memref<!tpu.dma_semaphore, #tpu.memory_space<semaphore_mem>>)
      } else {
      }
      %add3A_202 = arith.constant 1 : i32
      %add3A_203 = arith.addi %add3A_176, %add3A_202 : i32
      %lt3A_204 = arith.constant 160 : i32
      %lt3A_205 = arith.cmpi slt, %add3A_203, %lt3A_204 : i32
      %convert_element_type3A_206 = arith.extui %lt3A_205 : i1 to i32
      %cond3A_207 = arith.constant 0 : i32
      %cond3A_208 = arith.cmpi ne, %convert_element_type3A_206, %cond3A_207 : i32
      scf.if %cond3A_208 {
        %add3A_469 = arith.constant 1 : i32
        %add3A_470 = arith.addi %add3A_176, %add3A_469 : i32
        %dma_wait3A_471 = arith.constant 0 : i32
        %dma_wait3A_472 = arith.constant 0 : i32
        %dma_wait3A_473 = arith.constant 0 : i32
        %dma_wait3A_474 = tpu.memref_slice %arg3[%arg1, %dma_wait3A_471, %dma_wait3A_472, %dma_wait3A_473] : memref<16x160x2x128xi32, #tpu.memory_space<hbm>> -> memref<1x160x2x128xi32, #tpu.memory_space<hbm>>
        %dma_wait3A_475 = tpu.memref_squeeze %dma_wait3A_474 : memref<1x160x2x128xi32, #tpu.memory_space<hbm>> -> memref<160x2x128xi32, #tpu.memory_space<hbm>>
        %dma_wait3A_476 = arith.constant 0 : i32
        %dma_wait3A_477 = arith.constant 0 : i32
        %dma_wait3A_478 = tpu.memref_slice %dma_wait3A_475[%add3A_470, %dma_wait3A_476, %dma_wait3A_477] : memref<160x2x128xi32, #tpu.memory_space<hbm>> -> memref<1x2x128xi32, #tpu.memory_space<hbm>>
        %dma_wait3A_479 = tpu.memref_squeeze %dma_wait3A_478 : memref<1x2x128xi32, #tpu.memory_space<hbm>> -> memref<2x128xi32, #tpu.memory_space<hbm>>
        %dma_wait3A_480 = arith.constant 0 : i32
        %dma_wait3A_481 = arith.constant 0 : i32
        %dma_wait3A_482 = arith.constant 0 : i32
        %dma_wait3A_483 = tpu.memref_slice %arg3[%arg1, %dma_wait3A_480, %dma_wait3A_481, %dma_wait3A_482] : memref<16x160x2x128xi32, #tpu.memory_space<hbm>> -> memref<1x160x2x128xi32, #tpu.memory_space<hbm>>
        %dma_wait3A_484 = tpu.memref_squeeze %dma_wait3A_483 : memref<1x160x2x128xi32, #tpu.memory_space<hbm>> -> memref<160x2x128xi32, #tpu.memory_space<hbm>>
        %dma_wait3A_485 = arith.constant 0 : i32
        %dma_wait3A_486 = arith.constant 0 : i32
        %dma_wait3A_487 = tpu.memref_slice %dma_wait3A_484[%add3A_470, %dma_wait3A_485, %dma_wait3A_486] : memref<160x2x128xi32, #tpu.memory_space<hbm>> -> memref<1x2x128xi32, #tpu.memory_space<hbm>>
        %dma_wait3A_488 = tpu.memref_squeeze %dma_wait3A_487 : memref<1x2x128xi32, #tpu.memory_space<hbm>> -> memref<2x128xi32, #tpu.memory_space<hbm>>
        tpu.wait_dma2 semaphore(%arg21 : memref<!tpu.dma_semaphore, #tpu.memory_space<semaphore_mem>>) src(%dma_wait3A_488 : memref<2x128xi32, #tpu.memory_space<hbm>>) dst(%arg6 : memref<2x128xi32, #tpu.memory_space<vmem>>)
        %dma_start3A_489 = arith.constant 0 : i32
        %dma_start3A_490 = arith.constant 0 : i32
        %dma_start3A_491 = tpu.memref_slice %arg6[%dma_start3A_489, %dma_start3A_490] : memref<2x128xi32, #tpu.memory_space<vmem>> -> memref<1x128xi32, #tpu.memory_space<vmem>>
        %dma_start3A_492 = tpu.memref_squeeze %dma_start3A_491 : memref<1x128xi32, #tpu.memory_space<vmem>> -> memref<128xi32, #tpu.memory_space<vmem>>
        %dma_start3A_493 = arith.constant 0 : i32
        %dma_start3A_494 = arith.constant 0 : i32
        %dma_start3A_495 = tpu.memref_slice %arg18[%dma_start3A_493, %dma_start3A_494] : memref<10240x64xf32, #tpu.memory_space<vmem_shared>> -> memref<10240x64xf32, #tpu.memory_space<vmem_shared>>
        tpu.enqueue_indirect_dma source(%dma_start3A_495 : memref<10240x64xf32, #tpu.memory_space<vmem_shared>>) target(%arg14 : memref<128x64xf32, #tpu.memory_space<vmem>>) offsets(%dma_start3A_492 : memref<128xi32, #tpu.memory_space<vmem>>) semaphore(%arg29 : memref<!tpu.dma_semaphore, #tpu.memory_space<semaphore_mem>>)
      } else {
      }
      %add3A_209 = arith.constant 1 : i32
      %add3A_210 = arith.addi %mul3A_174, %add3A_209 : i32
      %dma_wait3A_211 = arith.constant 0 : i32
      %dma_wait3A_212 = arith.constant 0 : i32
      %dma_wait3A_213 = tpu.memref_slice %arg6[%dma_wait3A_211, %dma_wait3A_212] : memref<2x128xi32, #tpu.memory_space<vmem>> -> memref<1x128xi32, #tpu.memory_space<vmem>>
      %dma_wait3A_214 = tpu.memref_squeeze %dma_wait3A_213 : memref<1x128xi32, #tpu.memory_space<vmem>> -> memref<128xi32, #tpu.memory_space<vmem>>
      %dma_wait3A_215 = arith.constant 0 : i32
      %dma_wait3A_216 = arith.constant 0 : i32
      %dma_wait3A_217 = tpu.memref_slice %arg18[%dma_wait3A_215, %dma_wait3A_216] : memref<10240x64xf32, #tpu.memory_space<vmem_shared>> -> memref<10240x64xf32, #tpu.memory_space<vmem_shared>>
      tpu.wait_indirect_dma semaphore(%arg29 : memref<!tpu.dma_semaphore, #tpu.memory_space<semaphore_mem>>) src(%dma_wait3A_217 : memref<10240x64xf32, #tpu.memory_space<vmem_shared>>) dst(%arg14 : memref<128x64xf32, #tpu.memory_space<vmem>>)
      %dma_start3A_218 = arith.constant 1 : i32
      %dma_start3A_219 = arith.constant 0 : i32
      %dma_start3A_220 = tpu.memref_slice %arg6[%dma_start3A_218, %dma_start3A_219] : memref<2x128xi32, #tpu.memory_space<vmem>> -> memref<1x128xi32, #tpu.memory_space<vmem>>
      %dma_start3A_221 = tpu.memref_squeeze %dma_start3A_220 : memref<1x128xi32, #tpu.memory_space<vmem>> -> memref<128xi32, #tpu.memory_space<vmem>>
      %dma_start3A_222 = arith.constant 0 : i32
      %dma_start3A_223 = arith.constant 0 : i32
      %dma_start3A_224 = tpu.memref_slice %arg19[%dma_start3A_222, %dma_start3A_223] : memref<10240x64xf32, #tpu.memory_space<vmem_shared>> -> memref<10240x64xf32, #tpu.memory_space<vmem_shared>>
      tpu.enqueue_indirect_dma source(%arg14 : memref<128x64xf32, #tpu.memory_space<vmem>>) target(%dma_start3A_224 : memref<10240x64xf32, #tpu.memory_space<vmem_shared>>) offsets(%dma_start3A_221 : memref<128xi32, #tpu.memory_space<vmem>>) semaphore(%arg33 : memref<!tpu.dma_semaphore, #tpu.memory_space<semaphore_mem>>) {add = true}
      %add3A_225 = arith.constant 2 : i32
      %add3A_226 = arith.addi %add3A_210, %add3A_225 : i32
      %lt3A_227 = arith.constant 160 : i32
      %lt3A_228 = arith.cmpi slt, %add3A_226, %lt3A_227 : i32
      %convert_element_type3A_229 = arith.extui %lt3A_228 : i1 to i32
      %cond3A_230 = arith.constant 0 : i32
      %cond3A_231 = arith.cmpi ne, %convert_element_type3A_229, %cond3A_230 : i32
      scf.if %cond3A_231 {
        %sub3A = arith.constant 2 : i32
        %sub3A_469 = arith.subi %add3A_210, %sub3A : i32
        %ge3A = arith.constant 0 : i32
        %ge3A_470 = arith.cmpi sge, %sub3A_469, %ge3A : i32
        %convert_element_type3A_471 = arith.extui %ge3A_470 : i1 to i32
        %cond3A_472 = arith.constant 0 : i32
        %cond3A_473 = arith.cmpi ne, %convert_element_type3A_471, %cond3A_472 : i32
        scf.if %cond3A_473 {
          %dma_wait3A_474 = arith.constant 1 : i32
          %dma_wait3A_475 = arith.constant 0 : i32
          %dma_wait3A_476 = tpu.memref_slice %arg12[%dma_wait3A_474, %dma_wait3A_475] : memref<2x128xi32, #tpu.memory_space<vmem>> -> memref<1x128xi32, #tpu.memory_space<vmem>>
          %dma_wait3A_477 = tpu.memref_squeeze %dma_wait3A_476 : memref<1x128xi32, #tpu.memory_space<vmem>> -> memref<128xi32, #tpu.memory_space<vmem>>
          %dma_wait3A_478 = arith.constant 0 : i32
          %dma_wait3A_479 = arith.constant 0 : i32
          %dma_wait3A_480 = tpu.memref_slice %arg19[%dma_wait3A_478, %dma_wait3A_479] : memref<10240x64xf32, #tpu.memory_space<vmem_shared>> -> memref<10240x64xf32, #tpu.memory_space<vmem_shared>>
          tpu.wait_indirect_dma semaphore(%arg35 : memref<!tpu.dma_semaphore, #tpu.memory_space<semaphore_mem>>) src(%arg16 : memref<128x64xf32, #tpu.memory_space<vmem>>) dst(%dma_wait3A_480 : memref<10240x64xf32, #tpu.memory_space<vmem_shared>>)
        } else {
        }
      } else {
      }
      %add3A_232 = arith.constant 4 : i32
      %add3A_233 = arith.addi %add3A_210, %add3A_232 : i32
      %lt3A_234 = arith.constant 160 : i32
      %lt3A_235 = arith.cmpi slt, %add3A_233, %lt3A_234 : i32
      %convert_element_type3A_236 = arith.extui %lt3A_235 : i1 to i32
      %cond3A_237 = arith.constant 0 : i32
      %cond3A_238 = arith.cmpi ne, %convert_element_type3A_236, %cond3A_237 : i32
      scf.if %cond3A_238 {
        %add3A_469 = arith.constant 4 : i32
        %add3A_470 = arith.addi %add3A_210, %add3A_469 : i32
        %dma_start3A_471 = arith.constant 0 : i32
        %dma_start3A_472 = arith.constant 0 : i32
        %dma_start3A_473 = arith.constant 0 : i32
        %dma_start3A_474 = tpu.memref_slice %arg3[%arg1, %dma_start3A_471, %dma_start3A_472, %dma_start3A_473] : memref<16x160x2x128xi32, #tpu.memory_space<hbm>> -> memref<1x160x2x128xi32, #tpu.memory_space<hbm>>
        %dma_start3A_475 = tpu.memref_squeeze %dma_start3A_474 : memref<1x160x2x128xi32, #tpu.memory_space<hbm>> -> memref<160x2x128xi32, #tpu.memory_space<hbm>>
        %dma_start3A_476 = arith.constant 0 : i32
        %dma_start3A_477 = arith.constant 0 : i32
        %dma_start3A_478 = tpu.memref_slice %dma_start3A_475[%add3A_470, %dma_start3A_476, %dma_start3A_477] : memref<160x2x128xi32, #tpu.memory_space<hbm>> -> memref<1x2x128xi32, #tpu.memory_space<hbm>>
        %dma_start3A_479 = tpu.memref_squeeze %dma_start3A_478 : memref<1x2x128xi32, #tpu.memory_space<hbm>> -> memref<2x128xi32, #tpu.memory_space<hbm>>
        %dma_start3A_480 = arith.constant 0 : i32
        %dma_start3A_481 = arith.constant 0 : i32
        %dma_start3A_482 = arith.constant 0 : i32
        %dma_start3A_483 = tpu.memref_slice %arg3[%arg1, %dma_start3A_480, %dma_start3A_481, %dma_start3A_482] : memref<16x160x2x128xi32, #tpu.memory_space<hbm>> -> memref<1x160x2x128xi32, #tpu.memory_space<hbm>>
        %dma_start3A_484 = tpu.memref_squeeze %dma_start3A_483 : memref<1x160x2x128xi32, #tpu.memory_space<hbm>> -> memref<160x2x128xi32, #tpu.memory_space<hbm>>
        %dma_start3A_485 = arith.constant 0 : i32
        %dma_start3A_486 = arith.constant 0 : i32
        %dma_start3A_487 = tpu.memref_slice %dma_start3A_484[%add3A_470, %dma_start3A_485, %dma_start3A_486] : memref<160x2x128xi32, #tpu.memory_space<hbm>> -> memref<1x2x128xi32, #tpu.memory_space<hbm>>
        %dma_start3A_488 = tpu.memref_squeeze %dma_start3A_487 : memref<1x2x128xi32, #tpu.memory_space<hbm>> -> memref<2x128xi32, #tpu.memory_space<hbm>>
        tpu.enqueue_dma source(%dma_start3A_488 : memref<2x128xi32, #tpu.memory_space<hbm>>) target(%arg10 : memref<2x128xi32, #tpu.memory_space<vmem>>) target_semaphore(%arg25 : memref<!tpu.dma_semaphore, #tpu.memory_space<semaphore_mem>>)
      } else {
      }
      %add3A_239 = arith.constant 1 : i32
      %add3A_240 = arith.addi %add3A_210, %add3A_239 : i32
      %lt3A_241 = arith.constant 160 : i32
      %lt3A_242 = arith.cmpi slt, %add3A_240, %lt3A_241 : i32
      %convert_element_type3A_243 = arith.extui %lt3A_242 : i1 to i32
      %cond3A_244 = arith.constant 0 : i32
      %cond3A_245 = arith.cmpi ne, %convert_element_type3A_243, %cond3A_244 : i32
      scf.if %cond3A_245 {
        %add3A_469 = arith.constant 1 : i32
        %add3A_470 = arith.addi %add3A_210, %add3A_469 : i32
        %dma_wait3A_471 = arith.constant 0 : i32
        %dma_wait3A_472 = arith.constant 0 : i32
        %dma_wait3A_473 = arith.constant 0 : i32
        %dma_wait3A_474 = tpu.memref_slice %arg3[%arg1, %dma_wait3A_471, %dma_wait3A_472, %dma_wait3A_473] : memref<16x160x2x128xi32, #tpu.memory_space<hbm>> -> memref<1x160x2x128xi32, #tpu.memory_space<hbm>>
        %dma_wait3A_475 = tpu.memref_squeeze %dma_wait3A_474 : memref<1x160x2x128xi32, #tpu.memory_space<hbm>> -> memref<160x2x128xi32, #tpu.memory_space<hbm>>
        %dma_wait3A_476 = arith.constant 0 : i32
        %dma_wait3A_477 = arith.constant 0 : i32
        %dma_wait3A_478 = tpu.memref_slice %dma_wait3A_475[%add3A_470, %dma_wait3A_476, %dma_wait3A_477] : memref<160x2x128xi32, #tpu.memory_space<hbm>> -> memref<1x2x128xi32, #tpu.memory_space<hbm>>
        %dma_wait3A_479 = tpu.memref_squeeze %dma_wait3A_478 : memref<1x2x128xi32, #tpu.memory_space<hbm>> -> memref<2x128xi32, #tpu.memory_space<hbm>>
        %dma_wait3A_480 = arith.constant 0 : i32
        %dma_wait3A_481 = arith.constant 0 : i32
        %dma_wait3A_482 = arith.constant 0 : i32
        %dma_wait3A_483 = tpu.memref_slice %arg3[%arg1, %dma_wait3A_480, %dma_wait3A_481, %dma_wait3A_482] : memref<16x160x2x128xi32, #tpu.memory_space<hbm>> -> memref<1x160x2x128xi32, #tpu.memory_space<hbm>>
        %dma_wait3A_484 = tpu.memref_squeeze %dma_wait3A_483 : memref<1x160x2x128xi32, #tpu.memory_space<hbm>> -> memref<160x2x128xi32, #tpu.memory_space<hbm>>
        %dma_wait3A_485 = arith.constant 0 : i32
        %dma_wait3A_486 = arith.constant 0 : i32
        %dma_wait3A_487 = tpu.memref_slice %dma_wait3A_484[%add3A_470, %dma_wait3A_485, %dma_wait3A_486] : memref<160x2x128xi32, #tpu.memory_space<hbm>> -> memref<1x2x128xi32, #tpu.memory_space<hbm>>
        %dma_wait3A_488 = tpu.memref_squeeze %dma_wait3A_487 : memref<1x2x128xi32, #tpu.memory_space<hbm>> -> memref<2x128xi32, #tpu.memory_space<hbm>>
        tpu.wait_dma2 semaphore(%arg22 : memref<!tpu.dma_semaphore, #tpu.memory_space<semaphore_mem>>) src(%dma_wait3A_488 : memref<2x128xi32, #tpu.memory_space<hbm>>) dst(%arg7 : memref<2x128xi32, #tpu.memory_space<vmem>>)
        %dma_start3A_489 = arith.constant 0 : i32
        %dma_start3A_490 = arith.constant 0 : i32
        %dma_start3A_491 = tpu.memref_slice %arg7[%dma_start3A_489, %dma_start3A_490] : memref<2x128xi32, #tpu.memory_space<vmem>> -> memref<1x128xi32, #tpu.memory_space<vmem>>
        %dma_start3A_492 = tpu.memref_squeeze %dma_start3A_491 : memref<1x128xi32, #tpu.memory_space<vmem>> -> memref<128xi32, #tpu.memory_space<vmem>>
        %dma_start3A_493 = arith.constant 0 : i32
        %dma_start3A_494 = arith.constant 0 : i32
        %dma_start3A_495 = tpu.memref_slice %arg18[%dma_start3A_493, %dma_start3A_494] : memref<10240x64xf32, #tpu.memory_space<vmem_shared>> -> memref<10240x64xf32, #tpu.memory_space<vmem_shared>>
        tpu.enqueue_indirect_dma source(%dma_start3A_495 : memref<10240x64xf32, #tpu.memory_space<vmem_shared>>) target(%arg15 : memref<128x64xf32, #tpu.memory_space<vmem>>) offsets(%dma_start3A_492 : memref<128xi32, #tpu.memory_space<vmem>>) semaphore(%arg30 : memref<!tpu.dma_semaphore, #tpu.memory_space<semaphore_mem>>)
      } else {
      }
      %add3A_246 = arith.constant 2 : i32
      %add3A_247 = arith.addi %mul3A_174, %add3A_246 : i32
      %dma_wait3A_248 = arith.constant 0 : i32
      %dma_wait3A_249 = arith.constant 0 : i32
      %dma_wait3A_250 = tpu.memref_slice %arg7[%dma_wait3A_248, %dma_wait3A_249] : memref<2x128xi32, #tpu.memory_space<vmem>> -> memref<1x128xi32, #tpu.memory_space<vmem>>
      %dma_wait3A_251 = tpu.memref_squeeze %dma_wait3A_250 : memref<1x128xi32, #tpu.memory_space<vmem>> -> memref<128xi32, #tpu.memory_space<vmem>>
      %dma_wait3A_252 = arith.constant 0 : i32
      %dma_wait3A_253 = arith.constant 0 : i32
      %dma_wait3A_254 = tpu.memref_slice %arg18[%dma_wait3A_252, %dma_wait3A_253] : memref<10240x64xf32, #tpu.memory_space<vmem_shared>> -> memref<10240x64xf32, #tpu.memory_space<vmem_shared>>
      tpu.wait_indirect_dma semaphore(%arg30 : memref<!tpu.dma_semaphore, #tpu.memory_space<semaphore_mem>>) src(%dma_wait3A_254 : memref<10240x64xf32, #tpu.memory_space<vmem_shared>>) dst(%arg15 : memref<128x64xf32, #tpu.memory_space<vmem>>)
      %dma_start3A_255 = arith.constant 1 : i32
      %dma_start3A_256 = arith.constant 0 : i32
      %dma_start3A_257 = tpu.memref_slice %arg7[%dma_start3A_255, %dma_start3A_256] : memref<2x128xi32, #tpu.memory_space<vmem>> -> memref<1x128xi32, #tpu.memory_space<vmem>>
      %dma_start3A_258 = tpu.memref_squeeze %dma_start3A_257 : memref<1x128xi32, #tpu.memory_space<vmem>> -> memref<128xi32, #tpu.memory_space<vmem>>
      %dma_start3A_259 = arith.constant 0 : i32
      %dma_start3A_260 = arith.constant 0 : i32
      %dma_start3A_261 = tpu.memref_slice %arg19[%dma_start3A_259, %dma_start3A_260] : memref<10240x64xf32, #tpu.memory_space<vmem_shared>> -> memref<10240x64xf32, #tpu.memory_space<vmem_shared>>
      tpu.enqueue_indirect_dma source(%arg15 : memref<128x64xf32, #tpu.memory_space<vmem>>) target(%dma_start3A_261 : memref<10240x64xf32, #tpu.memory_space<vmem_shared>>) offsets(%dma_start3A_258 : memref<128xi32, #tpu.memory_space<vmem>>) semaphore(%arg34 : memref<!tpu.dma_semaphore, #tpu.memory_space<semaphore_mem>>) {add = true}
      %add3A_262 = arith.constant 2 : i32
      %add3A_263 = arith.addi %add3A_247, %add3A_262 : i32
      %lt3A_264 = arith.constant 160 : i32
      %lt3A_265 = arith.cmpi slt, %add3A_263, %lt3A_264 : i32
      %convert_element_type3A_266 = arith.extui %lt3A_265 : i1 to i32
      %cond3A_267 = arith.constant 0 : i32
      %cond3A_268 = arith.cmpi ne, %convert_element_type3A_266, %cond3A_267 : i32
      scf.if %cond3A_268 {
        %sub3A = arith.constant 2 : i32
        %sub3A_469 = arith.subi %add3A_247, %sub3A : i32
        %ge3A = arith.constant 0 : i32
        %ge3A_470 = arith.cmpi sge, %sub3A_469, %ge3A : i32
        %convert_element_type3A_471 = arith.extui %ge3A_470 : i1 to i32
        %cond3A_472 = arith.constant 0 : i32
        %cond3A_473 = arith.cmpi ne, %convert_element_type3A_471, %cond3A_472 : i32
        scf.if %cond3A_473 {
          %dma_wait3A_474 = arith.constant 1 : i32
          %dma_wait3A_475 = arith.constant 0 : i32
          %dma_wait3A_476 = tpu.memref_slice %arg5[%dma_wait3A_474, %dma_wait3A_475] : memref<2x128xi32, #tpu.memory_space<vmem>> -> memref<1x128xi32, #tpu.memory_space<vmem>>
          %dma_wait3A_477 = tpu.memref_squeeze %dma_wait3A_476 : memref<1x128xi32, #tpu.memory_space<vmem>> -> memref<128xi32, #tpu.memory_space<vmem>>
          %dma_wait3A_478 = arith.constant 0 : i32
          %dma_wait3A_479 = arith.constant 0 : i32
          %dma_wait3A_480 = tpu.memref_slice %arg19[%dma_wait3A_478, %dma_wait3A_479] : memref<10240x64xf32, #tpu.memory_space<vmem_shared>> -> memref<10240x64xf32, #tpu.memory_space<vmem_shared>>
          tpu.wait_indirect_dma semaphore(%arg32 : memref<!tpu.dma_semaphore, #tpu.memory_space<semaphore_mem>>) src(%arg13 : memref<128x64xf32, #tpu.memory_space<vmem>>) dst(%dma_wait3A_480 : memref<10240x64xf32, #tpu.memory_space<vmem_shared>>)
        } else {
        }
      } else {
      }
      %add3A_269 = arith.constant 4 : i32
      %add3A_270 = arith.addi %add3A_247, %add3A_269 : i32
      %lt3A_271 = arith.constant 160 : i32
      %lt3A_272 = arith.cmpi slt, %add3A_270, %lt3A_271 : i32
      %convert_element_type3A_273 = arith.extui %lt3A_272 : i1 to i32
      %cond3A_274 = arith.constant 0 : i32
      %cond3A_275 = arith.cmpi ne, %convert_element_type3A_273, %cond3A_274 : i32
      scf.if %cond3A_275 {
        %add3A_469 = arith.constant 4 : i32
        %add3A_470 = arith.addi %add3A_247, %add3A_469 : i32
        %dma_start3A_471 = arith.constant 0 : i32
        %dma_start3A_472 = arith.constant 0 : i32
        %dma_start3A_473 = arith.constant 0 : i32
        %dma_start3A_474 = tpu.memref_slice %arg3[%arg1, %dma_start3A_471, %dma_start3A_472, %dma_start3A_473] : memref<16x160x2x128xi32, #tpu.memory_space<hbm>> -> memref<1x160x2x128xi32, #tpu.memory_space<hbm>>
        %dma_start3A_475 = tpu.memref_squeeze %dma_start3A_474 : memref<1x160x2x128xi32, #tpu.memory_space<hbm>> -> memref<160x2x128xi32, #tpu.memory_space<hbm>>
        %dma_start3A_476 = arith.constant 0 : i32
        %dma_start3A_477 = arith.constant 0 : i32
        %dma_start3A_478 = tpu.memref_slice %dma_start3A_475[%add3A_470, %dma_start3A_476, %dma_start3A_477] : memref<160x2x128xi32, #tpu.memory_space<hbm>> -> memref<1x2x128xi32, #tpu.memory_space<hbm>>
        %dma_start3A_479 = tpu.memref_squeeze %dma_start3A_478 : memref<1x2x128xi32, #tpu.memory_space<hbm>> -> memref<2x128xi32, #tpu.memory_space<hbm>>
        %dma_start3A_480 = arith.constant 0 : i32
        %dma_start3A_481 = arith.constant 0 : i32
        %dma_start3A_482 = arith.constant 0 : i32
        %dma_start3A_483 = tpu.memref_slice %arg3[%arg1, %dma_start3A_480, %dma_start3A_481, %dma_start3A_482] : memref<16x160x2x128xi32, #tpu.memory_space<hbm>> -> memref<1x160x2x128xi32, #tpu.memory_space<hbm>>
        %dma_start3A_484 = tpu.memref_squeeze %dma_start3A_483 : memref<1x160x2x128xi32, #tpu.memory_space<hbm>> -> memref<160x2x128xi32, #tpu.memory_space<hbm>>
        %dma_start3A_485 = arith.constant 0 : i32
        %dma_start3A_486 = arith.constant 0 : i32
        %dma_start3A_487 = tpu.memref_slice %dma_start3A_484[%add3A_470, %dma_start3A_485, %dma_start3A_486] : memref<160x2x128xi32, #tpu.memory_space<hbm>> -> memref<1x2x128xi32, #tpu.memory_space<hbm>>
        %dma_start3A_488 = tpu.memref_squeeze %dma_start3A_487 : memref<1x2x128xi32, #tpu.memory_space<hbm>> -> memref<2x128xi32, #tpu.memory_space<hbm>>
        tpu.enqueue_dma source(%dma_start3A_488 : memref<2x128xi32, #tpu.memory_space<hbm>>) target(%arg11 : memref<2x128xi32, #tpu.memory_space<vmem>>) target_semaphore(%arg26 : memref<!tpu.dma_semaphore, #tpu.memory_space<semaphore_mem>>)
      } else {
      }
      %add3A_276 = arith.constant 1 : i32
      %add3A_277 = arith.addi %add3A_247, %add3A_276 : i32
      %lt3A_278 = arith.constant 160 : i32
      %lt3A_279 = arith.cmpi slt, %add3A_277, %lt3A_278 : i32
      %convert_element_type3A_280 = arith.extui %lt3A_279 : i1 to i32
      %cond3A_281 = arith.constant 0 : i32
      %cond3A_282 = arith.cmpi ne, %convert_element_type3A_280, %cond3A_281 : i32
      scf.if %cond3A_282 {
        %add3A_469 = arith.constant 1 : i32
        %add3A_470 = arith.addi %add3A_247, %add3A_469 : i32
        %dma_wait3A_471 = arith.constant 0 : i32
        %dma_wait3A_472 = arith.constant 0 : i32
        %dma_wait3A_473 = arith.constant 0 : i32
        %dma_wait3A_474 = tpu.memref_slice %arg3[%arg1, %dma_wait3A_471, %dma_wait3A_472, %dma_wait3A_473] : memref<16x160x2x128xi32, #tpu.memory_space<hbm>> -> memref<1x160x2x128xi32, #tpu.memory_space<hbm>>
        %dma_wait3A_475 = tpu.memref_squeeze %dma_wait3A_474 : memref<1x160x2x128xi32, #tpu.memory_space<hbm>> -> memref<160x2x128xi32, #tpu.memory_space<hbm>>
        %dma_wait3A_476 = arith.constant 0 : i32
        %dma_wait3A_477 = arith.constant 0 : i32
        %dma_wait3A_478 = tpu.memref_slice %dma_wait3A_475[%add3A_470, %dma_wait3A_476, %dma_wait3A_477] : memref<160x2x128xi32, #tpu.memory_space<hbm>> -> memref<1x2x128xi32, #tpu.memory_space<hbm>>
        %dma_wait3A_479 = tpu.memref_squeeze %dma_wait3A_478 : memref<1x2x128xi32, #tpu.memory_space<hbm>> -> memref<2x128xi32, #tpu.memory_space<hbm>>
        %dma_wait3A_480 = arith.constant 0 : i32
        %dma_wait3A_481 = arith.constant 0 : i32
        %dma_wait3A_482 = arith.constant 0 : i32
        %dma_wait3A_483 = tpu.memref_slice %arg3[%arg1, %dma_wait3A_480, %dma_wait3A_481, %dma_wait3A_482] : memref<16x160x2x128xi32, #tpu.memory_space<hbm>> -> memref<1x160x2x128xi32, #tpu.memory_space<hbm>>
        %dma_wait3A_484 = tpu.memref_squeeze %dma_wait3A_483 : memref<1x160x2x128xi32, #tpu.memory_space<hbm>> -> memref<160x2x128xi32, #tpu.memory_space<hbm>>
        %dma_wait3A_485 = arith.constant 0 : i32
        %dma_wait3A_486 = arith.constant 0 : i32
        %dma_wait3A_487 = tpu.memref_slice %dma_wait3A_484[%add3A_470, %dma_wait3A_485, %dma_wait3A_486] : memref<160x2x128xi32, #tpu.memory_space<hbm>> -> memref<1x2x128xi32, #tpu.memory_space<hbm>>
        %dma_wait3A_488 = tpu.memref_squeeze %dma_wait3A_487 : memref<1x2x128xi32, #tpu.memory_space<hbm>> -> memref<2x128xi32, #tpu.memory_space<hbm>>
        tpu.wait_dma2 semaphore(%arg23 : memref<!tpu.dma_semaphore, #tpu.memory_space<semaphore_mem>>) src(%dma_wait3A_488 : memref<2x128xi32, #tpu.memory_space<hbm>>) dst(%arg8 : memref<2x128xi32, #tpu.memory_space<vmem>>)
        %dma_start3A_489 = arith.constant 0 : i32
        %dma_start3A_490 = arith.constant 0 : i32
        %dma_start3A_491 = tpu.memref_slice %arg8[%dma_start3A_489, %dma_start3A_490] : memref<2x128xi32, #tpu.memory_space<vmem>> -> memref<1x128xi32, #tpu.memory_space<vmem>>
        %dma_start3A_492 = tpu.memref_squeeze %dma_start3A_491 : memref<1x128xi32, #tpu.memory_space<vmem>> -> memref<128xi32, #tpu.memory_space<vmem>>
        %dma_start3A_493 = arith.constant 0 : i32
        %dma_start3A_494 = arith.constant 0 : i32
        %dma_start3A_495 = tpu.memref_slice %arg18[%dma_start3A_493, %dma_start3A_494] : memref<10240x64xf32, #tpu.memory_space<vmem_shared>> -> memref<10240x64xf32, #tpu.memory_space<vmem_shared>>
        tpu.enqueue_indirect_dma source(%dma_start3A_495 : memref<10240x64xf32, #tpu.memory_space<vmem_shared>>) target(%arg16 : memref<128x64xf32, #tpu.memory_space<vmem>>) offsets(%dma_start3A_492 : memref<128xi32, #tpu.memory_space<vmem>>) semaphore(%arg31 : memref<!tpu.dma_semaphore, #tpu.memory_space<semaphore_mem>>)
      } else {
      }
      %add3A_283 = arith.constant 3 : i32
      %add3A_284 = arith.addi %mul3A_174, %add3A_283 : i32
      %dma_wait3A_285 = arith.constant 0 : i32
      %dma_wait3A_286 = arith.constant 0 : i32
      %dma_wait3A_287 = tpu.memref_slice %arg8[%dma_wait3A_285, %dma_wait3A_286] : memref<2x128xi32, #tpu.memory_space<vmem>> -> memref<1x128xi32, #tpu.memory_space<vmem>>
      %dma_wait3A_288 = tpu.memref_squeeze %dma_wait3A_287 : memref<1x128xi32, #tpu.memory_space<vmem>> -> memref<128xi32, #tpu.memory_space<vmem>>
      %dma_wait3A_289 = arith.constant 0 : i32
      %dma_wait3A_290 = arith.constant 0 : i32
      %dma_wait3A_291 = tpu.memref_slice %arg18[%dma_wait3A_289, %dma_wait3A_290] : memref<10240x64xf32, #tpu.memory_space<vmem_shared>> -> memref<10240x64xf32, #tpu.memory_space<vmem_shared>>
      tpu.wait_indirect_dma semaphore(%arg31 : memref<!tpu.dma_semaphore, #tpu.memory_space<semaphore_mem>>) src(%dma_wait3A_291 : memref<10240x64xf32, #tpu.memory_space<vmem_shared>>) dst(%arg16 : memref<128x64xf32, #tpu.memory_space<vmem>>)
      %dma_start3A_292 = arith.constant 1 : i32
      %dma_start3A_293 = arith.constant 0 : i32
      %dma_start3A_294 = tpu.memref_slice %arg8[%dma_start3A_292, %dma_start3A_293] : memref<2x128xi32, #tpu.memory_space<vmem>> -> memref<1x128xi32, #tpu.memory_space<vmem>>
      %dma_start3A_295 = tpu.memref_squeeze %dma_start3A_294 : memref<1x128xi32, #tpu.memory_space<vmem>> -> memref<128xi32, #tpu.memory_space<vmem>>
      %dma_start3A_296 = arith.constant 0 : i32
      %dma_start3A_297 = arith.constant 0 : i32
      %dma_start3A_298 = tpu.memref_slice %arg19[%dma_start3A_296, %dma_start3A_297] : memref<10240x64xf32, #tpu.memory_space<vmem_shared>> -> memref<10240x64xf32, #tpu.memory_space<vmem_shared>>
      tpu.enqueue_indirect_dma source(%arg16 : memref<128x64xf32, #tpu.memory_space<vmem>>) target(%dma_start3A_298 : memref<10240x64xf32, #tpu.memory_space<vmem_shared>>) offsets(%dma_start3A_295 : memref<128xi32, #tpu.memory_space<vmem>>) semaphore(%arg35 : memref<!tpu.dma_semaphore, #tpu.memory_space<semaphore_mem>>) {add = true}
      %add3A_299 = arith.constant 2 : i32
      %add3A_300 = arith.addi %add3A_284, %add3A_299 : i32
      %lt3A_301 = arith.constant 160 : i32
      %lt3A_302 = arith.cmpi slt, %add3A_300, %lt3A_301 : i32
      %convert_element_type3A_303 = arith.extui %lt3A_302 : i1 to i32
      %cond3A_304 = arith.constant 0 : i32
      %cond3A_305 = arith.cmpi ne, %convert_element_type3A_303, %cond3A_304 : i32
      scf.if %cond3A_305 {
        %sub3A = arith.constant 2 : i32
        %sub3A_469 = arith.subi %add3A_284, %sub3A : i32
        %ge3A = arith.constant 0 : i32
        %ge3A_470 = arith.cmpi sge, %sub3A_469, %ge3A : i32
        %convert_element_type3A_471 = arith.extui %ge3A_470 : i1 to i32
        %cond3A_472 = arith.constant 0 : i32
        %cond3A_473 = arith.cmpi ne, %convert_element_type3A_471, %cond3A_472 : i32
        scf.if %cond3A_473 {
          %dma_wait3A_474 = arith.constant 1 : i32
          %dma_wait3A_475 = arith.constant 0 : i32
          %dma_wait3A_476 = tpu.memref_slice %arg6[%dma_wait3A_474, %dma_wait3A_475] : memref<2x128xi32, #tpu.memory_space<vmem>> -> memref<1x128xi32, #tpu.memory_space<vmem>>
          %dma_wait3A_477 = tpu.memref_squeeze %dma_wait3A_476 : memref<1x128xi32, #tpu.memory_space<vmem>> -> memref<128xi32, #tpu.memory_space<vmem>>
          %dma_wait3A_478 = arith.constant 0 : i32
          %dma_wait3A_479 = arith.constant 0 : i32
          %dma_wait3A_480 = tpu.memref_slice %arg19[%dma_wait3A_478, %dma_wait3A_479] : memref<10240x64xf32, #tpu.memory_space<vmem_shared>> -> memref<10240x64xf32, #tpu.memory_space<vmem_shared>>
          tpu.wait_indirect_dma semaphore(%arg33 : memref<!tpu.dma_semaphore, #tpu.memory_space<semaphore_mem>>) src(%arg14 : memref<128x64xf32, #tpu.memory_space<vmem>>) dst(%dma_wait3A_480 : memref<10240x64xf32, #tpu.memory_space<vmem_shared>>)
        } else {
        }
      } else {
      }
      %add3A_306 = arith.constant 4 : i32
      %add3A_307 = arith.addi %add3A_284, %add3A_306 : i32
      %lt3A_308 = arith.constant 160 : i32
      %lt3A_309 = arith.cmpi slt, %add3A_307, %lt3A_308 : i32
      %convert_element_type3A_310 = arith.extui %lt3A_309 : i1 to i32
      %cond3A_311 = arith.constant 0 : i32
      %cond3A_312 = arith.cmpi ne, %convert_element_type3A_310, %cond3A_311 : i32
      scf.if %cond3A_312 {
        %add3A_469 = arith.constant 4 : i32
        %add3A_470 = arith.addi %add3A_284, %add3A_469 : i32
        %dma_start3A_471 = arith.constant 0 : i32
        %dma_start3A_472 = arith.constant 0 : i32
        %dma_start3A_473 = arith.constant 0 : i32
        %dma_start3A_474 = tpu.memref_slice %arg3[%arg1, %dma_start3A_471, %dma_start3A_472, %dma_start3A_473] : memref<16x160x2x128xi32, #tpu.memory_space<hbm>> -> memref<1x160x2x128xi32, #tpu.memory_space<hbm>>
        %dma_start3A_475 = tpu.memref_squeeze %dma_start3A_474 : memref<1x160x2x128xi32, #tpu.memory_space<hbm>> -> memref<160x2x128xi32, #tpu.memory_space<hbm>>
        %dma_start3A_476 = arith.constant 0 : i32
        %dma_start3A_477 = arith.constant 0 : i32
        %dma_start3A_478 = tpu.memref_slice %dma_start3A_475[%add3A_470, %dma_start3A_476, %dma_start3A_477] : memref<160x2x128xi32, #tpu.memory_space<hbm>> -> memref<1x2x128xi32, #tpu.memory_space<hbm>>
        %dma_start3A_479 = tpu.memref_squeeze %dma_start3A_478 : memref<1x2x128xi32, #tpu.memory_space<hbm>> -> memref<2x128xi32, #tpu.memory_space<hbm>>
        %dma_start3A_480 = arith.constant 0 : i32
        %dma_start3A_481 = arith.constant 0 : i32
        %dma_start3A_482 = arith.constant 0 : i32
        %dma_start3A_483 = tpu.memref_slice %arg3[%arg1, %dma_start3A_480, %dma_start3A_481, %dma_start3A_482] : memref<16x160x2x128xi32, #tpu.memory_space<hbm>> -> memref<1x160x2x128xi32, #tpu.memory_space<hbm>>
        %dma_start3A_484 = tpu.memref_squeeze %dma_start3A_483 : memref<1x160x2x128xi32, #tpu.memory_space<hbm>> -> memref<160x2x128xi32, #tpu.memory_space<hbm>>
        %dma_start3A_485 = arith.constant 0 : i32
        %dma_start3A_486 = arith.constant 0 : i32
        %dma_start3A_487 = tpu.memref_slice %dma_start3A_484[%add3A_470, %dma_start3A_485, %dma_start3A_486] : memref<160x2x128xi32, #tpu.memory_space<hbm>> -> memref<1x2x128xi32, #tpu.memory_space<hbm>>
        %dma_start3A_488 = tpu.memref_squeeze %dma_start3A_487 : memref<1x2x128xi32, #tpu.memory_space<hbm>> -> memref<2x128xi32, #tpu.memory_space<hbm>>
        tpu.enqueue_dma source(%dma_start3A_488 : memref<2x128xi32, #tpu.memory_space<hbm>>) target(%arg12 : memref<2x128xi32, #tpu.memory_space<vmem>>) target_semaphore(%arg27 : memref<!tpu.dma_semaphore, #tpu.memory_space<semaphore_mem>>)
      } else {
      }
      %add3A_313 = arith.constant 1 : i32
      %add3A_314 = arith.addi %add3A_284, %add3A_313 : i32
      %lt3A_315 = arith.constant 160 : i32
      %lt3A_316 = arith.cmpi slt, %add3A_314, %lt3A_315 : i32
      %convert_element_type3A_317 = arith.extui %lt3A_316 : i1 to i32
      %cond3A_318 = arith.constant 0 : i32
      %cond3A_319 = arith.cmpi ne, %convert_element_type3A_317, %cond3A_318 : i32
      scf.if %cond3A_319 {
        %add3A_469 = arith.constant 1 : i32
        %add3A_470 = arith.addi %add3A_284, %add3A_469 : i32
        %dma_wait3A_471 = arith.constant 0 : i32
        %dma_wait3A_472 = arith.constant 0 : i32
        %dma_wait3A_473 = arith.constant 0 : i32
        %dma_wait3A_474 = tpu.memref_slice %arg3[%arg1, %dma_wait3A_471, %dma_wait3A_472, %dma_wait3A_473] : memref<16x160x2x128xi32, #tpu.memory_space<hbm>> -> memref<1x160x2x128xi32, #tpu.memory_space<hbm>>
        %dma_wait3A_475 = tpu.memref_squeeze %dma_wait3A_474 : memref<1x160x2x128xi32, #tpu.memory_space<hbm>> -> memref<160x2x128xi32, #tpu.memory_space<hbm>>
        %dma_wait3A_476 = arith.constant 0 : i32
        %dma_wait3A_477 = arith.constant 0 : i32
        %dma_wait3A_478 = tpu.memref_slice %dma_wait3A_475[%add3A_470, %dma_wait3A_476, %dma_wait3A_477] : memref<160x2x128xi32, #tpu.memory_space<hbm>> -> memref<1x2x128xi32, #tpu.memory_space<hbm>>
        %dma_wait3A_479 = tpu.memref_squeeze %dma_wait3A_478 : memref<1x2x128xi32, #tpu.memory_space<hbm>> -> memref<2x128xi32, #tpu.memory_space<hbm>>
        %dma_wait3A_480 = arith.constant 0 : i32
        %dma_wait3A_481 = arith.constant 0 : i32
        %dma_wait3A_482 = arith.constant 0 : i32
        %dma_wait3A_483 = tpu.memref_slice %arg3[%arg1, %dma_wait3A_480, %dma_wait3A_481, %dma_wait3A_482] : memref<16x160x2x128xi32, #tpu.memory_space<hbm>> -> memref<1x160x2x128xi32, #tpu.memory_space<hbm>>
        %dma_wait3A_484 = tpu.memref_squeeze %dma_wait3A_483 : memref<1x160x2x128xi32, #tpu.memory_space<hbm>> -> memref<160x2x128xi32, #tpu.memory_space<hbm>>
        %dma_wait3A_485 = arith.constant 0 : i32
        %dma_wait3A_486 = arith.constant 0 : i32
        %dma_wait3A_487 = tpu.memref_slice %dma_wait3A_484[%add3A_470, %dma_wait3A_485, %dma_wait3A_486] : memref<160x2x128xi32, #tpu.memory_space<hbm>> -> memref<1x2x128xi32, #tpu.memory_space<hbm>>
        %dma_wait3A_488 = tpu.memref_squeeze %dma_wait3A_487 : memref<1x2x128xi32, #tpu.memory_space<hbm>> -> memref<2x128xi32, #tpu.memory_space<hbm>>
        tpu.wait_dma2 semaphore(%arg24 : memref<!tpu.dma_semaphore, #tpu.memory_space<semaphore_mem>>) src(%dma_wait3A_488 : memref<2x128xi32, #tpu.memory_space<hbm>>) dst(%arg9 : memref<2x128xi32, #tpu.memory_space<vmem>>)
        %dma_start3A_489 = arith.constant 0 : i32
        %dma_start3A_490 = arith.constant 0 : i32
        %dma_start3A_491 = tpu.memref_slice %arg9[%dma_start3A_489, %dma_start3A_490] : memref<2x128xi32, #tpu.memory_space<vmem>> -> memref<1x128xi32, #tpu.memory_space<vmem>>
        %dma_start3A_492 = tpu.memref_squeeze %dma_start3A_491 : memref<1x128xi32, #tpu.memory_space<vmem>> -> memref<128xi32, #tpu.memory_space<vmem>>
        %dma_start3A_493 = arith.constant 0 : i32
        %dma_start3A_494 = arith.constant 0 : i32
        %dma_start3A_495 = tpu.memref_slice %arg18[%dma_start3A_493, %dma_start3A_494] : memref<10240x64xf32, #tpu.memory_space<vmem_shared>> -> memref<10240x64xf32, #tpu.memory_space<vmem_shared>>
        tpu.enqueue_indirect_dma source(%dma_start3A_495 : memref<10240x64xf32, #tpu.memory_space<vmem_shared>>) target(%arg13 : memref<128x64xf32, #tpu.memory_space<vmem>>) offsets(%dma_start3A_492 : memref<128xi32, #tpu.memory_space<vmem>>) semaphore(%arg28 : memref<!tpu.dma_semaphore, #tpu.memory_space<semaphore_mem>>)
      } else {
      }
      %add3A_320 = arith.constant 4 : i32
      %add3A_321 = arith.addi %mul3A_174, %add3A_320 : i32
      %dma_wait3A_322 = arith.constant 0 : i32
      %dma_wait3A_323 = arith.constant 0 : i32
      %dma_wait3A_324 = tpu.memref_slice %arg9[%dma_wait3A_322, %dma_wait3A_323] : memref<2x128xi32, #tpu.memory_space<vmem>> -> memref<1x128xi32, #tpu.memory_space<vmem>>
      %dma_wait3A_325 = tpu.memref_squeeze %dma_wait3A_324 : memref<1x128xi32, #tpu.memory_space<vmem>> -> memref<128xi32, #tpu.memory_space<vmem>>
      %dma_wait3A_326 = arith.constant 0 : i32
      %dma_wait3A_327 = arith.constant 0 : i32
      %dma_wait3A_328 = tpu.memref_slice %arg18[%dma_wait3A_326, %dma_wait3A_327] : memref<10240x64xf32, #tpu.memory_space<vmem_shared>> -> memref<10240x64xf32, #tpu.memory_space<vmem_shared>>
      tpu.wait_indirect_dma semaphore(%arg28 : memref<!tpu.dma_semaphore, #tpu.memory_space<semaphore_mem>>) src(%dma_wait3A_328 : memref<10240x64xf32, #tpu.memory_space<vmem_shared>>) dst(%arg13 : memref<128x64xf32, #tpu.memory_space<vmem>>)
      %dma_start3A_329 = arith.constant 1 : i32
      %dma_start3A_330 = arith.constant 0 : i32
      %dma_start3A_331 = tpu.memref_slice %arg9[%dma_start3A_329, %dma_start3A_330] : memref<2x128xi32, #tpu.memory_space<vmem>> -> memref<1x128xi32, #tpu.memory_space<vmem>>
      %dma_start3A_332 = tpu.memref_squeeze %dma_start3A_331 : memref<1x128xi32, #tpu.memory_space<vmem>> -> memref<128xi32, #tpu.memory_space<vmem>>
      %dma_start3A_333 = arith.constant 0 : i32
      %dma_start3A_334 = arith.constant 0 : i32
      %dma_start3A_335 = tpu.memref_slice %arg19[%dma_start3A_333, %dma_start3A_334] : memref<10240x64xf32, #tpu.memory_space<vmem_shared>> -> memref<10240x64xf32, #tpu.memory_space<vmem_shared>>
      tpu.enqueue_indirect_dma source(%arg13 : memref<128x64xf32, #tpu.memory_space<vmem>>) target(%dma_start3A_335 : memref<10240x64xf32, #tpu.memory_space<vmem_shared>>) offsets(%dma_start3A_332 : memref<128xi32, #tpu.memory_space<vmem>>) semaphore(%arg32 : memref<!tpu.dma_semaphore, #tpu.memory_space<semaphore_mem>>) {add = true}
      %add3A_336 = arith.constant 2 : i32
      %add3A_337 = arith.addi %add3A_321, %add3A_336 : i32
      %lt3A_338 = arith.constant 160 : i32
      %lt3A_339 = arith.cmpi slt, %add3A_337, %lt3A_338 : i32
      %convert_element_type3A_340 = arith.extui %lt3A_339 : i1 to i32
      %cond3A_341 = arith.constant 0 : i32
      %cond3A_342 = arith.cmpi ne, %convert_element_type3A_340, %cond3A_341 : i32
      scf.if %cond3A_342 {
        %sub3A = arith.constant 2 : i32
        %sub3A_469 = arith.subi %add3A_321, %sub3A : i32
        %ge3A = arith.constant 0 : i32
        %ge3A_470 = arith.cmpi sge, %sub3A_469, %ge3A : i32
        %convert_element_type3A_471 = arith.extui %ge3A_470 : i1 to i32
        %cond3A_472 = arith.constant 0 : i32
        %cond3A_473 = arith.cmpi ne, %convert_element_type3A_471, %cond3A_472 : i32
        scf.if %cond3A_473 {
          %dma_wait3A_474 = arith.constant 1 : i32
          %dma_wait3A_475 = arith.constant 0 : i32
          %dma_wait3A_476 = tpu.memref_slice %arg7[%dma_wait3A_474, %dma_wait3A_475] : memref<2x128xi32, #tpu.memory_space<vmem>> -> memref<1x128xi32, #tpu.memory_space<vmem>>
          %dma_wait3A_477 = tpu.memref_squeeze %dma_wait3A_476 : memref<1x128xi32, #tpu.memory_space<vmem>> -> memref<128xi32, #tpu.memory_space<vmem>>
          %dma_wait3A_478 = arith.constant 0 : i32
          %dma_wait3A_479 = arith.constant 0 : i32
          %dma_wait3A_480 = tpu.memref_slice %arg19[%dma_wait3A_478, %dma_wait3A_479] : memref<10240x64xf32, #tpu.memory_space<vmem_shared>> -> memref<10240x64xf32, #tpu.memory_space<vmem_shared>>
          tpu.wait_indirect_dma semaphore(%arg34 : memref<!tpu.dma_semaphore, #tpu.memory_space<semaphore_mem>>) src(%arg15 : memref<128x64xf32, #tpu.memory_space<vmem>>) dst(%dma_wait3A_480 : memref<10240x64xf32, #tpu.memory_space<vmem_shared>>)
        } else {
        }
      } else {
      }
      %add3A_343 = arith.constant 4 : i32
      %add3A_344 = arith.addi %add3A_321, %add3A_343 : i32
      %lt3A_345 = arith.constant 160 : i32
      %lt3A_346 = arith.cmpi slt, %add3A_344, %lt3A_345 : i32
      %convert_element_type3A_347 = arith.extui %lt3A_346 : i1 to i32
      %cond3A_348 = arith.constant 0 : i32
      %cond3A_349 = arith.cmpi ne, %convert_element_type3A_347, %cond3A_348 : i32
      scf.if %cond3A_349 {
        %add3A_469 = arith.constant 4 : i32
        %add3A_470 = arith.addi %add3A_321, %add3A_469 : i32
        %dma_start3A_471 = arith.constant 0 : i32
        %dma_start3A_472 = arith.constant 0 : i32
        %dma_start3A_473 = arith.constant 0 : i32
        %dma_start3A_474 = tpu.memref_slice %arg3[%arg1, %dma_start3A_471, %dma_start3A_472, %dma_start3A_473] : memref<16x160x2x128xi32, #tpu.memory_space<hbm>> -> memref<1x160x2x128xi32, #tpu.memory_space<hbm>>
        %dma_start3A_475 = tpu.memref_squeeze %dma_start3A_474 : memref<1x160x2x128xi32, #tpu.memory_space<hbm>> -> memref<160x2x128xi32, #tpu.memory_space<hbm>>
        %dma_start3A_476 = arith.constant 0 : i32
        %dma_start3A_477 = arith.constant 0 : i32
        %dma_start3A_478 = tpu.memref_slice %dma_start3A_475[%add3A_470, %dma_start3A_476, %dma_start3A_477] : memref<160x2x128xi32, #tpu.memory_space<hbm>> -> memref<1x2x128xi32, #tpu.memory_space<hbm>>
        %dma_start3A_479 = tpu.memref_squeeze %dma_start3A_478 : memref<1x2x128xi32, #tpu.memory_space<hbm>> -> memref<2x128xi32, #tpu.memory_space<hbm>>
        %dma_start3A_480 = arith.constant 0 : i32
        %dma_start3A_481 = arith.constant 0 : i32
        %dma_start3A_482 = arith.constant 0 : i32
        %dma_start3A_483 = tpu.memref_slice %arg3[%arg1, %dma_start3A_480, %dma_start3A_481, %dma_start3A_482] : memref<16x160x2x128xi32, #tpu.memory_space<hbm>> -> memref<1x160x2x128xi32, #tpu.memory_space<hbm>>
        %dma_start3A_484 = tpu.memref_squeeze %dma_start3A_483 : memref<1x160x2x128xi32, #tpu.memory_space<hbm>> -> memref<160x2x128xi32, #tpu.memory_space<hbm>>
        %dma_start3A_485 = arith.constant 0 : i32
        %dma_start3A_486 = arith.constant 0 : i32
        %dma_start3A_487 = tpu.memref_slice %dma_start3A_484[%add3A_470, %dma_start3A_485, %dma_start3A_486] : memref<160x2x128xi32, #tpu.memory_space<hbm>> -> memref<1x2x128xi32, #tpu.memory_space<hbm>>
        %dma_start3A_488 = tpu.memref_squeeze %dma_start3A_487 : memref<1x2x128xi32, #tpu.memory_space<hbm>> -> memref<2x128xi32, #tpu.memory_space<hbm>>
        tpu.enqueue_dma source(%dma_start3A_488 : memref<2x128xi32, #tpu.memory_space<hbm>>) target(%arg5 : memref<2x128xi32, #tpu.memory_space<vmem>>) target_semaphore(%arg20 : memref<!tpu.dma_semaphore, #tpu.memory_space<semaphore_mem>>)
      } else {
      }
      %add3A_350 = arith.constant 1 : i32
      %add3A_351 = arith.addi %add3A_321, %add3A_350 : i32
      %lt3A_352 = arith.constant 160 : i32
      %lt3A_353 = arith.cmpi slt, %add3A_351, %lt3A_352 : i32
      %convert_element_type3A_354 = arith.extui %lt3A_353 : i1 to i32
      %cond3A_355 = arith.constant 0 : i32
      %cond3A_356 = arith.cmpi ne, %convert_element_type3A_354, %cond3A_355 : i32
      scf.if %cond3A_356 {
        %add3A_469 = arith.constant 1 : i32
        %add3A_470 = arith.addi %add3A_321, %add3A_469 : i32
        %dma_wait3A_471 = arith.constant 0 : i32
        %dma_wait3A_472 = arith.constant 0 : i32
        %dma_wait3A_473 = arith.constant 0 : i32
        %dma_wait3A_474 = tpu.memref_slice %arg3[%arg1, %dma_wait3A_471, %dma_wait3A_472, %dma_wait3A_473] : memref<16x160x2x128xi32, #tpu.memory_space<hbm>> -> memref<1x160x2x128xi32, #tpu.memory_space<hbm>>
        %dma_wait3A_475 = tpu.memref_squeeze %dma_wait3A_474 : memref<1x160x2x128xi32, #tpu.memory_space<hbm>> -> memref<160x2x128xi32, #tpu.memory_space<hbm>>
        %dma_wait3A_476 = arith.constant 0 : i32
        %dma_wait3A_477 = arith.constant 0 : i32
        %dma_wait3A_478 = tpu.memref_slice %dma_wait3A_475[%add3A_470, %dma_wait3A_476, %dma_wait3A_477] : memref<160x2x128xi32, #tpu.memory_space<hbm>> -> memref<1x2x128xi32, #tpu.memory_space<hbm>>
        %dma_wait3A_479 = tpu.memref_squeeze %dma_wait3A_478 : memref<1x2x128xi32, #tpu.memory_space<hbm>> -> memref<2x128xi32, #tpu.memory_space<hbm>>
        %dma_wait3A_480 = arith.constant 0 : i32
        %dma_wait3A_481 = arith.constant 0 : i32
        %dma_wait3A_482 = arith.constant 0 : i32
        %dma_wait3A_483 = tpu.memref_slice %arg3[%arg1, %dma_wait3A_480, %dma_wait3A_481, %dma_wait3A_482] : memref<16x160x2x128xi32, #tpu.memory_space<hbm>> -> memref<1x160x2x128xi32, #tpu.memory_space<hbm>>
        %dma_wait3A_484 = tpu.memref_squeeze %dma_wait3A_483 : memref<1x160x2x128xi32, #tpu.memory_space<hbm>> -> memref<160x2x128xi32, #tpu.memory_space<hbm>>
        %dma_wait3A_485 = arith.constant 0 : i32
        %dma_wait3A_486 = arith.constant 0 : i32
        %dma_wait3A_487 = tpu.memref_slice %dma_wait3A_484[%add3A_470, %dma_wait3A_485, %dma_wait3A_486] : memref<160x2x128xi32, #tpu.memory_space<hbm>> -> memref<1x2x128xi32, #tpu.memory_space<hbm>>
        %dma_wait3A_488 = tpu.memref_squeeze %dma_wait3A_487 : memref<1x2x128xi32, #tpu.memory_space<hbm>> -> memref<2x128xi32, #tpu.memory_space<hbm>>
        tpu.wait_dma2 semaphore(%arg25 : memref<!tpu.dma_semaphore, #tpu.memory_space<semaphore_mem>>) src(%dma_wait3A_488 : memref<2x128xi32, #tpu.memory_space<hbm>>) dst(%arg10 : memref<2x128xi32, #tpu.memory_space<vmem>>)
        %dma_start3A_489 = arith.constant 0 : i32
        %dma_start3A_490 = arith.constant 0 : i32
        %dma_start3A_491 = tpu.memref_slice %arg10[%dma_start3A_489, %dma_start3A_490] : memref<2x128xi32, #tpu.memory_space<vmem>> -> memref<1x128xi32, #tpu.memory_space<vmem>>
        %dma_start3A_492 = tpu.memref_squeeze %dma_start3A_491 : memref<1x128xi32, #tpu.memory_space<vmem>> -> memref<128xi32, #tpu.memory_space<vmem>>
        %dma_start3A_493 = arith.constant 0 : i32
        %dma_start3A_494 = arith.constant 0 : i32
        %dma_start3A_495 = tpu.memref_slice %arg18[%dma_start3A_493, %dma_start3A_494] : memref<10240x64xf32, #tpu.memory_space<vmem_shared>> -> memref<10240x64xf32, #tpu.memory_space<vmem_shared>>
        tpu.enqueue_indirect_dma source(%dma_start3A_495 : memref<10240x64xf32, #tpu.memory_space<vmem_shared>>) target(%arg14 : memref<128x64xf32, #tpu.memory_space<vmem>>) offsets(%dma_start3A_492 : memref<128xi32, #tpu.memory_space<vmem>>) semaphore(%arg29 : memref<!tpu.dma_semaphore, #tpu.memory_space<semaphore_mem>>)
      } else {
      }
      %add3A_357 = arith.constant 5 : i32
      %add3A_358 = arith.addi %mul3A_174, %add3A_357 : i32
      %dma_wait3A_359 = arith.constant 0 : i32
      %dma_wait3A_360 = arith.constant 0 : i32
      %dma_wait3A_361 = tpu.memref_slice %arg10[%dma_wait3A_359, %dma_wait3A_360] : memref<2x128xi32, #tpu.memory_space<vmem>> -> memref<1x128xi32, #tpu.memory_space<vmem>>
      %dma_wait3A_362 = tpu.memref_squeeze %dma_wait3A_361 : memref<1x128xi32, #tpu.memory_space<vmem>> -> memref<128xi32, #tpu.memory_space<vmem>>
      %dma_wait3A_363 = arith.constant 0 : i32
      %dma_wait3A_364 = arith.constant 0 : i32
      %dma_wait3A_365 = tpu.memref_slice %arg18[%dma_wait3A_363, %dma_wait3A_364] : memref<10240x64xf32, #tpu.memory_space<vmem_shared>> -> memref<10240x64xf32, #tpu.memory_space<vmem_shared>>
      tpu.wait_indirect_dma semaphore(%arg29 : memref<!tpu.dma_semaphore, #tpu.memory_space<semaphore_mem>>) src(%dma_wait3A_365 : memref<10240x64xf32, #tpu.memory_space<vmem_shared>>) dst(%arg14 : memref<128x64xf32, #tpu.memory_space<vmem>>)
      %dma_start3A_366 = arith.constant 1 : i32
      %dma_start3A_367 = arith.constant 0 : i32
      %dma_start3A_368 = tpu.memref_slice %arg10[%dma_start3A_366, %dma_start3A_367] : memref<2x128xi32, #tpu.memory_space<vmem>> -> memref<1x128xi32, #tpu.memory_space<vmem>>
      %dma_start3A_369 = tpu.memref_squeeze %dma_start3A_368 : memref<1x128xi32, #tpu.memory_space<vmem>> -> memref<128xi32, #tpu.memory_space<vmem>>
      %dma_start3A_370 = arith.constant 0 : i32
      %dma_start3A_371 = arith.constant 0 : i32
      %dma_start3A_372 = tpu.memref_slice %arg19[%dma_start3A_370, %dma_start3A_371] : memref<10240x64xf32, #tpu.memory_space<vmem_shared>> -> memref<10240x64xf32, #tpu.memory_space<vmem_shared>>
      tpu.enqueue_indirect_dma source(%arg14 : memref<128x64xf32, #tpu.memory_space<vmem>>) target(%dma_start3A_372 : memref<10240x64xf32, #tpu.memory_space<vmem_shared>>) offsets(%dma_start3A_369 : memref<128xi32, #tpu.memory_space<vmem>>) semaphore(%arg33 : memref<!tpu.dma_semaphore, #tpu.memory_space<semaphore_mem>>) {add = true}
      %add3A_373 = arith.constant 2 : i32
      %add3A_374 = arith.addi %add3A_358, %add3A_373 : i32
      %lt3A_375 = arith.constant 160 : i32
      %lt3A_376 = arith.cmpi slt, %add3A_374, %lt3A_375 : i32
      %convert_element_type3A_377 = arith.extui %lt3A_376 : i1 to i32
      %cond3A_378 = arith.constant 0 : i32
      %cond3A_379 = arith.cmpi ne, %convert_element_type3A_377, %cond3A_378 : i32
      scf.if %cond3A_379 {
        %sub3A = arith.constant 2 : i32
        %sub3A_469 = arith.subi %add3A_358, %sub3A : i32
        %ge3A = arith.constant 0 : i32
        %ge3A_470 = arith.cmpi sge, %sub3A_469, %ge3A : i32
        %convert_element_type3A_471 = arith.extui %ge3A_470 : i1 to i32
        %cond3A_472 = arith.constant 0 : i32
        %cond3A_473 = arith.cmpi ne, %convert_element_type3A_471, %cond3A_472 : i32
        scf.if %cond3A_473 {
          %dma_wait3A_474 = arith.constant 1 : i32
          %dma_wait3A_475 = arith.constant 0 : i32
          %dma_wait3A_476 = tpu.memref_slice %arg8[%dma_wait3A_474, %dma_wait3A_475] : memref<2x128xi32, #tpu.memory_space<vmem>> -> memref<1x128xi32, #tpu.memory_space<vmem>>
          %dma_wait3A_477 = tpu.memref_squeeze %dma_wait3A_476 : memref<1x128xi32, #tpu.memory_space<vmem>> -> memref<128xi32, #tpu.memory_space<vmem>>
          %dma_wait3A_478 = arith.constant 0 : i32
          %dma_wait3A_479 = arith.constant 0 : i32
          %dma_wait3A_480 = tpu.memref_slice %arg19[%dma_wait3A_478, %dma_wait3A_479] : memref<10240x64xf32, #tpu.memory_space<vmem_shared>> -> memref<10240x64xf32, #tpu.memory_space<vmem_shared>>
          tpu.wait_indirect_dma semaphore(%arg35 : memref<!tpu.dma_semaphore, #tpu.memory_space<semaphore_mem>>) src(%arg16 : memref<128x64xf32, #tpu.memory_space<vmem>>) dst(%dma_wait3A_480 : memref<10240x64xf32, #tpu.memory_space<vmem_shared>>)
        } else {
        }
      } else {
      }
      %add3A_380 = arith.constant 4 : i32
      %add3A_381 = arith.addi %add3A_358, %add3A_380 : i32
      %lt3A_382 = arith.constant 160 : i32
      %lt3A_383 = arith.cmpi slt, %add3A_381, %lt3A_382 : i32
      %convert_element_type3A_384 = arith.extui %lt3A_383 : i1 to i32
      %cond3A_385 = arith.constant 0 : i32
      %cond3A_386 = arith.cmpi ne, %convert_element_type3A_384, %cond3A_385 : i32
      scf.if %cond3A_386 {
        %add3A_469 = arith.constant 4 : i32
        %add3A_470 = arith.addi %add3A_358, %add3A_469 : i32
        %dma_start3A_471 = arith.constant 0 : i32
        %dma_start3A_472 = arith.constant 0 : i32
        %dma_start3A_473 = arith.constant 0 : i32
        %dma_start3A_474 = tpu.memref_slice %arg3[%arg1, %dma_start3A_471, %dma_start3A_472, %dma_start3A_473] : memref<16x160x2x128xi32, #tpu.memory_space<hbm>> -> memref<1x160x2x128xi32, #tpu.memory_space<hbm>>
        %dma_start3A_475 = tpu.memref_squeeze %dma_start3A_474 : memref<1x160x2x128xi32, #tpu.memory_space<hbm>> -> memref<160x2x128xi32, #tpu.memory_space<hbm>>
        %dma_start3A_476 = arith.constant 0 : i32
        %dma_start3A_477 = arith.constant 0 : i32
        %dma_start3A_478 = tpu.memref_slice %dma_start3A_475[%add3A_470, %dma_start3A_476, %dma_start3A_477] : memref<160x2x128xi32, #tpu.memory_space<hbm>> -> memref<1x2x128xi32, #tpu.memory_space<hbm>>
        %dma_start3A_479 = tpu.memref_squeeze %dma_start3A_478 : memref<1x2x128xi32, #tpu.memory_space<hbm>> -> memref<2x128xi32, #tpu.memory_space<hbm>>
        %dma_start3A_480 = arith.constant 0 : i32
        %dma_start3A_481 = arith.constant 0 : i32
        %dma_start3A_482 = arith.constant 0 : i32
        %dma_start3A_483 = tpu.memref_slice %arg3[%arg1, %dma_start3A_480, %dma_start3A_481, %dma_start3A_482] : memref<16x160x2x128xi32, #tpu.memory_space<hbm>> -> memref<1x160x2x128xi32, #tpu.memory_space<hbm>>
        %dma_start3A_484 = tpu.memref_squeeze %dma_start3A_483 : memref<1x160x2x128xi32, #tpu.memory_space<hbm>> -> memref<160x2x128xi32, #tpu.memory_space<hbm>>
        %dma_start3A_485 = arith.constant 0 : i32
        %dma_start3A_486 = arith.constant 0 : i32
        %dma_start3A_487 = tpu.memref_slice %dma_start3A_484[%add3A_470, %dma_start3A_485, %dma_start3A_486] : memref<160x2x128xi32, #tpu.memory_space<hbm>> -> memref<1x2x128xi32, #tpu.memory_space<hbm>>
        %dma_start3A_488 = tpu.memref_squeeze %dma_start3A_487 : memref<1x2x128xi32, #tpu.memory_space<hbm>> -> memref<2x128xi32, #tpu.memory_space<hbm>>
        tpu.enqueue_dma source(%dma_start3A_488 : memref<2x128xi32, #tpu.memory_space<hbm>>) target(%arg6 : memref<2x128xi32, #tpu.memory_space<vmem>>) target_semaphore(%arg21 : memref<!tpu.dma_semaphore, #tpu.memory_space<semaphore_mem>>)
      } else {
      }
      %add3A_387 = arith.constant 1 : i32
      %add3A_388 = arith.addi %add3A_358, %add3A_387 : i32
      %lt3A_389 = arith.constant 160 : i32
      %lt3A_390 = arith.cmpi slt, %add3A_388, %lt3A_389 : i32
      %convert_element_type3A_391 = arith.extui %lt3A_390 : i1 to i32
      %cond3A_392 = arith.constant 0 : i32
      %cond3A_393 = arith.cmpi ne, %convert_element_type3A_391, %cond3A_392 : i32
      scf.if %cond3A_393 {
        %add3A_469 = arith.constant 1 : i32
        %add3A_470 = arith.addi %add3A_358, %add3A_469 : i32
        %dma_wait3A_471 = arith.constant 0 : i32
        %dma_wait3A_472 = arith.constant 0 : i32
        %dma_wait3A_473 = arith.constant 0 : i32
        %dma_wait3A_474 = tpu.memref_slice %arg3[%arg1, %dma_wait3A_471, %dma_wait3A_472, %dma_wait3A_473] : memref<16x160x2x128xi32, #tpu.memory_space<hbm>> -> memref<1x160x2x128xi32, #tpu.memory_space<hbm>>
        %dma_wait3A_475 = tpu.memref_squeeze %dma_wait3A_474 : memref<1x160x2x128xi32, #tpu.memory_space<hbm>> -> memref<160x2x128xi32, #tpu.memory_space<hbm>>
        %dma_wait3A_476 = arith.constant 0 : i32
        %dma_wait3A_477 = arith.constant 0 : i32
        %dma_wait3A_478 = tpu.memref_slice %dma_wait3A_475[%add3A_470, %dma_wait3A_476, %dma_wait3A_477] : memref<160x2x128xi32, #tpu.memory_space<hbm>> -> memref<1x2x128xi32, #tpu.memory_space<hbm>>
        %dma_wait3A_479 = tpu.memref_squeeze %dma_wait3A_478 : memref<1x2x128xi32, #tpu.memory_space<hbm>> -> memref<2x128xi32, #tpu.memory_space<hbm>>
        %dma_wait3A_480 = arith.constant 0 : i32
        %dma_wait3A_481 = arith.constant 0 : i32
        %dma_wait3A_482 = arith.constant 0 : i32
        %dma_wait3A_483 = tpu.memref_slice %arg3[%arg1, %dma_wait3A_480, %dma_wait3A_481, %dma_wait3A_482] : memref<16x160x2x128xi32, #tpu.memory_space<hbm>> -> memref<1x160x2x128xi32, #tpu.memory_space<hbm>>
        %dma_wait3A_484 = tpu.memref_squeeze %dma_wait3A_483 : memref<1x160x2x128xi32, #tpu.memory_space<hbm>> -> memref<160x2x128xi32, #tpu.memory_space<hbm>>
        %dma_wait3A_485 = arith.constant 0 : i32
        %dma_wait3A_486 = arith.constant 0 : i32
        %dma_wait3A_487 = tpu.memref_slice %dma_wait3A_484[%add3A_470, %dma_wait3A_485, %dma_wait3A_486] : memref<160x2x128xi32, #tpu.memory_space<hbm>> -> memref<1x2x128xi32, #tpu.memory_space<hbm>>
        %dma_wait3A_488 = tpu.memref_squeeze %dma_wait3A_487 : memref<1x2x128xi32, #tpu.memory_space<hbm>> -> memref<2x128xi32, #tpu.memory_space<hbm>>
        tpu.wait_dma2 semaphore(%arg26 : memref<!tpu.dma_semaphore, #tpu.memory_space<semaphore_mem>>) src(%dma_wait3A_488 : memref<2x128xi32, #tpu.memory_space<hbm>>) dst(%arg11 : memref<2x128xi32, #tpu.memory_space<vmem>>)
        %dma_start3A_489 = arith.constant 0 : i32
        %dma_start3A_490 = arith.constant 0 : i32
        %dma_start3A_491 = tpu.memref_slice %arg11[%dma_start3A_489, %dma_start3A_490] : memref<2x128xi32, #tpu.memory_space<vmem>> -> memref<1x128xi32, #tpu.memory_space<vmem>>
        %dma_start3A_492 = tpu.memref_squeeze %dma_start3A_491 : memref<1x128xi32, #tpu.memory_space<vmem>> -> memref<128xi32, #tpu.memory_space<vmem>>
        %dma_start3A_493 = arith.constant 0 : i32
        %dma_start3A_494 = arith.constant 0 : i32
        %dma_start3A_495 = tpu.memref_slice %arg18[%dma_start3A_493, %dma_start3A_494] : memref<10240x64xf32, #tpu.memory_space<vmem_shared>> -> memref<10240x64xf32, #tpu.memory_space<vmem_shared>>
        tpu.enqueue_indirect_dma source(%dma_start3A_495 : memref<10240x64xf32, #tpu.memory_space<vmem_shared>>) target(%arg15 : memref<128x64xf32, #tpu.memory_space<vmem>>) offsets(%dma_start3A_492 : memref<128xi32, #tpu.memory_space<vmem>>) semaphore(%arg30 : memref<!tpu.dma_semaphore, #tpu.memory_space<semaphore_mem>>)
      } else {
      }
      %add3A_394 = arith.constant 6 : i32
      %add3A_395 = arith.addi %mul3A_174, %add3A_394 : i32
      %dma_wait3A_396 = arith.constant 0 : i32
      %dma_wait3A_397 = arith.constant 0 : i32
      %dma_wait3A_398 = tpu.memref_slice %arg11[%dma_wait3A_396, %dma_wait3A_397] : memref<2x128xi32, #tpu.memory_space<vmem>> -> memref<1x128xi32, #tpu.memory_space<vmem>>
      %dma_wait3A_399 = tpu.memref_squeeze %dma_wait3A_398 : memref<1x128xi32, #tpu.memory_space<vmem>> -> memref<128xi32, #tpu.memory_space<vmem>>
      %dma_wait3A_400 = arith.constant 0 : i32
      %dma_wait3A_401 = arith.constant 0 : i32
      %dma_wait3A_402 = tpu.memref_slice %arg18[%dma_wait3A_400, %dma_wait3A_401] : memref<10240x64xf32, #tpu.memory_space<vmem_shared>> -> memref<10240x64xf32, #tpu.memory_space<vmem_shared>>
      tpu.wait_indirect_dma semaphore(%arg30 : memref<!tpu.dma_semaphore, #tpu.memory_space<semaphore_mem>>) src(%dma_wait3A_402 : memref<10240x64xf32, #tpu.memory_space<vmem_shared>>) dst(%arg15 : memref<128x64xf32, #tpu.memory_space<vmem>>)
      %dma_start3A_403 = arith.constant 1 : i32
      %dma_start3A_404 = arith.constant 0 : i32
      %dma_start3A_405 = tpu.memref_slice %arg11[%dma_start3A_403, %dma_start3A_404] : memref<2x128xi32, #tpu.memory_space<vmem>> -> memref<1x128xi32, #tpu.memory_space<vmem>>
      %dma_start3A_406 = tpu.memref_squeeze %dma_start3A_405 : memref<1x128xi32, #tpu.memory_space<vmem>> -> memref<128xi32, #tpu.memory_space<vmem>>
      %dma_start3A_407 = arith.constant 0 : i32
      %dma_start3A_408 = arith.constant 0 : i32
      %dma_start3A_409 = tpu.memref_slice %arg19[%dma_start3A_407, %dma_start3A_408] : memref<10240x64xf32, #tpu.memory_space<vmem_shared>> -> memref<10240x64xf32, #tpu.memory_space<vmem_shared>>
      tpu.enqueue_indirect_dma source(%arg15 : memref<128x64xf32, #tpu.memory_space<vmem>>) target(%dma_start3A_409 : memref<10240x64xf32, #tpu.memory_space<vmem_shared>>) offsets(%dma_start3A_406 : memref<128xi32, #tpu.memory_space<vmem>>) semaphore(%arg34 : memref<!tpu.dma_semaphore, #tpu.memory_space<semaphore_mem>>) {add = true}
      %add3A_410 = arith.constant 2 : i32
      %add3A_411 = arith.addi %add3A_395, %add3A_410 : i32
      %lt3A_412 = arith.constant 160 : i32
      %lt3A_413 = arith.cmpi slt, %add3A_411, %lt3A_412 : i32
      %convert_element_type3A_414 = arith.extui %lt3A_413 : i1 to i32
      %cond3A_415 = arith.constant 0 : i32
      %cond3A_416 = arith.cmpi ne, %convert_element_type3A_414, %cond3A_415 : i32
      scf.if %cond3A_416 {
        %sub3A = arith.constant 2 : i32
        %sub3A_469 = arith.subi %add3A_395, %sub3A : i32
        %ge3A = arith.constant 0 : i32
        %ge3A_470 = arith.cmpi sge, %sub3A_469, %ge3A : i32
        %convert_element_type3A_471 = arith.extui %ge3A_470 : i1 to i32
        %cond3A_472 = arith.constant 0 : i32
        %cond3A_473 = arith.cmpi ne, %convert_element_type3A_471, %cond3A_472 : i32
        scf.if %cond3A_473 {
          %dma_wait3A_474 = arith.constant 1 : i32
          %dma_wait3A_475 = arith.constant 0 : i32
          %dma_wait3A_476 = tpu.memref_slice %arg9[%dma_wait3A_474, %dma_wait3A_475] : memref<2x128xi32, #tpu.memory_space<vmem>> -> memref<1x128xi32, #tpu.memory_space<vmem>>
          %dma_wait3A_477 = tpu.memref_squeeze %dma_wait3A_476 : memref<1x128xi32, #tpu.memory_space<vmem>> -> memref<128xi32, #tpu.memory_space<vmem>>
          %dma_wait3A_478 = arith.constant 0 : i32
          %dma_wait3A_479 = arith.constant 0 : i32
          %dma_wait3A_480 = tpu.memref_slice %arg19[%dma_wait3A_478, %dma_wait3A_479] : memref<10240x64xf32, #tpu.memory_space<vmem_shared>> -> memref<10240x64xf32, #tpu.memory_space<vmem_shared>>
          tpu.wait_indirect_dma semaphore(%arg32 : memref<!tpu.dma_semaphore, #tpu.memory_space<semaphore_mem>>) src(%arg13 : memref<128x64xf32, #tpu.memory_space<vmem>>) dst(%dma_wait3A_480 : memref<10240x64xf32, #tpu.memory_space<vmem_shared>>)
        } else {
        }
      } else {
      }
      %add3A_417 = arith.constant 4 : i32
      %add3A_418 = arith.addi %add3A_395, %add3A_417 : i32
      %lt3A_419 = arith.constant 160 : i32
      %lt3A_420 = arith.cmpi slt, %add3A_418, %lt3A_419 : i32
      %convert_element_type3A_421 = arith.extui %lt3A_420 : i1 to i32
      %cond3A_422 = arith.constant 0 : i32
      %cond3A_423 = arith.cmpi ne, %convert_element_type3A_421, %cond3A_422 : i32
      scf.if %cond3A_423 {
        %add3A_469 = arith.constant 4 : i32
        %add3A_470 = arith.addi %add3A_395, %add3A_469 : i32
        %dma_start3A_471 = arith.constant 0 : i32
        %dma_start3A_472 = arith.constant 0 : i32
        %dma_start3A_473 = arith.constant 0 : i32
        %dma_start3A_474 = tpu.memref_slice %arg3[%arg1, %dma_start3A_471, %dma_start3A_472, %dma_start3A_473] : memref<16x160x2x128xi32, #tpu.memory_space<hbm>> -> memref<1x160x2x128xi32, #tpu.memory_space<hbm>>
        %dma_start3A_475 = tpu.memref_squeeze %dma_start3A_474 : memref<1x160x2x128xi32, #tpu.memory_space<hbm>> -> memref<160x2x128xi32, #tpu.memory_space<hbm>>
        %dma_start3A_476 = arith.constant 0 : i32
        %dma_start3A_477 = arith.constant 0 : i32
        %dma_start3A_478 = tpu.memref_slice %dma_start3A_475[%add3A_470, %dma_start3A_476, %dma_start3A_477] : memref<160x2x128xi32, #tpu.memory_space<hbm>> -> memref<1x2x128xi32, #tpu.memory_space<hbm>>
        %dma_start3A_479 = tpu.memref_squeeze %dma_start3A_478 : memref<1x2x128xi32, #tpu.memory_space<hbm>> -> memref<2x128xi32, #tpu.memory_space<hbm>>
        %dma_start3A_480 = arith.constant 0 : i32
        %dma_start3A_481 = arith.constant 0 : i32
        %dma_start3A_482 = arith.constant 0 : i32
        %dma_start3A_483 = tpu.memref_slice %arg3[%arg1, %dma_start3A_480, %dma_start3A_481, %dma_start3A_482] : memref<16x160x2x128xi32, #tpu.memory_space<hbm>> -> memref<1x160x2x128xi32, #tpu.memory_space<hbm>>
        %dma_start3A_484 = tpu.memref_squeeze %dma_start3A_483 : memref<1x160x2x128xi32, #tpu.memory_space<hbm>> -> memref<160x2x128xi32, #tpu.memory_space<hbm>>
        %dma_start3A_485 = arith.constant 0 : i32
        %dma_start3A_486 = arith.constant 0 : i32
        %dma_start3A_487 = tpu.memref_slice %dma_start3A_484[%add3A_470, %dma_start3A_485, %dma_start3A_486] : memref<160x2x128xi32, #tpu.memory_space<hbm>> -> memref<1x2x128xi32, #tpu.memory_space<hbm>>
        %dma_start3A_488 = tpu.memref_squeeze %dma_start3A_487 : memref<1x2x128xi32, #tpu.memory_space<hbm>> -> memref<2x128xi32, #tpu.memory_space<hbm>>
        tpu.enqueue_dma source(%dma_start3A_488 : memref<2x128xi32, #tpu.memory_space<hbm>>) target(%arg7 : memref<2x128xi32, #tpu.memory_space<vmem>>) target_semaphore(%arg22 : memref<!tpu.dma_semaphore, #tpu.memory_space<semaphore_mem>>)
      } else {
      }
      %add3A_424 = arith.constant 1 : i32
      %add3A_425 = arith.addi %add3A_395, %add3A_424 : i32
      %lt3A_426 = arith.constant 160 : i32
      %lt3A_427 = arith.cmpi slt, %add3A_425, %lt3A_426 : i32
      %convert_element_type3A_428 = arith.extui %lt3A_427 : i1 to i32
      %cond3A_429 = arith.constant 0 : i32
      %cond3A_430 = arith.cmpi ne, %convert_element_type3A_428, %cond3A_429 : i32
      scf.if %cond3A_430 {
        %add3A_469 = arith.constant 1 : i32
        %add3A_470 = arith.addi %add3A_395, %add3A_469 : i32
        %dma_wait3A_471 = arith.constant 0 : i32
        %dma_wait3A_472 = arith.constant 0 : i32
        %dma_wait3A_473 = arith.constant 0 : i32
        %dma_wait3A_474 = tpu.memref_slice %arg3[%arg1, %dma_wait3A_471, %dma_wait3A_472, %dma_wait3A_473] : memref<16x160x2x128xi32, #tpu.memory_space<hbm>> -> memref<1x160x2x128xi32, #tpu.memory_space<hbm>>
        %dma_wait3A_475 = tpu.memref_squeeze %dma_wait3A_474 : memref<1x160x2x128xi32, #tpu.memory_space<hbm>> -> memref<160x2x128xi32, #tpu.memory_space<hbm>>
        %dma_wait3A_476 = arith.constant 0 : i32
        %dma_wait3A_477 = arith.constant 0 : i32
        %dma_wait3A_478 = tpu.memref_slice %dma_wait3A_475[%add3A_470, %dma_wait3A_476, %dma_wait3A_477] : memref<160x2x128xi32, #tpu.memory_space<hbm>> -> memref<1x2x128xi32, #tpu.memory_space<hbm>>
        %dma_wait3A_479 = tpu.memref_squeeze %dma_wait3A_478 : memref<1x2x128xi32, #tpu.memory_space<hbm>> -> memref<2x128xi32, #tpu.memory_space<hbm>>
        %dma_wait3A_480 = arith.constant 0 : i32
        %dma_wait3A_481 = arith.constant 0 : i32
        %dma_wait3A_482 = arith.constant 0 : i32
        %dma_wait3A_483 = tpu.memref_slice %arg3[%arg1, %dma_wait3A_480, %dma_wait3A_481, %dma_wait3A_482] : memref<16x160x2x128xi32, #tpu.memory_space<hbm>> -> memref<1x160x2x128xi32, #tpu.memory_space<hbm>>
        %dma_wait3A_484 = tpu.memref_squeeze %dma_wait3A_483 : memref<1x160x2x128xi32, #tpu.memory_space<hbm>> -> memref<160x2x128xi32, #tpu.memory_space<hbm>>
        %dma_wait3A_485 = arith.constant 0 : i32
        %dma_wait3A_486 = arith.constant 0 : i32
        %dma_wait3A_487 = tpu.memref_slice %dma_wait3A_484[%add3A_470, %dma_wait3A_485, %dma_wait3A_486] : memref<160x2x128xi32, #tpu.memory_space<hbm>> -> memref<1x2x128xi32, #tpu.memory_space<hbm>>
        %dma_wait3A_488 = tpu.memref_squeeze %dma_wait3A_487 : memref<1x2x128xi32, #tpu.memory_space<hbm>> -> memref<2x128xi32, #tpu.memory_space<hbm>>
        tpu.wait_dma2 semaphore(%arg27 : memref<!tpu.dma_semaphore, #tpu.memory_space<semaphore_mem>>) src(%dma_wait3A_488 : memref<2x128xi32, #tpu.memory_space<hbm>>) dst(%arg12 : memref<2x128xi32, #tpu.memory_space<vmem>>)
        %dma_start3A_489 = arith.constant 0 : i32
        %dma_start3A_490 = arith.constant 0 : i32
        %dma_start3A_491 = tpu.memref_slice %arg12[%dma_start3A_489, %dma_start3A_490] : memref<2x128xi32, #tpu.memory_space<vmem>> -> memref<1x128xi32, #tpu.memory_space<vmem>>
        %dma_start3A_492 = tpu.memref_squeeze %dma_start3A_491 : memref<1x128xi32, #tpu.memory_space<vmem>> -> memref<128xi32, #tpu.memory_space<vmem>>
        %dma_start3A_493 = arith.constant 0 : i32
        %dma_start3A_494 = arith.constant 0 : i32
        %dma_start3A_495 = tpu.memref_slice %arg18[%dma_start3A_493, %dma_start3A_494] : memref<10240x64xf32, #tpu.memory_space<vmem_shared>> -> memref<10240x64xf32, #tpu.memory_space<vmem_shared>>
        tpu.enqueue_indirect_dma source(%dma_start3A_495 : memref<10240x64xf32, #tpu.memory_space<vmem_shared>>) target(%arg16 : memref<128x64xf32, #tpu.memory_space<vmem>>) offsets(%dma_start3A_492 : memref<128xi32, #tpu.memory_space<vmem>>) semaphore(%arg31 : memref<!tpu.dma_semaphore, #tpu.memory_space<semaphore_mem>>)
      } else {
      }
      %add3A_431 = arith.constant 7 : i32
      %add3A_432 = arith.addi %mul3A_174, %add3A_431 : i32
      %dma_wait3A_433 = arith.constant 0 : i32
      %dma_wait3A_434 = arith.constant 0 : i32
      %dma_wait3A_435 = tpu.memref_slice %arg12[%dma_wait3A_433, %dma_wait3A_434] : memref<2x128xi32, #tpu.memory_space<vmem>> -> memref<1x128xi32, #tpu.memory_space<vmem>>
      %dma_wait3A_436 = tpu.memref_squeeze %dma_wait3A_435 : memref<1x128xi32, #tpu.memory_space<vmem>> -> memref<128xi32, #tpu.memory_space<vmem>>
      %dma_wait3A_437 = arith.constant 0 : i32
      %dma_wait3A_438 = arith.constant 0 : i32
      %dma_wait3A_439 = tpu.memref_slice %arg18[%dma_wait3A_437, %dma_wait3A_438] : memref<10240x64xf32, #tpu.memory_space<vmem_shared>> -> memref<10240x64xf32, #tpu.memory_space<vmem_shared>>
      tpu.wait_indirect_dma semaphore(%arg31 : memref<!tpu.dma_semaphore, #tpu.memory_space<semaphore_mem>>) src(%dma_wait3A_439 : memref<10240x64xf32, #tpu.memory_space<vmem_shared>>) dst(%arg16 : memref<128x64xf32, #tpu.memory_space<vmem>>)
      %dma_start3A_440 = arith.constant 1 : i32
      %dma_start3A_441 = arith.constant 0 : i32
      %dma_start3A_442 = tpu.memref_slice %arg12[%dma_start3A_440, %dma_start3A_441] : memref<2x128xi32, #tpu.memory_space<vmem>> -> memref<1x128xi32, #tpu.memory_space<vmem>>
      %dma_start3A_443 = tpu.memref_squeeze %dma_start3A_442 : memref<1x128xi32, #tpu.memory_space<vmem>> -> memref<128xi32, #tpu.memory_space<vmem>>
      %dma_start3A_444 = arith.constant 0 : i32
      %dma_start3A_445 = arith.constant 0 : i32
      %dma_start3A_446 = tpu.memref_slice %arg19[%dma_start3A_444, %dma_start3A_445] : memref<10240x64xf32, #tpu.memory_space<vmem_shared>> -> memref<10240x64xf32, #tpu.memory_space<vmem_shared>>
      tpu.enqueue_indirect_dma source(%arg16 : memref<128x64xf32, #tpu.memory_space<vmem>>) target(%dma_start3A_446 : memref<10240x64xf32, #tpu.memory_space<vmem_shared>>) offsets(%dma_start3A_443 : memref<128xi32, #tpu.memory_space<vmem>>) semaphore(%arg35 : memref<!tpu.dma_semaphore, #tpu.memory_space<semaphore_mem>>) {add = true}
      %add3A_447 = arith.constant 2 : i32
      %add3A_448 = arith.addi %add3A_432, %add3A_447 : i32
      %lt3A_449 = arith.constant 160 : i32
      %lt3A_450 = arith.cmpi slt, %add3A_448, %lt3A_449 : i32
      %convert_element_type3A_451 = arith.extui %lt3A_450 : i1 to i32
      %cond3A_452 = arith.constant 0 : i32
      %cond3A_453 = arith.cmpi ne, %convert_element_type3A_451, %cond3A_452 : i32
      scf.if %cond3A_453 {
        %sub3A = arith.constant 2 : i32
        %sub3A_469 = arith.subi %add3A_432, %sub3A : i32
        %ge3A = arith.constant 0 : i32
        %ge3A_470 = arith.cmpi sge, %sub3A_469, %ge3A : i32
        %convert_element_type3A_471 = arith.extui %ge3A_470 : i1 to i32
        %cond3A_472 = arith.constant 0 : i32
        %cond3A_473 = arith.cmpi ne, %convert_element_type3A_471, %cond3A_472 : i32
        scf.if %cond3A_473 {
          %dma_wait3A_474 = arith.constant 1 : i32
          %dma_wait3A_475 = arith.constant 0 : i32
          %dma_wait3A_476 = tpu.memref_slice %arg10[%dma_wait3A_474, %dma_wait3A_475] : memref<2x128xi32, #tpu.memory_space<vmem>> -> memref<1x128xi32, #tpu.memory_space<vmem>>
          %dma_wait3A_477 = tpu.memref_squeeze %dma_wait3A_476 : memref<1x128xi32, #tpu.memory_space<vmem>> -> memref<128xi32, #tpu.memory_space<vmem>>
          %dma_wait3A_478 = arith.constant 0 : i32
          %dma_wait3A_479 = arith.constant 0 : i32
          %dma_wait3A_480 = tpu.memref_slice %arg19[%dma_wait3A_478, %dma_wait3A_479] : memref<10240x64xf32, #tpu.memory_space<vmem_shared>> -> memref<10240x64xf32, #tpu.memory_space<vmem_shared>>
          tpu.wait_indirect_dma semaphore(%arg33 : memref<!tpu.dma_semaphore, #tpu.memory_space<semaphore_mem>>) src(%arg14 : memref<128x64xf32, #tpu.memory_space<vmem>>) dst(%dma_wait3A_480 : memref<10240x64xf32, #tpu.memory_space<vmem_shared>>)
        } else {
        }
      } else {
      }
      %add3A_454 = arith.constant 4 : i32
      %add3A_455 = arith.addi %add3A_432, %add3A_454 : i32
      %lt3A_456 = arith.constant 160 : i32
      %lt3A_457 = arith.cmpi slt, %add3A_455, %lt3A_456 : i32
      %convert_element_type3A_458 = arith.extui %lt3A_457 : i1 to i32
      %cond3A_459 = arith.constant 0 : i32
      %cond3A_460 = arith.cmpi ne, %convert_element_type3A_458, %cond3A_459 : i32
      scf.if %cond3A_460 {
        %add3A_469 = arith.constant 4 : i32
        %add3A_470 = arith.addi %add3A_432, %add3A_469 : i32
        %dma_start3A_471 = arith.constant 0 : i32
        %dma_start3A_472 = arith.constant 0 : i32
        %dma_start3A_473 = arith.constant 0 : i32
        %dma_start3A_474 = tpu.memref_slice %arg3[%arg1, %dma_start3A_471, %dma_start3A_472, %dma_start3A_473] : memref<16x160x2x128xi32, #tpu.memory_space<hbm>> -> memref<1x160x2x128xi32, #tpu.memory_space<hbm>>
        %dma_start3A_475 = tpu.memref_squeeze %dma_start3A_474 : memref<1x160x2x128xi32, #tpu.memory_space<hbm>> -> memref<160x2x128xi32, #tpu.memory_space<hbm>>
        %dma_start3A_476 = arith.constant 0 : i32
        %dma_start3A_477 = arith.constant 0 : i32
        %dma_start3A_478 = tpu.memref_slice %dma_start3A_475[%add3A_470, %dma_start3A_476, %dma_start3A_477] : memref<160x2x128xi32, #tpu.memory_space<hbm>> -> memref<1x2x128xi32, #tpu.memory_space<hbm>>
        %dma_start3A_479 = tpu.memref_squeeze %dma_start3A_478 : memref<1x2x128xi32, #tpu.memory_space<hbm>> -> memref<2x128xi32, #tpu.memory_space<hbm>>
        %dma_start3A_480 = arith.constant 0 : i32
        %dma_start3A_481 = arith.constant 0 : i32
        %dma_start3A_482 = arith.constant 0 : i32
        %dma_start3A_483 = tpu.memref_slice %arg3[%arg1, %dma_start3A_480, %dma_start3A_481, %dma_start3A_482] : memref<16x160x2x128xi32, #tpu.memory_space<hbm>> -> memref<1x160x2x128xi32, #tpu.memory_space<hbm>>
        %dma_start3A_484 = tpu.memref_squeeze %dma_start3A_483 : memref<1x160x2x128xi32, #tpu.memory_space<hbm>> -> memref<160x2x128xi32, #tpu.memory_space<hbm>>
        %dma_start3A_485 = arith.constant 0 : i32
        %dma_start3A_486 = arith.constant 0 : i32
        %dma_start3A_487 = tpu.memref_slice %dma_start3A_484[%add3A_470, %dma_start3A_485, %dma_start3A_486] : memref<160x2x128xi32, #tpu.memory_space<hbm>> -> memref<1x2x128xi32, #tpu.memory_space<hbm>>
        %dma_start3A_488 = tpu.memref_squeeze %dma_start3A_487 : memref<1x2x128xi32, #tpu.memory_space<hbm>> -> memref<2x128xi32, #tpu.memory_space<hbm>>
        tpu.enqueue_dma source(%dma_start3A_488 : memref<2x128xi32, #tpu.memory_space<hbm>>) target(%arg8 : memref<2x128xi32, #tpu.memory_space<vmem>>) target_semaphore(%arg23 : memref<!tpu.dma_semaphore, #tpu.memory_space<semaphore_mem>>)
      } else {
      }
      %add3A_461 = arith.constant 1 : i32
      %add3A_462 = arith.addi %add3A_432, %add3A_461 : i32
      %lt3A_463 = arith.constant 160 : i32
      %lt3A_464 = arith.cmpi slt, %add3A_462, %lt3A_463 : i32
      %convert_element_type3A_465 = arith.extui %lt3A_464 : i1 to i32
      %cond3A_466 = arith.constant 0 : i32
      %cond3A_467 = arith.cmpi ne, %convert_element_type3A_465, %cond3A_466 : i32
      scf.if %cond3A_467 {
        %add3A_469 = arith.constant 1 : i32
        %add3A_470 = arith.addi %add3A_432, %add3A_469 : i32
        %dma_wait3A_471 = arith.constant 0 : i32
        %dma_wait3A_472 = arith.constant 0 : i32
        %dma_wait3A_473 = arith.constant 0 : i32
        %dma_wait3A_474 = tpu.memref_slice %arg3[%arg1, %dma_wait3A_471, %dma_wait3A_472, %dma_wait3A_473] : memref<16x160x2x128xi32, #tpu.memory_space<hbm>> -> memref<1x160x2x128xi32, #tpu.memory_space<hbm>>
        %dma_wait3A_475 = tpu.memref_squeeze %dma_wait3A_474 : memref<1x160x2x128xi32, #tpu.memory_space<hbm>> -> memref<160x2x128xi32, #tpu.memory_space<hbm>>
        %dma_wait3A_476 = arith.constant 0 : i32
        %dma_wait3A_477 = arith.constant 0 : i32
        %dma_wait3A_478 = tpu.memref_slice %dma_wait3A_475[%add3A_470, %dma_wait3A_476, %dma_wait3A_477] : memref<160x2x128xi32, #tpu.memory_space<hbm>> -> memref<1x2x128xi32, #tpu.memory_space<hbm>>
        %dma_wait3A_479 = tpu.memref_squeeze %dma_wait3A_478 : memref<1x2x128xi32, #tpu.memory_space<hbm>> -> memref<2x128xi32, #tpu.memory_space<hbm>>
        %dma_wait3A_480 = arith.constant 0 : i32
        %dma_wait3A_481 = arith.constant 0 : i32
        %dma_wait3A_482 = arith.constant 0 : i32
        %dma_wait3A_483 = tpu.memref_slice %arg3[%arg1, %dma_wait3A_480, %dma_wait3A_481, %dma_wait3A_482] : memref<16x160x2x128xi32, #tpu.memory_space<hbm>> -> memref<1x160x2x128xi32, #tpu.memory_space<hbm>>
        %dma_wait3A_484 = tpu.memref_squeeze %dma_wait3A_483 : memref<1x160x2x128xi32, #tpu.memory_space<hbm>> -> memref<160x2x128xi32, #tpu.memory_space<hbm>>
        %dma_wait3A_485 = arith.constant 0 : i32
        %dma_wait3A_486 = arith.constant 0 : i32
        %dma_wait3A_487 = tpu.memref_slice %dma_wait3A_484[%add3A_470, %dma_wait3A_485, %dma_wait3A_486] : memref<160x2x128xi32, #tpu.memory_space<hbm>> -> memref<1x2x128xi32, #tpu.memory_space<hbm>>
        %dma_wait3A_488 = tpu.memref_squeeze %dma_wait3A_487 : memref<1x2x128xi32, #tpu.memory_space<hbm>> -> memref<2x128xi32, #tpu.memory_space<hbm>>
        tpu.wait_dma2 semaphore(%arg20 : memref<!tpu.dma_semaphore, #tpu.memory_space<semaphore_mem>>) src(%dma_wait3A_488 : memref<2x128xi32, #tpu.memory_space<hbm>>) dst(%arg5 : memref<2x128xi32, #tpu.memory_space<vmem>>)
        %dma_start3A_489 = arith.constant 0 : i32
        %dma_start3A_490 = arith.constant 0 : i32
        %dma_start3A_491 = tpu.memref_slice %arg5[%dma_start3A_489, %dma_start3A_490] : memref<2x128xi32, #tpu.memory_space<vmem>> -> memref<1x128xi32, #tpu.memory_space<vmem>>
        %dma_start3A_492 = tpu.memref_squeeze %dma_start3A_491 : memref<1x128xi32, #tpu.memory_space<vmem>> -> memref<128xi32, #tpu.memory_space<vmem>>
        %dma_start3A_493 = arith.constant 0 : i32
        %dma_start3A_494 = arith.constant 0 : i32
        %dma_start3A_495 = tpu.memref_slice %arg18[%dma_start3A_493, %dma_start3A_494] : memref<10240x64xf32, #tpu.memory_space<vmem_shared>> -> memref<10240x64xf32, #tpu.memory_space<vmem_shared>>
        tpu.enqueue_indirect_dma source(%dma_start3A_495 : memref<10240x64xf32, #tpu.memory_space<vmem_shared>>) target(%arg13 : memref<128x64xf32, #tpu.memory_space<vmem>>) offsets(%dma_start3A_492 : memref<128xi32, #tpu.memory_space<vmem>>) semaphore(%arg28 : memref<!tpu.dma_semaphore, #tpu.memory_space<semaphore_mem>>)
      } else {
      }
      %scan3A_468 = arith.constant 0 : i32
      scf.yield %scan3A_468 : i32
    }
    %scan3A_131 = arith.constant 20 : i32
    %dma_wait3A_132 = arith.constant 1 : i32
    %dma_wait3A_133 = arith.constant 0 : i32
    %dma_wait3A_134 = tpu.memref_slice %arg9[%dma_wait3A_132, %dma_wait3A_133] : memref<2x128xi32, #tpu.memory_space<vmem>> -> memref<1x128xi32, #tpu.memory_space<vmem>>
    %dma_wait3A_135 = tpu.memref_squeeze %dma_wait3A_134 : memref<1x128xi32, #tpu.memory_space<vmem>> -> memref<128xi32, #tpu.memory_space<vmem>>
    %dma_wait3A_136 = arith.constant 0 : i32
    %dma_wait3A_137 = arith.constant 0 : i32
    %dma_wait3A_138 = tpu.memref_slice %arg19[%dma_wait3A_136, %dma_wait3A_137] : memref<10240x64xf32, #tpu.memory_space<vmem_shared>> -> memref<10240x64xf32, #tpu.memory_space<vmem_shared>>
    tpu.wait_indirect_dma semaphore(%arg32 : memref<!tpu.dma_semaphore, #tpu.memory_space<semaphore_mem>>) src(%arg13 : memref<128x64xf32, #tpu.memory_space<vmem>>) dst(%dma_wait3A_138 : memref<10240x64xf32, #tpu.memory_space<vmem_shared>>)
    %dma_wait3A_139 = arith.constant 1 : i32
    %dma_wait3A_140 = arith.constant 0 : i32
    %dma_wait3A_141 = tpu.memref_slice %arg10[%dma_wait3A_139, %dma_wait3A_140] : memref<2x128xi32, #tpu.memory_space<vmem>> -> memref<1x128xi32, #tpu.memory_space<vmem>>
    %dma_wait3A_142 = tpu.memref_squeeze %dma_wait3A_141 : memref<1x128xi32, #tpu.memory_space<vmem>> -> memref<128xi32, #tpu.memory_space<vmem>>
    %dma_wait3A_143 = arith.constant 0 : i32
    %dma_wait3A_144 = arith.constant 0 : i32
    %dma_wait3A_145 = tpu.memref_slice %arg19[%dma_wait3A_143, %dma_wait3A_144] : memref<10240x64xf32, #tpu.memory_space<vmem_shared>> -> memref<10240x64xf32, #tpu.memory_space<vmem_shared>>
    tpu.wait_indirect_dma semaphore(%arg33 : memref<!tpu.dma_semaphore, #tpu.memory_space<semaphore_mem>>) src(%arg14 : memref<128x64xf32, #tpu.memory_space<vmem>>) dst(%dma_wait3A_145 : memref<10240x64xf32, #tpu.memory_space<vmem_shared>>)
    %dma_wait3A_146 = arith.constant 1 : i32
    %dma_wait3A_147 = arith.constant 0 : i32
    %dma_wait3A_148 = tpu.memref_slice %arg11[%dma_wait3A_146, %dma_wait3A_147] : memref<2x128xi32, #tpu.memory_space<vmem>> -> memref<1x128xi32, #tpu.memory_space<vmem>>
    %dma_wait3A_149 = tpu.memref_squeeze %dma_wait3A_148 : memref<1x128xi32, #tpu.memory_space<vmem>> -> memref<128xi32, #tpu.memory_space<vmem>>
    %dma_wait3A_150 = arith.constant 0 : i32
    %dma_wait3A_151 = arith.constant 0 : i32
    %dma_wait3A_152 = tpu.memref_slice %arg19[%dma_wait3A_150, %dma_wait3A_151] : memref<10240x64xf32, #tpu.memory_space<vmem_shared>> -> memref<10240x64xf32, #tpu.memory_space<vmem_shared>>
    tpu.wait_indirect_dma semaphore(%arg34 : memref<!tpu.dma_semaphore, #tpu.memory_space<semaphore_mem>>) src(%arg15 : memref<128x64xf32, #tpu.memory_space<vmem>>) dst(%dma_wait3A_152 : memref<10240x64xf32, #tpu.memory_space<vmem_shared>>)
    %dma_wait3A_153 = arith.constant 1 : i32
    %dma_wait3A_154 = arith.constant 0 : i32
    %dma_wait3A_155 = tpu.memref_slice %arg12[%dma_wait3A_153, %dma_wait3A_154] : memref<2x128xi32, #tpu.memory_space<vmem>> -> memref<1x128xi32, #tpu.memory_space<vmem>>
    %dma_wait3A_156 = tpu.memref_squeeze %dma_wait3A_155 : memref<1x128xi32, #tpu.memory_space<vmem>> -> memref<128xi32, #tpu.memory_space<vmem>>
    %dma_wait3A_157 = arith.constant 0 : i32
    %dma_wait3A_158 = arith.constant 0 : i32
    %dma_wait3A_159 = tpu.memref_slice %arg19[%dma_wait3A_157, %dma_wait3A_158] : memref<10240x64xf32, #tpu.memory_space<vmem_shared>> -> memref<10240x64xf32, #tpu.memory_space<vmem_shared>>
    tpu.wait_indirect_dma semaphore(%arg35 : memref<!tpu.dma_semaphore, #tpu.memory_space<semaphore_mem>>) src(%arg16 : memref<128x64xf32, #tpu.memory_space<vmem>>) dst(%dma_wait3A_159 : memref<10240x64xf32, #tpu.memory_space<vmem_shared>>)
    %barrier3A_160 = arith.constant 0 : index
    tpu.barrier barrier_id(%barrier3A_160)
    %add3A_161 = arith.constant 0 : i32
    %add3A_162 = arith.addi %mul3A_0, %add3A_161 : i32
    "tpu.region"() ({
      %run_scoped3A = tpu.sem_alloc : memref<!tpu.dma_semaphore, #tpu.memory_space<semaphore_mem>>
      %dma_start3A_171 = tpu.memref_slice %arg4[%add3A_162, %mul3A_2] : memref<10240x128xf32, #tpu.memory_space<hbm>> -> memref<128x64xf32, #tpu.memory_space<hbm>>
      %dma_start3A_172 = arith.constant 0 : i32
      %dma_start3A_173 = tpu.memref_slice %arg19[%add3A_162, %dma_start3A_172] : memref<10240x64xf32, #tpu.memory_space<vmem_shared>> -> memref<128x64xf32, #tpu.memory_space<vmem_shared>>
      tpu.enqueue_dma source(%dma_start3A_173 : memref<128x64xf32, #tpu.memory_space<vmem_shared>>) target(%dma_start3A_171 : memref<128x64xf32, #tpu.memory_space<hbm>>) target_semaphore(%run_scoped3A : memref<!tpu.dma_semaphore, #tpu.memory_space<semaphore_mem>>)
      %dma_wait3A_174 = tpu.memref_slice %arg4[%add3A_162, %mul3A_2] : memref<10240x128xf32, #tpu.memory_space<hbm>> -> memref<128x64xf32, #tpu.memory_space<hbm>>
      %dma_wait3A_175 = arith.constant 0 : i32
      %dma_wait3A_176 = tpu.memref_slice %arg19[%add3A_162, %dma_wait3A_175] : memref<10240x64xf32, #tpu.memory_space<vmem_shared>> -> memref<128x64xf32, #tpu.memory_space<vmem_shared>>
      tpu.wait_dma2 semaphore(%run_scoped3A : memref<!tpu.dma_semaphore, #tpu.memory_space<semaphore_mem>>) src(%dma_wait3A_176 : memref<128x64xf32, #tpu.memory_space<vmem_shared>>) dst(%dma_wait3A_174 : memref<128x64xf32, #tpu.memory_space<hbm>>)
      tpu.yield
    }) : () -> ()
    %add3A_163 = arith.constant 128 : i32
    %add3A_164 = arith.addi %mul3A_0, %add3A_163 : i32
    "tpu.region"() ({
      %run_scoped3A = tpu.sem_alloc : memref<!tpu.dma_semaphore, #tpu.memory_space<semaphore_mem>>
      %dma_start3A_171 = tpu.memref_slice %arg4[%add3A_164, %mul3A_2] : memref<10240x128xf32, #tpu.memory_space<hbm>> -> memref<128x64xf32, #tpu.memory_space<hbm>>
      %dma_start3A_172 = arith.constant 0 : i32
      %dma_start3A_173 = tpu.memref_slice %arg19[%add3A_164, %dma_start3A_172] : memref<10240x64xf32, #tpu.memory_space<vmem_shared>> -> memref<128x64xf32, #tpu.memory_space<vmem_shared>>
      tpu.enqueue_dma source(%dma_start3A_173 : memref<128x64xf32, #tpu.memory_space<vmem_shared>>) target(%dma_start3A_171 : memref<128x64xf32, #tpu.memory_space<hbm>>) target_semaphore(%run_scoped3A : memref<!tpu.dma_semaphore, #tpu.memory_space<semaphore_mem>>)
      %dma_wait3A_174 = tpu.memref_slice %arg4[%add3A_164, %mul3A_2] : memref<10240x128xf32, #tpu.memory_space<hbm>> -> memref<128x64xf32, #tpu.memory_space<hbm>>
      %dma_wait3A_175 = arith.constant 0 : i32
      %dma_wait3A_176 = tpu.memref_slice %arg19[%add3A_164, %dma_wait3A_175] : memref<10240x64xf32, #tpu.memory_space<vmem_shared>> -> memref<128x64xf32, #tpu.memory_space<vmem_shared>>
      tpu.wait_dma2 semaphore(%run_scoped3A : memref<!tpu.dma_semaphore, #tpu.memory_space<semaphore_mem>>) src(%dma_wait3A_176 : memref<128x64xf32, #tpu.memory_space<vmem_shared>>) dst(%dma_wait3A_174 : memref<128x64xf32, #tpu.memory_space<hbm>>)
      tpu.yield
    }) : () -> ()
    %add3A_165 = arith.constant 256 : i32
    %add3A_166 = arith.addi %mul3A_0, %add3A_165 : i32
    "tpu.region"() ({
      %run_scoped3A = tpu.sem_alloc : memref<!tpu.dma_semaphore, #tpu.memory_space<semaphore_mem>>
      %dma_start3A_171 = tpu.memref_slice %arg4[%add3A_166, %mul3A_2] : memref<10240x128xf32, #tpu.memory_space<hbm>> -> memref<128x64xf32, #tpu.memory_space<hbm>>
      %dma_start3A_172 = arith.constant 0 : i32
      %dma_start3A_173 = tpu.memref_slice %arg19[%add3A_166, %dma_start3A_172] : memref<10240x64xf32, #tpu.memory_space<vmem_shared>> -> memref<128x64xf32, #tpu.memory_space<vmem_shared>>
      tpu.enqueue_dma source(%dma_start3A_173 : memref<128x64xf32, #tpu.memory_space<vmem_shared>>) target(%dma_start3A_171 : memref<128x64xf32, #tpu.memory_space<hbm>>) target_semaphore(%run_scoped3A : memref<!tpu.dma_semaphore, #tpu.memory_space<semaphore_mem>>)
      %dma_wait3A_174 = tpu.memref_slice %arg4[%add3A_166, %mul3A_2] : memref<10240x128xf32, #tpu.memory_space<hbm>> -> memref<128x64xf32, #tpu.memory_space<hbm>>
      %dma_wait3A_175 = arith.constant 0 : i32
      %dma_wait3A_176 = tpu.memref_slice %arg19[%add3A_166, %dma_wait3A_175] : memref<10240x64xf32, #tpu.memory_space<vmem_shared>> -> memref<128x64xf32, #tpu.memory_space<vmem_shared>>
      tpu.wait_dma2 semaphore(%run_scoped3A : memref<!tpu.dma_semaphore, #tpu.memory_space<semaphore_mem>>) src(%dma_wait3A_176 : memref<128x64xf32, #tpu.memory_space<vmem_shared>>) dst(%dma_wait3A_174 : memref<128x64xf32, #tpu.memory_space<hbm>>)
      tpu.yield
    }) : () -> ()
    %add3A_167 = arith.constant 384 : i32
    %add3A_168 = arith.addi %mul3A_0, %add3A_167 : i32
    "tpu.region"() ({
      %run_scoped3A = tpu.sem_alloc : memref<!tpu.dma_semaphore, #tpu.memory_space<semaphore_mem>>
      %dma_start3A_171 = tpu.memref_slice %arg4[%add3A_168, %mul3A_2] : memref<10240x128xf32, #tpu.memory_space<hbm>> -> memref<128x64xf32, #tpu.memory_space<hbm>>
      %dma_start3A_172 = arith.constant 0 : i32
      %dma_start3A_173 = tpu.memref_slice %arg19[%add3A_168, %dma_start3A_172] : memref<10240x64xf32, #tpu.memory_space<vmem_shared>> -> memref<128x64xf32, #tpu.memory_space<vmem_shared>>
      tpu.enqueue_dma source(%dma_start3A_173 : memref<128x64xf32, #tpu.memory_space<vmem_shared>>) target(%dma_start3A_171 : memref<128x64xf32, #tpu.memory_space<hbm>>) target_semaphore(%run_scoped3A : memref<!tpu.dma_semaphore, #tpu.memory_space<semaphore_mem>>)
      %dma_wait3A_174 = tpu.memref_slice %arg4[%add3A_168, %mul3A_2] : memref<10240x128xf32, #tpu.memory_space<hbm>> -> memref<128x64xf32, #tpu.memory_space<hbm>>
      %dma_wait3A_175 = arith.constant 0 : i32
      %dma_wait3A_176 = tpu.memref_slice %arg19[%add3A_168, %dma_wait3A_175] : memref<10240x64xf32, #tpu.memory_space<vmem_shared>> -> memref<128x64xf32, #tpu.memory_space<vmem_shared>>
      tpu.wait_dma2 semaphore(%run_scoped3A : memref<!tpu.dma_semaphore, #tpu.memory_space<semaphore_mem>>) src(%dma_wait3A_176 : memref<128x64xf32, #tpu.memory_space<vmem_shared>>) dst(%dma_wait3A_174 : memref<128x64xf32, #tpu.memory_space<hbm>>)
      tpu.yield
    }) : () -> ()
    %add3A_169 = arith.constant 512 : i32
    %add3A_170 = arith.addi %mul3A_0, %add3A_169 : i32
    "tpu.region"() ({
      %run_scoped3A = tpu.sem_alloc : memref<!tpu.dma_semaphore, #tpu.memory_space<semaphore_mem>>
      %dma_start3A_171 = tpu.memref_slice %arg4[%add3A_170, %mul3A_2] : memref<10240x128xf32, #tpu.memory_space<hbm>> -> memref<128x64xf32, #tpu.memory_space<hbm>>
      %dma_start3A_172 = arith.constant 0 : i32
      %dma_start3A_173 = tpu.memref_slice %arg19[%add3A_170, %dma_start3A_172] : memref<10240x64xf32, #tpu.memory_space<vmem_shared>> -> memref<128x64xf32, #tpu.memory_space<vmem_shared>>
      tpu.enqueue_dma source(%dma_start3A_173 : memref<128x64xf32, #tpu.memory_space<vmem_shared>>) target(%dma_start3A_171 : memref<128x64xf32, #tpu.memory_space<hbm>>) target_semaphore(%run_scoped3A : memref<!tpu.dma_semaphore, #tpu.memory_space<semaphore_mem>>)
      %dma_wait3A_174 = tpu.memref_slice %arg4[%add3A_170, %mul3A_2] : memref<10240x128xf32, #tpu.memory_space<hbm>> -> memref<128x64xf32, #tpu.memory_space<hbm>>
      %dma_wait3A_175 = arith.constant 0 : i32
      %dma_wait3A_176 = tpu.memref_slice %arg19[%add3A_170, %dma_wait3A_175] : memref<10240x64xf32, #tpu.memory_space<vmem_shared>> -> memref<128x64xf32, #tpu.memory_space<vmem_shared>>
      tpu.wait_dma2 semaphore(%run_scoped3A : memref<!tpu.dma_semaphore, #tpu.memory_space<semaphore_mem>>) src(%dma_wait3A_176 : memref<128x64xf32, #tpu.memory_space<vmem_shared>>) dst(%dma_wait3A_174 : memref<128x64xf32, #tpu.memory_space<hbm>>)
      tpu.yield
    }) : () -> ()
    return
  }
}

#map = affine_map<(d0, d1) -> (0, 0)>
#map1 = affine_map<(d0, d1) -> (0, 0, 0, 0)>
module attributes {stable_mosaic.version = 14 : i64} {
  func.func @sc_scatter(%arg0: i32, %arg1: i32, %arg2: memref<10240x128xf32, #tpu.memory_space<hbm>>, %arg3: memref<16x160x2x128xi32, #tpu.memory_space<hbm>>, %arg4: memref<10240x128xf32, #tpu.memory_space<hbm>>, %arg5: memref<2x128xi32, #tpu.memory_space<vmem>>, %arg6: memref<2x128xi32, #tpu.memory_space<vmem>>, %arg7: memref<2x128xi32, #tpu.memory_space<vmem>>, %arg8: memref<2x128xi32, #tpu.memory_space<vmem>>, %arg9: memref<2x128xi32, #tpu.memory_space<vmem>>, %arg10: memref<2x128xi32, #tpu.memory_space<vmem>>, %arg11: memref<2x128xi32, #tpu.memory_space<vmem>>, %arg12: memref<2x128xi32, #tpu.memory_space<vmem>>, %arg13: memref<128x64xf32, #tpu.memory_space<vmem>>, %arg14: memref<128x64xf32, #tpu.memory_space<vmem>>, %arg15: memref<128x64xf32, #tpu.memory_space<vmem>>, %arg16: memref<128x64xf32, #tpu.memory_space<vmem>>, %arg17: memref<128x64xf32, #tpu.memory_space<vmem>>, %arg18: memref<10240x64xf32, #tpu.memory_space<vmem_shared>>, %arg19: memref<10240x64xf32, #tpu.memory_space<vmem_shared>>, %arg20: memref<!tpu.dma_semaphore, #tpu.memory_space<semaphore_mem>>, %arg21: memref<!tpu.dma_semaphore, #tpu.memory_space<semaphore_mem>>, %arg22: memref<!tpu.dma_semaphore, #tpu.memory_space<semaphore_mem>>, %arg23: memref<!tpu.dma_semaphore, #tpu.memory_space<semaphore_mem>>, %arg24: memref<!tpu.dma_semaphore, #tpu.memory_space<semaphore_mem>>, %arg25: memref<!tpu.dma_semaphore, #tpu.memory_space<semaphore_mem>>, %arg26: memref<!tpu.dma_semaphore, #tpu.memory_space<semaphore_mem>>, %arg27: memref<!tpu.dma_semaphore, #tpu.memory_space<semaphore_mem>>, %arg28: memref<!tpu.dma_semaphore, #tpu.memory_space<semaphore_mem>>, %arg29: memref<!tpu.dma_semaphore, #tpu.memory_space<semaphore_mem>>, %arg30: memref<!tpu.dma_semaphore, #tpu.memory_space<semaphore_mem>>, %arg31: memref<!tpu.dma_semaphore, #tpu.memory_space<semaphore_mem>>, %arg32: memref<!tpu.dma_semaphore, #tpu.memory_space<semaphore_mem>>, %arg33: memref<!tpu.dma_semaphore, #tpu.memory_space<semaphore_mem>>, %arg34: memref<!tpu.dma_semaphore, #tpu.memory_space<semaphore_mem>>, %arg35: memref<!tpu.dma_semaphore, #tpu.memory_space<semaphore_mem>>, %arg36: memref<!tpu.dma_semaphore, #tpu.memory_space<semaphore_mem>>) attributes {dimension_semantics = [#tpu.dimension_semantics<core_parallel>, #tpu.dimension_semantics<subcore_parallel>], iteration_bounds = array<i64: 2, 16>, scalar_prefetch = 0 : i64, scratch_operands = 32 : i64, tpu.core_type = #tpu.core_type<sc_vector_subcore>, window_params = [{transform_indices = #map}, {transform_indices = #map1}, {transform_indices = #map}]} {
    %mul3A = arith.constant 640 : i32
    %mul3A_0 = arith.muli %arg1, %mul3A : i32
    %mul3A_1 = arith.constant 64 : i32
    %mul3A_2 = arith.muli %arg0, %mul3A_1 : i32
    %dma_start3A = arith.constant 0 : i32
    %dma_start3A_3 = tpu.memref_slice %arg18[%mul3A_0, %dma_start3A] : memref<10240x64xf32, #tpu.memory_space<vmem_shared>> -> memref<640x64xf32, #tpu.memory_space<vmem_shared>>
    %dma_start3A_4 = tpu.memref_slice %arg2[%mul3A_0, %mul3A_2] : memref<10240x128xf32, #tpu.memory_space<hbm>> -> memref<640x64xf32, #tpu.memory_space<hbm>>
    tpu.enqueue_dma source(%dma_start3A_4 : memref<640x64xf32, #tpu.memory_space<hbm>>) target(%dma_start3A_3 : memref<640x64xf32, #tpu.memory_space<vmem_shared>>) target_semaphore(%arg36 : memref<!tpu.dma_semaphore, #tpu.memory_space<semaphore_mem>>)
    %broadcast_in_dim3A = arith.constant 0.000000e+00 : f32
    %broadcast_in_dim3A_5 = vector.broadcast %broadcast_in_dim3A : f32 to vector<16xf32>
    %scan3A = arith.constant 0 : i32
    %scan3A_6 = arith.constant 0 : i32
    %scan3A_7 = arith.constant 512 : i32
    %scan3A_8 = arith.addi %scan3A_6, %scan3A_7 : i32
    %scan3A_9 = arith.constant 1 : i32
    %scan3A_10 = scf.for %scan3A_171 = %scan3A_6 to %scan3A_8 step %scan3A_9 iter_args(%scan3A_172 = %scan3A) -> (i32)  : i32 {
      %jit3A = arith.constant 4 : i32
      %div3A = arith.divsi %scan3A_171, %jit3A : i32
      %sign3A = arith.constant 0 : i32
      %sign3A_173 = arith.cmpi sgt, %scan3A_171, %sign3A : i32
      %sign3A_174 = arith.extui %sign3A_173 : i1 to i32
      %sign3A_175 = arith.constant 0 : i32
      %sign3A_176 = arith.cmpi slt, %scan3A_171, %sign3A_175 : i32
      %sign3A_177 = arith.extui %sign3A_176 : i1 to i32
      %sign3A_178 = arith.subi %sign3A_174, %sign3A_177 : i32
      %sign3A_179 = arith.constant 0 : i32
      %sign3A_180 = arith.cmpi sgt, %jit3A, %sign3A_179 : i32
      %sign3A_181 = arith.extui %sign3A_180 : i1 to i32
      %sign3A_182 = arith.constant 0 : i32
      %sign3A_183 = arith.cmpi slt, %jit3A, %sign3A_182 : i32
      %sign3A_184 = arith.extui %sign3A_183 : i1 to i32
      %sign3A_185 = arith.subi %sign3A_181, %sign3A_184 : i32
      %ne3A = arith.cmpi ne, %sign3A_178, %sign3A_185 : i32
      %rem3A = arith.remsi %scan3A_171, %jit3A : i32
      %ne3A_186 = arith.constant 0 : i32
      %ne3A_187 = arith.cmpi ne, %rem3A, %ne3A_186 : i32
      %and3A = arith.andi %ne3A, %ne3A_187 : i1
      %sub3A = arith.constant 1 : i32
      %sub3A_188 = arith.subi %div3A, %sub3A : i32
      %select_n3A = arith.select %and3A, %sub3A_188, %div3A : i32
      %jit3A_189 = arith.constant 4 : i32
      %eq3A = arith.constant 0 : i32
      %eq3A_190 = arith.cmpi eq, %jit3A_189, %eq3A : i32
      %jit3A_191 = arith.constant 1 : i32
      %select_n3A_192 = arith.select %eq3A_190, %jit3A_191, %jit3A_189 : i32
      %rem3A_193 = arith.remsi %scan3A_171, %select_n3A_192 : i32
      %ne3A_194 = arith.constant 0 : i32
      %ne3A_195 = arith.cmpi ne, %rem3A_193, %ne3A_194 : i32
      %lt3A = arith.constant 0 : i32
      %lt3A_196 = arith.cmpi slt, %rem3A_193, %lt3A : i32
      %lt3A_197 = arith.constant 0 : i32
      %lt3A_198 = arith.cmpi slt, %select_n3A_192, %lt3A_197 : i32
      %ne3A_199 = arith.xori %lt3A_196, %lt3A_198 : i1
      %and3A_200 = arith.andi %ne3A_199, %ne3A_195 : i1
      %add3A_201 = arith.addi %rem3A_193, %select_n3A_192 : i32
      %select_n3A_202 = arith.select %and3A_200, %add3A_201, %rem3A_193 : i32
      %mul3A_203 = arith.constant 16 : i32
      %mul3A_204 = arith.muli %select_n3A_202, %mul3A_203 : i32
      %swap3A = arith.index_cast %select_n3A : i32 to index
      %swap3A_205 = arith.index_cast %mul3A_204 : i32 to index
      %swap3A_206 = tpu.vector_load %arg17[%swap3A, %swap3A_205] {strides = array<i32>} : memref<128x64xf32, #tpu.memory_space<vmem>>, vector<1x16xf32>,
      %swap3A_207 = vector.shape_cast %swap3A_206 : vector<1x16xf32> to vector<16xf32>
      %swap3A_208 = vector.shape_cast %broadcast_in_dim3A_5 : vector<16xf32> to vector<1x16xf32>
      tpu.vector_store %arg17[%swap3A, %swap3A_205], %swap3A_208 {strides = array<i32>} : memref<128x64xf32, #tpu.memory_space<vmem>>, vector<1x16xf32>,
      %scan3A_209 = arith.constant 0 : i32
      scf.yield %scan3A_209 : i32
    }
    %scan3A_11 = arith.constant 512 : i32
    %add3A = arith.constant 0 : i32
    %add3A_12 = arith.addi %mul3A_0, %add3A : i32
    "tpu.region"() ({
      %run_scoped3A = tpu.sem_alloc : memref<!tpu.dma_semaphore, #tpu.memory_space<semaphore_mem>>
      %dma_start3A_171 = arith.constant 0 : i32
      %dma_start3A_172 = tpu.memref_slice %arg19[%add3A_12, %dma_start3A_171] : memref<10240x64xf32, #tpu.memory_space<vmem_shared>> -> memref<128x64xf32, #tpu.memory_space<vmem_shared>>
      %dma_start3A_173 = arith.constant 0 : i32
      %dma_start3A_174 = tpu.memref_slice %arg19[%add3A_12, %dma_start3A_173] : memref<10240x64xf32, #tpu.memory_space<vmem_shared>> -> memref<128x64xf32, #tpu.memory_space<vmem_shared>>
      tpu.enqueue_dma source(%arg17 : memref<128x64xf32, #tpu.memory_space<vmem>>) target(%dma_start3A_174 : memref<128x64xf32, #tpu.memory_space<vmem_shared>>) target_semaphore(%run_scoped3A : memref<!tpu.dma_semaphore, #tpu.memory_space<semaphore_mem>>)
      %dma_wait3A_175 = arith.constant 0 : i32
      %dma_wait3A_176 = tpu.memref_slice %arg19[%add3A_12, %dma_wait3A_175] : memref<10240x64xf32, #tpu.memory_space<vmem_shared>> -> memref<128x64xf32, #tpu.memory_space<vmem_shared>>
      %dma_wait3A_177 = arith.constant 0 : i32
      %dma_wait3A_178 = tpu.memref_slice %arg19[%add3A_12, %dma_wait3A_177] : memref<10240x64xf32, #tpu.memory_space<vmem_shared>> -> memref<128x64xf32, #tpu.memory_space<vmem_shared>>
      tpu.wait_dma2 semaphore(%run_scoped3A : memref<!tpu.dma_semaphore, #tpu.memory_space<semaphore_mem>>) src(%arg17 : memref<128x64xf32, #tpu.memory_space<vmem>>) dst(%dma_wait3A_178 : memref<128x64xf32, #tpu.memory_space<vmem_shared>>)
      tpu.yield
    }) : () -> ()
    %add3A_13 = arith.constant 128 : i32
    %add3A_14 = arith.addi %mul3A_0, %add3A_13 : i32
    "tpu.region"() ({
      %run_scoped3A = tpu.sem_alloc : memref<!tpu.dma_semaphore, #tpu.memory_space<semaphore_mem>>
      %dma_start3A_171 = arith.constant 0 : i32
      %dma_start3A_172 = tpu.memref_slice %arg19[%add3A_14, %dma_start3A_171] : memref<10240x64xf32, #tpu.memory_space<vmem_shared>> -> memref<128x64xf32, #tpu.memory_space<vmem_shared>>
      %dma_start3A_173 = arith.constant 0 : i32
      %dma_start3A_174 = tpu.memref_slice %arg19[%add3A_14, %dma_start3A_173] : memref<10240x64xf32, #tpu.memory_space<vmem_shared>> -> memref<128x64xf32, #tpu.memory_space<vmem_shared>>
      tpu.enqueue_dma source(%arg17 : memref<128x64xf32, #tpu.memory_space<vmem>>) target(%dma_start3A_174 : memref<128x64xf32, #tpu.memory_space<vmem_shared>>) target_semaphore(%run_scoped3A : memref<!tpu.dma_semaphore, #tpu.memory_space<semaphore_mem>>)
      %dma_wait3A_175 = arith.constant 0 : i32
      %dma_wait3A_176 = tpu.memref_slice %arg19[%add3A_14, %dma_wait3A_175] : memref<10240x64xf32, #tpu.memory_space<vmem_shared>> -> memref<128x64xf32, #tpu.memory_space<vmem_shared>>
      %dma_wait3A_177 = arith.constant 0 : i32
      %dma_wait3A_178 = tpu.memref_slice %arg19[%add3A_14, %dma_wait3A_177] : memref<10240x64xf32, #tpu.memory_space<vmem_shared>> -> memref<128x64xf32, #tpu.memory_space<vmem_shared>>
      tpu.wait_dma2 semaphore(%run_scoped3A : memref<!tpu.dma_semaphore, #tpu.memory_space<semaphore_mem>>) src(%arg17 : memref<128x64xf32, #tpu.memory_space<vmem>>) dst(%dma_wait3A_178 : memref<128x64xf32, #tpu.memory_space<vmem_shared>>)
      tpu.yield
    }) : () -> ()
    %add3A_15 = arith.constant 256 : i32
    %add3A_16 = arith.addi %mul3A_0, %add3A_15 : i32
    "tpu.region"() ({
      %run_scoped3A = tpu.sem_alloc : memref<!tpu.dma_semaphore, #tpu.memory_space<semaphore_mem>>
      %dma_start3A_171 = arith.constant 0 : i32
      %dma_start3A_172 = tpu.memref_slice %arg19[%add3A_16, %dma_start3A_171] : memref<10240x64xf32, #tpu.memory_space<vmem_shared>> -> memref<128x64xf32, #tpu.memory_space<vmem_shared>>
      %dma_start3A_173 = arith.constant 0 : i32
      %dma_start3A_174 = tpu.memref_slice %arg19[%add3A_16, %dma_start3A_173] : memref<10240x64xf32, #tpu.memory_space<vmem_shared>> -> memref<128x64xf32, #tpu.memory_space<vmem_shared>>
      tpu.enqueue_dma source(%arg17 : memref<128x64xf32, #tpu.memory_space<vmem>>) target(%dma_start3A_174 : memref<128x64xf32, #tpu.memory_space<vmem_shared>>) target_semaphore(%run_scoped3A : memref<!tpu.dma_semaphore, #tpu.memory_space<semaphore_mem>>)
      %dma_wait3A_175 = arith.constant 0 : i32
      %dma_wait3A_176 = tpu.memref_slice %arg19[%add3A_16, %dma_wait3A_175] : memref<10240x64xf32, #tpu.memory_space<vmem_shared>> -> memref<128x64xf32, #tpu.memory_space<vmem_shared>>
      %dma_wait3A_177 = arith.constant 0 : i32
      %dma_wait3A_178 = tpu.memref_slice %arg19[%add3A_16, %dma_wait3A_177] : memref<10240x64xf32, #tpu.memory_space<vmem_shared>> -> memref<128x64xf32, #tpu.memory_space<vmem_shared>>
      tpu.wait_dma2 semaphore(%run_scoped3A : memref<!tpu.dma_semaphore, #tpu.memory_space<semaphore_mem>>) src(%arg17 : memref<128x64xf32, #tpu.memory_space<vmem>>) dst(%dma_wait3A_178 : memref<128x64xf32, #tpu.memory_space<vmem_shared>>)
      tpu.yield
    }) : () -> ()
    %add3A_17 = arith.constant 384 : i32
    %add3A_18 = arith.addi %mul3A_0, %add3A_17 : i32
    "tpu.region"() ({
      %run_scoped3A = tpu.sem_alloc : memref<!tpu.dma_semaphore, #tpu.memory_space<semaphore_mem>>
      %dma_start3A_171 = arith.constant 0 : i32
      %dma_start3A_172 = tpu.memref_slice %arg19[%add3A_18, %dma_start3A_171] : memref<10240x64xf32, #tpu.memory_space<vmem_shared>> -> memref<128x64xf32, #tpu.memory_space<vmem_shared>>
      %dma_start3A_173 = arith.constant 0 : i32
      %dma_start3A_174 = tpu.memref_slice %arg19[%add3A_18, %dma_start3A_173] : memref<10240x64xf32, #tpu.memory_space<vmem_shared>> -> memref<128x64xf32, #tpu.memory_space<vmem_shared>>
      tpu.enqueue_dma source(%arg17 : memref<128x64xf32, #tpu.memory_space<vmem>>) target(%dma_start3A_174 : memref<128x64xf32, #tpu.memory_space<vmem_shared>>) target_semaphore(%run_scoped3A : memref<!tpu.dma_semaphore, #tpu.memory_space<semaphore_mem>>)
      %dma_wait3A_175 = arith.constant 0 : i32
      %dma_wait3A_176 = tpu.memref_slice %arg19[%add3A_18, %dma_wait3A_175] : memref<10240x64xf32, #tpu.memory_space<vmem_shared>> -> memref<128x64xf32, #tpu.memory_space<vmem_shared>>
      %dma_wait3A_177 = arith.constant 0 : i32
      %dma_wait3A_178 = tpu.memref_slice %arg19[%add3A_18, %dma_wait3A_177] : memref<10240x64xf32, #tpu.memory_space<vmem_shared>> -> memref<128x64xf32, #tpu.memory_space<vmem_shared>>
      tpu.wait_dma2 semaphore(%run_scoped3A : memref<!tpu.dma_semaphore, #tpu.memory_space<semaphore_mem>>) src(%arg17 : memref<128x64xf32, #tpu.memory_space<vmem>>) dst(%dma_wait3A_178 : memref<128x64xf32, #tpu.memory_space<vmem_shared>>)
      tpu.yield
    }) : () -> ()
    %add3A_19 = arith.constant 512 : i32
    %add3A_20 = arith.addi %mul3A_0, %add3A_19 : i32
    "tpu.region"() ({
      %run_scoped3A = tpu.sem_alloc : memref<!tpu.dma_semaphore, #tpu.memory_space<semaphore_mem>>
      %dma_start3A_171 = arith.constant 0 : i32
      %dma_start3A_172 = tpu.memref_slice %arg19[%add3A_20, %dma_start3A_171] : memref<10240x64xf32, #tpu.memory_space<vmem_shared>> -> memref<128x64xf32, #tpu.memory_space<vmem_shared>>
      %dma_start3A_173 = arith.constant 0 : i32
      %dma_start3A_174 = tpu.memref_slice %arg19[%add3A_20, %dma_start3A_173] : memref<10240x64xf32, #tpu.memory_space<vmem_shared>> -> memref<128x64xf32, #tpu.memory_space<vmem_shared>>
      tpu.enqueue_dma source(%arg17 : memref<128x64xf32, #tpu.memory_space<vmem>>) target(%dma_start3A_174 : memref<128x64xf32, #tpu.memory_space<vmem_shared>>) target_semaphore(%run_scoped3A : memref<!tpu.dma_semaphore, #tpu.memory_space<semaphore_mem>>)
      %dma_wait3A_175 = arith.constant 0 : i32
      %dma_wait3A_176 = tpu.memref_slice %arg19[%add3A_20, %dma_wait3A_175] : memref<10240x64xf32, #tpu.memory_space<vmem_shared>> -> memref<128x64xf32, #tpu.memory_space<vmem_shared>>
      %dma_wait3A_177 = arith.constant 0 : i32
      %dma_wait3A_178 = tpu.memref_slice %arg19[%add3A_20, %dma_wait3A_177] : memref<10240x64xf32, #tpu.memory_space<vmem_shared>> -> memref<128x64xf32, #tpu.memory_space<vmem_shared>>
      tpu.wait_dma2 semaphore(%run_scoped3A : memref<!tpu.dma_semaphore, #tpu.memory_space<semaphore_mem>>) src(%arg17 : memref<128x64xf32, #tpu.memory_space<vmem>>) dst(%dma_wait3A_178 : memref<128x64xf32, #tpu.memory_space<vmem_shared>>)
      tpu.yield
    }) : () -> ()
    %dma_wait3A = arith.constant 0 : i32
    %dma_wait3A_21 = tpu.memref_slice %arg18[%mul3A_0, %dma_wait3A] : memref<10240x64xf32, #tpu.memory_space<vmem_shared>> -> memref<640x64xf32, #tpu.memory_space<vmem_shared>>
    %dma_wait3A_22 = tpu.memref_slice %arg2[%mul3A_0, %mul3A_2] : memref<10240x128xf32, #tpu.memory_space<hbm>> -> memref<640x64xf32, #tpu.memory_space<hbm>>
    tpu.wait_dma2 semaphore(%arg36 : memref<!tpu.dma_semaphore, #tpu.memory_space<semaphore_mem>>) src(%dma_wait3A_22 : memref<640x64xf32, #tpu.memory_space<hbm>>) dst(%dma_wait3A_21 : memref<640x64xf32, #tpu.memory_space<vmem_shared>>)
    %barrier3A = arith.constant 0 : index
    tpu.barrier barrier_id(%barrier3A)
    %dma_start3A_23 = arith.constant 0 : i32
    %dma_start3A_24 = arith.constant 0 : i32
    %dma_start3A_25 = arith.constant 0 : i32
    %dma_start3A_26 = arith.constant 0 : i32
    %dma_start3A_27 = tpu.memref_slice %arg3[%arg1, %dma_start3A_24, %dma_start3A_25, %dma_start3A_26] : memref<16x160x2x128xi32, #tpu.memory_space<hbm>> -> memref<1x160x2x128xi32, #tpu.memory_space<hbm>>
    %dma_start3A_28 = tpu.memref_squeeze %dma_start3A_27 : memref<1x160x2x128xi32, #tpu.memory_space<hbm>> -> memref<160x2x128xi32, #tpu.memory_space<hbm>>
    %dma_start3A_29 = arith.constant 0 : i32
    %dma_start3A_30 = arith.constant 0 : i32
    %dma_start3A_31 = tpu.memref_slice %dma_start3A_28[%dma_start3A_23, %dma_start3A_29, %dma_start3A_30] : memref<160x2x128xi32, #tpu.memory_space<hbm>> -> memref<1x2x128xi32, #tpu.memory_space<hbm>>
    %dma_start3A_32 = tpu.memref_squeeze %dma_start3A_31 : memref<1x2x128xi32, #tpu.memory_space<hbm>> -> memref<2x128xi32, #tpu.memory_space<hbm>>
    %dma_start3A_33 = arith.constant 0 : i32
    %dma_start3A_34 = arith.constant 0 : i32
    %dma_start3A_35 = arith.constant 0 : i32
    %dma_start3A_36 = tpu.memref_slice %arg3[%arg1, %dma_start3A_33, %dma_start3A_34, %dma_start3A_35] : memref<16x160x2x128xi32, #tpu.memory_space<hbm>> -> memref<1x160x2x128xi32, #tpu.memory_space<hbm>>
    %dma_start3A_37 = tpu.memref_squeeze %dma_start3A_36 : memref<1x160x2x128xi32, #tpu.memory_space<hbm>> -> memref<160x2x128xi32, #tpu.memory_space<hbm>>
    %dma_start3A_38 = arith.constant 0 : i32
    %dma_start3A_39 = arith.constant 0 : i32
    %dma_start3A_40 = tpu.memref_slice %dma_start3A_37[%dma_start3A_23, %dma_start3A_38, %dma_start3A_39] : memref<160x2x128xi32, #tpu.memory_space<hbm>> -> memref<1x2x128xi32, #tpu.memory_space<hbm>>
    %dma_start3A_41 = tpu.memref_squeeze %dma_start3A_40 : memref<1x2x128xi32, #tpu.memory_space<hbm>> -> memref<2x128xi32, #tpu.memory_space<hbm>>
    tpu.enqueue_dma source(%dma_start3A_41 : memref<2x128xi32, #tpu.memory_space<hbm>>) target(%arg5 : memref<2x128xi32, #tpu.memory_space<vmem>>) target_semaphore(%arg20 : memref<!tpu.dma_semaphore, #tpu.memory_space<semaphore_mem>>)
    %dma_start3A_42 = arith.constant 1 : i32
    %dma_start3A_43 = arith.constant 0 : i32
    %dma_start3A_44 = arith.constant 0 : i32
    %dma_start3A_45 = arith.constant 0 : i32
    %dma_start3A_46 = tpu.memref_slice %arg3[%arg1, %dma_start3A_43, %dma_start3A_44, %dma_start3A_45] : memref<16x160x2x128xi32, #tpu.memory_space<hbm>> -> memref<1x160x2x128xi32, #tpu.memory_space<hbm>>
    %dma_start3A_47 = tpu.memref_squeeze %dma_start3A_46 : memref<1x160x2x128xi32, #tpu.memory_space<hbm>> -> memref<160x2x128xi32, #tpu.memory_space<hbm>>
    %dma_start3A_48 = arith.constant 0 : i32
    %dma_start3A_49 = arith.constant 0 : i32
    %dma_start3A_50 = tpu.memref_slice %dma_start3A_47[%dma_start3A_42, %dma_start3A_48, %dma_start3A_49] : memref<160x2x128xi32, #tpu.memory_space<hbm>> -> memref<1x2x128xi32, #tpu.memory_space<hbm>>
    %dma_start3A_51 = tpu.memref_squeeze %dma_start3A_50 : memref<1x2x128xi32, #tpu.memory_space<hbm>> -> memref<2x128xi32, #tpu.memory_space<hbm>>
    %dma_start3A_52 = arith.constant 0 : i32
    %dma_start3A_53 = arith.constant 0 : i32
    %dma_start3A_54 = arith.constant 0 : i32
    %dma_start3A_55 = tpu.memref_slice %arg3[%arg1, %dma_start3A_52, %dma_start3A_53, %dma_start3A_54] : memref<16x160x2x128xi32, #tpu.memory_space<hbm>> -> memref<1x160x2x128xi32, #tpu.memory_space<hbm>>
    %dma_start3A_56 = tpu.memref_squeeze %dma_start3A_55 : memref<1x160x2x128xi32, #tpu.memory_space<hbm>> -> memref<160x2x128xi32, #tpu.memory_space<hbm>>
    %dma_start3A_57 = arith.constant 0 : i32
    %dma_start3A_58 = arith.constant 0 : i32
    %dma_start3A_59 = tpu.memref_slice %dma_start3A_56[%dma_start3A_42, %dma_start3A_57, %dma_start3A_58] : memref<160x2x128xi32, #tpu.memory_space<hbm>> -> memref<1x2x128xi32, #tpu.memory_space<hbm>>
    %dma_start3A_60 = tpu.memref_squeeze %dma_start3A_59 : memref<1x2x128xi32, #tpu.memory_space<hbm>> -> memref<2x128xi32, #tpu.memory_space<hbm>>
    tpu.enqueue_dma source(%dma_start3A_60 : memref<2x128xi32, #tpu.memory_space<hbm>>) target(%arg6 : memref<2x128xi32, #tpu.memory_space<vmem>>) target_semaphore(%arg21 : memref<!tpu.dma_semaphore, #tpu.memory_space<semaphore_mem>>)
    %dma_start3A_61 = arith.constant 2 : i32
    %dma_start3A_62 = arith.constant 0 : i32
    %dma_start3A_63 = arith.constant 0 : i32
    %dma_start3A_64 = arith.constant 0 : i32
    %dma_start3A_65 = tpu.memref_slice %arg3[%arg1, %dma_start3A_62, %dma_start3A_63, %dma_start3A_64] : memref<16x160x2x128xi32, #tpu.memory_space<hbm>> -> memref<1x160x2x128xi32, #tpu.memory_space<hbm>>
    %dma_start3A_66 = tpu.memref_squeeze %dma_start3A_65 : memref<1x160x2x128xi32, #tpu.memory_space<hbm>> -> memref<160x2x128xi32, #tpu.memory_space<hbm>>
    %dma_start3A_67 = arith.constant 0 : i32
    %dma_start3A_68 = arith.constant 0 : i32
    %dma_start3A_69 = tpu.memref_slice %dma_start3A_66[%dma_start3A_61, %dma_start3A_67, %dma_start3A_68] : memref<160x2x128xi32, #tpu.memory_space<hbm>> -> memref<1x2x128xi32, #tpu.memory_space<hbm>>
    %dma_start3A_70 = tpu.memref_squeeze %dma_start3A_69 : memref<1x2x128xi32, #tpu.memory_space<hbm>> -> memref<2x128xi32, #tpu.memory_space<hbm>>
    %dma_start3A_71 = arith.constant 0 : i32
    %dma_start3A_72 = arith.constant 0 : i32
    %dma_start3A_73 = arith.constant 0 : i32
    %dma_start3A_74 = tpu.memref_slice %arg3[%arg1, %dma_start3A_71, %dma_start3A_72, %dma_start3A_73] : memref<16x160x2x128xi32, #tpu.memory_space<hbm>> -> memref<1x160x2x128xi32, #tpu.memory_space<hbm>>
    %dma_start3A_75 = tpu.memref_squeeze %dma_start3A_74 : memref<1x160x2x128xi32, #tpu.memory_space<hbm>> -> memref<160x2x128xi32, #tpu.memory_space<hbm>>
    %dma_start3A_76 = arith.constant 0 : i32
    %dma_start3A_77 = arith.constant 0 : i32
    %dma_start3A_78 = tpu.memref_slice %dma_start3A_75[%dma_start3A_61, %dma_start3A_76, %dma_start3A_77] : memref<160x2x128xi32, #tpu.memory_space<hbm>> -> memref<1x2x128xi32, #tpu.memory_space<hbm>>
    %dma_start3A_79 = tpu.memref_squeeze %dma_start3A_78 : memref<1x2x128xi32, #tpu.memory_space<hbm>> -> memref<2x128xi32, #tpu.memory_space<hbm>>
    tpu.enqueue_dma source(%dma_start3A_79 : memref<2x128xi32, #tpu.memory_space<hbm>>) target(%arg7 : memref<2x128xi32, #tpu.memory_space<vmem>>) target_semaphore(%arg22 : memref<!tpu.dma_semaphore, #tpu.memory_space<semaphore_mem>>)
    %dma_start3A_80 = arith.constant 3 : i32
    %dma_start3A_81 = arith.constant 0 : i32
    %dma_start3A_82 = arith.constant 0 : i32
    %dma_start3A_83 = arith.constant 0 : i32
    %dma_start3A_84 = tpu.memref_slice %arg3[%arg1, %dma_start3A_81, %dma_start3A_82, %dma_start3A_83] : memref<16x160x2x128xi32, #tpu.memory_space<hbm>> -> memref<1x160x2x128xi32, #tpu.memory_space<hbm>>
    %dma_start3A_85 = tpu.memref_squeeze %dma_start3A_84 : memref<1x160x2x128xi32, #tpu.memory_space<hbm>> -> memref<160x2x128xi32, #tpu.memory_space<hbm>>
    %dma_start3A_86 = arith.constant 0 : i32
    %dma_start3A_87 = arith.constant 0 : i32
    %dma_start3A_88 = tpu.memref_slice %dma_start3A_85[%dma_start3A_80, %dma_start3A_86, %dma_start3A_87] : memref<160x2x128xi32, #tpu.memory_space<hbm>> -> memref<1x2x128xi32, #tpu.memory_space<hbm>>
    %dma_start3A_89 = tpu.memref_squeeze %dma_start3A_88 : memref<1x2x128xi32, #tpu.memory_space<hbm>> -> memref<2x128xi32, #tpu.memory_space<hbm>>
    %dma_start3A_90 = arith.constant 0 : i32
    %dma_start3A_91 = arith.constant 0 : i32
    %dma_start3A_92 = arith.constant 0 : i32
    %dma_start3A_93 = tpu.memref_slice %arg3[%arg1, %dma_start3A_90, %dma_start3A_91, %dma_start3A_92] : memref<16x160x2x128xi32, #tpu.memory_space<hbm>> -> memref<1x160x2x128xi32, #tpu.memory_space<hbm>>
    %dma_start3A_94 = tpu.memref_squeeze %dma_start3A_93 : memref<1x160x2x128xi32, #tpu.memory_space<hbm>> -> memref<160x2x128xi32, #tpu.memory_space<hbm>>
    %dma_start3A_95 = arith.constant 0 : i32
    %dma_start3A_96 = arith.constant 0 : i32
    %dma_start3A_97 = tpu.memref_slice %dma_start3A_94[%dma_start3A_80, %dma_start3A_95, %dma_start3A_96] : memref<160x2x128xi32, #tpu.memory_space<hbm>> -> memref<1x2x128xi32, #tpu.memory_space<hbm>>
    %dma_start3A_98 = tpu.memref_squeeze %dma_start3A_97 : memref<1x2x128xi32, #tpu.memory_space<hbm>> -> memref<2x128xi32, #tpu.memory_space<hbm>>
    tpu.enqueue_dma source(%dma_start3A_98 : memref<2x128xi32, #tpu.memory_space<hbm>>) target(%arg8 : memref<2x128xi32, #tpu.memory_space<vmem>>) target_semaphore(%arg23 : memref<!tpu.dma_semaphore, #tpu.memory_space<semaphore_mem>>)
    %dma_wait3A_99 = arith.constant 0 : i32
    %dma_wait3A_100 = arith.constant 0 : i32
    %dma_wait3A_101 = arith.constant 0 : i32
    %dma_wait3A_102 = arith.constant 0 : i32
    %dma_wait3A_103 = tpu.memref_slice %arg3[%arg1, %dma_wait3A_100, %dma_wait3A_101, %dma_wait3A_102] : memref<16x160x2x128xi32, #tpu.memory_space<hbm>> -> memref<1x160x2x128xi32, #tpu.memory_space<hbm>>
    %dma_wait3A_104 = tpu.memref_squeeze %dma_wait3A_103 : memref<1x160x2x128xi32, #tpu.memory_space<hbm>> -> memref<160x2x128xi32, #tpu.memory_space<hbm>>
    %dma_wait3A_105 = arith.constant 0 : i32
    %dma_wait3A_106 = arith.constant 0 : i32
    %dma_wait3A_107 = tpu.memref_slice %dma_wait3A_104[%dma_wait3A_99, %dma_wait3A_105, %dma_wait3A_106] : memref<160x2x128xi32, #tpu.memory_space<hbm>> -> memref<1x2x128xi32, #tpu.memory_space<hbm>>
    %dma_wait3A_108 = tpu.memref_squeeze %dma_wait3A_107 : memref<1x2x128xi32, #tpu.memory_space<hbm>> -> memref<2x128xi32, #tpu.memory_space<hbm>>
    %dma_wait3A_109 = arith.constant 0 : i32
    %dma_wait3A_110 = arith.constant 0 : i32
    %dma_wait3A_111 = arith.constant 0 : i32
    %dma_wait3A_112 = tpu.memref_slice %arg3[%arg1, %dma_wait3A_109, %dma_wait3A_110, %dma_wait3A_111] : memref<16x160x2x128xi32, #tpu.memory_space<hbm>> -> memref<1x160x2x128xi32, #tpu.memory_space<hbm>>
    %dma_wait3A_113 = tpu.memref_squeeze %dma_wait3A_112 : memref<1x160x2x128xi32, #tpu.memory_space<hbm>> -> memref<160x2x128xi32, #tpu.memory_space<hbm>>
    %dma_wait3A_114 = arith.constant 0 : i32
    %dma_wait3A_115 = arith.constant 0 : i32
    %dma_wait3A_116 = tpu.memref_slice %dma_wait3A_113[%dma_wait3A_99, %dma_wait3A_114, %dma_wait3A_115] : memref<160x2x128xi32, #tpu.memory_space<hbm>> -> memref<1x2x128xi32, #tpu.memory_space<hbm>>
    %dma_wait3A_117 = tpu.memref_squeeze %dma_wait3A_116 : memref<1x2x128xi32, #tpu.memory_space<hbm>> -> memref<2x128xi32, #tpu.memory_space<hbm>>
    tpu.wait_dma2 semaphore(%arg20 : memref<!tpu.dma_semaphore, #tpu.memory_space<semaphore_mem>>) src(%dma_wait3A_117 : memref<2x128xi32, #tpu.memory_space<hbm>>) dst(%arg5 : memref<2x128xi32, #tpu.memory_space<vmem>>)
    %dma_start3A_118 = arith.constant 0 : i32
    %dma_start3A_119 = arith.constant 0 : i32
    %dma_start3A_120 = tpu.memref_slice %arg5[%dma_start3A_118, %dma_start3A_119] : memref<2x128xi32, #tpu.memory_space<vmem>> -> memref<1x128xi32, #tpu.memory_space<vmem>>
    %dma_start3A_121 = tpu.memref_squeeze %dma_start3A_120 : memref<1x128xi32, #tpu.memory_space<vmem>> -> memref<128xi32, #tpu.memory_space<vmem>>
    %dma_start3A_122 = arith.constant 0 : i32
    %dma_start3A_123 = arith.constant 0 : i32
    %dma_start3A_124 = tpu.memref_slice %arg18[%dma_start3A_122, %dma_start3A_123] : memref<10240x64xf32, #tpu.memory_space<vmem_shared>> -> memref<10240x64xf32, #tpu.memory_space<vmem_shared>>
    tpu.enqueue_indirect_dma source(%dma_start3A_124 : memref<10240x64xf32, #tpu.memory_space<vmem_shared>>) target(%arg13 : memref<128x64xf32, #tpu.memory_space<vmem>>) offsets(%dma_start3A_121 : memref<128xi32, #tpu.memory_space<vmem>>) semaphore(%arg28 : memref<!tpu.dma_semaphore, #tpu.memory_space<semaphore_mem>>)
    %scan3A_125 = arith.constant 0 : i32
    %scan3A_126 = arith.constant 0 : i32
    %scan3A_127 = arith.constant 20 : i32
    %scan3A_128 = arith.addi %scan3A_126, %scan3A_127 : i32
    %scan3A_129 = arith.constant 1 : i32
    %scan3A_130 = scf.for %scan3A_171 = %scan3A_126 to %scan3A_128 step %scan3A_129 iter_args(%scan3A_172 = %scan3A_125) -> (i32)  : i32 {
      %mul3A_173 = arith.constant 8 : i32
      %mul3A_174 = arith.muli %scan3A_171, %mul3A_173 : i32
      %add3A_175 = arith.constant 0 : i32
      %add3A_176 = arith.addi %mul3A_174, %add3A_175 : i32
      %dma_wait3A_177 = arith.constant 0 : i32
      %dma_wait3A_178 = arith.constant 0 : i32
      %dma_wait3A_179 = tpu.memref_slice %arg5[%dma_wait3A_177, %dma_wait3A_178] : memref<2x128xi32, #tpu.memory_space<vmem>> -> memref<1x128xi32, #tpu.memory_space<vmem>>
      %dma_wait3A_180 = tpu.memref_squeeze %dma_wait3A_179 : memref<1x128xi32, #tpu.memory_space<vmem>> -> memref<128xi32, #tpu.memory_space<vmem>>
      %dma_wait3A_181 = arith.constant 0 : i32
      %dma_wait3A_182 = arith.constant 0 : i32
      %dma_wait3A_183 = tpu.memref_slice %arg18[%dma_wait3A_181, %dma_wait3A_182] : memref<10240x64xf32, #tpu.memory_space<vmem_shared>> -> memref<10240x64xf32, #tpu.memory_space<vmem_shared>>
      tpu.wait_indirect_dma semaphore(%arg28 : memref<!tpu.dma_semaphore, #tpu.memory_space<semaphore_mem>>) src(%dma_wait3A_183 : memref<10240x64xf32, #tpu.memory_space<vmem_shared>>) dst(%arg13 : memref<128x64xf32, #tpu.memory_space<vmem>>)
      %dma_start3A_184 = arith.constant 1 : i32
      %dma_start3A_185 = arith.constant 0 : i32
      %dma_start3A_186 = tpu.memref_slice %arg5[%dma_start3A_184, %dma_start3A_185] : memref<2x128xi32, #tpu.memory_space<vmem>> -> memref<1x128xi32, #tpu.memory_space<vmem>>
      %dma_start3A_187 = tpu.memref_squeeze %dma_start3A_186 : memref<1x128xi32, #tpu.memory_space<vmem>> -> memref<128xi32, #tpu.memory_space<vmem>>
      %dma_start3A_188 = arith.constant 0 : i32
      %dma_start3A_189 = arith.constant 0 : i32
      %dma_start3A_190 = tpu.memref_slice %arg19[%dma_start3A_188, %dma_start3A_189] : memref<10240x64xf32, #tpu.memory_space<vmem_shared>> -> memref<10240x64xf32, #tpu.memory_space<vmem_shared>>
      tpu.enqueue_indirect_dma source(%arg13 : memref<128x64xf32, #tpu.memory_space<vmem>>) target(%dma_start3A_190 : memref<10240x64xf32, #tpu.memory_space<vmem_shared>>) offsets(%dma_start3A_187 : memref<128xi32, #tpu.memory_space<vmem>>) semaphore(%arg32 : memref<!tpu.dma_semaphore, #tpu.memory_space<semaphore_mem>>) {add = true}
      %add3A_191 = arith.constant 2 : i32
      %add3A_192 = arith.addi %add3A_176, %add3A_191 : i32
      %lt3A = arith.constant 160 : i32
      %lt3A_193 = arith.cmpi slt, %add3A_192, %lt3A : i32
      %convert_element_type3A = arith.extui %lt3A_193 : i1 to i32
      %cond3A = arith.constant 0 : i32
      %cond3A_194 = arith.cmpi ne, %convert_element_type3A, %cond3A : i32
      scf.if %cond3A_194 {
        %sub3A = arith.constant 2 : i32
        %sub3A_469 = arith.subi %add3A_176, %sub3A : i32
        %ge3A = arith.constant 0 : i32
        %ge3A_470 = arith.cmpi sge, %sub3A_469, %ge3A : i32
        %convert_element_type3A_471 = arith.extui %ge3A_470 : i1 to i32
        %cond3A_472 = arith.constant 0 : i32
        %cond3A_473 = arith.cmpi ne, %convert_element_type3A_471, %cond3A_472 : i32
        scf.if %cond3A_473 {
          %dma_wait3A_474 = arith.constant 1 : i32
          %dma_wait3A_475 = arith.constant 0 : i32
          %dma_wait3A_476 = tpu.memref_slice %arg11[%dma_wait3A_474, %dma_wait3A_475] : memref<2x128xi32, #tpu.memory_space<vmem>> -> memref<1x128xi32, #tpu.memory_space<vmem>>
          %dma_wait3A_477 = tpu.memref_squeeze %dma_wait3A_476 : memref<1x128xi32, #tpu.memory_space<vmem>> -> memref<128xi32, #tpu.memory_space<vmem>>
          %dma_wait3A_478 = arith.constant 0 : i32
          %dma_wait3A_479 = arith.constant 0 : i32
          %dma_wait3A_480 = tpu.memref_slice %arg19[%dma_wait3A_478, %dma_wait3A_479] : memref<10240x64xf32, #tpu.memory_space<vmem_shared>> -> memref<10240x64xf32, #tpu.memory_space<vmem_shared>>
          tpu.wait_indirect_dma semaphore(%arg34 : memref<!tpu.dma_semaphore, #tpu.memory_space<semaphore_mem>>) src(%arg15 : memref<128x64xf32, #tpu.memory_space<vmem>>) dst(%dma_wait3A_480 : memref<10240x64xf32, #tpu.memory_space<vmem_shared>>)
        } else {
        }
      } else {
      }
      %add3A_195 = arith.constant 4 : i32
      %add3A_196 = arith.addi %add3A_176, %add3A_195 : i32
      %lt3A_197 = arith.constant 160 : i32
      %lt3A_198 = arith.cmpi slt, %add3A_196, %lt3A_197 : i32
      %convert_element_type3A_199 = arith.extui %lt3A_198 : i1 to i32
      %cond3A_200 = arith.constant 0 : i32
      %cond3A_201 = arith.cmpi ne, %convert_element_type3A_199, %cond3A_200 : i32
      scf.if %cond3A_201 {
        %add3A_469 = arith.constant 4 : i32
        %add3A_470 = arith.addi %add3A_176, %add3A_469 : i32
        %dma_start3A_471 = arith.constant 0 : i32
        %dma_start3A_472 = arith.constant 0 : i32
        %dma_start3A_473 = arith.constant 0 : i32
        %dma_start3A_474 = tpu.memref_slice %arg3[%arg1, %dma_start3A_471, %dma_start3A_472, %dma_start3A_473] : memref<16x160x2x128xi32, #tpu.memory_space<hbm>> -> memref<1x160x2x128xi32, #tpu.memory_space<hbm>>
        %dma_start3A_475 = tpu.memref_squeeze %dma_start3A_474 : memref<1x160x2x128xi32, #tpu.memory_space<hbm>> -> memref<160x2x128xi32, #tpu.memory_space<hbm>>
        %dma_start3A_476 = arith.constant 0 : i32
        %dma_start3A_477 = arith.constant 0 : i32
        %dma_start3A_478 = tpu.memref_slice %dma_start3A_475[%add3A_470, %dma_start3A_476, %dma_start3A_477] : memref<160x2x128xi32, #tpu.memory_space<hbm>> -> memref<1x2x128xi32, #tpu.memory_space<hbm>>
        %dma_start3A_479 = tpu.memref_squeeze %dma_start3A_478 : memref<1x2x128xi32, #tpu.memory_space<hbm>> -> memref<2x128xi32, #tpu.memory_space<hbm>>
        %dma_start3A_480 = arith.constant 0 : i32
        %dma_start3A_481 = arith.constant 0 : i32
        %dma_start3A_482 = arith.constant 0 : i32
        %dma_start3A_483 = tpu.memref_slice %arg3[%arg1, %dma_start3A_480, %dma_start3A_481, %dma_start3A_482] : memref<16x160x2x128xi32, #tpu.memory_space<hbm>> -> memref<1x160x2x128xi32, #tpu.memory_space<hbm>>
        %dma_start3A_484 = tpu.memref_squeeze %dma_start3A_483 : memref<1x160x2x128xi32, #tpu.memory_space<hbm>> -> memref<160x2x128xi32, #tpu.memory_space<hbm>>
        %dma_start3A_485 = arith.constant 0 : i32
        %dma_start3A_486 = arith.constant 0 : i32
        %dma_start3A_487 = tpu.memref_slice %dma_start3A_484[%add3A_470, %dma_start3A_485, %dma_start3A_486] : memref<160x2x128xi32, #tpu.memory_space<hbm>> -> memref<1x2x128xi32, #tpu.memory_space<hbm>>
        %dma_start3A_488 = tpu.memref_squeeze %dma_start3A_487 : memref<1x2x128xi32, #tpu.memory_space<hbm>> -> memref<2x128xi32, #tpu.memory_space<hbm>>
        tpu.enqueue_dma source(%dma_start3A_488 : memref<2x128xi32, #tpu.memory_space<hbm>>) target(%arg9 : memref<2x128xi32, #tpu.memory_space<vmem>>) target_semaphore(%arg24 : memref<!tpu.dma_semaphore, #tpu.memory_space<semaphore_mem>>)
      } else {
      }
      %add3A_202 = arith.constant 1 : i32
      %add3A_203 = arith.addi %add3A_176, %add3A_202 : i32
      %lt3A_204 = arith.constant 160 : i32
      %lt3A_205 = arith.cmpi slt, %add3A_203, %lt3A_204 : i32
      %convert_element_type3A_206 = arith.extui %lt3A_205 : i1 to i32
      %cond3A_207 = arith.constant 0 : i32
      %cond3A_208 = arith.cmpi ne, %convert_element_type3A_206, %cond3A_207 : i32
      scf.if %cond3A_208 {
        %add3A_469 = arith.constant 1 : i32
        %add3A_470 = arith.addi %add3A_176, %add3A_469 : i32
        %dma_wait3A_471 = arith.constant 0 : i32
        %dma_wait3A_472 = arith.constant 0 : i32
        %dma_wait3A_473 = arith.constant 0 : i32
        %dma_wait3A_474 = tpu.memref_slice %arg3[%arg1, %dma_wait3A_471, %dma_wait3A_472, %dma_wait3A_473] : memref<16x160x2x128xi32, #tpu.memory_space<hbm>> -> memref<1x160x2x128xi32, #tpu.memory_space<hbm>>
        %dma_wait3A_475 = tpu.memref_squeeze %dma_wait3A_474 : memref<1x160x2x128xi32, #tpu.memory_space<hbm>> -> memref<160x2x128xi32, #tpu.memory_space<hbm>>
        %dma_wait3A_476 = arith.constant 0 : i32
        %dma_wait3A_477 = arith.constant 0 : i32
        %dma_wait3A_478 = tpu.memref_slice %dma_wait3A_475[%add3A_470, %dma_wait3A_476, %dma_wait3A_477] : memref<160x2x128xi32, #tpu.memory_space<hbm>> -> memref<1x2x128xi32, #tpu.memory_space<hbm>>
        %dma_wait3A_479 = tpu.memref_squeeze %dma_wait3A_478 : memref<1x2x128xi32, #tpu.memory_space<hbm>> -> memref<2x128xi32, #tpu.memory_space<hbm>>
        %dma_wait3A_480 = arith.constant 0 : i32
        %dma_wait3A_481 = arith.constant 0 : i32
        %dma_wait3A_482 = arith.constant 0 : i32
        %dma_wait3A_483 = tpu.memref_slice %arg3[%arg1, %dma_wait3A_480, %dma_wait3A_481, %dma_wait3A_482] : memref<16x160x2x128xi32, #tpu.memory_space<hbm>> -> memref<1x160x2x128xi32, #tpu.memory_space<hbm>>
        %dma_wait3A_484 = tpu.memref_squeeze %dma_wait3A_483 : memref<1x160x2x128xi32, #tpu.memory_space<hbm>> -> memref<160x2x128xi32, #tpu.memory_space<hbm>>
        %dma_wait3A_485 = arith.constant 0 : i32
        %dma_wait3A_486 = arith.constant 0 : i32
        %dma_wait3A_487 = tpu.memref_slice %dma_wait3A_484[%add3A_470, %dma_wait3A_485, %dma_wait3A_486] : memref<160x2x128xi32, #tpu.memory_space<hbm>> -> memref<1x2x128xi32, #tpu.memory_space<hbm>>
        %dma_wait3A_488 = tpu.memref_squeeze %dma_wait3A_487 : memref<1x2x128xi32, #tpu.memory_space<hbm>> -> memref<2x128xi32, #tpu.memory_space<hbm>>
        tpu.wait_dma2 semaphore(%arg21 : memref<!tpu.dma_semaphore, #tpu.memory_space<semaphore_mem>>) src(%dma_wait3A_488 : memref<2x128xi32, #tpu.memory_space<hbm>>) dst(%arg6 : memref<2x128xi32, #tpu.memory_space<vmem>>)
        %dma_start3A_489 = arith.constant 0 : i32
        %dma_start3A_490 = arith.constant 0 : i32
        %dma_start3A_491 = tpu.memref_slice %arg6[%dma_start3A_489, %dma_start3A_490] : memref<2x128xi32, #tpu.memory_space<vmem>> -> memref<1x128xi32, #tpu.memory_space<vmem>>
        %dma_start3A_492 = tpu.memref_squeeze %dma_start3A_491 : memref<1x128xi32, #tpu.memory_space<vmem>> -> memref<128xi32, #tpu.memory_space<vmem>>
        %dma_start3A_493 = arith.constant 0 : i32
        %dma_start3A_494 = arith.constant 0 : i32
        %dma_start3A_495 = tpu.memref_slice %arg18[%dma_start3A_493, %dma_start3A_494] : memref<10240x64xf32, #tpu.memory_space<vmem_shared>> -> memref<10240x64xf32, #tpu.memory_space<vmem_shared>>
        tpu.enqueue_indirect_dma source(%dma_start3A_495 : memref<10240x64xf32, #tpu.memory_space<vmem_shared>>) target(%arg14 : memref<128x64xf32, #tpu.memory_space<vmem>>) offsets(%dma_start3A_492 : memref<128xi32, #tpu.memory_space<vmem>>) semaphore(%arg29 : memref<!tpu.dma_semaphore, #tpu.memory_space<semaphore_mem>>)
      } else {
      }
      %add3A_209 = arith.constant 1 : i32
      %add3A_210 = arith.addi %mul3A_174, %add3A_209 : i32
      %dma_wait3A_211 = arith.constant 0 : i32
      %dma_wait3A_212 = arith.constant 0 : i32
      %dma_wait3A_213 = tpu.memref_slice %arg6[%dma_wait3A_211, %dma_wait3A_212] : memref<2x128xi32, #tpu.memory_space<vmem>> -> memref<1x128xi32, #tpu.memory_space<vmem>>
      %dma_wait3A_214 = tpu.memref_squeeze %dma_wait3A_213 : memref<1x128xi32, #tpu.memory_space<vmem>> -> memref<128xi32, #tpu.memory_space<vmem>>
      %dma_wait3A_215 = arith.constant 0 : i32
      %dma_wait3A_216 = arith.constant 0 : i32
      %dma_wait3A_217 = tpu.memref_slice %arg18[%dma_wait3A_215, %dma_wait3A_216] : memref<10240x64xf32, #tpu.memory_space<vmem_shared>> -> memref<10240x64xf32, #tpu.memory_space<vmem_shared>>
      tpu.wait_indirect_dma semaphore(%arg29 : memref<!tpu.dma_semaphore, #tpu.memory_space<semaphore_mem>>) src(%dma_wait3A_217 : memref<10240x64xf32, #tpu.memory_space<vmem_shared>>) dst(%arg14 : memref<128x64xf32, #tpu.memory_space<vmem>>)
      %dma_start3A_218 = arith.constant 1 : i32
      %dma_start3A_219 = arith.constant 0 : i32
      %dma_start3A_220 = tpu.memref_slice %arg6[%dma_start3A_218, %dma_start3A_219] : memref<2x128xi32, #tpu.memory_space<vmem>> -> memref<1x128xi32, #tpu.memory_space<vmem>>
      %dma_start3A_221 = tpu.memref_squeeze %dma_start3A_220 : memref<1x128xi32, #tpu.memory_space<vmem>> -> memref<128xi32, #tpu.memory_space<vmem>>
      %dma_start3A_222 = arith.constant 0 : i32
      %dma_start3A_223 = arith.constant 0 : i32
      %dma_start3A_224 = tpu.memref_slice %arg19[%dma_start3A_222, %dma_start3A_223] : memref<10240x64xf32, #tpu.memory_space<vmem_shared>> -> memref<10240x64xf32, #tpu.memory_space<vmem_shared>>
      tpu.enqueue_indirect_dma source(%arg14 : memref<128x64xf32, #tpu.memory_space<vmem>>) target(%dma_start3A_224 : memref<10240x64xf32, #tpu.memory_space<vmem_shared>>) offsets(%dma_start3A_221 : memref<128xi32, #tpu.memory_space<vmem>>) semaphore(%arg33 : memref<!tpu.dma_semaphore, #tpu.memory_space<semaphore_mem>>) {add = true}
      %add3A_225 = arith.constant 2 : i32
      %add3A_226 = arith.addi %add3A_210, %add3A_225 : i32
      %lt3A_227 = arith.constant 160 : i32
      %lt3A_228 = arith.cmpi slt, %add3A_226, %lt3A_227 : i32
      %convert_element_type3A_229 = arith.extui %lt3A_228 : i1 to i32
      %cond3A_230 = arith.constant 0 : i32
      %cond3A_231 = arith.cmpi ne, %convert_element_type3A_229, %cond3A_230 : i32
      scf.if %cond3A_231 {
        %sub3A = arith.constant 2 : i32
        %sub3A_469 = arith.subi %add3A_210, %sub3A : i32
        %ge3A = arith.constant 0 : i32
        %ge3A_470 = arith.cmpi sge, %sub3A_469, %ge3A : i32
        %convert_element_type3A_471 = arith.extui %ge3A_470 : i1 to i32
        %cond3A_472 = arith.constant 0 : i32
        %cond3A_473 = arith.cmpi ne, %convert_element_type3A_471, %cond3A_472 : i32
        scf.if %cond3A_473 {
          %dma_wait3A_474 = arith.constant 1 : i32
          %dma_wait3A_475 = arith.constant 0 : i32
          %dma_wait3A_476 = tpu.memref_slice %arg12[%dma_wait3A_474, %dma_wait3A_475] : memref<2x128xi32, #tpu.memory_space<vmem>> -> memref<1x128xi32, #tpu.memory_space<vmem>>
          %dma_wait3A_477 = tpu.memref_squeeze %dma_wait3A_476 : memref<1x128xi32, #tpu.memory_space<vmem>> -> memref<128xi32, #tpu.memory_space<vmem>>
          %dma_wait3A_478 = arith.constant 0 : i32
          %dma_wait3A_479 = arith.constant 0 : i32
          %dma_wait3A_480 = tpu.memref_slice %arg19[%dma_wait3A_478, %dma_wait3A_479] : memref<10240x64xf32, #tpu.memory_space<vmem_shared>> -> memref<10240x64xf32, #tpu.memory_space<vmem_shared>>
          tpu.wait_indirect_dma semaphore(%arg35 : memref<!tpu.dma_semaphore, #tpu.memory_space<semaphore_mem>>) src(%arg16 : memref<128x64xf32, #tpu.memory_space<vmem>>) dst(%dma_wait3A_480 : memref<10240x64xf32, #tpu.memory_space<vmem_shared>>)
        } else {
        }
      } else {
      }
      %add3A_232 = arith.constant 4 : i32
      %add3A_233 = arith.addi %add3A_210, %add3A_232 : i32
      %lt3A_234 = arith.constant 160 : i32
      %lt3A_235 = arith.cmpi slt, %add3A_233, %lt3A_234 : i32
      %convert_element_type3A_236 = arith.extui %lt3A_235 : i1 to i32
      %cond3A_237 = arith.constant 0 : i32
      %cond3A_238 = arith.cmpi ne, %convert_element_type3A_236, %cond3A_237 : i32
      scf.if %cond3A_238 {
        %add3A_469 = arith.constant 4 : i32
        %add3A_470 = arith.addi %add3A_210, %add3A_469 : i32
        %dma_start3A_471 = arith.constant 0 : i32
        %dma_start3A_472 = arith.constant 0 : i32
        %dma_start3A_473 = arith.constant 0 : i32
        %dma_start3A_474 = tpu.memref_slice %arg3[%arg1, %dma_start3A_471, %dma_start3A_472, %dma_start3A_473] : memref<16x160x2x128xi32, #tpu.memory_space<hbm>> -> memref<1x160x2x128xi32, #tpu.memory_space<hbm>>
        %dma_start3A_475 = tpu.memref_squeeze %dma_start3A_474 : memref<1x160x2x128xi32, #tpu.memory_space<hbm>> -> memref<160x2x128xi32, #tpu.memory_space<hbm>>
        %dma_start3A_476 = arith.constant 0 : i32
        %dma_start3A_477 = arith.constant 0 : i32
        %dma_start3A_478 = tpu.memref_slice %dma_start3A_475[%add3A_470, %dma_start3A_476, %dma_start3A_477] : memref<160x2x128xi32, #tpu.memory_space<hbm>> -> memref<1x2x128xi32, #tpu.memory_space<hbm>>
        %dma_start3A_479 = tpu.memref_squeeze %dma_start3A_478 : memref<1x2x128xi32, #tpu.memory_space<hbm>> -> memref<2x128xi32, #tpu.memory_space<hbm>>
        %dma_start3A_480 = arith.constant 0 : i32
        %dma_start3A_481 = arith.constant 0 : i32
        %dma_start3A_482 = arith.constant 0 : i32
        %dma_start3A_483 = tpu.memref_slice %arg3[%arg1, %dma_start3A_480, %dma_start3A_481, %dma_start3A_482] : memref<16x160x2x128xi32, #tpu.memory_space<hbm>> -> memref<1x160x2x128xi32, #tpu.memory_space<hbm>>
        %dma_start3A_484 = tpu.memref_squeeze %dma_start3A_483 : memref<1x160x2x128xi32, #tpu.memory_space<hbm>> -> memref<160x2x128xi32, #tpu.memory_space<hbm>>
        %dma_start3A_485 = arith.constant 0 : i32
        %dma_start3A_486 = arith.constant 0 : i32
        %dma_start3A_487 = tpu.memref_slice %dma_start3A_484[%add3A_470, %dma_start3A_485, %dma_start3A_486] : memref<160x2x128xi32, #tpu.memory_space<hbm>> -> memref<1x2x128xi32, #tpu.memory_space<hbm>>
        %dma_start3A_488 = tpu.memref_squeeze %dma_start3A_487 : memref<1x2x128xi32, #tpu.memory_space<hbm>> -> memref<2x128xi32, #tpu.memory_space<hbm>>
        tpu.enqueue_dma source(%dma_start3A_488 : memref<2x128xi32, #tpu.memory_space<hbm>>) target(%arg10 : memref<2x128xi32, #tpu.memory_space<vmem>>) target_semaphore(%arg25 : memref<!tpu.dma_semaphore, #tpu.memory_space<semaphore_mem>>)
      } else {
      }
      %add3A_239 = arith.constant 1 : i32
      %add3A_240 = arith.addi %add3A_210, %add3A_239 : i32
      %lt3A_241 = arith.constant 160 : i32
      %lt3A_242 = arith.cmpi slt, %add3A_240, %lt3A_241 : i32
      %convert_element_type3A_243 = arith.extui %lt3A_242 : i1 to i32
      %cond3A_244 = arith.constant 0 : i32
      %cond3A_245 = arith.cmpi ne, %convert_element_type3A_243, %cond3A_244 : i32
      scf.if %cond3A_245 {
        %add3A_469 = arith.constant 1 : i32
        %add3A_470 = arith.addi %add3A_210, %add3A_469 : i32
        %dma_wait3A_471 = arith.constant 0 : i32
        %dma_wait3A_472 = arith.constant 0 : i32
        %dma_wait3A_473 = arith.constant 0 : i32
        %dma_wait3A_474 = tpu.memref_slice %arg3[%arg1, %dma_wait3A_471, %dma_wait3A_472, %dma_wait3A_473] : memref<16x160x2x128xi32, #tpu.memory_space<hbm>> -> memref<1x160x2x128xi32, #tpu.memory_space<hbm>>
        %dma_wait3A_475 = tpu.memref_squeeze %dma_wait3A_474 : memref<1x160x2x128xi32, #tpu.memory_space<hbm>> -> memref<160x2x128xi32, #tpu.memory_space<hbm>>
        %dma_wait3A_476 = arith.constant 0 : i32
        %dma_wait3A_477 = arith.constant 0 : i32
        %dma_wait3A_478 = tpu.memref_slice %dma_wait3A_475[%add3A_470, %dma_wait3A_476, %dma_wait3A_477] : memref<160x2x128xi32, #tpu.memory_space<hbm>> -> memref<1x2x128xi32, #tpu.memory_space<hbm>>
        %dma_wait3A_479 = tpu.memref_squeeze %dma_wait3A_478 : memref<1x2x128xi32, #tpu.memory_space<hbm>> -> memref<2x128xi32, #tpu.memory_space<hbm>>
        %dma_wait3A_480 = arith.constant 0 : i32
        %dma_wait3A_481 = arith.constant 0 : i32
        %dma_wait3A_482 = arith.constant 0 : i32
        %dma_wait3A_483 = tpu.memref_slice %arg3[%arg1, %dma_wait3A_480, %dma_wait3A_481, %dma_wait3A_482] : memref<16x160x2x128xi32, #tpu.memory_space<hbm>> -> memref<1x160x2x128xi32, #tpu.memory_space<hbm>>
        %dma_wait3A_484 = tpu.memref_squeeze %dma_wait3A_483 : memref<1x160x2x128xi32, #tpu.memory_space<hbm>> -> memref<160x2x128xi32, #tpu.memory_space<hbm>>
        %dma_wait3A_485 = arith.constant 0 : i32
        %dma_wait3A_486 = arith.constant 0 : i32
        %dma_wait3A_487 = tpu.memref_slice %dma_wait3A_484[%add3A_470, %dma_wait3A_485, %dma_wait3A_486] : memref<160x2x128xi32, #tpu.memory_space<hbm>> -> memref<1x2x128xi32, #tpu.memory_space<hbm>>
        %dma_wait3A_488 = tpu.memref_squeeze %dma_wait3A_487 : memref<1x2x128xi32, #tpu.memory_space<hbm>> -> memref<2x128xi32, #tpu.memory_space<hbm>>
        tpu.wait_dma2 semaphore(%arg22 : memref<!tpu.dma_semaphore, #tpu.memory_space<semaphore_mem>>) src(%dma_wait3A_488 : memref<2x128xi32, #tpu.memory_space<hbm>>) dst(%arg7 : memref<2x128xi32, #tpu.memory_space<vmem>>)
        %dma_start3A_489 = arith.constant 0 : i32
        %dma_start3A_490 = arith.constant 0 : i32
        %dma_start3A_491 = tpu.memref_slice %arg7[%dma_start3A_489, %dma_start3A_490] : memref<2x128xi32, #tpu.memory_space<vmem>> -> memref<1x128xi32, #tpu.memory_space<vmem>>
        %dma_start3A_492 = tpu.memref_squeeze %dma_start3A_491 : memref<1x128xi32, #tpu.memory_space<vmem>> -> memref<128xi32, #tpu.memory_space<vmem>>
        %dma_start3A_493 = arith.constant 0 : i32
        %dma_start3A_494 = arith.constant 0 : i32
        %dma_start3A_495 = tpu.memref_slice %arg18[%dma_start3A_493, %dma_start3A_494] : memref<10240x64xf32, #tpu.memory_space<vmem_shared>> -> memref<10240x64xf32, #tpu.memory_space<vmem_shared>>
        tpu.enqueue_indirect_dma source(%dma_start3A_495 : memref<10240x64xf32, #tpu.memory_space<vmem_shared>>) target(%arg15 : memref<128x64xf32, #tpu.memory_space<vmem>>) offsets(%dma_start3A_492 : memref<128xi32, #tpu.memory_space<vmem>>) semaphore(%arg30 : memref<!tpu.dma_semaphore, #tpu.memory_space<semaphore_mem>>)
      } else {
      }
      %add3A_246 = arith.constant 2 : i32
      %add3A_247 = arith.addi %mul3A_174, %add3A_246 : i32
      %dma_wait3A_248 = arith.constant 0 : i32
      %dma_wait3A_249 = arith.constant 0 : i32
      %dma_wait3A_250 = tpu.memref_slice %arg7[%dma_wait3A_248, %dma_wait3A_249] : memref<2x128xi32, #tpu.memory_space<vmem>> -> memref<1x128xi32, #tpu.memory_space<vmem>>
      %dma_wait3A_251 = tpu.memref_squeeze %dma_wait3A_250 : memref<1x128xi32, #tpu.memory_space<vmem>> -> memref<128xi32, #tpu.memory_space<vmem>>
      %dma_wait3A_252 = arith.constant 0 : i32
      %dma_wait3A_253 = arith.constant 0 : i32
      %dma_wait3A_254 = tpu.memref_slice %arg18[%dma_wait3A_252, %dma_wait3A_253] : memref<10240x64xf32, #tpu.memory_space<vmem_shared>> -> memref<10240x64xf32, #tpu.memory_space<vmem_shared>>
      tpu.wait_indirect_dma semaphore(%arg30 : memref<!tpu.dma_semaphore, #tpu.memory_space<semaphore_mem>>) src(%dma_wait3A_254 : memref<10240x64xf32, #tpu.memory_space<vmem_shared>>) dst(%arg15 : memref<128x64xf32, #tpu.memory_space<vmem>>)
      %dma_start3A_255 = arith.constant 1 : i32
      %dma_start3A_256 = arith.constant 0 : i32
      %dma_start3A_257 = tpu.memref_slice %arg7[%dma_start3A_255, %dma_start3A_256] : memref<2x128xi32, #tpu.memory_space<vmem>> -> memref<1x128xi32, #tpu.memory_space<vmem>>
      %dma_start3A_258 = tpu.memref_squeeze %dma_start3A_257 : memref<1x128xi32, #tpu.memory_space<vmem>> -> memref<128xi32, #tpu.memory_space<vmem>>
      %dma_start3A_259 = arith.constant 0 : i32
      %dma_start3A_260 = arith.constant 0 : i32
      %dma_start3A_261 = tpu.memref_slice %arg19[%dma_start3A_259, %dma_start3A_260] : memref<10240x64xf32, #tpu.memory_space<vmem_shared>> -> memref<10240x64xf32, #tpu.memory_space<vmem_shared>>
      tpu.enqueue_indirect_dma source(%arg15 : memref<128x64xf32, #tpu.memory_space<vmem>>) target(%dma_start3A_261 : memref<10240x64xf32, #tpu.memory_space<vmem_shared>>) offsets(%dma_start3A_258 : memref<128xi32, #tpu.memory_space<vmem>>) semaphore(%arg34 : memref<!tpu.dma_semaphore, #tpu.memory_space<semaphore_mem>>) {add = true}
      %add3A_262 = arith.constant 2 : i32
      %add3A_263 = arith.addi %add3A_247, %add3A_262 : i32
      %lt3A_264 = arith.constant 160 : i32
      %lt3A_265 = arith.cmpi slt, %add3A_263, %lt3A_264 : i32
      %convert_element_type3A_266 = arith.extui %lt3A_265 : i1 to i32
      %cond3A_267 = arith.constant 0 : i32
      %cond3A_268 = arith.cmpi ne, %convert_element_type3A_266, %cond3A_267 : i32
      scf.if %cond3A_268 {
        %sub3A = arith.constant 2 : i32
        %sub3A_469 = arith.subi %add3A_247, %sub3A : i32
        %ge3A = arith.constant 0 : i32
        %ge3A_470 = arith.cmpi sge, %sub3A_469, %ge3A : i32
        %convert_element_type3A_471 = arith.extui %ge3A_470 : i1 to i32
        %cond3A_472 = arith.constant 0 : i32
        %cond3A_473 = arith.cmpi ne, %convert_element_type3A_471, %cond3A_472 : i32
        scf.if %cond3A_473 {
          %dma_wait3A_474 = arith.constant 1 : i32
          %dma_wait3A_475 = arith.constant 0 : i32
          %dma_wait3A_476 = tpu.memref_slice %arg5[%dma_wait3A_474, %dma_wait3A_475] : memref<2x128xi32, #tpu.memory_space<vmem>> -> memref<1x128xi32, #tpu.memory_space<vmem>>
          %dma_wait3A_477 = tpu.memref_squeeze %dma_wait3A_476 : memref<1x128xi32, #tpu.memory_space<vmem>> -> memref<128xi32, #tpu.memory_space<vmem>>
          %dma_wait3A_478 = arith.constant 0 : i32
          %dma_wait3A_479 = arith.constant 0 : i32
          %dma_wait3A_480 = tpu.memref_slice %arg19[%dma_wait3A_478, %dma_wait3A_479] : memref<10240x64xf32, #tpu.memory_space<vmem_shared>> -> memref<10240x64xf32, #tpu.memory_space<vmem_shared>>
          tpu.wait_indirect_dma semaphore(%arg32 : memref<!tpu.dma_semaphore, #tpu.memory_space<semaphore_mem>>) src(%arg13 : memref<128x64xf32, #tpu.memory_space<vmem>>) dst(%dma_wait3A_480 : memref<10240x64xf32, #tpu.memory_space<vmem_shared>>)
        } else {
        }
      } else {
      }
      %add3A_269 = arith.constant 4 : i32
      %add3A_270 = arith.addi %add3A_247, %add3A_269 : i32
      %lt3A_271 = arith.constant 160 : i32
      %lt3A_272 = arith.cmpi slt, %add3A_270, %lt3A_271 : i32
      %convert_element_type3A_273 = arith.extui %lt3A_272 : i1 to i32
      %cond3A_274 = arith.constant 0 : i32
      %cond3A_275 = arith.cmpi ne, %convert_element_type3A_273, %cond3A_274 : i32
      scf.if %cond3A_275 {
        %add3A_469 = arith.constant 4 : i32
        %add3A_470 = arith.addi %add3A_247, %add3A_469 : i32
        %dma_start3A_471 = arith.constant 0 : i32
        %dma_start3A_472 = arith.constant 0 : i32
        %dma_start3A_473 = arith.constant 0 : i32
        %dma_start3A_474 = tpu.memref_slice %arg3[%arg1, %dma_start3A_471, %dma_start3A_472, %dma_start3A_473] : memref<16x160x2x128xi32, #tpu.memory_space<hbm>> -> memref<1x160x2x128xi32, #tpu.memory_space<hbm>>
        %dma_start3A_475 = tpu.memref_squeeze %dma_start3A_474 : memref<1x160x2x128xi32, #tpu.memory_space<hbm>> -> memref<160x2x128xi32, #tpu.memory_space<hbm>>
        %dma_start3A_476 = arith.constant 0 : i32
        %dma_start3A_477 = arith.constant 0 : i32
        %dma_start3A_478 = tpu.memref_slice %dma_start3A_475[%add3A_470, %dma_start3A_476, %dma_start3A_477] : memref<160x2x128xi32, #tpu.memory_space<hbm>> -> memref<1x2x128xi32, #tpu.memory_space<hbm>>
        %dma_start3A_479 = tpu.memref_squeeze %dma_start3A_478 : memref<1x2x128xi32, #tpu.memory_space<hbm>> -> memref<2x128xi32, #tpu.memory_space<hbm>>
        %dma_start3A_480 = arith.constant 0 : i32
        %dma_start3A_481 = arith.constant 0 : i32
        %dma_start3A_482 = arith.constant 0 : i32
        %dma_start3A_483 = tpu.memref_slice %arg3[%arg1, %dma_start3A_480, %dma_start3A_481, %dma_start3A_482] : memref<16x160x2x128xi32, #tpu.memory_space<hbm>> -> memref<1x160x2x128xi32, #tpu.memory_space<hbm>>
        %dma_start3A_484 = tpu.memref_squeeze %dma_start3A_483 : memref<1x160x2x128xi32, #tpu.memory_space<hbm>> -> memref<160x2x128xi32, #tpu.memory_space<hbm>>
        %dma_start3A_485 = arith.constant 0 : i32
        %dma_start3A_486 = arith.constant 0 : i32
        %dma_start3A_487 = tpu.memref_slice %dma_start3A_484[%add3A_470, %dma_start3A_485, %dma_start3A_486] : memref<160x2x128xi32, #tpu.memory_space<hbm>> -> memref<1x2x128xi32, #tpu.memory_space<hbm>>
        %dma_start3A_488 = tpu.memref_squeeze %dma_start3A_487 : memref<1x2x128xi32, #tpu.memory_space<hbm>> -> memref<2x128xi32, #tpu.memory_space<hbm>>
        tpu.enqueue_dma source(%dma_start3A_488 : memref<2x128xi32, #tpu.memory_space<hbm>>) target(%arg11 : memref<2x128xi32, #tpu.memory_space<vmem>>) target_semaphore(%arg26 : memref<!tpu.dma_semaphore, #tpu.memory_space<semaphore_mem>>)
      } else {
      }
      %add3A_276 = arith.constant 1 : i32
      %add3A_277 = arith.addi %add3A_247, %add3A_276 : i32
      %lt3A_278 = arith.constant 160 : i32
      %lt3A_279 = arith.cmpi slt, %add3A_277, %lt3A_278 : i32
      %convert_element_type3A_280 = arith.extui %lt3A_279 : i1 to i32
      %cond3A_281 = arith.constant 0 : i32
      %cond3A_282 = arith.cmpi ne, %convert_element_type3A_280, %cond3A_281 : i32
      scf.if %cond3A_282 {
        %add3A_469 = arith.constant 1 : i32
        %add3A_470 = arith.addi %add3A_247, %add3A_469 : i32
        %dma_wait3A_471 = arith.constant 0 : i32
        %dma_wait3A_472 = arith.constant 0 : i32
        %dma_wait3A_473 = arith.constant 0 : i32
        %dma_wait3A_474 = tpu.memref_slice %arg3[%arg1, %dma_wait3A_471, %dma_wait3A_472, %dma_wait3A_473] : memref<16x160x2x128xi32, #tpu.memory_space<hbm>> -> memref<1x160x2x128xi32, #tpu.memory_space<hbm>>
        %dma_wait3A_475 = tpu.memref_squeeze %dma_wait3A_474 : memref<1x160x2x128xi32, #tpu.memory_space<hbm>> -> memref<160x2x128xi32, #tpu.memory_space<hbm>>
        %dma_wait3A_476 = arith.constant 0 : i32
        %dma_wait3A_477 = arith.constant 0 : i32
        %dma_wait3A_478 = tpu.memref_slice %dma_wait3A_475[%add3A_470, %dma_wait3A_476, %dma_wait3A_477] : memref<160x2x128xi32, #tpu.memory_space<hbm>> -> memref<1x2x128xi32, #tpu.memory_space<hbm>>
        %dma_wait3A_479 = tpu.memref_squeeze %dma_wait3A_478 : memref<1x2x128xi32, #tpu.memory_space<hbm>> -> memref<2x128xi32, #tpu.memory_space<hbm>>
        %dma_wait3A_480 = arith.constant 0 : i32
        %dma_wait3A_481 = arith.constant 0 : i32
        %dma_wait3A_482 = arith.constant 0 : i32
        %dma_wait3A_483 = tpu.memref_slice %arg3[%arg1, %dma_wait3A_480, %dma_wait3A_481, %dma_wait3A_482] : memref<16x160x2x128xi32, #tpu.memory_space<hbm>> -> memref<1x160x2x128xi32, #tpu.memory_space<hbm>>
        %dma_wait3A_484 = tpu.memref_squeeze %dma_wait3A_483 : memref<1x160x2x128xi32, #tpu.memory_space<hbm>> -> memref<160x2x128xi32, #tpu.memory_space<hbm>>
        %dma_wait3A_485 = arith.constant 0 : i32
        %dma_wait3A_486 = arith.constant 0 : i32
        %dma_wait3A_487 = tpu.memref_slice %dma_wait3A_484[%add3A_470, %dma_wait3A_485, %dma_wait3A_486] : memref<160x2x128xi32, #tpu.memory_space<hbm>> -> memref<1x2x128xi32, #tpu.memory_space<hbm>>
        %dma_wait3A_488 = tpu.memref_squeeze %dma_wait3A_487 : memref<1x2x128xi32, #tpu.memory_space<hbm>> -> memref<2x128xi32, #tpu.memory_space<hbm>>
        tpu.wait_dma2 semaphore(%arg23 : memref<!tpu.dma_semaphore, #tpu.memory_space<semaphore_mem>>) src(%dma_wait3A_488 : memref<2x128xi32, #tpu.memory_space<hbm>>) dst(%arg8 : memref<2x128xi32, #tpu.memory_space<vmem>>)
        %dma_start3A_489 = arith.constant 0 : i32
        %dma_start3A_490 = arith.constant 0 : i32
        %dma_start3A_491 = tpu.memref_slice %arg8[%dma_start3A_489, %dma_start3A_490] : memref<2x128xi32, #tpu.memory_space<vmem>> -> memref<1x128xi32, #tpu.memory_space<vmem>>
        %dma_start3A_492 = tpu.memref_squeeze %dma_start3A_491 : memref<1x128xi32, #tpu.memory_space<vmem>> -> memref<128xi32, #tpu.memory_space<vmem>>
        %dma_start3A_493 = arith.constant 0 : i32
        %dma_start3A_494 = arith.constant 0 : i32
        %dma_start3A_495 = tpu.memref_slice %arg18[%dma_start3A_493, %dma_start3A_494] : memref<10240x64xf32, #tpu.memory_space<vmem_shared>> -> memref<10240x64xf32, #tpu.memory_space<vmem_shared>>
        tpu.enqueue_indirect_dma source(%dma_start3A_495 : memref<10240x64xf32, #tpu.memory_space<vmem_shared>>) target(%arg16 : memref<128x64xf32, #tpu.memory_space<vmem>>) offsets(%dma_start3A_492 : memref<128xi32, #tpu.memory_space<vmem>>) semaphore(%arg31 : memref<!tpu.dma_semaphore, #tpu.memory_space<semaphore_mem>>)
      } else {
      }
      %add3A_283 = arith.constant 3 : i32
      %add3A_284 = arith.addi %mul3A_174, %add3A_283 : i32
      %dma_wait3A_285 = arith.constant 0 : i32
      %dma_wait3A_286 = arith.constant 0 : i32
      %dma_wait3A_287 = tpu.memref_slice %arg8[%dma_wait3A_285, %dma_wait3A_286] : memref<2x128xi32, #tpu.memory_space<vmem>> -> memref<1x128xi32, #tpu.memory_space<vmem>>
      %dma_wait3A_288 = tpu.memref_squeeze %dma_wait3A_287 : memref<1x128xi32, #tpu.memory_space<vmem>> -> memref<128xi32, #tpu.memory_space<vmem>>
      %dma_wait3A_289 = arith.constant 0 : i32
      %dma_wait3A_290 = arith.constant 0 : i32
      %dma_wait3A_291 = tpu.memref_slice %arg18[%dma_wait3A_289, %dma_wait3A_290] : memref<10240x64xf32, #tpu.memory_space<vmem_shared>> -> memref<10240x64xf32, #tpu.memory_space<vmem_shared>>
      tpu.wait_indirect_dma semaphore(%arg31 : memref<!tpu.dma_semaphore, #tpu.memory_space<semaphore_mem>>) src(%dma_wait3A_291 : memref<10240x64xf32, #tpu.memory_space<vmem_shared>>) dst(%arg16 : memref<128x64xf32, #tpu.memory_space<vmem>>)
      %dma_start3A_292 = arith.constant 1 : i32
      %dma_start3A_293 = arith.constant 0 : i32
      %dma_start3A_294 = tpu.memref_slice %arg8[%dma_start3A_292, %dma_start3A_293] : memref<2x128xi32, #tpu.memory_space<vmem>> -> memref<1x128xi32, #tpu.memory_space<vmem>>
      %dma_start3A_295 = tpu.memref_squeeze %dma_start3A_294 : memref<1x128xi32, #tpu.memory_space<vmem>> -> memref<128xi32, #tpu.memory_space<vmem>>
      %dma_start3A_296 = arith.constant 0 : i32
      %dma_start3A_297 = arith.constant 0 : i32
      %dma_start3A_298 = tpu.memref_slice %arg19[%dma_start3A_296, %dma_start3A_297] : memref<10240x64xf32, #tpu.memory_space<vmem_shared>> -> memref<10240x64xf32, #tpu.memory_space<vmem_shared>>
      tpu.enqueue_indirect_dma source(%arg16 : memref<128x64xf32, #tpu.memory_space<vmem>>) target(%dma_start3A_298 : memref<10240x64xf32, #tpu.memory_space<vmem_shared>>) offsets(%dma_start3A_295 : memref<128xi32, #tpu.memory_space<vmem>>) semaphore(%arg35 : memref<!tpu.dma_semaphore, #tpu.memory_space<semaphore_mem>>) {add = true}
      %add3A_299 = arith.constant 2 : i32
      %add3A_300 = arith.addi %add3A_284, %add3A_299 : i32
      %lt3A_301 = arith.constant 160 : i32
      %lt3A_302 = arith.cmpi slt, %add3A_300, %lt3A_301 : i32
      %convert_element_type3A_303 = arith.extui %lt3A_302 : i1 to i32
      %cond3A_304 = arith.constant 0 : i32
      %cond3A_305 = arith.cmpi ne, %convert_element_type3A_303, %cond3A_304 : i32
      scf.if %cond3A_305 {
        %sub3A = arith.constant 2 : i32
        %sub3A_469 = arith.subi %add3A_284, %sub3A : i32
        %ge3A = arith.constant 0 : i32
        %ge3A_470 = arith.cmpi sge, %sub3A_469, %ge3A : i32
        %convert_element_type3A_471 = arith.extui %ge3A_470 : i1 to i32
        %cond3A_472 = arith.constant 0 : i32
        %cond3A_473 = arith.cmpi ne, %convert_element_type3A_471, %cond3A_472 : i32
        scf.if %cond3A_473 {
          %dma_wait3A_474 = arith.constant 1 : i32
          %dma_wait3A_475 = arith.constant 0 : i32
          %dma_wait3A_476 = tpu.memref_slice %arg6[%dma_wait3A_474, %dma_wait3A_475] : memref<2x128xi32, #tpu.memory_space<vmem>> -> memref<1x128xi32, #tpu.memory_space<vmem>>
          %dma_wait3A_477 = tpu.memref_squeeze %dma_wait3A_476 : memref<1x128xi32, #tpu.memory_space<vmem>> -> memref<128xi32, #tpu.memory_space<vmem>>
          %dma_wait3A_478 = arith.constant 0 : i32
          %dma_wait3A_479 = arith.constant 0 : i32
          %dma_wait3A_480 = tpu.memref_slice %arg19[%dma_wait3A_478, %dma_wait3A_479] : memref<10240x64xf32, #tpu.memory_space<vmem_shared>> -> memref<10240x64xf32, #tpu.memory_space<vmem_shared>>
          tpu.wait_indirect_dma semaphore(%arg33 : memref<!tpu.dma_semaphore, #tpu.memory_space<semaphore_mem>>) src(%arg14 : memref<128x64xf32, #tpu.memory_space<vmem>>) dst(%dma_wait3A_480 : memref<10240x64xf32, #tpu.memory_space<vmem_shared>>)
        } else {
        }
      } else {
      }
      %add3A_306 = arith.constant 4 : i32
      %add3A_307 = arith.addi %add3A_284, %add3A_306 : i32
      %lt3A_308 = arith.constant 160 : i32
      %lt3A_309 = arith.cmpi slt, %add3A_307, %lt3A_308 : i32
      %convert_element_type3A_310 = arith.extui %lt3A_309 : i1 to i32
      %cond3A_311 = arith.constant 0 : i32
      %cond3A_312 = arith.cmpi ne, %convert_element_type3A_310, %cond3A_311 : i32
      scf.if %cond3A_312 {
        %add3A_469 = arith.constant 4 : i32
        %add3A_470 = arith.addi %add3A_284, %add3A_469 : i32
        %dma_start3A_471 = arith.constant 0 : i32
        %dma_start3A_472 = arith.constant 0 : i32
        %dma_start3A_473 = arith.constant 0 : i32
        %dma_start3A_474 = tpu.memref_slice %arg3[%arg1, %dma_start3A_471, %dma_start3A_472, %dma_start3A_473] : memref<16x160x2x128xi32, #tpu.memory_space<hbm>> -> memref<1x160x2x128xi32, #tpu.memory_space<hbm>>
        %dma_start3A_475 = tpu.memref_squeeze %dma_start3A_474 : memref<1x160x2x128xi32, #tpu.memory_space<hbm>> -> memref<160x2x128xi32, #tpu.memory_space<hbm>>
        %dma_start3A_476 = arith.constant 0 : i32
        %dma_start3A_477 = arith.constant 0 : i32
        %dma_start3A_478 = tpu.memref_slice %dma_start3A_475[%add3A_470, %dma_start3A_476, %dma_start3A_477] : memref<160x2x128xi32, #tpu.memory_space<hbm>> -> memref<1x2x128xi32, #tpu.memory_space<hbm>>
        %dma_start3A_479 = tpu.memref_squeeze %dma_start3A_478 : memref<1x2x128xi32, #tpu.memory_space<hbm>> -> memref<2x128xi32, #tpu.memory_space<hbm>>
        %dma_start3A_480 = arith.constant 0 : i32
        %dma_start3A_481 = arith.constant 0 : i32
        %dma_start3A_482 = arith.constant 0 : i32
        %dma_start3A_483 = tpu.memref_slice %arg3[%arg1, %dma_start3A_480, %dma_start3A_481, %dma_start3A_482] : memref<16x160x2x128xi32, #tpu.memory_space<hbm>> -> memref<1x160x2x128xi32, #tpu.memory_space<hbm>>
        %dma_start3A_484 = tpu.memref_squeeze %dma_start3A_483 : memref<1x160x2x128xi32, #tpu.memory_space<hbm>> -> memref<160x2x128xi32, #tpu.memory_space<hbm>>
        %dma_start3A_485 = arith.constant 0 : i32
        %dma_start3A_486 = arith.constant 0 : i32
        %dma_start3A_487 = tpu.memref_slice %dma_start3A_484[%add3A_470, %dma_start3A_485, %dma_start3A_486] : memref<160x2x128xi32, #tpu.memory_space<hbm>> -> memref<1x2x128xi32, #tpu.memory_space<hbm>>
        %dma_start3A_488 = tpu.memref_squeeze %dma_start3A_487 : memref<1x2x128xi32, #tpu.memory_space<hbm>> -> memref<2x128xi32, #tpu.memory_space<hbm>>
        tpu.enqueue_dma source(%dma_start3A_488 : memref<2x128xi32, #tpu.memory_space<hbm>>) target(%arg12 : memref<2x128xi32, #tpu.memory_space<vmem>>) target_semaphore(%arg27 : memref<!tpu.dma_semaphore, #tpu.memory_space<semaphore_mem>>)
      } else {
      }
      %add3A_313 = arith.constant 1 : i32
      %add3A_314 = arith.addi %add3A_284, %add3A_313 : i32
      %lt3A_315 = arith.constant 160 : i32
      %lt3A_316 = arith.cmpi slt, %add3A_314, %lt3A_315 : i32
      %convert_element_type3A_317 = arith.extui %lt3A_316 : i1 to i32
      %cond3A_318 = arith.constant 0 : i32
      %cond3A_319 = arith.cmpi ne, %convert_element_type3A_317, %cond3A_318 : i32
      scf.if %cond3A_319 {
        %add3A_469 = arith.constant 1 : i32
        %add3A_470 = arith.addi %add3A_284, %add3A_469 : i32
        %dma_wait3A_471 = arith.constant 0 : i32
        %dma_wait3A_472 = arith.constant 0 : i32
        %dma_wait3A_473 = arith.constant 0 : i32
        %dma_wait3A_474 = tpu.memref_slice %arg3[%arg1, %dma_wait3A_471, %dma_wait3A_472, %dma_wait3A_473] : memref<16x160x2x128xi32, #tpu.memory_space<hbm>> -> memref<1x160x2x128xi32, #tpu.memory_space<hbm>>
        %dma_wait3A_475 = tpu.memref_squeeze %dma_wait3A_474 : memref<1x160x2x128xi32, #tpu.memory_space<hbm>> -> memref<160x2x128xi32, #tpu.memory_space<hbm>>
        %dma_wait3A_476 = arith.constant 0 : i32
        %dma_wait3A_477 = arith.constant 0 : i32
        %dma_wait3A_478 = tpu.memref_slice %dma_wait3A_475[%add3A_470, %dma_wait3A_476, %dma_wait3A_477] : memref<160x2x128xi32, #tpu.memory_space<hbm>> -> memref<1x2x128xi32, #tpu.memory_space<hbm>>
        %dma_wait3A_479 = tpu.memref_squeeze %dma_wait3A_478 : memref<1x2x128xi32, #tpu.memory_space<hbm>> -> memref<2x128xi32, #tpu.memory_space<hbm>>
        %dma_wait3A_480 = arith.constant 0 : i32
        %dma_wait3A_481 = arith.constant 0 : i32
        %dma_wait3A_482 = arith.constant 0 : i32
        %dma_wait3A_483 = tpu.memref_slice %arg3[%arg1, %dma_wait3A_480, %dma_wait3A_481, %dma_wait3A_482] : memref<16x160x2x128xi32, #tpu.memory_space<hbm>> -> memref<1x160x2x128xi32, #tpu.memory_space<hbm>>
        %dma_wait3A_484 = tpu.memref_squeeze %dma_wait3A_483 : memref<1x160x2x128xi32, #tpu.memory_space<hbm>> -> memref<160x2x128xi32, #tpu.memory_space<hbm>>
        %dma_wait3A_485 = arith.constant 0 : i32
        %dma_wait3A_486 = arith.constant 0 : i32
        %dma_wait3A_487 = tpu.memref_slice %dma_wait3A_484[%add3A_470, %dma_wait3A_485, %dma_wait3A_486] : memref<160x2x128xi32, #tpu.memory_space<hbm>> -> memref<1x2x128xi32, #tpu.memory_space<hbm>>
        %dma_wait3A_488 = tpu.memref_squeeze %dma_wait3A_487 : memref<1x2x128xi32, #tpu.memory_space<hbm>> -> memref<2x128xi32, #tpu.memory_space<hbm>>
        tpu.wait_dma2 semaphore(%arg24 : memref<!tpu.dma_semaphore, #tpu.memory_space<semaphore_mem>>) src(%dma_wait3A_488 : memref<2x128xi32, #tpu.memory_space<hbm>>) dst(%arg9 : memref<2x128xi32, #tpu.memory_space<vmem>>)
        %dma_start3A_489 = arith.constant 0 : i32
        %dma_start3A_490 = arith.constant 0 : i32
        %dma_start3A_491 = tpu.memref_slice %arg9[%dma_start3A_489, %dma_start3A_490] : memref<2x128xi32, #tpu.memory_space<vmem>> -> memref<1x128xi32, #tpu.memory_space<vmem>>
        %dma_start3A_492 = tpu.memref_squeeze %dma_start3A_491 : memref<1x128xi32, #tpu.memory_space<vmem>> -> memref<128xi32, #tpu.memory_space<vmem>>
        %dma_start3A_493 = arith.constant 0 : i32
        %dma_start3A_494 = arith.constant 0 : i32
        %dma_start3A_495 = tpu.memref_slice %arg18[%dma_start3A_493, %dma_start3A_494] : memref<10240x64xf32, #tpu.memory_space<vmem_shared>> -> memref<10240x64xf32, #tpu.memory_space<vmem_shared>>
        tpu.enqueue_indirect_dma source(%dma_start3A_495 : memref<10240x64xf32, #tpu.memory_space<vmem_shared>>) target(%arg13 : memref<128x64xf32, #tpu.memory_space<vmem>>) offsets(%dma_start3A_492 : memref<128xi32, #tpu.memory_space<vmem>>) semaphore(%arg28 : memref<!tpu.dma_semaphore, #tpu.memory_space<semaphore_mem>>)
      } else {
      }
      %add3A_320 = arith.constant 4 : i32
      %add3A_321 = arith.addi %mul3A_174, %add3A_320 : i32
      %dma_wait3A_322 = arith.constant 0 : i32
      %dma_wait3A_323 = arith.constant 0 : i32
      %dma_wait3A_324 = tpu.memref_slice %arg9[%dma_wait3A_322, %dma_wait3A_323] : memref<2x128xi32, #tpu.memory_space<vmem>> -> memref<1x128xi32, #tpu.memory_space<vmem>>
      %dma_wait3A_325 = tpu.memref_squeeze %dma_wait3A_324 : memref<1x128xi32, #tpu.memory_space<vmem>> -> memref<128xi32, #tpu.memory_space<vmem>>
      %dma_wait3A_326 = arith.constant 0 : i32
      %dma_wait3A_327 = arith.constant 0 : i32
      %dma_wait3A_328 = tpu.memref_slice %arg18[%dma_wait3A_326, %dma_wait3A_327] : memref<10240x64xf32, #tpu.memory_space<vmem_shared>> -> memref<10240x64xf32, #tpu.memory_space<vmem_shared>>
      tpu.wait_indirect_dma semaphore(%arg28 : memref<!tpu.dma_semaphore, #tpu.memory_space<semaphore_mem>>) src(%dma_wait3A_328 : memref<10240x64xf32, #tpu.memory_space<vmem_shared>>) dst(%arg13 : memref<128x64xf32, #tpu.memory_space<vmem>>)
      %dma_start3A_329 = arith.constant 1 : i32
      %dma_start3A_330 = arith.constant 0 : i32
      %dma_start3A_331 = tpu.memref_slice %arg9[%dma_start3A_329, %dma_start3A_330] : memref<2x128xi32, #tpu.memory_space<vmem>> -> memref<1x128xi32, #tpu.memory_space<vmem>>
      %dma_start3A_332 = tpu.memref_squeeze %dma_start3A_331 : memref<1x128xi32, #tpu.memory_space<vmem>> -> memref<128xi32, #tpu.memory_space<vmem>>
      %dma_start3A_333 = arith.constant 0 : i32
      %dma_start3A_334 = arith.constant 0 : i32
      %dma_start3A_335 = tpu.memref_slice %arg19[%dma_start3A_333, %dma_start3A_334] : memref<10240x64xf32, #tpu.memory_space<vmem_shared>> -> memref<10240x64xf32, #tpu.memory_space<vmem_shared>>
      tpu.enqueue_indirect_dma source(%arg13 : memref<128x64xf32, #tpu.memory_space<vmem>>) target(%dma_start3A_335 : memref<10240x64xf32, #tpu.memory_space<vmem_shared>>) offsets(%dma_start3A_332 : memref<128xi32, #tpu.memory_space<vmem>>) semaphore(%arg32 : memref<!tpu.dma_semaphore, #tpu.memory_space<semaphore_mem>>) {add = true}
      %add3A_336 = arith.constant 2 : i32
      %add3A_337 = arith.addi %add3A_321, %add3A_336 : i32
      %lt3A_338 = arith.constant 160 : i32
      %lt3A_339 = arith.cmpi slt, %add3A_337, %lt3A_338 : i32
      %convert_element_type3A_340 = arith.extui %lt3A_339 : i1 to i32
      %cond3A_341 = arith.constant 0 : i32
      %cond3A_342 = arith.cmpi ne, %convert_element_type3A_340, %cond3A_341 : i32
      scf.if %cond3A_342 {
        %sub3A = arith.constant 2 : i32
        %sub3A_469 = arith.subi %add3A_321, %sub3A : i32
        %ge3A = arith.constant 0 : i32
        %ge3A_470 = arith.cmpi sge, %sub3A_469, %ge3A : i32
        %convert_element_type3A_471 = arith.extui %ge3A_470 : i1 to i32
        %cond3A_472 = arith.constant 0 : i32
        %cond3A_473 = arith.cmpi ne, %convert_element_type3A_471, %cond3A_472 : i32
        scf.if %cond3A_473 {
          %dma_wait3A_474 = arith.constant 1 : i32
          %dma_wait3A_475 = arith.constant 0 : i32
          %dma_wait3A_476 = tpu.memref_slice %arg7[%dma_wait3A_474, %dma_wait3A_475] : memref<2x128xi32, #tpu.memory_space<vmem>> -> memref<1x128xi32, #tpu.memory_space<vmem>>
          %dma_wait3A_477 = tpu.memref_squeeze %dma_wait3A_476 : memref<1x128xi32, #tpu.memory_space<vmem>> -> memref<128xi32, #tpu.memory_space<vmem>>
          %dma_wait3A_478 = arith.constant 0 : i32
          %dma_wait3A_479 = arith.constant 0 : i32
          %dma_wait3A_480 = tpu.memref_slice %arg19[%dma_wait3A_478, %dma_wait3A_479] : memref<10240x64xf32, #tpu.memory_space<vmem_shared>> -> memref<10240x64xf32, #tpu.memory_space<vmem_shared>>
          tpu.wait_indirect_dma semaphore(%arg34 : memref<!tpu.dma_semaphore, #tpu.memory_space<semaphore_mem>>) src(%arg15 : memref<128x64xf32, #tpu.memory_space<vmem>>) dst(%dma_wait3A_480 : memref<10240x64xf32, #tpu.memory_space<vmem_shared>>)
        } else {
        }
      } else {
      }
      %add3A_343 = arith.constant 4 : i32
      %add3A_344 = arith.addi %add3A_321, %add3A_343 : i32
      %lt3A_345 = arith.constant 160 : i32
      %lt3A_346 = arith.cmpi slt, %add3A_344, %lt3A_345 : i32
      %convert_element_type3A_347 = arith.extui %lt3A_346 : i1 to i32
      %cond3A_348 = arith.constant 0 : i32
      %cond3A_349 = arith.cmpi ne, %convert_element_type3A_347, %cond3A_348 : i32
      scf.if %cond3A_349 {
        %add3A_469 = arith.constant 4 : i32
        %add3A_470 = arith.addi %add3A_321, %add3A_469 : i32
        %dma_start3A_471 = arith.constant 0 : i32
        %dma_start3A_472 = arith.constant 0 : i32
        %dma_start3A_473 = arith.constant 0 : i32
        %dma_start3A_474 = tpu.memref_slice %arg3[%arg1, %dma_start3A_471, %dma_start3A_472, %dma_start3A_473] : memref<16x160x2x128xi32, #tpu.memory_space<hbm>> -> memref<1x160x2x128xi32, #tpu.memory_space<hbm>>
        %dma_start3A_475 = tpu.memref_squeeze %dma_start3A_474 : memref<1x160x2x128xi32, #tpu.memory_space<hbm>> -> memref<160x2x128xi32, #tpu.memory_space<hbm>>
        %dma_start3A_476 = arith.constant 0 : i32
        %dma_start3A_477 = arith.constant 0 : i32
        %dma_start3A_478 = tpu.memref_slice %dma_start3A_475[%add3A_470, %dma_start3A_476, %dma_start3A_477] : memref<160x2x128xi32, #tpu.memory_space<hbm>> -> memref<1x2x128xi32, #tpu.memory_space<hbm>>
        %dma_start3A_479 = tpu.memref_squeeze %dma_start3A_478 : memref<1x2x128xi32, #tpu.memory_space<hbm>> -> memref<2x128xi32, #tpu.memory_space<hbm>>
        %dma_start3A_480 = arith.constant 0 : i32
        %dma_start3A_481 = arith.constant 0 : i32
        %dma_start3A_482 = arith.constant 0 : i32
        %dma_start3A_483 = tpu.memref_slice %arg3[%arg1, %dma_start3A_480, %dma_start3A_481, %dma_start3A_482] : memref<16x160x2x128xi32, #tpu.memory_space<hbm>> -> memref<1x160x2x128xi32, #tpu.memory_space<hbm>>
        %dma_start3A_484 = tpu.memref_squeeze %dma_start3A_483 : memref<1x160x2x128xi32, #tpu.memory_space<hbm>> -> memref<160x2x128xi32, #tpu.memory_space<hbm>>
        %dma_start3A_485 = arith.constant 0 : i32
        %dma_start3A_486 = arith.constant 0 : i32
        %dma_start3A_487 = tpu.memref_slice %dma_start3A_484[%add3A_470, %dma_start3A_485, %dma_start3A_486] : memref<160x2x128xi32, #tpu.memory_space<hbm>> -> memref<1x2x128xi32, #tpu.memory_space<hbm>>
        %dma_start3A_488 = tpu.memref_squeeze %dma_start3A_487 : memref<1x2x128xi32, #tpu.memory_space<hbm>> -> memref<2x128xi32, #tpu.memory_space<hbm>>
        tpu.enqueue_dma source(%dma_start3A_488 : memref<2x128xi32, #tpu.memory_space<hbm>>) target(%arg5 : memref<2x128xi32, #tpu.memory_space<vmem>>) target_semaphore(%arg20 : memref<!tpu.dma_semaphore, #tpu.memory_space<semaphore_mem>>)
      } else {
      }
      %add3A_350 = arith.constant 1 : i32
      %add3A_351 = arith.addi %add3A_321, %add3A_350 : i32
      %lt3A_352 = arith.constant 160 : i32
      %lt3A_353 = arith.cmpi slt, %add3A_351, %lt3A_352 : i32
      %convert_element_type3A_354 = arith.extui %lt3A_353 : i1 to i32
      %cond3A_355 = arith.constant 0 : i32
      %cond3A_356 = arith.cmpi ne, %convert_element_type3A_354, %cond3A_355 : i32
      scf.if %cond3A_356 {
        %add3A_469 = arith.constant 1 : i32
        %add3A_470 = arith.addi %add3A_321, %add3A_469 : i32
        %dma_wait3A_471 = arith.constant 0 : i32
        %dma_wait3A_472 = arith.constant 0 : i32
        %dma_wait3A_473 = arith.constant 0 : i32
        %dma_wait3A_474 = tpu.memref_slice %arg3[%arg1, %dma_wait3A_471, %dma_wait3A_472, %dma_wait3A_473] : memref<16x160x2x128xi32, #tpu.memory_space<hbm>> -> memref<1x160x2x128xi32, #tpu.memory_space<hbm>>
        %dma_wait3A_475 = tpu.memref_squeeze %dma_wait3A_474 : memref<1x160x2x128xi32, #tpu.memory_space<hbm>> -> memref<160x2x128xi32, #tpu.memory_space<hbm>>
        %dma_wait3A_476 = arith.constant 0 : i32
        %dma_wait3A_477 = arith.constant 0 : i32
        %dma_wait3A_478 = tpu.memref_slice %dma_wait3A_475[%add3A_470, %dma_wait3A_476, %dma_wait3A_477] : memref<160x2x128xi32, #tpu.memory_space<hbm>> -> memref<1x2x128xi32, #tpu.memory_space<hbm>>
        %dma_wait3A_479 = tpu.memref_squeeze %dma_wait3A_478 : memref<1x2x128xi32, #tpu.memory_space<hbm>> -> memref<2x128xi32, #tpu.memory_space<hbm>>
        %dma_wait3A_480 = arith.constant 0 : i32
        %dma_wait3A_481 = arith.constant 0 : i32
        %dma_wait3A_482 = arith.constant 0 : i32
        %dma_wait3A_483 = tpu.memref_slice %arg3[%arg1, %dma_wait3A_480, %dma_wait3A_481, %dma_wait3A_482] : memref<16x160x2x128xi32, #tpu.memory_space<hbm>> -> memref<1x160x2x128xi32, #tpu.memory_space<hbm>>
        %dma_wait3A_484 = tpu.memref_squeeze %dma_wait3A_483 : memref<1x160x2x128xi32, #tpu.memory_space<hbm>> -> memref<160x2x128xi32, #tpu.memory_space<hbm>>
        %dma_wait3A_485 = arith.constant 0 : i32
        %dma_wait3A_486 = arith.constant 0 : i32
        %dma_wait3A_487 = tpu.memref_slice %dma_wait3A_484[%add3A_470, %dma_wait3A_485, %dma_wait3A_486] : memref<160x2x128xi32, #tpu.memory_space<hbm>> -> memref<1x2x128xi32, #tpu.memory_space<hbm>>
        %dma_wait3A_488 = tpu.memref_squeeze %dma_wait3A_487 : memref<1x2x128xi32, #tpu.memory_space<hbm>> -> memref<2x128xi32, #tpu.memory_space<hbm>>
        tpu.wait_dma2 semaphore(%arg25 : memref<!tpu.dma_semaphore, #tpu.memory_space<semaphore_mem>>) src(%dma_wait3A_488 : memref<2x128xi32, #tpu.memory_space<hbm>>) dst(%arg10 : memref<2x128xi32, #tpu.memory_space<vmem>>)
        %dma_start3A_489 = arith.constant 0 : i32
        %dma_start3A_490 = arith.constant 0 : i32
        %dma_start3A_491 = tpu.memref_slice %arg10[%dma_start3A_489, %dma_start3A_490] : memref<2x128xi32, #tpu.memory_space<vmem>> -> memref<1x128xi32, #tpu.memory_space<vmem>>
        %dma_start3A_492 = tpu.memref_squeeze %dma_start3A_491 : memref<1x128xi32, #tpu.memory_space<vmem>> -> memref<128xi32, #tpu.memory_space<vmem>>
        %dma_start3A_493 = arith.constant 0 : i32
        %dma_start3A_494 = arith.constant 0 : i32
        %dma_start3A_495 = tpu.memref_slice %arg18[%dma_start3A_493, %dma_start3A_494] : memref<10240x64xf32, #tpu.memory_space<vmem_shared>> -> memref<10240x64xf32, #tpu.memory_space<vmem_shared>>
        tpu.enqueue_indirect_dma source(%dma_start3A_495 : memref<10240x64xf32, #tpu.memory_space<vmem_shared>>) target(%arg14 : memref<128x64xf32, #tpu.memory_space<vmem>>) offsets(%dma_start3A_492 : memref<128xi32, #tpu.memory_space<vmem>>) semaphore(%arg29 : memref<!tpu.dma_semaphore, #tpu.memory_space<semaphore_mem>>)
      } else {
      }
      %add3A_357 = arith.constant 5 : i32
      %add3A_358 = arith.addi %mul3A_174, %add3A_357 : i32
      %dma_wait3A_359 = arith.constant 0 : i32
      %dma_wait3A_360 = arith.constant 0 : i32
      %dma_wait3A_361 = tpu.memref_slice %arg10[%dma_wait3A_359, %dma_wait3A_360] : memref<2x128xi32, #tpu.memory_space<vmem>> -> memref<1x128xi32, #tpu.memory_space<vmem>>
      %dma_wait3A_362 = tpu.memref_squeeze %dma_wait3A_361 : memref<1x128xi32, #tpu.memory_space<vmem>> -> memref<128xi32, #tpu.memory_space<vmem>>
      %dma_wait3A_363 = arith.constant 0 : i32
      %dma_wait3A_364 = arith.constant 0 : i32
      %dma_wait3A_365 = tpu.memref_slice %arg18[%dma_wait3A_363, %dma_wait3A_364] : memref<10240x64xf32, #tpu.memory_space<vmem_shared>> -> memref<10240x64xf32, #tpu.memory_space<vmem_shared>>
      tpu.wait_indirect_dma semaphore(%arg29 : memref<!tpu.dma_semaphore, #tpu.memory_space<semaphore_mem>>) src(%dma_wait3A_365 : memref<10240x64xf32, #tpu.memory_space<vmem_shared>>) dst(%arg14 : memref<128x64xf32, #tpu.memory_space<vmem>>)
      %dma_start3A_366 = arith.constant 1 : i32
      %dma_start3A_367 = arith.constant 0 : i32
      %dma_start3A_368 = tpu.memref_slice %arg10[%dma_start3A_366, %dma_start3A_367] : memref<2x128xi32, #tpu.memory_space<vmem>> -> memref<1x128xi32, #tpu.memory_space<vmem>>
      %dma_start3A_369 = tpu.memref_squeeze %dma_start3A_368 : memref<1x128xi32, #tpu.memory_space<vmem>> -> memref<128xi32, #tpu.memory_space<vmem>>
      %dma_start3A_370 = arith.constant 0 : i32
      %dma_start3A_371 = arith.constant 0 : i32
      %dma_start3A_372 = tpu.memref_slice %arg19[%dma_start3A_370, %dma_start3A_371] : memref<10240x64xf32, #tpu.memory_space<vmem_shared>> -> memref<10240x64xf32, #tpu.memory_space<vmem_shared>>
      tpu.enqueue_indirect_dma source(%arg14 : memref<128x64xf32, #tpu.memory_space<vmem>>) target(%dma_start3A_372 : memref<10240x64xf32, #tpu.memory_space<vmem_shared>>) offsets(%dma_start3A_369 : memref<128xi32, #tpu.memory_space<vmem>>) semaphore(%arg33 : memref<!tpu.dma_semaphore, #tpu.memory_space<semaphore_mem>>) {add = true}
      %add3A_373 = arith.constant 2 : i32
      %add3A_374 = arith.addi %add3A_358, %add3A_373 : i32
      %lt3A_375 = arith.constant 160 : i32
      %lt3A_376 = arith.cmpi slt, %add3A_374, %lt3A_375 : i32
      %convert_element_type3A_377 = arith.extui %lt3A_376 : i1 to i32
      %cond3A_378 = arith.constant 0 : i32
      %cond3A_379 = arith.cmpi ne, %convert_element_type3A_377, %cond3A_378 : i32
      scf.if %cond3A_379 {
        %sub3A = arith.constant 2 : i32
        %sub3A_469 = arith.subi %add3A_358, %sub3A : i32
        %ge3A = arith.constant 0 : i32
        %ge3A_470 = arith.cmpi sge, %sub3A_469, %ge3A : i32
        %convert_element_type3A_471 = arith.extui %ge3A_470 : i1 to i32
        %cond3A_472 = arith.constant 0 : i32
        %cond3A_473 = arith.cmpi ne, %convert_element_type3A_471, %cond3A_472 : i32
        scf.if %cond3A_473 {
          %dma_wait3A_474 = arith.constant 1 : i32
          %dma_wait3A_475 = arith.constant 0 : i32
          %dma_wait3A_476 = tpu.memref_slice %arg8[%dma_wait3A_474, %dma_wait3A_475] : memref<2x128xi32, #tpu.memory_space<vmem>> -> memref<1x128xi32, #tpu.memory_space<vmem>>
          %dma_wait3A_477 = tpu.memref_squeeze %dma_wait3A_476 : memref<1x128xi32, #tpu.memory_space<vmem>> -> memref<128xi32, #tpu.memory_space<vmem>>
          %dma_wait3A_478 = arith.constant 0 : i32
          %dma_wait3A_479 = arith.constant 0 : i32
          %dma_wait3A_480 = tpu.memref_slice %arg19[%dma_wait3A_478, %dma_wait3A_479] : memref<10240x64xf32, #tpu.memory_space<vmem_shared>> -> memref<10240x64xf32, #tpu.memory_space<vmem_shared>>
          tpu.wait_indirect_dma semaphore(%arg35 : memref<!tpu.dma_semaphore, #tpu.memory_space<semaphore_mem>>) src(%arg16 : memref<128x64xf32, #tpu.memory_space<vmem>>) dst(%dma_wait3A_480 : memref<10240x64xf32, #tpu.memory_space<vmem_shared>>)
        } else {
        }
      } else {
      }
      %add3A_380 = arith.constant 4 : i32
      %add3A_381 = arith.addi %add3A_358, %add3A_380 : i32
      %lt3A_382 = arith.constant 160 : i32
      %lt3A_383 = arith.cmpi slt, %add3A_381, %lt3A_382 : i32
      %convert_element_type3A_384 = arith.extui %lt3A_383 : i1 to i32
      %cond3A_385 = arith.constant 0 : i32
      %cond3A_386 = arith.cmpi ne, %convert_element_type3A_384, %cond3A_385 : i32
      scf.if %cond3A_386 {
        %add3A_469 = arith.constant 4 : i32
        %add3A_470 = arith.addi %add3A_358, %add3A_469 : i32
        %dma_start3A_471 = arith.constant 0 : i32
        %dma_start3A_472 = arith.constant 0 : i32
        %dma_start3A_473 = arith.constant 0 : i32
        %dma_start3A_474 = tpu.memref_slice %arg3[%arg1, %dma_start3A_471, %dma_start3A_472, %dma_start3A_473] : memref<16x160x2x128xi32, #tpu.memory_space<hbm>> -> memref<1x160x2x128xi32, #tpu.memory_space<hbm>>
        %dma_start3A_475 = tpu.memref_squeeze %dma_start3A_474 : memref<1x160x2x128xi32, #tpu.memory_space<hbm>> -> memref<160x2x128xi32, #tpu.memory_space<hbm>>
        %dma_start3A_476 = arith.constant 0 : i32
        %dma_start3A_477 = arith.constant 0 : i32
        %dma_start3A_478 = tpu.memref_slice %dma_start3A_475[%add3A_470, %dma_start3A_476, %dma_start3A_477] : memref<160x2x128xi32, #tpu.memory_space<hbm>> -> memref<1x2x128xi32, #tpu.memory_space<hbm>>
        %dma_start3A_479 = tpu.memref_squeeze %dma_start3A_478 : memref<1x2x128xi32, #tpu.memory_space<hbm>> -> memref<2x128xi32, #tpu.memory_space<hbm>>
        %dma_start3A_480 = arith.constant 0 : i32
        %dma_start3A_481 = arith.constant 0 : i32
        %dma_start3A_482 = arith.constant 0 : i32
        %dma_start3A_483 = tpu.memref_slice %arg3[%arg1, %dma_start3A_480, %dma_start3A_481, %dma_start3A_482] : memref<16x160x2x128xi32, #tpu.memory_space<hbm>> -> memref<1x160x2x128xi32, #tpu.memory_space<hbm>>
        %dma_start3A_484 = tpu.memref_squeeze %dma_start3A_483 : memref<1x160x2x128xi32, #tpu.memory_space<hbm>> -> memref<160x2x128xi32, #tpu.memory_space<hbm>>
        %dma_start3A_485 = arith.constant 0 : i32
        %dma_start3A_486 = arith.constant 0 : i32
        %dma_start3A_487 = tpu.memref_slice %dma_start3A_484[%add3A_470, %dma_start3A_485, %dma_start3A_486] : memref<160x2x128xi32, #tpu.memory_space<hbm>> -> memref<1x2x128xi32, #tpu.memory_space<hbm>>
        %dma_start3A_488 = tpu.memref_squeeze %dma_start3A_487 : memref<1x2x128xi32, #tpu.memory_space<hbm>> -> memref<2x128xi32, #tpu.memory_space<hbm>>
        tpu.enqueue_dma source(%dma_start3A_488 : memref<2x128xi32, #tpu.memory_space<hbm>>) target(%arg6 : memref<2x128xi32, #tpu.memory_space<vmem>>) target_semaphore(%arg21 : memref<!tpu.dma_semaphore, #tpu.memory_space<semaphore_mem>>)
      } else {
      }
      %add3A_387 = arith.constant 1 : i32
      %add3A_388 = arith.addi %add3A_358, %add3A_387 : i32
      %lt3A_389 = arith.constant 160 : i32
      %lt3A_390 = arith.cmpi slt, %add3A_388, %lt3A_389 : i32
      %convert_element_type3A_391 = arith.extui %lt3A_390 : i1 to i32
      %cond3A_392 = arith.constant 0 : i32
      %cond3A_393 = arith.cmpi ne, %convert_element_type3A_391, %cond3A_392 : i32
      scf.if %cond3A_393 {
        %add3A_469 = arith.constant 1 : i32
        %add3A_470 = arith.addi %add3A_358, %add3A_469 : i32
        %dma_wait3A_471 = arith.constant 0 : i32
        %dma_wait3A_472 = arith.constant 0 : i32
        %dma_wait3A_473 = arith.constant 0 : i32
        %dma_wait3A_474 = tpu.memref_slice %arg3[%arg1, %dma_wait3A_471, %dma_wait3A_472, %dma_wait3A_473] : memref<16x160x2x128xi32, #tpu.memory_space<hbm>> -> memref<1x160x2x128xi32, #tpu.memory_space<hbm>>
        %dma_wait3A_475 = tpu.memref_squeeze %dma_wait3A_474 : memref<1x160x2x128xi32, #tpu.memory_space<hbm>> -> memref<160x2x128xi32, #tpu.memory_space<hbm>>
        %dma_wait3A_476 = arith.constant 0 : i32
        %dma_wait3A_477 = arith.constant 0 : i32
        %dma_wait3A_478 = tpu.memref_slice %dma_wait3A_475[%add3A_470, %dma_wait3A_476, %dma_wait3A_477] : memref<160x2x128xi32, #tpu.memory_space<hbm>> -> memref<1x2x128xi32, #tpu.memory_space<hbm>>
        %dma_wait3A_479 = tpu.memref_squeeze %dma_wait3A_478 : memref<1x2x128xi32, #tpu.memory_space<hbm>> -> memref<2x128xi32, #tpu.memory_space<hbm>>
        %dma_wait3A_480 = arith.constant 0 : i32
        %dma_wait3A_481 = arith.constant 0 : i32
        %dma_wait3A_482 = arith.constant 0 : i32
        %dma_wait3A_483 = tpu.memref_slice %arg3[%arg1, %dma_wait3A_480, %dma_wait3A_481, %dma_wait3A_482] : memref<16x160x2x128xi32, #tpu.memory_space<hbm>> -> memref<1x160x2x128xi32, #tpu.memory_space<hbm>>
        %dma_wait3A_484 = tpu.memref_squeeze %dma_wait3A_483 : memref<1x160x2x128xi32, #tpu.memory_space<hbm>> -> memref<160x2x128xi32, #tpu.memory_space<hbm>>
        %dma_wait3A_485 = arith.constant 0 : i32
        %dma_wait3A_486 = arith.constant 0 : i32
        %dma_wait3A_487 = tpu.memref_slice %dma_wait3A_484[%add3A_470, %dma_wait3A_485, %dma_wait3A_486] : memref<160x2x128xi32, #tpu.memory_space<hbm>> -> memref<1x2x128xi32, #tpu.memory_space<hbm>>
        %dma_wait3A_488 = tpu.memref_squeeze %dma_wait3A_487 : memref<1x2x128xi32, #tpu.memory_space<hbm>> -> memref<2x128xi32, #tpu.memory_space<hbm>>
        tpu.wait_dma2 semaphore(%arg26 : memref<!tpu.dma_semaphore, #tpu.memory_space<semaphore_mem>>) src(%dma_wait3A_488 : memref<2x128xi32, #tpu.memory_space<hbm>>) dst(%arg11 : memref<2x128xi32, #tpu.memory_space<vmem>>)
        %dma_start3A_489 = arith.constant 0 : i32
        %dma_start3A_490 = arith.constant 0 : i32
        %dma_start3A_491 = tpu.memref_slice %arg11[%dma_start3A_489, %dma_start3A_490] : memref<2x128xi32, #tpu.memory_space<vmem>> -> memref<1x128xi32, #tpu.memory_space<vmem>>
        %dma_start3A_492 = tpu.memref_squeeze %dma_start3A_491 : memref<1x128xi32, #tpu.memory_space<vmem>> -> memref<128xi32, #tpu.memory_space<vmem>>
        %dma_start3A_493 = arith.constant 0 : i32
        %dma_start3A_494 = arith.constant 0 : i32
        %dma_start3A_495 = tpu.memref_slice %arg18[%dma_start3A_493, %dma_start3A_494] : memref<10240x64xf32, #tpu.memory_space<vmem_shared>> -> memref<10240x64xf32, #tpu.memory_space<vmem_shared>>
        tpu.enqueue_indirect_dma source(%dma_start3A_495 : memref<10240x64xf32, #tpu.memory_space<vmem_shared>>) target(%arg15 : memref<128x64xf32, #tpu.memory_space<vmem>>) offsets(%dma_start3A_492 : memref<128xi32, #tpu.memory_space<vmem>>) semaphore(%arg30 : memref<!tpu.dma_semaphore, #tpu.memory_space<semaphore_mem>>)
      } else {
      }
      %add3A_394 = arith.constant 6 : i32
      %add3A_395 = arith.addi %mul3A_174, %add3A_394 : i32
      %dma_wait3A_396 = arith.constant 0 : i32
      %dma_wait3A_397 = arith.constant 0 : i32
      %dma_wait3A_398 = tpu.memref_slice %arg11[%dma_wait3A_396, %dma_wait3A_397] : memref<2x128xi32, #tpu.memory_space<vmem>> -> memref<1x128xi32, #tpu.memory_space<vmem>>
      %dma_wait3A_399 = tpu.memref_squeeze %dma_wait3A_398 : memref<1x128xi32, #tpu.memory_space<vmem>> -> memref<128xi32, #tpu.memory_space<vmem>>
      %dma_wait3A_400 = arith.constant 0 : i32
      %dma_wait3A_401 = arith.constant 0 : i32
      %dma_wait3A_402 = tpu.memref_slice %arg18[%dma_wait3A_400, %dma_wait3A_401] : memref<10240x64xf32, #tpu.memory_space<vmem_shared>> -> memref<10240x64xf32, #tpu.memory_space<vmem_shared>>
      tpu.wait_indirect_dma semaphore(%arg30 : memref<!tpu.dma_semaphore, #tpu.memory_space<semaphore_mem>>) src(%dma_wait3A_402 : memref<10240x64xf32, #tpu.memory_space<vmem_shared>>) dst(%arg15 : memref<128x64xf32, #tpu.memory_space<vmem>>)
      %dma_start3A_403 = arith.constant 1 : i32
      %dma_start3A_404 = arith.constant 0 : i32
      %dma_start3A_405 = tpu.memref_slice %arg11[%dma_start3A_403, %dma_start3A_404] : memref<2x128xi32, #tpu.memory_space<vmem>> -> memref<1x128xi32, #tpu.memory_space<vmem>>
      %dma_start3A_406 = tpu.memref_squeeze %dma_start3A_405 : memref<1x128xi32, #tpu.memory_space<vmem>> -> memref<128xi32, #tpu.memory_space<vmem>>
      %dma_start3A_407 = arith.constant 0 : i32
      %dma_start3A_408 = arith.constant 0 : i32
      %dma_start3A_409 = tpu.memref_slice %arg19[%dma_start3A_407, %dma_start3A_408] : memref<10240x64xf32, #tpu.memory_space<vmem_shared>> -> memref<10240x64xf32, #tpu.memory_space<vmem_shared>>
      tpu.enqueue_indirect_dma source(%arg15 : memref<128x64xf32, #tpu.memory_space<vmem>>) target(%dma_start3A_409 : memref<10240x64xf32, #tpu.memory_space<vmem_shared>>) offsets(%dma_start3A_406 : memref<128xi32, #tpu.memory_space<vmem>>) semaphore(%arg34 : memref<!tpu.dma_semaphore, #tpu.memory_space<semaphore_mem>>) {add = true}
      %add3A_410 = arith.constant 2 : i32
      %add3A_411 = arith.addi %add3A_395, %add3A_410 : i32
      %lt3A_412 = arith.constant 160 : i32
      %lt3A_413 = arith.cmpi slt, %add3A_411, %lt3A_412 : i32
      %convert_element_type3A_414 = arith.extui %lt3A_413 : i1 to i32
      %cond3A_415 = arith.constant 0 : i32
      %cond3A_416 = arith.cmpi ne, %convert_element_type3A_414, %cond3A_415 : i32
      scf.if %cond3A_416 {
        %sub3A = arith.constant 2 : i32
        %sub3A_469 = arith.subi %add3A_395, %sub3A : i32
        %ge3A = arith.constant 0 : i32
        %ge3A_470 = arith.cmpi sge, %sub3A_469, %ge3A : i32
        %convert_element_type3A_471 = arith.extui %ge3A_470 : i1 to i32
        %cond3A_472 = arith.constant 0 : i32
        %cond3A_473 = arith.cmpi ne, %convert_element_type3A_471, %cond3A_472 : i32
        scf.if %cond3A_473 {
          %dma_wait3A_474 = arith.constant 1 : i32
          %dma_wait3A_475 = arith.constant 0 : i32
          %dma_wait3A_476 = tpu.memref_slice %arg9[%dma_wait3A_474, %dma_wait3A_475] : memref<2x128xi32, #tpu.memory_space<vmem>> -> memref<1x128xi32, #tpu.memory_space<vmem>>
          %dma_wait3A_477 = tpu.memref_squeeze %dma_wait3A_476 : memref<1x128xi32, #tpu.memory_space<vmem>> -> memref<128xi32, #tpu.memory_space<vmem>>
          %dma_wait3A_478 = arith.constant 0 : i32
          %dma_wait3A_479 = arith.constant 0 : i32
          %dma_wait3A_480 = tpu.memref_slice %arg19[%dma_wait3A_478, %dma_wait3A_479] : memref<10240x64xf32, #tpu.memory_space<vmem_shared>> -> memref<10240x64xf32, #tpu.memory_space<vmem_shared>>
          tpu.wait_indirect_dma semaphore(%arg32 : memref<!tpu.dma_semaphore, #tpu.memory_space<semaphore_mem>>) src(%arg13 : memref<128x64xf32, #tpu.memory_space<vmem>>) dst(%dma_wait3A_480 : memref<10240x64xf32, #tpu.memory_space<vmem_shared>>)
        } else {
        }
      } else {
      }
      %add3A_417 = arith.constant 4 : i32
      %add3A_418 = arith.addi %add3A_395, %add3A_417 : i32
      %lt3A_419 = arith.constant 160 : i32
      %lt3A_420 = arith.cmpi slt, %add3A_418, %lt3A_419 : i32
      %convert_element_type3A_421 = arith.extui %lt3A_420 : i1 to i32
      %cond3A_422 = arith.constant 0 : i32
      %cond3A_423 = arith.cmpi ne, %convert_element_type3A_421, %cond3A_422 : i32
      scf.if %cond3A_423 {
        %add3A_469 = arith.constant 4 : i32
        %add3A_470 = arith.addi %add3A_395, %add3A_469 : i32
        %dma_start3A_471 = arith.constant 0 : i32
        %dma_start3A_472 = arith.constant 0 : i32
        %dma_start3A_473 = arith.constant 0 : i32
        %dma_start3A_474 = tpu.memref_slice %arg3[%arg1, %dma_start3A_471, %dma_start3A_472, %dma_start3A_473] : memref<16x160x2x128xi32, #tpu.memory_space<hbm>> -> memref<1x160x2x128xi32, #tpu.memory_space<hbm>>
        %dma_start3A_475 = tpu.memref_squeeze %dma_start3A_474 : memref<1x160x2x128xi32, #tpu.memory_space<hbm>> -> memref<160x2x128xi32, #tpu.memory_space<hbm>>
        %dma_start3A_476 = arith.constant 0 : i32
        %dma_start3A_477 = arith.constant 0 : i32
        %dma_start3A_478 = tpu.memref_slice %dma_start3A_475[%add3A_470, %dma_start3A_476, %dma_start3A_477] : memref<160x2x128xi32, #tpu.memory_space<hbm>> -> memref<1x2x128xi32, #tpu.memory_space<hbm>>
        %dma_start3A_479 = tpu.memref_squeeze %dma_start3A_478 : memref<1x2x128xi32, #tpu.memory_space<hbm>> -> memref<2x128xi32, #tpu.memory_space<hbm>>
        %dma_start3A_480 = arith.constant 0 : i32
        %dma_start3A_481 = arith.constant 0 : i32
        %dma_start3A_482 = arith.constant 0 : i32
        %dma_start3A_483 = tpu.memref_slice %arg3[%arg1, %dma_start3A_480, %dma_start3A_481, %dma_start3A_482] : memref<16x160x2x128xi32, #tpu.memory_space<hbm>> -> memref<1x160x2x128xi32, #tpu.memory_space<hbm>>
        %dma_start3A_484 = tpu.memref_squeeze %dma_start3A_483 : memref<1x160x2x128xi32, #tpu.memory_space<hbm>> -> memref<160x2x128xi32, #tpu.memory_space<hbm>>
        %dma_start3A_485 = arith.constant 0 : i32
        %dma_start3A_486 = arith.constant 0 : i32
        %dma_start3A_487 = tpu.memref_slice %dma_start3A_484[%add3A_470, %dma_start3A_485, %dma_start3A_486] : memref<160x2x128xi32, #tpu.memory_space<hbm>> -> memref<1x2x128xi32, #tpu.memory_space<hbm>>
        %dma_start3A_488 = tpu.memref_squeeze %dma_start3A_487 : memref<1x2x128xi32, #tpu.memory_space<hbm>> -> memref<2x128xi32, #tpu.memory_space<hbm>>
        tpu.enqueue_dma source(%dma_start3A_488 : memref<2x128xi32, #tpu.memory_space<hbm>>) target(%arg7 : memref<2x128xi32, #tpu.memory_space<vmem>>) target_semaphore(%arg22 : memref<!tpu.dma_semaphore, #tpu.memory_space<semaphore_mem>>)
      } else {
      }
      %add3A_424 = arith.constant 1 : i32
      %add3A_425 = arith.addi %add3A_395, %add3A_424 : i32
      %lt3A_426 = arith.constant 160 : i32
      %lt3A_427 = arith.cmpi slt, %add3A_425, %lt3A_426 : i32
      %convert_element_type3A_428 = arith.extui %lt3A_427 : i1 to i32
      %cond3A_429 = arith.constant 0 : i32
      %cond3A_430 = arith.cmpi ne, %convert_element_type3A_428, %cond3A_429 : i32
      scf.if %cond3A_430 {
        %add3A_469 = arith.constant 1 : i32
        %add3A_470 = arith.addi %add3A_395, %add3A_469 : i32
        %dma_wait3A_471 = arith.constant 0 : i32
        %dma_wait3A_472 = arith.constant 0 : i32
        %dma_wait3A_473 = arith.constant 0 : i32
        %dma_wait3A_474 = tpu.memref_slice %arg3[%arg1, %dma_wait3A_471, %dma_wait3A_472, %dma_wait3A_473] : memref<16x160x2x128xi32, #tpu.memory_space<hbm>> -> memref<1x160x2x128xi32, #tpu.memory_space<hbm>>
        %dma_wait3A_475 = tpu.memref_squeeze %dma_wait3A_474 : memref<1x160x2x128xi32, #tpu.memory_space<hbm>> -> memref<160x2x128xi32, #tpu.memory_space<hbm>>
        %dma_wait3A_476 = arith.constant 0 : i32
        %dma_wait3A_477 = arith.constant 0 : i32
        %dma_wait3A_478 = tpu.memref_slice %dma_wait3A_475[%add3A_470, %dma_wait3A_476, %dma_wait3A_477] : memref<160x2x128xi32, #tpu.memory_space<hbm>> -> memref<1x2x128xi32, #tpu.memory_space<hbm>>
        %dma_wait3A_479 = tpu.memref_squeeze %dma_wait3A_478 : memref<1x2x128xi32, #tpu.memory_space<hbm>> -> memref<2x128xi32, #tpu.memory_space<hbm>>
        %dma_wait3A_480 = arith.constant 0 : i32
        %dma_wait3A_481 = arith.constant 0 : i32
        %dma_wait3A_482 = arith.constant 0 : i32
        %dma_wait3A_483 = tpu.memref_slice %arg3[%arg1, %dma_wait3A_480, %dma_wait3A_481, %dma_wait3A_482] : memref<16x160x2x128xi32, #tpu.memory_space<hbm>> -> memref<1x160x2x128xi32, #tpu.memory_space<hbm>>
        %dma_wait3A_484 = tpu.memref_squeeze %dma_wait3A_483 : memref<1x160x2x128xi32, #tpu.memory_space<hbm>> -> memref<160x2x128xi32, #tpu.memory_space<hbm>>
        %dma_wait3A_485 = arith.constant 0 : i32
        %dma_wait3A_486 = arith.constant 0 : i32
        %dma_wait3A_487 = tpu.memref_slice %dma_wait3A_484[%add3A_470, %dma_wait3A_485, %dma_wait3A_486] : memref<160x2x128xi32, #tpu.memory_space<hbm>> -> memref<1x2x128xi32, #tpu.memory_space<hbm>>
        %dma_wait3A_488 = tpu.memref_squeeze %dma_wait3A_487 : memref<1x2x128xi32, #tpu.memory_space<hbm>> -> memref<2x128xi32, #tpu.memory_space<hbm>>
        tpu.wait_dma2 semaphore(%arg27 : memref<!tpu.dma_semaphore, #tpu.memory_space<semaphore_mem>>) src(%dma_wait3A_488 : memref<2x128xi32, #tpu.memory_space<hbm>>) dst(%arg12 : memref<2x128xi32, #tpu.memory_space<vmem>>)
        %dma_start3A_489 = arith.constant 0 : i32
        %dma_start3A_490 = arith.constant 0 : i32
        %dma_start3A_491 = tpu.memref_slice %arg12[%dma_start3A_489, %dma_start3A_490] : memref<2x128xi32, #tpu.memory_space<vmem>> -> memref<1x128xi32, #tpu.memory_space<vmem>>
        %dma_start3A_492 = tpu.memref_squeeze %dma_start3A_491 : memref<1x128xi32, #tpu.memory_space<vmem>> -> memref<128xi32, #tpu.memory_space<vmem>>
        %dma_start3A_493 = arith.constant 0 : i32
        %dma_start3A_494 = arith.constant 0 : i32
        %dma_start3A_495 = tpu.memref_slice %arg18[%dma_start3A_493, %dma_start3A_494] : memref<10240x64xf32, #tpu.memory_space<vmem_shared>> -> memref<10240x64xf32, #tpu.memory_space<vmem_shared>>
        tpu.enqueue_indirect_dma source(%dma_start3A_495 : memref<10240x64xf32, #tpu.memory_space<vmem_shared>>) target(%arg16 : memref<128x64xf32, #tpu.memory_space<vmem>>) offsets(%dma_start3A_492 : memref<128xi32, #tpu.memory_space<vmem>>) semaphore(%arg31 : memref<!tpu.dma_semaphore, #tpu.memory_space<semaphore_mem>>)
      } else {
      }
      %add3A_431 = arith.constant 7 : i32
      %add3A_432 = arith.addi %mul3A_174, %add3A_431 : i32
      %dma_wait3A_433 = arith.constant 0 : i32
      %dma_wait3A_434 = arith.constant 0 : i32
      %dma_wait3A_435 = tpu.memref_slice %arg12[%dma_wait3A_433, %dma_wait3A_434] : memref<2x128xi32, #tpu.memory_space<vmem>> -> memref<1x128xi32, #tpu.memory_space<vmem>>
      %dma_wait3A_436 = tpu.memref_squeeze %dma_wait3A_435 : memref<1x128xi32, #tpu.memory_space<vmem>> -> memref<128xi32, #tpu.memory_space<vmem>>
      %dma_wait3A_437 = arith.constant 0 : i32
      %dma_wait3A_438 = arith.constant 0 : i32
      %dma_wait3A_439 = tpu.memref_slice %arg18[%dma_wait3A_437, %dma_wait3A_438] : memref<10240x64xf32, #tpu.memory_space<vmem_shared>> -> memref<10240x64xf32, #tpu.memory_space<vmem_shared>>
      tpu.wait_indirect_dma semaphore(%arg31 : memref<!tpu.dma_semaphore, #tpu.memory_space<semaphore_mem>>) src(%dma_wait3A_439 : memref<10240x64xf32, #tpu.memory_space<vmem_shared>>) dst(%arg16 : memref<128x64xf32, #tpu.memory_space<vmem>>)
      %dma_start3A_440 = arith.constant 1 : i32
      %dma_start3A_441 = arith.constant 0 : i32
      %dma_start3A_442 = tpu.memref_slice %arg12[%dma_start3A_440, %dma_start3A_441] : memref<2x128xi32, #tpu.memory_space<vmem>> -> memref<1x128xi32, #tpu.memory_space<vmem>>
      %dma_start3A_443 = tpu.memref_squeeze %dma_start3A_442 : memref<1x128xi32, #tpu.memory_space<vmem>> -> memref<128xi32, #tpu.memory_space<vmem>>
      %dma_start3A_444 = arith.constant 0 : i32
      %dma_start3A_445 = arith.constant 0 : i32
      %dma_start3A_446 = tpu.memref_slice %arg19[%dma_start3A_444, %dma_start3A_445] : memref<10240x64xf32, #tpu.memory_space<vmem_shared>> -> memref<10240x64xf32, #tpu.memory_space<vmem_shared>>
      tpu.enqueue_indirect_dma source(%arg16 : memref<128x64xf32, #tpu.memory_space<vmem>>) target(%dma_start3A_446 : memref<10240x64xf32, #tpu.memory_space<vmem_shared>>) offsets(%dma_start3A_443 : memref<128xi32, #tpu.memory_space<vmem>>) semaphore(%arg35 : memref<!tpu.dma_semaphore, #tpu.memory_space<semaphore_mem>>) {add = true}
      %add3A_447 = arith.constant 2 : i32
      %add3A_448 = arith.addi %add3A_432, %add3A_447 : i32
      %lt3A_449 = arith.constant 160 : i32
      %lt3A_450 = arith.cmpi slt, %add3A_448, %lt3A_449 : i32
      %convert_element_type3A_451 = arith.extui %lt3A_450 : i1 to i32
      %cond3A_452 = arith.constant 0 : i32
      %cond3A_453 = arith.cmpi ne, %convert_element_type3A_451, %cond3A_452 : i32
      scf.if %cond3A_453 {
        %sub3A = arith.constant 2 : i32
        %sub3A_469 = arith.subi %add3A_432, %sub3A : i32
        %ge3A = arith.constant 0 : i32
        %ge3A_470 = arith.cmpi sge, %sub3A_469, %ge3A : i32
        %convert_element_type3A_471 = arith.extui %ge3A_470 : i1 to i32
        %cond3A_472 = arith.constant 0 : i32
        %cond3A_473 = arith.cmpi ne, %convert_element_type3A_471, %cond3A_472 : i32
        scf.if %cond3A_473 {
          %dma_wait3A_474 = arith.constant 1 : i32
          %dma_wait3A_475 = arith.constant 0 : i32
          %dma_wait3A_476 = tpu.memref_slice %arg10[%dma_wait3A_474, %dma_wait3A_475] : memref<2x128xi32, #tpu.memory_space<vmem>> -> memref<1x128xi32, #tpu.memory_space<vmem>>
          %dma_wait3A_477 = tpu.memref_squeeze %dma_wait3A_476 : memref<1x128xi32, #tpu.memory_space<vmem>> -> memref<128xi32, #tpu.memory_space<vmem>>
          %dma_wait3A_478 = arith.constant 0 : i32
          %dma_wait3A_479 = arith.constant 0 : i32
          %dma_wait3A_480 = tpu.memref_slice %arg19[%dma_wait3A_478, %dma_wait3A_479] : memref<10240x64xf32, #tpu.memory_space<vmem_shared>> -> memref<10240x64xf32, #tpu.memory_space<vmem_shared>>
          tpu.wait_indirect_dma semaphore(%arg33 : memref<!tpu.dma_semaphore, #tpu.memory_space<semaphore_mem>>) src(%arg14 : memref<128x64xf32, #tpu.memory_space<vmem>>) dst(%dma_wait3A_480 : memref<10240x64xf32, #tpu.memory_space<vmem_shared>>)
        } else {
        }
      } else {
      }
      %add3A_454 = arith.constant 4 : i32
      %add3A_455 = arith.addi %add3A_432, %add3A_454 : i32
      %lt3A_456 = arith.constant 160 : i32
      %lt3A_457 = arith.cmpi slt, %add3A_455, %lt3A_456 : i32
      %convert_element_type3A_458 = arith.extui %lt3A_457 : i1 to i32
      %cond3A_459 = arith.constant 0 : i32
      %cond3A_460 = arith.cmpi ne, %convert_element_type3A_458, %cond3A_459 : i32
      scf.if %cond3A_460 {
        %add3A_469 = arith.constant 4 : i32
        %add3A_470 = arith.addi %add3A_432, %add3A_469 : i32
        %dma_start3A_471 = arith.constant 0 : i32
        %dma_start3A_472 = arith.constant 0 : i32
        %dma_start3A_473 = arith.constant 0 : i32
        %dma_start3A_474 = tpu.memref_slice %arg3[%arg1, %dma_start3A_471, %dma_start3A_472, %dma_start3A_473] : memref<16x160x2x128xi32, #tpu.memory_space<hbm>> -> memref<1x160x2x128xi32, #tpu.memory_space<hbm>>
        %dma_start3A_475 = tpu.memref_squeeze %dma_start3A_474 : memref<1x160x2x128xi32, #tpu.memory_space<hbm>> -> memref<160x2x128xi32, #tpu.memory_space<hbm>>
        %dma_start3A_476 = arith.constant 0 : i32
        %dma_start3A_477 = arith.constant 0 : i32
        %dma_start3A_478 = tpu.memref_slice %dma_start3A_475[%add3A_470, %dma_start3A_476, %dma_start3A_477] : memref<160x2x128xi32, #tpu.memory_space<hbm>> -> memref<1x2x128xi32, #tpu.memory_space<hbm>>
        %dma_start3A_479 = tpu.memref_squeeze %dma_start3A_478 : memref<1x2x128xi32, #tpu.memory_space<hbm>> -> memref<2x128xi32, #tpu.memory_space<hbm>>
        %dma_start3A_480 = arith.constant 0 : i32
        %dma_start3A_481 = arith.constant 0 : i32
        %dma_start3A_482 = arith.constant 0 : i32
        %dma_start3A_483 = tpu.memref_slice %arg3[%arg1, %dma_start3A_480, %dma_start3A_481, %dma_start3A_482] : memref<16x160x2x128xi32, #tpu.memory_space<hbm>> -> memref<1x160x2x128xi32, #tpu.memory_space<hbm>>
        %dma_start3A_484 = tpu.memref_squeeze %dma_start3A_483 : memref<1x160x2x128xi32, #tpu.memory_space<hbm>> -> memref<160x2x128xi32, #tpu.memory_space<hbm>>
        %dma_start3A_485 = arith.constant 0 : i32
        %dma_start3A_486 = arith.constant 0 : i32
        %dma_start3A_487 = tpu.memref_slice %dma_start3A_484[%add3A_470, %dma_start3A_485, %dma_start3A_486] : memref<160x2x128xi32, #tpu.memory_space<hbm>> -> memref<1x2x128xi32, #tpu.memory_space<hbm>>
        %dma_start3A_488 = tpu.memref_squeeze %dma_start3A_487 : memref<1x2x128xi32, #tpu.memory_space<hbm>> -> memref<2x128xi32, #tpu.memory_space<hbm>>
        tpu.enqueue_dma source(%dma_start3A_488 : memref<2x128xi32, #tpu.memory_space<hbm>>) target(%arg8 : memref<2x128xi32, #tpu.memory_space<vmem>>) target_semaphore(%arg23 : memref<!tpu.dma_semaphore, #tpu.memory_space<semaphore_mem>>)
      } else {
      }
      %add3A_461 = arith.constant 1 : i32
      %add3A_462 = arith.addi %add3A_432, %add3A_461 : i32
      %lt3A_463 = arith.constant 160 : i32
      %lt3A_464 = arith.cmpi slt, %add3A_462, %lt3A_463 : i32
      %convert_element_type3A_465 = arith.extui %lt3A_464 : i1 to i32
      %cond3A_466 = arith.constant 0 : i32
      %cond3A_467 = arith.cmpi ne, %convert_element_type3A_465, %cond3A_466 : i32
      scf.if %cond3A_467 {
        %add3A_469 = arith.constant 1 : i32
        %add3A_470 = arith.addi %add3A_432, %add3A_469 : i32
        %dma_wait3A_471 = arith.constant 0 : i32
        %dma_wait3A_472 = arith.constant 0 : i32
        %dma_wait3A_473 = arith.constant 0 : i32
        %dma_wait3A_474 = tpu.memref_slice %arg3[%arg1, %dma_wait3A_471, %dma_wait3A_472, %dma_wait3A_473] : memref<16x160x2x128xi32, #tpu.memory_space<hbm>> -> memref<1x160x2x128xi32, #tpu.memory_space<hbm>>
        %dma_wait3A_475 = tpu.memref_squeeze %dma_wait3A_474 : memref<1x160x2x128xi32, #tpu.memory_space<hbm>> -> memref<160x2x128xi32, #tpu.memory_space<hbm>>
        %dma_wait3A_476 = arith.constant 0 : i32
        %dma_wait3A_477 = arith.constant 0 : i32
        %dma_wait3A_478 = tpu.memref_slice %dma_wait3A_475[%add3A_470, %dma_wait3A_476, %dma_wait3A_477] : memref<160x2x128xi32, #tpu.memory_space<hbm>> -> memref<1x2x128xi32, #tpu.memory_space<hbm>>
        %dma_wait3A_479 = tpu.memref_squeeze %dma_wait3A_478 : memref<1x2x128xi32, #tpu.memory_space<hbm>> -> memref<2x128xi32, #tpu.memory_space<hbm>>
        %dma_wait3A_480 = arith.constant 0 : i32
        %dma_wait3A_481 = arith.constant 0 : i32
        %dma_wait3A_482 = arith.constant 0 : i32
        %dma_wait3A_483 = tpu.memref_slice %arg3[%arg1, %dma_wait3A_480, %dma_wait3A_481, %dma_wait3A_482] : memref<16x160x2x128xi32, #tpu.memory_space<hbm>> -> memref<1x160x2x128xi32, #tpu.memory_space<hbm>>
        %dma_wait3A_484 = tpu.memref_squeeze %dma_wait3A_483 : memref<1x160x2x128xi32, #tpu.memory_space<hbm>> -> memref<160x2x128xi32, #tpu.memory_space<hbm>>
        %dma_wait3A_485 = arith.constant 0 : i32
        %dma_wait3A_486 = arith.constant 0 : i32
        %dma_wait3A_487 = tpu.memref_slice %dma_wait3A_484[%add3A_470, %dma_wait3A_485, %dma_wait3A_486] : memref<160x2x128xi32, #tpu.memory_space<hbm>> -> memref<1x2x128xi32, #tpu.memory_space<hbm>>
        %dma_wait3A_488 = tpu.memref_squeeze %dma_wait3A_487 : memref<1x2x128xi32, #tpu.memory_space<hbm>> -> memref<2x128xi32, #tpu.memory_space<hbm>>
        tpu.wait_dma2 semaphore(%arg20 : memref<!tpu.dma_semaphore, #tpu.memory_space<semaphore_mem>>) src(%dma_wait3A_488 : memref<2x128xi32, #tpu.memory_space<hbm>>) dst(%arg5 : memref<2x128xi32, #tpu.memory_space<vmem>>)
        %dma_start3A_489 = arith.constant 0 : i32
        %dma_start3A_490 = arith.constant 0 : i32
        %dma_start3A_491 = tpu.memref_slice %arg5[%dma_start3A_489, %dma_start3A_490] : memref<2x128xi32, #tpu.memory_space<vmem>> -> memref<1x128xi32, #tpu.memory_space<vmem>>
        %dma_start3A_492 = tpu.memref_squeeze %dma_start3A_491 : memref<1x128xi32, #tpu.memory_space<vmem>> -> memref<128xi32, #tpu.memory_space<vmem>>
        %dma_start3A_493 = arith.constant 0 : i32
        %dma_start3A_494 = arith.constant 0 : i32
        %dma_start3A_495 = tpu.memref_slice %arg18[%dma_start3A_493, %dma_start3A_494] : memref<10240x64xf32, #tpu.memory_space<vmem_shared>> -> memref<10240x64xf32, #tpu.memory_space<vmem_shared>>
        tpu.enqueue_indirect_dma source(%dma_start3A_495 : memref<10240x64xf32, #tpu.memory_space<vmem_shared>>) target(%arg13 : memref<128x64xf32, #tpu.memory_space<vmem>>) offsets(%dma_start3A_492 : memref<128xi32, #tpu.memory_space<vmem>>) semaphore(%arg28 : memref<!tpu.dma_semaphore, #tpu.memory_space<semaphore_mem>>)
      } else {
      }
      %scan3A_468 = arith.constant 0 : i32
      scf.yield %scan3A_468 : i32
    }
    %scan3A_131 = arith.constant 20 : i32
    %dma_wait3A_132 = arith.constant 1 : i32
    %dma_wait3A_133 = arith.constant 0 : i32
    %dma_wait3A_134 = tpu.memref_slice %arg9[%dma_wait3A_132, %dma_wait3A_133] : memref<2x128xi32, #tpu.memory_space<vmem>> -> memref<1x128xi32, #tpu.memory_space<vmem>>
    %dma_wait3A_135 = tpu.memref_squeeze %dma_wait3A_134 : memref<1x128xi32, #tpu.memory_space<vmem>> -> memref<128xi32, #tpu.memory_space<vmem>>
    %dma_wait3A_136 = arith.constant 0 : i32
    %dma_wait3A_137 = arith.constant 0 : i32
    %dma_wait3A_138 = tpu.memref_slice %arg19[%dma_wait3A_136, %dma_wait3A_137] : memref<10240x64xf32, #tpu.memory_space<vmem_shared>> -> memref<10240x64xf32, #tpu.memory_space<vmem_shared>>
    tpu.wait_indirect_dma semaphore(%arg32 : memref<!tpu.dma_semaphore, #tpu.memory_space<semaphore_mem>>) src(%arg13 : memref<128x64xf32, #tpu.memory_space<vmem>>) dst(%dma_wait3A_138 : memref<10240x64xf32, #tpu.memory_space<vmem_shared>>)
    %dma_wait3A_139 = arith.constant 1 : i32
    %dma_wait3A_140 = arith.constant 0 : i32
    %dma_wait3A_141 = tpu.memref_slice %arg10[%dma_wait3A_139, %dma_wait3A_140] : memref<2x128xi32, #tpu.memory_space<vmem>> -> memref<1x128xi32, #tpu.memory_space<vmem>>
    %dma_wait3A_142 = tpu.memref_squeeze %dma_wait3A_141 : memref<1x128xi32, #tpu.memory_space<vmem>> -> memref<128xi32, #tpu.memory_space<vmem>>
    %dma_wait3A_143 = arith.constant 0 : i32
    %dma_wait3A_144 = arith.constant 0 : i32
    %dma_wait3A_145 = tpu.memref_slice %arg19[%dma_wait3A_143, %dma_wait3A_144] : memref<10240x64xf32, #tpu.memory_space<vmem_shared>> -> memref<10240x64xf32, #tpu.memory_space<vmem_shared>>
    tpu.wait_indirect_dma semaphore(%arg33 : memref<!tpu.dma_semaphore, #tpu.memory_space<semaphore_mem>>) src(%arg14 : memref<128x64xf32, #tpu.memory_space<vmem>>) dst(%dma_wait3A_145 : memref<10240x64xf32, #tpu.memory_space<vmem_shared>>)
    %dma_wait3A_146 = arith.constant 1 : i32
    %dma_wait3A_147 = arith.constant 0 : i32
    %dma_wait3A_148 = tpu.memref_slice %arg11[%dma_wait3A_146, %dma_wait3A_147] : memref<2x128xi32, #tpu.memory_space<vmem>> -> memref<1x128xi32, #tpu.memory_space<vmem>>
    %dma_wait3A_149 = tpu.memref_squeeze %dma_wait3A_148 : memref<1x128xi32, #tpu.memory_space<vmem>> -> memref<128xi32, #tpu.memory_space<vmem>>
    %dma_wait3A_150 = arith.constant 0 : i32
    %dma_wait3A_151 = arith.constant 0 : i32
    %dma_wait3A_152 = tpu.memref_slice %arg19[%dma_wait3A_150, %dma_wait3A_151] : memref<10240x64xf32, #tpu.memory_space<vmem_shared>> -> memref<10240x64xf32, #tpu.memory_space<vmem_shared>>
    tpu.wait_indirect_dma semaphore(%arg34 : memref<!tpu.dma_semaphore, #tpu.memory_space<semaphore_mem>>) src(%arg15 : memref<128x64xf32, #tpu.memory_space<vmem>>) dst(%dma_wait3A_152 : memref<10240x64xf32, #tpu.memory_space<vmem_shared>>)
    %dma_wait3A_153 = arith.constant 1 : i32
    %dma_wait3A_154 = arith.constant 0 : i32
    %dma_wait3A_155 = tpu.memref_slice %arg12[%dma_wait3A_153, %dma_wait3A_154] : memref<2x128xi32, #tpu.memory_space<vmem>> -> memref<1x128xi32, #tpu.memory_space<vmem>>
    %dma_wait3A_156 = tpu.memref_squeeze %dma_wait3A_155 : memref<1x128xi32, #tpu.memory_space<vmem>> -> memref<128xi32, #tpu.memory_space<vmem>>
    %dma_wait3A_157 = arith.constant 0 : i32
    %dma_wait3A_158 = arith.constant 0 : i32
    %dma_wait3A_159 = tpu.memref_slice %arg19[%dma_wait3A_157, %dma_wait3A_158] : memref<10240x64xf32, #tpu.memory_space<vmem_shared>> -> memref<10240x64xf32, #tpu.memory_space<vmem_shared>>
    tpu.wait_indirect_dma semaphore(%arg35 : memref<!tpu.dma_semaphore, #tpu.memory_space<semaphore_mem>>) src(%arg16 : memref<128x64xf32, #tpu.memory_space<vmem>>) dst(%dma_wait3A_159 : memref<10240x64xf32, #tpu.memory_space<vmem_shared>>)
    %barrier3A_160 = arith.constant 0 : index
    tpu.barrier barrier_id(%barrier3A_160)
    %add3A_161 = arith.constant 0 : i32
    %add3A_162 = arith.addi %mul3A_0, %add3A_161 : i32
    "tpu.region"() ({
      %run_scoped3A = tpu.sem_alloc : memref<!tpu.dma_semaphore, #tpu.memory_space<semaphore_mem>>
      %dma_start3A_171 = tpu.memref_slice %arg4[%add3A_162, %mul3A_2] : memref<10240x128xf32, #tpu.memory_space<hbm>> -> memref<128x64xf32, #tpu.memory_space<hbm>>
      %dma_start3A_172 = arith.constant 0 : i32
      %dma_start3A_173 = tpu.memref_slice %arg19[%add3A_162, %dma_start3A_172] : memref<10240x64xf32, #tpu.memory_space<vmem_shared>> -> memref<128x64xf32, #tpu.memory_space<vmem_shared>>
      tpu.enqueue_dma source(%dma_start3A_173 : memref<128x64xf32, #tpu.memory_space<vmem_shared>>) target(%dma_start3A_171 : memref<128x64xf32, #tpu.memory_space<hbm>>) target_semaphore(%run_scoped3A : memref<!tpu.dma_semaphore, #tpu.memory_space<semaphore_mem>>)
      %dma_wait3A_174 = tpu.memref_slice %arg4[%add3A_162, %mul3A_2] : memref<10240x128xf32, #tpu.memory_space<hbm>> -> memref<128x64xf32, #tpu.memory_space<hbm>>
      %dma_wait3A_175 = arith.constant 0 : i32
      %dma_wait3A_176 = tpu.memref_slice %arg19[%add3A_162, %dma_wait3A_175] : memref<10240x64xf32, #tpu.memory_space<vmem_shared>> -> memref<128x64xf32, #tpu.memory_space<vmem_shared>>
      tpu.wait_dma2 semaphore(%run_scoped3A : memref<!tpu.dma_semaphore, #tpu.memory_space<semaphore_mem>>) src(%dma_wait3A_176 : memref<128x64xf32, #tpu.memory_space<vmem_shared>>) dst(%dma_wait3A_174 : memref<128x64xf32, #tpu.memory_space<hbm>>)
      tpu.yield
    }) : () -> ()
    %add3A_163 = arith.constant 128 : i32
    %add3A_164 = arith.addi %mul3A_0, %add3A_163 : i32
    "tpu.region"() ({
      %run_scoped3A = tpu.sem_alloc : memref<!tpu.dma_semaphore, #tpu.memory_space<semaphore_mem>>
      %dma_start3A_171 = tpu.memref_slice %arg4[%add3A_164, %mul3A_2] : memref<10240x128xf32, #tpu.memory_space<hbm>> -> memref<128x64xf32, #tpu.memory_space<hbm>>
      %dma_start3A_172 = arith.constant 0 : i32
      %dma_start3A_173 = tpu.memref_slice %arg19[%add3A_164, %dma_start3A_172] : memref<10240x64xf32, #tpu.memory_space<vmem_shared>> -> memref<128x64xf32, #tpu.memory_space<vmem_shared>>
      tpu.enqueue_dma source(%dma_start3A_173 : memref<128x64xf32, #tpu.memory_space<vmem_shared>>) target(%dma_start3A_171 : memref<128x64xf32, #tpu.memory_space<hbm>>) target_semaphore(%run_scoped3A : memref<!tpu.dma_semaphore, #tpu.memory_space<semaphore_mem>>)
      %dma_wait3A_174 = tpu.memref_slice %arg4[%add3A_164, %mul3A_2] : memref<10240x128xf32, #tpu.memory_space<hbm>> -> memref<128x64xf32, #tpu.memory_space<hbm>>
      %dma_wait3A_175 = arith.constant 0 : i32
      %dma_wait3A_176 = tpu.memref_slice %arg19[%add3A_164, %dma_wait3A_175] : memref<10240x64xf32, #tpu.memory_space<vmem_shared>> -> memref<128x64xf32, #tpu.memory_space<vmem_shared>>
      tpu.wait_dma2 semaphore(%run_scoped3A : memref<!tpu.dma_semaphore, #tpu.memory_space<semaphore_mem>>) src(%dma_wait3A_176 : memref<128x64xf32, #tpu.memory_space<vmem_shared>>) dst(%dma_wait3A_174 : memref<128x64xf32, #tpu.memory_space<hbm>>)
      tpu.yield
    }) : () -> ()
    %add3A_165 = arith.constant 256 : i32
    %add3A_166 = arith.addi %mul3A_0, %add3A_165 : i32
    "tpu.region"() ({
      %run_scoped3A = tpu.sem_alloc : memref<!tpu.dma_semaphore, #tpu.memory_space<semaphore_mem>>
      %dma_start3A_171 = tpu.memref_slice %arg4[%add3A_166, %mul3A_2] : memref<10240x128xf32, #tpu.memory_space<hbm>> -> memref<128x64xf32, #tpu.memory_space<hbm>>
      %dma_start3A_172 = arith.constant 0 : i32
      %dma_start3A_173 = tpu.memref_slice %arg19[%add3A_166, %dma_start3A_172] : memref<10240x64xf32, #tpu.memory_space<vmem_shared>> -> memref<128x64xf32, #tpu.memory_space<vmem_shared>>
      tpu.enqueue_dma source(%dma_start3A_173 : memref<128x64xf32, #tpu.memory_space<vmem_shared>>) target(%dma_start3A_171 : memref<128x64xf32, #tpu.memory_space<hbm>>) target_semaphore(%run_scoped3A : memref<!tpu.dma_semaphore, #tpu.memory_space<semaphore_mem>>)
      %dma_wait3A_174 = tpu.memref_slice %arg4[%add3A_166, %mul3A_2] : memref<10240x128xf32, #tpu.memory_space<hbm>> -> memref<128x64xf32, #tpu.memory_space<hbm>>
      %dma_wait3A_175 = arith.constant 0 : i32
      %dma_wait3A_176 = tpu.memref_slice %arg19[%add3A_166, %dma_wait3A_175] : memref<10240x64xf32, #tpu.memory_space<vmem_shared>> -> memref<128x64xf32, #tpu.memory_space<vmem_shared>>
      tpu.wait_dma2 semaphore(%run_scoped3A : memref<!tpu.dma_semaphore, #tpu.memory_space<semaphore_mem>>) src(%dma_wait3A_176 : memref<128x64xf32, #tpu.memory_space<vmem_shared>>) dst(%dma_wait3A_174 : memref<128x64xf32, #tpu.memory_space<hbm>>)
      tpu.yield
    }) : () -> ()
    %add3A_167 = arith.constant 384 : i32
    %add3A_168 = arith.addi %mul3A_0, %add3A_167 : i32
    "tpu.region"() ({
      %run_scoped3A = tpu.sem_alloc : memref<!tpu.dma_semaphore, #tpu.memory_space<semaphore_mem>>
      %dma_start3A_171 = tpu.memref_slice %arg4[%add3A_168, %mul3A_2] : memref<10240x128xf32, #tpu.memory_space<hbm>> -> memref<128x64xf32, #tpu.memory_space<hbm>>
      %dma_start3A_172 = arith.constant 0 : i32
      %dma_start3A_173 = tpu.memref_slice %arg19[%add3A_168, %dma_start3A_172] : memref<10240x64xf32, #tpu.memory_space<vmem_shared>> -> memref<128x64xf32, #tpu.memory_space<vmem_shared>>
      tpu.enqueue_dma source(%dma_start3A_173 : memref<128x64xf32, #tpu.memory_space<vmem_shared>>) target(%dma_start3A_171 : memref<128x64xf32, #tpu.memory_space<hbm>>) target_semaphore(%run_scoped3A : memref<!tpu.dma_semaphore, #tpu.memory_space<semaphore_mem>>)
      %dma_wait3A_174 = tpu.memref_slice %arg4[%add3A_168, %mul3A_2] : memref<10240x128xf32, #tpu.memory_space<hbm>> -> memref<128x64xf32, #tpu.memory_space<hbm>>
      %dma_wait3A_175 = arith.constant 0 : i32
      %dma_wait3A_176 = tpu.memref_slice %arg19[%add3A_168, %dma_wait3A_175] : memref<10240x64xf32, #tpu.memory_space<vmem_shared>> -> memref<128x64xf32, #tpu.memory_space<vmem_shared>>
      tpu.wait_dma2 semaphore(%run_scoped3A : memref<!tpu.dma_semaphore, #tpu.memory_space<semaphore_mem>>) src(%dma_wait3A_176 : memref<128x64xf32, #tpu.memory_space<vmem_shared>>) dst(%dma_wait3A_174 : memref<128x64xf32, #tpu.memory_space<hbm>>)
      tpu.yield
    }) : () -> ()
    %add3A_169 = arith.constant 512 : i32
    %add3A_170 = arith.addi %mul3A_0, %add3A_169 : i32
    "tpu.region"() ({
      %run_scoped3A = tpu.sem_alloc : memref<!tpu.dma_semaphore, #tpu.memory_space<semaphore_mem>>
      %dma_start3A_171 = tpu.memref_slice %arg4[%add3A_170, %mul3A_2] : memref<10240x128xf32, #tpu.memory_space<hbm>> -> memref<128x64xf32, #tpu.memory_space<hbm>>
      %dma_start3A_172 = arith.constant 0 : i32
      %dma_start3A_173 = tpu.memref_slice %arg19[%add3A_170, %dma_start3A_172] : memref<10240x64xf32, #tpu.memory_space<vmem_shared>> -> memref<128x64xf32, #tpu.memory_space<vmem_shared>>
      tpu.enqueue_dma source(%dma_start3A_173 : memref<128x64xf32, #tpu.memory_space<vmem_shared>>) target(%dma_start3A_171 : memref<128x64xf32, #tpu.memory_space<hbm>>) target_semaphore(%run_scoped3A : memref<!tpu.dma_semaphore, #tpu.memory_space<semaphore_mem>>)
      %dma_wait3A_174 = tpu.memref_slice %arg4[%add3A_170, %mul3A_2] : memref<10240x128xf32, #tpu.memory_space<hbm>> -> memref<128x64xf32, #tpu.memory_space<hbm>>
      %dma_wait3A_175 = arith.constant 0 : i32
      %dma_wait3A_176 = tpu.memref_slice %arg19[%add3A_170, %dma_wait3A_175] : memref<10240x64xf32, #tpu.memory_space<vmem_shared>> -> memref<128x64xf32, #tpu.memory_space<vmem_shared>>
      tpu.wait_dma2 semaphore(%run_scoped3A : memref<!tpu.dma_semaphore, #tpu.memory_space<semaphore_mem>>) src(%dma_wait3A_176 : memref<128x64xf32, #tpu.memory_space<vmem_shared>>) dst(%dma_wait3A_174 : memref<128x64xf32, #tpu.memory_space<hbm>>)
      tpu.yield
    }) : () -> ()
    return
  }
}

#map = affine_map<(d0, d1) -> (0, 0, 0)>
module attributes {stable_mosaic.version = 14 : i64} {
  func.func @sc_degree(%arg0: i32, %arg1: i32, %arg2: memref<16x160x128xi32, #tpu.memory_space<hbm>>, %arg3: memref<2x10240x16xf32, #tpu.memory_space<hbm>>, %arg4: memref<160x128xi32, #tpu.memory_space<vmem>>, %arg5: memref<128x16xf32, #tpu.memory_space<vmem>>, %arg6: memref<128x16xf32, #tpu.memory_space<vmem>>, %arg7: memref<10240x16xf32, #tpu.memory_space<vmem_shared>>) attributes {dimension_semantics = [#tpu.dimension_semantics<core_parallel>, #tpu.dimension_semantics<subcore_parallel>], iteration_bounds = array<i64: 2, 16>, scalar_prefetch = 0 : i64, scratch_operands = 4 : i64, tpu.core_type = #tpu.core_type<sc_vector_subcore>, window_params = [{transform_indices = #map}, {transform_indices = #map}]} {
    "tpu.region"() ({
      %run_scoped3A = tpu.sem_alloc : memref<!tpu.dma_semaphore, #tpu.memory_space<semaphore_mem>>
      %dma_start3A = arith.constant 0 : i32
      %dma_start3A_37 = arith.constant 0 : i32
      %dma_start3A_38 = tpu.memref_slice %arg2[%arg1, %dma_start3A, %dma_start3A_37] : memref<16x160x128xi32, #tpu.memory_space<hbm>> -> memref<1x160x128xi32, #tpu.memory_space<hbm>>
      %dma_start3A_39 = tpu.memref_squeeze %dma_start3A_38 : memref<1x160x128xi32, #tpu.memory_space<hbm>> -> memref<160x128xi32, #tpu.memory_space<hbm>>
      %dma_start3A_40 = arith.constant 0 : i32
      %dma_start3A_41 = arith.constant 0 : i32
      %dma_start3A_42 = tpu.memref_slice %arg2[%arg1, %dma_start3A_40, %dma_start3A_41] : memref<16x160x128xi32, #tpu.memory_space<hbm>> -> memref<1x160x128xi32, #tpu.memory_space<hbm>>
      %dma_start3A_43 = tpu.memref_squeeze %dma_start3A_42 : memref<1x160x128xi32, #tpu.memory_space<hbm>> -> memref<160x128xi32, #tpu.memory_space<hbm>>
      tpu.enqueue_dma source(%dma_start3A_43 : memref<160x128xi32, #tpu.memory_space<hbm>>) target(%arg4 : memref<160x128xi32, #tpu.memory_space<vmem>>) target_semaphore(%run_scoped3A : memref<!tpu.dma_semaphore, #tpu.memory_space<semaphore_mem>>)
      %dma_wait3A = arith.constant 0 : i32
      %dma_wait3A_44 = arith.constant 0 : i32
      %dma_wait3A_45 = tpu.memref_slice %arg2[%arg1, %dma_wait3A, %dma_wait3A_44] : memref<16x160x128xi32, #tpu.memory_space<hbm>> -> memref<1x160x128xi32, #tpu.memory_space<hbm>>
      %dma_wait3A_46 = tpu.memref_squeeze %dma_wait3A_45 : memref<1x160x128xi32, #tpu.memory_space<hbm>> -> memref<160x128xi32, #tpu.memory_space<hbm>>
      %dma_wait3A_47 = arith.constant 0 : i32
      %dma_wait3A_48 = arith.constant 0 : i32
      %dma_wait3A_49 = tpu.memref_slice %arg2[%arg1, %dma_wait3A_47, %dma_wait3A_48] : memref<16x160x128xi32, #tpu.memory_space<hbm>> -> memref<1x160x128xi32, #tpu.memory_space<hbm>>
      %dma_wait3A_50 = tpu.memref_squeeze %dma_wait3A_49 : memref<1x160x128xi32, #tpu.memory_space<hbm>> -> memref<160x128xi32, #tpu.memory_space<hbm>>
      tpu.wait_dma2 semaphore(%run_scoped3A : memref<!tpu.dma_semaphore, #tpu.memory_space<semaphore_mem>>) src(%dma_wait3A_50 : memref<160x128xi32, #tpu.memory_space<hbm>>) dst(%arg4 : memref<160x128xi32, #tpu.memory_space<vmem>>)
      tpu.yield
    }) : () -> ()
    %broadcast_in_dim3A = arith.constant 1.000000e+00 : f32
    %broadcast_in_dim3A_0 = vector.broadcast %broadcast_in_dim3A : f32 to vector<16xf32>
    %broadcast_in_dim3A_1 = arith.constant 0.000000e+00 : f32
    %broadcast_in_dim3A_2 = vector.broadcast %broadcast_in_dim3A_1 : f32 to vector<16xf32>
    %scan3A = arith.constant 0 : i32
    %scan3A_3 = arith.constant 0 : i32
    %scan3A_4 = arith.constant 128 : i32
    %scan3A_5 = arith.addi %scan3A_3, %scan3A_4 : i32
    %scan3A_6 = arith.constant 1 : i32
    %scan3A_7 = scf.for %scan3A_37 = %scan3A_3 to %scan3A_5 step %scan3A_6 iter_args(%scan3A_38 = %scan3A) -> (i32)  : i32 {
      %swap3A = arith.index_cast %scan3A_37 : i32 to index
      %swap3A_39 = arith.constant 0 : index
      %swap3A_40 = tpu.vector_load %arg5[%swap3A, %swap3A_39] {strides = array<i32>} : memref<128x16xf32, #tpu.memory_space<vmem>>, vector<1x16xf32>,
      %swap3A_41 = vector.shape_cast %swap3A_40 : vector<1x16xf32> to vector<16xf32>
      %swap3A_42 = vector.shape_cast %broadcast_in_dim3A_0 : vector<16xf32> to vector<1x16xf32>
      tpu.vector_store %arg5[%swap3A, %swap3A_39], %swap3A_42 {strides = array<i32>} : memref<128x16xf32, #tpu.memory_space<vmem>>, vector<1x16xf32>,
      %swap3A_43 = arith.index_cast %scan3A_37 : i32 to index
      %swap3A_44 = arith.constant 0 : index
      %swap3A_45 = tpu.vector_load %arg6[%swap3A_43, %swap3A_44] {strides = array<i32>} : memref<128x16xf32, #tpu.memory_space<vmem>>, vector<1x16xf32>,
      %swap3A_46 = vector.shape_cast %swap3A_45 : vector<1x16xf32> to vector<16xf32>
      %swap3A_47 = vector.shape_cast %broadcast_in_dim3A_2 : vector<16xf32> to vector<1x16xf32>
      tpu.vector_store %arg6[%swap3A_43, %swap3A_44], %swap3A_47 {strides = array<i32>} : memref<128x16xf32, #tpu.memory_space<vmem>>, vector<1x16xf32>,
      %scan3A_48 = arith.constant 0 : i32
      scf.yield %scan3A_48 : i32
    }
    %scan3A_8 = arith.constant 128 : i32
    %mul3A = arith.constant 640 : i32
    %mul3A_9 = arith.muli %arg1, %mul3A : i32
    %add3A = arith.constant 0 : i32
    %add3A_10 = arith.addi %mul3A_9, %add3A : i32
    "tpu.region"() ({
      %run_scoped3A = tpu.sem_alloc : memref<!tpu.dma_semaphore, #tpu.memory_space<semaphore_mem>>
      %dma_start3A = arith.constant 0 : i32
      %dma_start3A_37 = tpu.memref_slice %arg7[%add3A_10, %dma_start3A] : memref<10240x16xf32, #tpu.memory_space<vmem_shared>> -> memref<128x16xf32, #tpu.memory_space<vmem_shared>>
      %dma_start3A_38 = arith.constant 0 : i32
      %dma_start3A_39 = tpu.memref_slice %arg7[%add3A_10, %dma_start3A_38] : memref<10240x16xf32, #tpu.memory_space<vmem_shared>> -> memref<128x16xf32, #tpu.memory_space<vmem_shared>>
      tpu.enqueue_dma source(%arg6 : memref<128x16xf32, #tpu.memory_space<vmem>>) target(%dma_start3A_39 : memref<128x16xf32, #tpu.memory_space<vmem_shared>>) target_semaphore(%run_scoped3A : memref<!tpu.dma_semaphore, #tpu.memory_space<semaphore_mem>>)
      %dma_wait3A = arith.constant 0 : i32
      %dma_wait3A_40 = tpu.memref_slice %arg7[%add3A_10, %dma_wait3A] : memref<10240x16xf32, #tpu.memory_space<vmem_shared>> -> memref<128x16xf32, #tpu.memory_space<vmem_shared>>
      %dma_wait3A_41 = arith.constant 0 : i32
      %dma_wait3A_42 = tpu.memref_slice %arg7[%add3A_10, %dma_wait3A_41] : memref<10240x16xf32, #tpu.memory_space<vmem_shared>> -> memref<128x16xf32, #tpu.memory_space<vmem_shared>>
      tpu.wait_dma2 semaphore(%run_scoped3A : memref<!tpu.dma_semaphore, #tpu.memory_space<semaphore_mem>>) src(%arg6 : memref<128x16xf32, #tpu.memory_space<vmem>>) dst(%dma_wait3A_42 : memref<128x16xf32, #tpu.memory_space<vmem_shared>>)
      tpu.yield
    }) : () -> ()
    %add3A_11 = arith.constant 128 : i32
    %add3A_12 = arith.addi %mul3A_9, %add3A_11 : i32
    "tpu.region"() ({
      %run_scoped3A = tpu.sem_alloc : memref<!tpu.dma_semaphore, #tpu.memory_space<semaphore_mem>>
      %dma_start3A = arith.constant 0 : i32
      %dma_start3A_37 = tpu.memref_slice %arg7[%add3A_12, %dma_start3A] : memref<10240x16xf32, #tpu.memory_space<vmem_shared>> -> memref<128x16xf32, #tpu.memory_space<vmem_shared>>
      %dma_start3A_38 = arith.constant 0 : i32
      %dma_start3A_39 = tpu.memref_slice %arg7[%add3A_12, %dma_start3A_38] : memref<10240x16xf32, #tpu.memory_space<vmem_shared>> -> memref<128x16xf32, #tpu.memory_space<vmem_shared>>
      tpu.enqueue_dma source(%arg6 : memref<128x16xf32, #tpu.memory_space<vmem>>) target(%dma_start3A_39 : memref<128x16xf32, #tpu.memory_space<vmem_shared>>) target_semaphore(%run_scoped3A : memref<!tpu.dma_semaphore, #tpu.memory_space<semaphore_mem>>)
      %dma_wait3A = arith.constant 0 : i32
      %dma_wait3A_40 = tpu.memref_slice %arg7[%add3A_12, %dma_wait3A] : memref<10240x16xf32, #tpu.memory_space<vmem_shared>> -> memref<128x16xf32, #tpu.memory_space<vmem_shared>>
      %dma_wait3A_41 = arith.constant 0 : i32
      %dma_wait3A_42 = tpu.memref_slice %arg7[%add3A_12, %dma_wait3A_41] : memref<10240x16xf32, #tpu.memory_space<vmem_shared>> -> memref<128x16xf32, #tpu.memory_space<vmem_shared>>
      tpu.wait_dma2 semaphore(%run_scoped3A : memref<!tpu.dma_semaphore, #tpu.memory_space<semaphore_mem>>) src(%arg6 : memref<128x16xf32, #tpu.memory_space<vmem>>) dst(%dma_wait3A_42 : memref<128x16xf32, #tpu.memory_space<vmem_shared>>)
      tpu.yield
    }) : () -> ()
    %add3A_13 = arith.constant 256 : i32
    %add3A_14 = arith.addi %mul3A_9, %add3A_13 : i32
    "tpu.region"() ({
      %run_scoped3A = tpu.sem_alloc : memref<!tpu.dma_semaphore, #tpu.memory_space<semaphore_mem>>
      %dma_start3A = arith.constant 0 : i32
      %dma_start3A_37 = tpu.memref_slice %arg7[%add3A_14, %dma_start3A] : memref<10240x16xf32, #tpu.memory_space<vmem_shared>> -> memref<128x16xf32, #tpu.memory_space<vmem_shared>>
      %dma_start3A_38 = arith.constant 0 : i32
      %dma_start3A_39 = tpu.memref_slice %arg7[%add3A_14, %dma_start3A_38] : memref<10240x16xf32, #tpu.memory_space<vmem_shared>> -> memref<128x16xf32, #tpu.memory_space<vmem_shared>>
      tpu.enqueue_dma source(%arg6 : memref<128x16xf32, #tpu.memory_space<vmem>>) target(%dma_start3A_39 : memref<128x16xf32, #tpu.memory_space<vmem_shared>>) target_semaphore(%run_scoped3A : memref<!tpu.dma_semaphore, #tpu.memory_space<semaphore_mem>>)
      %dma_wait3A = arith.constant 0 : i32
      %dma_wait3A_40 = tpu.memref_slice %arg7[%add3A_14, %dma_wait3A] : memref<10240x16xf32, #tpu.memory_space<vmem_shared>> -> memref<128x16xf32, #tpu.memory_space<vmem_shared>>
      %dma_wait3A_41 = arith.constant 0 : i32
      %dma_wait3A_42 = tpu.memref_slice %arg7[%add3A_14, %dma_wait3A_41] : memref<10240x16xf32, #tpu.memory_space<vmem_shared>> -> memref<128x16xf32, #tpu.memory_space<vmem_shared>>
      tpu.wait_dma2 semaphore(%run_scoped3A : memref<!tpu.dma_semaphore, #tpu.memory_space<semaphore_mem>>) src(%arg6 : memref<128x16xf32, #tpu.memory_space<vmem>>) dst(%dma_wait3A_42 : memref<128x16xf32, #tpu.memory_space<vmem_shared>>)
      tpu.yield
    }) : () -> ()
    %add3A_15 = arith.constant 384 : i32
    %add3A_16 = arith.addi %mul3A_9, %add3A_15 : i32
    "tpu.region"() ({
      %run_scoped3A = tpu.sem_alloc : memref<!tpu.dma_semaphore, #tpu.memory_space<semaphore_mem>>
      %dma_start3A = arith.constant 0 : i32
      %dma_start3A_37 = tpu.memref_slice %arg7[%add3A_16, %dma_start3A] : memref<10240x16xf32, #tpu.memory_space<vmem_shared>> -> memref<128x16xf32, #tpu.memory_space<vmem_shared>>
      %dma_start3A_38 = arith.constant 0 : i32
      %dma_start3A_39 = tpu.memref_slice %arg7[%add3A_16, %dma_start3A_38] : memref<10240x16xf32, #tpu.memory_space<vmem_shared>> -> memref<128x16xf32, #tpu.memory_space<vmem_shared>>
      tpu.enqueue_dma source(%arg6 : memref<128x16xf32, #tpu.memory_space<vmem>>) target(%dma_start3A_39 : memref<128x16xf32, #tpu.memory_space<vmem_shared>>) target_semaphore(%run_scoped3A : memref<!tpu.dma_semaphore, #tpu.memory_space<semaphore_mem>>)
      %dma_wait3A = arith.constant 0 : i32
      %dma_wait3A_40 = tpu.memref_slice %arg7[%add3A_16, %dma_wait3A] : memref<10240x16xf32, #tpu.memory_space<vmem_shared>> -> memref<128x16xf32, #tpu.memory_space<vmem_shared>>
      %dma_wait3A_41 = arith.constant 0 : i32
      %dma_wait3A_42 = tpu.memref_slice %arg7[%add3A_16, %dma_wait3A_41] : memref<10240x16xf32, #tpu.memory_space<vmem_shared>> -> memref<128x16xf32, #tpu.memory_space<vmem_shared>>
      tpu.wait_dma2 semaphore(%run_scoped3A : memref<!tpu.dma_semaphore, #tpu.memory_space<semaphore_mem>>) src(%arg6 : memref<128x16xf32, #tpu.memory_space<vmem>>) dst(%dma_wait3A_42 : memref<128x16xf32, #tpu.memory_space<vmem_shared>>)
      tpu.yield
    }) : () -> ()
    %add3A_17 = arith.constant 512 : i32
    %add3A_18 = arith.addi %mul3A_9, %add3A_17 : i32
    "tpu.region"() ({
      %run_scoped3A = tpu.sem_alloc : memref<!tpu.dma_semaphore, #tpu.memory_space<semaphore_mem>>
      %dma_start3A = arith.constant 0 : i32
      %dma_start3A_37 = tpu.memref_slice %arg7[%add3A_18, %dma_start3A] : memref<10240x16xf32, #tpu.memory_space<vmem_shared>> -> memref<128x16xf32, #tpu.memory_space<vmem_shared>>
      %dma_start3A_38 = arith.constant 0 : i32
      %dma_start3A_39 = tpu.memref_slice %arg7[%add3A_18, %dma_start3A_38] : memref<10240x16xf32, #tpu.memory_space<vmem_shared>> -> memref<128x16xf32, #tpu.memory_space<vmem_shared>>
      tpu.enqueue_dma source(%arg6 : memref<128x16xf32, #tpu.memory_space<vmem>>) target(%dma_start3A_39 : memref<128x16xf32, #tpu.memory_space<vmem_shared>>) target_semaphore(%run_scoped3A : memref<!tpu.dma_semaphore, #tpu.memory_space<semaphore_mem>>)
      %dma_wait3A = arith.constant 0 : i32
      %dma_wait3A_40 = tpu.memref_slice %arg7[%add3A_18, %dma_wait3A] : memref<10240x16xf32, #tpu.memory_space<vmem_shared>> -> memref<128x16xf32, #tpu.memory_space<vmem_shared>>
      %dma_wait3A_41 = arith.constant 0 : i32
      %dma_wait3A_42 = tpu.memref_slice %arg7[%add3A_18, %dma_wait3A_41] : memref<10240x16xf32, #tpu.memory_space<vmem_shared>> -> memref<128x16xf32, #tpu.memory_space<vmem_shared>>
      tpu.wait_dma2 semaphore(%run_scoped3A : memref<!tpu.dma_semaphore, #tpu.memory_space<semaphore_mem>>) src(%arg6 : memref<128x16xf32, #tpu.memory_space<vmem>>) dst(%dma_wait3A_42 : memref<128x16xf32, #tpu.memory_space<vmem_shared>>)
      tpu.yield
    }) : () -> ()
    %barrier3A = arith.constant 0 : index
    tpu.barrier barrier_id(%barrier3A)
    %scan3A_19 = arith.constant 0 : i32
    %scan3A_20 = arith.constant 0 : i32
    %scan3A_21 = arith.constant 160 : i32
    %scan3A_22 = arith.addi %scan3A_20, %scan3A_21 : i32
    %scan3A_23 = arith.constant 1 : i32
    %scan3A_24 = scf.for %scan3A_37 = %scan3A_20 to %scan3A_22 step %scan3A_23 iter_args(%scan3A_38 = %scan3A_19) -> (i32)  : i32 {
      "tpu.region"() ({
        %run_scoped3A = tpu.sem_alloc : memref<!tpu.dma_semaphore, #tpu.memory_space<semaphore_mem>>
        %dma_start3A = arith.constant 0 : i32
        %dma_start3A_40 = tpu.memref_slice %arg4[%scan3A_37, %dma_start3A] : memref<160x128xi32, #tpu.memory_space<vmem>> -> memref<1x128xi32, #tpu.memory_space<vmem>>
        %dma_start3A_41 = tpu.memref_squeeze %dma_start3A_40 : memref<1x128xi32, #tpu.memory_space<vmem>> -> memref<128xi32, #tpu.memory_space<vmem>>
        %dma_start3A_42 = arith.constant 0 : i32
        %dma_start3A_43 = arith.constant 0 : i32
        %dma_start3A_44 = tpu.memref_slice %arg7[%dma_start3A_42, %dma_start3A_43] : memref<10240x16xf32, #tpu.memory_space<vmem_shared>> -> memref<10240x16xf32, #tpu.memory_space<vmem_shared>>
        tpu.enqueue_indirect_dma source(%arg5 : memref<128x16xf32, #tpu.memory_space<vmem>>) target(%dma_start3A_44 : memref<10240x16xf32, #tpu.memory_space<vmem_shared>>) offsets(%dma_start3A_41 : memref<128xi32, #tpu.memory_space<vmem>>) semaphore(%run_scoped3A : memref<!tpu.dma_semaphore, #tpu.memory_space<semaphore_mem>>) {add = true}
        %dma_wait3A = arith.constant 0 : i32
        %dma_wait3A_45 = tpu.memref_slice %arg4[%scan3A_37, %dma_wait3A] : memref<160x128xi32, #tpu.memory_space<vmem>> -> memref<1x128xi32, #tpu.memory_space<vmem>>
        %dma_wait3A_46 = tpu.memref_squeeze %dma_wait3A_45 : memref<1x128xi32, #tpu.memory_space<vmem>> -> memref<128xi32, #tpu.memory_space<vmem>>
        %dma_wait3A_47 = arith.constant 0 : i32
        %dma_wait3A_48 = arith.constant 0 : i32
        %dma_wait3A_49 = tpu.memref_slice %arg7[%dma_wait3A_47, %dma_wait3A_48] : memref<10240x16xf32, #tpu.memory_space<vmem_shared>> -> memref<10240x16xf32, #tpu.memory_space<vmem_shared>>
        tpu.wait_indirect_dma semaphore(%run_scoped3A : memref<!tpu.dma_semaphore, #tpu.memory_space<semaphore_mem>>) src(%arg5 : memref<128x16xf32, #tpu.memory_space<vmem>>) dst(%dma_wait3A_49 : memref<10240x16xf32, #tpu.memory_space<vmem_shared>>)
        tpu.yield
      }) : () -> ()
      %scan3A_39 = arith.constant 0 : i32
      scf.yield %scan3A_39 : i32
    }
    %scan3A_25 = arith.constant 160 : i32
    %barrier3A_26 = arith.constant 0 : index
    tpu.barrier barrier_id(%barrier3A_26)
    %add3A_27 = arith.constant 0 : i32
    %add3A_28 = arith.addi %mul3A_9, %add3A_27 : i32
    "tpu.region"() ({
      %run_scoped3A = tpu.sem_alloc : memref<!tpu.dma_semaphore, #tpu.memory_space<semaphore_mem>>
      %dma_start3A = arith.constant 0 : i32
      %dma_start3A_37 = tpu.memref_slice %arg3[%arg0, %add3A_28, %dma_start3A] : memref<2x10240x16xf32, #tpu.memory_space<hbm>> -> memref<1x128x16xf32, #tpu.memory_space<hbm>>
      %dma_start3A_38 = tpu.memref_squeeze %dma_start3A_37 : memref<1x128x16xf32, #tpu.memory_space<hbm>> -> memref<128x16xf32, #tpu.memory_space<hbm>>
      %dma_start3A_39 = arith.constant 0 : i32
      %dma_start3A_40 = tpu.memref_slice %arg7[%add3A_28, %dma_start3A_39] : memref<10240x16xf32, #tpu.memory_space<vmem_shared>> -> memref<128x16xf32, #tpu.memory_space<vmem_shared>>
      tpu.enqueue_dma source(%dma_start3A_40 : memref<128x16xf32, #tpu.memory_space<vmem_shared>>) target(%dma_start3A_38 : memref<128x16xf32, #tpu.memory_space<hbm>>) target_semaphore(%run_scoped3A : memref<!tpu.dma_semaphore, #tpu.memory_space<semaphore_mem>>)
      %dma_wait3A = arith.constant 0 : i32
      %dma_wait3A_41 = tpu.memref_slice %arg3[%arg0, %add3A_28, %dma_wait3A] : memref<2x10240x16xf32, #tpu.memory_space<hbm>> -> memref<1x128x16xf32, #tpu.memory_space<hbm>>
      %dma_wait3A_42 = tpu.memref_squeeze %dma_wait3A_41 : memref<1x128x16xf32, #tpu.memory_space<hbm>> -> memref<128x16xf32, #tpu.memory_space<hbm>>
      %dma_wait3A_43 = arith.constant 0 : i32
      %dma_wait3A_44 = tpu.memref_slice %arg7[%add3A_28, %dma_wait3A_43] : memref<10240x16xf32, #tpu.memory_space<vmem_shared>> -> memref<128x16xf32, #tpu.memory_space<vmem_shared>>
      tpu.wait_dma2 semaphore(%run_scoped3A : memref<!tpu.dma_semaphore, #tpu.memory_space<semaphore_mem>>) src(%dma_wait3A_44 : memref<128x16xf32, #tpu.memory_space<vmem_shared>>) dst(%dma_wait3A_42 : memref<128x16xf32, #tpu.memory_space<hbm>>)
      tpu.yield
    }) : () -> ()
    %add3A_29 = arith.constant 128 : i32
    %add3A_30 = arith.addi %mul3A_9, %add3A_29 : i32
    "tpu.region"() ({
      %run_scoped3A = tpu.sem_alloc : memref<!tpu.dma_semaphore, #tpu.memory_space<semaphore_mem>>
      %dma_start3A = arith.constant 0 : i32
      %dma_start3A_37 = tpu.memref_slice %arg3[%arg0, %add3A_30, %dma_start3A] : memref<2x10240x16xf32, #tpu.memory_space<hbm>> -> memref<1x128x16xf32, #tpu.memory_space<hbm>>
      %dma_start3A_38 = tpu.memref_squeeze %dma_start3A_37 : memref<1x128x16xf32, #tpu.memory_space<hbm>> -> memref<128x16xf32, #tpu.memory_space<hbm>>
      %dma_start3A_39 = arith.constant 0 : i32
      %dma_start3A_40 = tpu.memref_slice %arg7[%add3A_30, %dma_start3A_39] : memref<10240x16xf32, #tpu.memory_space<vmem_shared>> -> memref<128x16xf32, #tpu.memory_space<vmem_shared>>
      tpu.enqueue_dma source(%dma_start3A_40 : memref<128x16xf32, #tpu.memory_space<vmem_shared>>) target(%dma_start3A_38 : memref<128x16xf32, #tpu.memory_space<hbm>>) target_semaphore(%run_scoped3A : memref<!tpu.dma_semaphore, #tpu.memory_space<semaphore_mem>>)
      %dma_wait3A = arith.constant 0 : i32
      %dma_wait3A_41 = tpu.memref_slice %arg3[%arg0, %add3A_30, %dma_wait3A] : memref<2x10240x16xf32, #tpu.memory_space<hbm>> -> memref<1x128x16xf32, #tpu.memory_space<hbm>>
      %dma_wait3A_42 = tpu.memref_squeeze %dma_wait3A_41 : memref<1x128x16xf32, #tpu.memory_space<hbm>> -> memref<128x16xf32, #tpu.memory_space<hbm>>
      %dma_wait3A_43 = arith.constant 0 : i32
      %dma_wait3A_44 = tpu.memref_slice %arg7[%add3A_30, %dma_wait3A_43] : memref<10240x16xf32, #tpu.memory_space<vmem_shared>> -> memref<128x16xf32, #tpu.memory_space<vmem_shared>>
      tpu.wait_dma2 semaphore(%run_scoped3A : memref<!tpu.dma_semaphore, #tpu.memory_space<semaphore_mem>>) src(%dma_wait3A_44 : memref<128x16xf32, #tpu.memory_space<vmem_shared>>) dst(%dma_wait3A_42 : memref<128x16xf32, #tpu.memory_space<hbm>>)
      tpu.yield
    }) : () -> ()
    %add3A_31 = arith.constant 256 : i32
    %add3A_32 = arith.addi %mul3A_9, %add3A_31 : i32
    "tpu.region"() ({
      %run_scoped3A = tpu.sem_alloc : memref<!tpu.dma_semaphore, #tpu.memory_space<semaphore_mem>>
      %dma_start3A = arith.constant 0 : i32
      %dma_start3A_37 = tpu.memref_slice %arg3[%arg0, %add3A_32, %dma_start3A] : memref<2x10240x16xf32, #tpu.memory_space<hbm>> -> memref<1x128x16xf32, #tpu.memory_space<hbm>>
      %dma_start3A_38 = tpu.memref_squeeze %dma_start3A_37 : memref<1x128x16xf32, #tpu.memory_space<hbm>> -> memref<128x16xf32, #tpu.memory_space<hbm>>
      %dma_start3A_39 = arith.constant 0 : i32
      %dma_start3A_40 = tpu.memref_slice %arg7[%add3A_32, %dma_start3A_39] : memref<10240x16xf32, #tpu.memory_space<vmem_shared>> -> memref<128x16xf32, #tpu.memory_space<vmem_shared>>
      tpu.enqueue_dma source(%dma_start3A_40 : memref<128x16xf32, #tpu.memory_space<vmem_shared>>) target(%dma_start3A_38 : memref<128x16xf32, #tpu.memory_space<hbm>>) target_semaphore(%run_scoped3A : memref<!tpu.dma_semaphore, #tpu.memory_space<semaphore_mem>>)
      %dma_wait3A = arith.constant 0 : i32
      %dma_wait3A_41 = tpu.memref_slice %arg3[%arg0, %add3A_32, %dma_wait3A] : memref<2x10240x16xf32, #tpu.memory_space<hbm>> -> memref<1x128x16xf32, #tpu.memory_space<hbm>>
      %dma_wait3A_42 = tpu.memref_squeeze %dma_wait3A_41 : memref<1x128x16xf32, #tpu.memory_space<hbm>> -> memref<128x16xf32, #tpu.memory_space<hbm>>
      %dma_wait3A_43 = arith.constant 0 : i32
      %dma_wait3A_44 = tpu.memref_slice %arg7[%add3A_32, %dma_wait3A_43] : memref<10240x16xf32, #tpu.memory_space<vmem_shared>> -> memref<128x16xf32, #tpu.memory_space<vmem_shared>>
      tpu.wait_dma2 semaphore(%run_scoped3A : memref<!tpu.dma_semaphore, #tpu.memory_space<semaphore_mem>>) src(%dma_wait3A_44 : memref<128x16xf32, #tpu.memory_space<vmem_shared>>) dst(%dma_wait3A_42 : memref<128x16xf32, #tpu.memory_space<hbm>>)
      tpu.yield
    }) : () -> ()
    %add3A_33 = arith.constant 384 : i32
    %add3A_34 = arith.addi %mul3A_9, %add3A_33 : i32
    "tpu.region"() ({
      %run_scoped3A = tpu.sem_alloc : memref<!tpu.dma_semaphore, #tpu.memory_space<semaphore_mem>>
      %dma_start3A = arith.constant 0 : i32
      %dma_start3A_37 = tpu.memref_slice %arg3[%arg0, %add3A_34, %dma_start3A] : memref<2x10240x16xf32, #tpu.memory_space<hbm>> -> memref<1x128x16xf32, #tpu.memory_space<hbm>>
      %dma_start3A_38 = tpu.memref_squeeze %dma_start3A_37 : memref<1x128x16xf32, #tpu.memory_space<hbm>> -> memref<128x16xf32, #tpu.memory_space<hbm>>
      %dma_start3A_39 = arith.constant 0 : i32
      %dma_start3A_40 = tpu.memref_slice %arg7[%add3A_34, %dma_start3A_39] : memref<10240x16xf32, #tpu.memory_space<vmem_shared>> -> memref<128x16xf32, #tpu.memory_space<vmem_shared>>
      tpu.enqueue_dma source(%dma_start3A_40 : memref<128x16xf32, #tpu.memory_space<vmem_shared>>) target(%dma_start3A_38 : memref<128x16xf32, #tpu.memory_space<hbm>>) target_semaphore(%run_scoped3A : memref<!tpu.dma_semaphore, #tpu.memory_space<semaphore_mem>>)
      %dma_wait3A = arith.constant 0 : i32
      %dma_wait3A_41 = tpu.memref_slice %arg3[%arg0, %add3A_34, %dma_wait3A] : memref<2x10240x16xf32, #tpu.memory_space<hbm>> -> memref<1x128x16xf32, #tpu.memory_space<hbm>>
      %dma_wait3A_42 = tpu.memref_squeeze %dma_wait3A_41 : memref<1x128x16xf32, #tpu.memory_space<hbm>> -> memref<128x16xf32, #tpu.memory_space<hbm>>
      %dma_wait3A_43 = arith.constant 0 : i32
      %dma_wait3A_44 = tpu.memref_slice %arg7[%add3A_34, %dma_wait3A_43] : memref<10240x16xf32, #tpu.memory_space<vmem_shared>> -> memref<128x16xf32, #tpu.memory_space<vmem_shared>>
      tpu.wait_dma2 semaphore(%run_scoped3A : memref<!tpu.dma_semaphore, #tpu.memory_space<semaphore_mem>>) src(%dma_wait3A_44 : memref<128x16xf32, #tpu.memory_space<vmem_shared>>) dst(%dma_wait3A_42 : memref<128x16xf32, #tpu.memory_space<hbm>>)
      tpu.yield
    }) : () -> ()
    %add3A_35 = arith.constant 512 : i32
    %add3A_36 = arith.addi %mul3A_9, %add3A_35 : i32
    "tpu.region"() ({
      %run_scoped3A = tpu.sem_alloc : memref<!tpu.dma_semaphore, #tpu.memory_space<semaphore_mem>>
      %dma_start3A = arith.constant 0 : i32
      %dma_start3A_37 = tpu.memref_slice %arg3[%arg0, %add3A_36, %dma_start3A] : memref<2x10240x16xf32, #tpu.memory_space<hbm>> -> memref<1x128x16xf32, #tpu.memory_space<hbm>>
      %dma_start3A_38 = tpu.memref_squeeze %dma_start3A_37 : memref<1x128x16xf32, #tpu.memory_space<hbm>> -> memref<128x16xf32, #tpu.memory_space<hbm>>
      %dma_start3A_39 = arith.constant 0 : i32
      %dma_start3A_40 = tpu.memref_slice %arg7[%add3A_36, %dma_start3A_39] : memref<10240x16xf32, #tpu.memory_space<vmem_shared>> -> memref<128x16xf32, #tpu.memory_space<vmem_shared>>
      tpu.enqueue_dma source(%dma_start3A_40 : memref<128x16xf32, #tpu.memory_space<vmem_shared>>) target(%dma_start3A_38 : memref<128x16xf32, #tpu.memory_space<hbm>>) target_semaphore(%run_scoped3A : memref<!tpu.dma_semaphore, #tpu.memory_space<semaphore_mem>>)
      %dma_wait3A = arith.constant 0 : i32
      %dma_wait3A_41 = tpu.memref_slice %arg3[%arg0, %add3A_36, %dma_wait3A] : memref<2x10240x16xf32, #tpu.memory_space<hbm>> -> memref<1x128x16xf32, #tpu.memory_space<hbm>>
      %dma_wait3A_42 = tpu.memref_squeeze %dma_wait3A_41 : memref<1x128x16xf32, #tpu.memory_space<hbm>> -> memref<128x16xf32, #tpu.memory_space<hbm>>
      %dma_wait3A_43 = arith.constant 0 : i32
      %dma_wait3A_44 = tpu.memref_slice %arg7[%add3A_36, %dma_wait3A_43] : memref<10240x16xf32, #tpu.memory_space<vmem_shared>> -> memref<128x16xf32, #tpu.memory_space<vmem_shared>>
      tpu.wait_dma2 semaphore(%run_scoped3A : memref<!tpu.dma_semaphore, #tpu.memory_space<semaphore_mem>>) src(%dma_wait3A_44 : memref<128x16xf32, #tpu.memory_space<vmem_shared>>) dst(%dma_wait3A_42 : memref<128x16xf32, #tpu.memory_space<hbm>>)
      tpu.yield
    }) : () -> ()
    return
  }
}

#map = affine_map<(d0, d1) -> (0, 0)>
#map1 = affine_map<(d0, d1) -> (0, 0, 0, 0)>
module attributes {stable_mosaic.version = 14 : i64} {
  func.func @sc_scatter(%arg0: i32, %arg1: i32, %arg2: memref<10240x128xf32, #tpu.memory_space<hbm>>, %arg3: memref<16x160x2x128xi32, #tpu.memory_space<hbm>>, %arg4: memref<10240x128xf32, #tpu.memory_space<hbm>>, %arg5: memref<2x128xi32, #tpu.memory_space<vmem>>, %arg6: memref<2x128xi32, #tpu.memory_space<vmem>>, %arg7: memref<2x128xi32, #tpu.memory_space<vmem>>, %arg8: memref<2x128xi32, #tpu.memory_space<vmem>>, %arg9: memref<2x128xi32, #tpu.memory_space<vmem>>, %arg10: memref<2x128xi32, #tpu.memory_space<vmem>>, %arg11: memref<2x128xi32, #tpu.memory_space<vmem>>, %arg12: memref<2x128xi32, #tpu.memory_space<vmem>>, %arg13: memref<128x64xf32, #tpu.memory_space<vmem>>, %arg14: memref<128x64xf32, #tpu.memory_space<vmem>>, %arg15: memref<128x64xf32, #tpu.memory_space<vmem>>, %arg16: memref<128x64xf32, #tpu.memory_space<vmem>>, %arg17: memref<128x64xf32, #tpu.memory_space<vmem>>, %arg18: memref<10240x64xf32, #tpu.memory_space<vmem_shared>>, %arg19: memref<10240x64xf32, #tpu.memory_space<vmem_shared>>, %arg20: memref<!tpu.dma_semaphore, #tpu.memory_space<semaphore_mem>>, %arg21: memref<!tpu.dma_semaphore, #tpu.memory_space<semaphore_mem>>, %arg22: memref<!tpu.dma_semaphore, #tpu.memory_space<semaphore_mem>>, %arg23: memref<!tpu.dma_semaphore, #tpu.memory_space<semaphore_mem>>, %arg24: memref<!tpu.dma_semaphore, #tpu.memory_space<semaphore_mem>>, %arg25: memref<!tpu.dma_semaphore, #tpu.memory_space<semaphore_mem>>, %arg26: memref<!tpu.dma_semaphore, #tpu.memory_space<semaphore_mem>>, %arg27: memref<!tpu.dma_semaphore, #tpu.memory_space<semaphore_mem>>, %arg28: memref<!tpu.dma_semaphore, #tpu.memory_space<semaphore_mem>>, %arg29: memref<!tpu.dma_semaphore, #tpu.memory_space<semaphore_mem>>, %arg30: memref<!tpu.dma_semaphore, #tpu.memory_space<semaphore_mem>>, %arg31: memref<!tpu.dma_semaphore, #tpu.memory_space<semaphore_mem>>, %arg32: memref<!tpu.dma_semaphore, #tpu.memory_space<semaphore_mem>>, %arg33: memref<!tpu.dma_semaphore, #tpu.memory_space<semaphore_mem>>, %arg34: memref<!tpu.dma_semaphore, #tpu.memory_space<semaphore_mem>>, %arg35: memref<!tpu.dma_semaphore, #tpu.memory_space<semaphore_mem>>, %arg36: memref<!tpu.dma_semaphore, #tpu.memory_space<semaphore_mem>>) attributes {dimension_semantics = [#tpu.dimension_semantics<core_parallel>, #tpu.dimension_semantics<subcore_parallel>], iteration_bounds = array<i64: 2, 16>, scalar_prefetch = 0 : i64, scratch_operands = 32 : i64, tpu.core_type = #tpu.core_type<sc_vector_subcore>, window_params = [{transform_indices = #map}, {transform_indices = #map1}, {transform_indices = #map}]} {
    %mul3A = arith.constant 640 : i32
    %mul3A_0 = arith.muli %arg1, %mul3A : i32
    %mul3A_1 = arith.constant 64 : i32
    %mul3A_2 = arith.muli %arg0, %mul3A_1 : i32
    %dma_start3A = arith.constant 0 : i32
    %dma_start3A_3 = tpu.memref_slice %arg18[%mul3A_0, %dma_start3A] : memref<10240x64xf32, #tpu.memory_space<vmem_shared>> -> memref<640x64xf32, #tpu.memory_space<vmem_shared>>
    %dma_start3A_4 = tpu.memref_slice %arg2[%mul3A_0, %mul3A_2] : memref<10240x128xf32, #tpu.memory_space<hbm>> -> memref<640x64xf32, #tpu.memory_space<hbm>>
    tpu.enqueue_dma source(%dma_start3A_4 : memref<640x64xf32, #tpu.memory_space<hbm>>) target(%dma_start3A_3 : memref<640x64xf32, #tpu.memory_space<vmem_shared>>) target_semaphore(%arg36 : memref<!tpu.dma_semaphore, #tpu.memory_space<semaphore_mem>>)
    %broadcast_in_dim3A = arith.constant 0.000000e+00 : f32
    %broadcast_in_dim3A_5 = vector.broadcast %broadcast_in_dim3A : f32 to vector<16xf32>
    %scan3A = arith.constant 0 : i32
    %scan3A_6 = arith.constant 0 : i32
    %scan3A_7 = arith.constant 512 : i32
    %scan3A_8 = arith.addi %scan3A_6, %scan3A_7 : i32
    %scan3A_9 = arith.constant 1 : i32
    %scan3A_10 = scf.for %scan3A_171 = %scan3A_6 to %scan3A_8 step %scan3A_9 iter_args(%scan3A_172 = %scan3A) -> (i32)  : i32 {
      %jit3A = arith.constant 4 : i32
      %div3A = arith.divsi %scan3A_171, %jit3A : i32
      %sign3A = arith.constant 0 : i32
      %sign3A_173 = arith.cmpi sgt, %scan3A_171, %sign3A : i32
      %sign3A_174 = arith.extui %sign3A_173 : i1 to i32
      %sign3A_175 = arith.constant 0 : i32
      %sign3A_176 = arith.cmpi slt, %scan3A_171, %sign3A_175 : i32
      %sign3A_177 = arith.extui %sign3A_176 : i1 to i32
      %sign3A_178 = arith.subi %sign3A_174, %sign3A_177 : i32
      %sign3A_179 = arith.constant 0 : i32
      %sign3A_180 = arith.cmpi sgt, %jit3A, %sign3A_179 : i32
      %sign3A_181 = arith.extui %sign3A_180 : i1 to i32
      %sign3A_182 = arith.constant 0 : i32
      %sign3A_183 = arith.cmpi slt, %jit3A, %sign3A_182 : i32
      %sign3A_184 = arith.extui %sign3A_183 : i1 to i32
      %sign3A_185 = arith.subi %sign3A_181, %sign3A_184 : i32
      %ne3A = arith.cmpi ne, %sign3A_178, %sign3A_185 : i32
      %rem3A = arith.remsi %scan3A_171, %jit3A : i32
      %ne3A_186 = arith.constant 0 : i32
      %ne3A_187 = arith.cmpi ne, %rem3A, %ne3A_186 : i32
      %and3A = arith.andi %ne3A, %ne3A_187 : i1
      %sub3A = arith.constant 1 : i32
      %sub3A_188 = arith.subi %div3A, %sub3A : i32
      %select_n3A = arith.select %and3A, %sub3A_188, %div3A : i32
      %jit3A_189 = arith.constant 4 : i32
      %eq3A = arith.constant 0 : i32
      %eq3A_190 = arith.cmpi eq, %jit3A_189, %eq3A : i32
      %jit3A_191 = arith.constant 1 : i32
      %select_n3A_192 = arith.select %eq3A_190, %jit3A_191, %jit3A_189 : i32
      %rem3A_193 = arith.remsi %scan3A_171, %select_n3A_192 : i32
      %ne3A_194 = arith.constant 0 : i32
      %ne3A_195 = arith.cmpi ne, %rem3A_193, %ne3A_194 : i32
      %lt3A = arith.constant 0 : i32
      %lt3A_196 = arith.cmpi slt, %rem3A_193, %lt3A : i32
      %lt3A_197 = arith.constant 0 : i32
      %lt3A_198 = arith.cmpi slt, %select_n3A_192, %lt3A_197 : i32
      %ne3A_199 = arith.xori %lt3A_196, %lt3A_198 : i1
      %and3A_200 = arith.andi %ne3A_199, %ne3A_195 : i1
      %add3A_201 = arith.addi %rem3A_193, %select_n3A_192 : i32
      %select_n3A_202 = arith.select %and3A_200, %add3A_201, %rem3A_193 : i32
      %mul3A_203 = arith.constant 16 : i32
      %mul3A_204 = arith.muli %select_n3A_202, %mul3A_203 : i32
      %swap3A = arith.index_cast %select_n3A : i32 to index
      %swap3A_205 = arith.index_cast %mul3A_204 : i32 to index
      %swap3A_206 = tpu.vector_load %arg17[%swap3A, %swap3A_205] {strides = array<i32>} : memref<128x64xf32, #tpu.memory_space<vmem>>, vector<1x16xf32>,
      %swap3A_207 = vector.shape_cast %swap3A_206 : vector<1x16xf32> to vector<16xf32>
      %swap3A_208 = vector.shape_cast %broadcast_in_dim3A_5 : vector<16xf32> to vector<1x16xf32>
      tpu.vector_store %arg17[%swap3A, %swap3A_205], %swap3A_208 {strides = array<i32>} : memref<128x64xf32, #tpu.memory_space<vmem>>, vector<1x16xf32>,
      %scan3A_209 = arith.constant 0 : i32
      scf.yield %scan3A_209 : i32
    }
    %scan3A_11 = arith.constant 512 : i32
    %add3A = arith.constant 0 : i32
    %add3A_12 = arith.addi %mul3A_0, %add3A : i32
    "tpu.region"() ({
      %run_scoped3A = tpu.sem_alloc : memref<!tpu.dma_semaphore, #tpu.memory_space<semaphore_mem>>
      %dma_start3A_171 = arith.constant 0 : i32
      %dma_start3A_172 = tpu.memref_slice %arg19[%add3A_12, %dma_start3A_171] : memref<10240x64xf32, #tpu.memory_space<vmem_shared>> -> memref<128x64xf32, #tpu.memory_space<vmem_shared>>
      %dma_start3A_173 = arith.constant 0 : i32
      %dma_start3A_174 = tpu.memref_slice %arg19[%add3A_12, %dma_start3A_173] : memref<10240x64xf32, #tpu.memory_space<vmem_shared>> -> memref<128x64xf32, #tpu.memory_space<vmem_shared>>
      tpu.enqueue_dma source(%arg17 : memref<128x64xf32, #tpu.memory_space<vmem>>) target(%dma_start3A_174 : memref<128x64xf32, #tpu.memory_space<vmem_shared>>) target_semaphore(%run_scoped3A : memref<!tpu.dma_semaphore, #tpu.memory_space<semaphore_mem>>)
      %dma_wait3A_175 = arith.constant 0 : i32
      %dma_wait3A_176 = tpu.memref_slice %arg19[%add3A_12, %dma_wait3A_175] : memref<10240x64xf32, #tpu.memory_space<vmem_shared>> -> memref<128x64xf32, #tpu.memory_space<vmem_shared>>
      %dma_wait3A_177 = arith.constant 0 : i32
      %dma_wait3A_178 = tpu.memref_slice %arg19[%add3A_12, %dma_wait3A_177] : memref<10240x64xf32, #tpu.memory_space<vmem_shared>> -> memref<128x64xf32, #tpu.memory_space<vmem_shared>>
      tpu.wait_dma2 semaphore(%run_scoped3A : memref<!tpu.dma_semaphore, #tpu.memory_space<semaphore_mem>>) src(%arg17 : memref<128x64xf32, #tpu.memory_space<vmem>>) dst(%dma_wait3A_178 : memref<128x64xf32, #tpu.memory_space<vmem_shared>>)
      tpu.yield
    }) : () -> ()
    %add3A_13 = arith.constant 128 : i32
    %add3A_14 = arith.addi %mul3A_0, %add3A_13 : i32
    "tpu.region"() ({
      %run_scoped3A = tpu.sem_alloc : memref<!tpu.dma_semaphore, #tpu.memory_space<semaphore_mem>>
      %dma_start3A_171 = arith.constant 0 : i32
      %dma_start3A_172 = tpu.memref_slice %arg19[%add3A_14, %dma_start3A_171] : memref<10240x64xf32, #tpu.memory_space<vmem_shared>> -> memref<128x64xf32, #tpu.memory_space<vmem_shared>>
      %dma_start3A_173 = arith.constant 0 : i32
      %dma_start3A_174 = tpu.memref_slice %arg19[%add3A_14, %dma_start3A_173] : memref<10240x64xf32, #tpu.memory_space<vmem_shared>> -> memref<128x64xf32, #tpu.memory_space<vmem_shared>>
      tpu.enqueue_dma source(%arg17 : memref<128x64xf32, #tpu.memory_space<vmem>>) target(%dma_start3A_174 : memref<128x64xf32, #tpu.memory_space<vmem_shared>>) target_semaphore(%run_scoped3A : memref<!tpu.dma_semaphore, #tpu.memory_space<semaphore_mem>>)
      %dma_wait3A_175 = arith.constant 0 : i32
      %dma_wait3A_176 = tpu.memref_slice %arg19[%add3A_14, %dma_wait3A_175] : memref<10240x64xf32, #tpu.memory_space<vmem_shared>> -> memref<128x64xf32, #tpu.memory_space<vmem_shared>>
      %dma_wait3A_177 = arith.constant 0 : i32
      %dma_wait3A_178 = tpu.memref_slice %arg19[%add3A_14, %dma_wait3A_177] : memref<10240x64xf32, #tpu.memory_space<vmem_shared>> -> memref<128x64xf32, #tpu.memory_space<vmem_shared>>
      tpu.wait_dma2 semaphore(%run_scoped3A : memref<!tpu.dma_semaphore, #tpu.memory_space<semaphore_mem>>) src(%arg17 : memref<128x64xf32, #tpu.memory_space<vmem>>) dst(%dma_wait3A_178 : memref<128x64xf32, #tpu.memory_space<vmem_shared>>)
      tpu.yield
    }) : () -> ()
    %add3A_15 = arith.constant 256 : i32
    %add3A_16 = arith.addi %mul3A_0, %add3A_15 : i32
    "tpu.region"() ({
      %run_scoped3A = tpu.sem_alloc : memref<!tpu.dma_semaphore, #tpu.memory_space<semaphore_mem>>
      %dma_start3A_171 = arith.constant 0 : i32
      %dma_start3A_172 = tpu.memref_slice %arg19[%add3A_16, %dma_start3A_171] : memref<10240x64xf32, #tpu.memory_space<vmem_shared>> -> memref<128x64xf32, #tpu.memory_space<vmem_shared>>
      %dma_start3A_173 = arith.constant 0 : i32
      %dma_start3A_174 = tpu.memref_slice %arg19[%add3A_16, %dma_start3A_173] : memref<10240x64xf32, #tpu.memory_space<vmem_shared>> -> memref<128x64xf32, #tpu.memory_space<vmem_shared>>
      tpu.enqueue_dma source(%arg17 : memref<128x64xf32, #tpu.memory_space<vmem>>) target(%dma_start3A_174 : memref<128x64xf32, #tpu.memory_space<vmem_shared>>) target_semaphore(%run_scoped3A : memref<!tpu.dma_semaphore, #tpu.memory_space<semaphore_mem>>)
      %dma_wait3A_175 = arith.constant 0 : i32
      %dma_wait3A_176 = tpu.memref_slice %arg19[%add3A_16, %dma_wait3A_175] : memref<10240x64xf32, #tpu.memory_space<vmem_shared>> -> memref<128x64xf32, #tpu.memory_space<vmem_shared>>
      %dma_wait3A_177 = arith.constant 0 : i32
      %dma_wait3A_178 = tpu.memref_slice %arg19[%add3A_16, %dma_wait3A_177] : memref<10240x64xf32, #tpu.memory_space<vmem_shared>> -> memref<128x64xf32, #tpu.memory_space<vmem_shared>>
      tpu.wait_dma2 semaphore(%run_scoped3A : memref<!tpu.dma_semaphore, #tpu.memory_space<semaphore_mem>>) src(%arg17 : memref<128x64xf32, #tpu.memory_space<vmem>>) dst(%dma_wait3A_178 : memref<128x64xf32, #tpu.memory_space<vmem_shared>>)
      tpu.yield
    }) : () -> ()
    %add3A_17 = arith.constant 384 : i32
    %add3A_18 = arith.addi %mul3A_0, %add3A_17 : i32
    "tpu.region"() ({
      %run_scoped3A = tpu.sem_alloc : memref<!tpu.dma_semaphore, #tpu.memory_space<semaphore_mem>>
      %dma_start3A_171 = arith.constant 0 : i32
      %dma_start3A_172 = tpu.memref_slice %arg19[%add3A_18, %dma_start3A_171] : memref<10240x64xf32, #tpu.memory_space<vmem_shared>> -> memref<128x64xf32, #tpu.memory_space<vmem_shared>>
      %dma_start3A_173 = arith.constant 0 : i32
      %dma_start3A_174 = tpu.memref_slice %arg19[%add3A_18, %dma_start3A_173] : memref<10240x64xf32, #tpu.memory_space<vmem_shared>> -> memref<128x64xf32, #tpu.memory_space<vmem_shared>>
      tpu.enqueue_dma source(%arg17 : memref<128x64xf32, #tpu.memory_space<vmem>>) target(%dma_start3A_174 : memref<128x64xf32, #tpu.memory_space<vmem_shared>>) target_semaphore(%run_scoped3A : memref<!tpu.dma_semaphore, #tpu.memory_space<semaphore_mem>>)
      %dma_wait3A_175 = arith.constant 0 : i32
      %dma_wait3A_176 = tpu.memref_slice %arg19[%add3A_18, %dma_wait3A_175] : memref<10240x64xf32, #tpu.memory_space<vmem_shared>> -> memref<128x64xf32, #tpu.memory_space<vmem_shared>>
      %dma_wait3A_177 = arith.constant 0 : i32
      %dma_wait3A_178 = tpu.memref_slice %arg19[%add3A_18, %dma_wait3A_177] : memref<10240x64xf32, #tpu.memory_space<vmem_shared>> -> memref<128x64xf32, #tpu.memory_space<vmem_shared>>
      tpu.wait_dma2 semaphore(%run_scoped3A : memref<!tpu.dma_semaphore, #tpu.memory_space<semaphore_mem>>) src(%arg17 : memref<128x64xf32, #tpu.memory_space<vmem>>) dst(%dma_wait3A_178 : memref<128x64xf32, #tpu.memory_space<vmem_shared>>)
      tpu.yield
    }) : () -> ()
    %add3A_19 = arith.constant 512 : i32
    %add3A_20 = arith.addi %mul3A_0, %add3A_19 : i32
    "tpu.region"() ({
      %run_scoped3A = tpu.sem_alloc : memref<!tpu.dma_semaphore, #tpu.memory_space<semaphore_mem>>
      %dma_start3A_171 = arith.constant 0 : i32
      %dma_start3A_172 = tpu.memref_slice %arg19[%add3A_20, %dma_start3A_171] : memref<10240x64xf32, #tpu.memory_space<vmem_shared>> -> memref<128x64xf32, #tpu.memory_space<vmem_shared>>
      %dma_start3A_173 = arith.constant 0 : i32
      %dma_start3A_174 = tpu.memref_slice %arg19[%add3A_20, %dma_start3A_173] : memref<10240x64xf32, #tpu.memory_space<vmem_shared>> -> memref<128x64xf32, #tpu.memory_space<vmem_shared>>
      tpu.enqueue_dma source(%arg17 : memref<128x64xf32, #tpu.memory_space<vmem>>) target(%dma_start3A_174 : memref<128x64xf32, #tpu.memory_space<vmem_shared>>) target_semaphore(%run_scoped3A : memref<!tpu.dma_semaphore, #tpu.memory_space<semaphore_mem>>)
      %dma_wait3A_175 = arith.constant 0 : i32
      %dma_wait3A_176 = tpu.memref_slice %arg19[%add3A_20, %dma_wait3A_175] : memref<10240x64xf32, #tpu.memory_space<vmem_shared>> -> memref<128x64xf32, #tpu.memory_space<vmem_shared>>
      %dma_wait3A_177 = arith.constant 0 : i32
      %dma_wait3A_178 = tpu.memref_slice %arg19[%add3A_20, %dma_wait3A_177] : memref<10240x64xf32, #tpu.memory_space<vmem_shared>> -> memref<128x64xf32, #tpu.memory_space<vmem_shared>>
      tpu.wait_dma2 semaphore(%run_scoped3A : memref<!tpu.dma_semaphore, #tpu.memory_space<semaphore_mem>>) src(%arg17 : memref<128x64xf32, #tpu.memory_space<vmem>>) dst(%dma_wait3A_178 : memref<128x64xf32, #tpu.memory_space<vmem_shared>>)
      tpu.yield
    }) : () -> ()
    %dma_wait3A = arith.constant 0 : i32
    %dma_wait3A_21 = tpu.memref_slice %arg18[%mul3A_0, %dma_wait3A] : memref<10240x64xf32, #tpu.memory_space<vmem_shared>> -> memref<640x64xf32, #tpu.memory_space<vmem_shared>>
    %dma_wait3A_22 = tpu.memref_slice %arg2[%mul3A_0, %mul3A_2] : memref<10240x128xf32, #tpu.memory_space<hbm>> -> memref<640x64xf32, #tpu.memory_space<hbm>>
    tpu.wait_dma2 semaphore(%arg36 : memref<!tpu.dma_semaphore, #tpu.memory_space<semaphore_mem>>) src(%dma_wait3A_22 : memref<640x64xf32, #tpu.memory_space<hbm>>) dst(%dma_wait3A_21 : memref<640x64xf32, #tpu.memory_space<vmem_shared>>)
    %barrier3A = arith.constant 0 : index
    tpu.barrier barrier_id(%barrier3A)
    %dma_start3A_23 = arith.constant 0 : i32
    %dma_start3A_24 = arith.constant 0 : i32
    %dma_start3A_25 = arith.constant 0 : i32
    %dma_start3A_26 = arith.constant 0 : i32
    %dma_start3A_27 = tpu.memref_slice %arg3[%arg1, %dma_start3A_24, %dma_start3A_25, %dma_start3A_26] : memref<16x160x2x128xi32, #tpu.memory_space<hbm>> -> memref<1x160x2x128xi32, #tpu.memory_space<hbm>>
    %dma_start3A_28 = tpu.memref_squeeze %dma_start3A_27 : memref<1x160x2x128xi32, #tpu.memory_space<hbm>> -> memref<160x2x128xi32, #tpu.memory_space<hbm>>
    %dma_start3A_29 = arith.constant 0 : i32
    %dma_start3A_30 = arith.constant 0 : i32
    %dma_start3A_31 = tpu.memref_slice %dma_start3A_28[%dma_start3A_23, %dma_start3A_29, %dma_start3A_30] : memref<160x2x128xi32, #tpu.memory_space<hbm>> -> memref<1x2x128xi32, #tpu.memory_space<hbm>>
    %dma_start3A_32 = tpu.memref_squeeze %dma_start3A_31 : memref<1x2x128xi32, #tpu.memory_space<hbm>> -> memref<2x128xi32, #tpu.memory_space<hbm>>
    %dma_start3A_33 = arith.constant 0 : i32
    %dma_start3A_34 = arith.constant 0 : i32
    %dma_start3A_35 = arith.constant 0 : i32
    %dma_start3A_36 = tpu.memref_slice %arg3[%arg1, %dma_start3A_33, %dma_start3A_34, %dma_start3A_35] : memref<16x160x2x128xi32, #tpu.memory_space<hbm>> -> memref<1x160x2x128xi32, #tpu.memory_space<hbm>>
    %dma_start3A_37 = tpu.memref_squeeze %dma_start3A_36 : memref<1x160x2x128xi32, #tpu.memory_space<hbm>> -> memref<160x2x128xi32, #tpu.memory_space<hbm>>
    %dma_start3A_38 = arith.constant 0 : i32
    %dma_start3A_39 = arith.constant 0 : i32
    %dma_start3A_40 = tpu.memref_slice %dma_start3A_37[%dma_start3A_23, %dma_start3A_38, %dma_start3A_39] : memref<160x2x128xi32, #tpu.memory_space<hbm>> -> memref<1x2x128xi32, #tpu.memory_space<hbm>>
    %dma_start3A_41 = tpu.memref_squeeze %dma_start3A_40 : memref<1x2x128xi32, #tpu.memory_space<hbm>> -> memref<2x128xi32, #tpu.memory_space<hbm>>
    tpu.enqueue_dma source(%dma_start3A_41 : memref<2x128xi32, #tpu.memory_space<hbm>>) target(%arg5 : memref<2x128xi32, #tpu.memory_space<vmem>>) target_semaphore(%arg20 : memref<!tpu.dma_semaphore, #tpu.memory_space<semaphore_mem>>)
    %dma_start3A_42 = arith.constant 1 : i32
    %dma_start3A_43 = arith.constant 0 : i32
    %dma_start3A_44 = arith.constant 0 : i32
    %dma_start3A_45 = arith.constant 0 : i32
    %dma_start3A_46 = tpu.memref_slice %arg3[%arg1, %dma_start3A_43, %dma_start3A_44, %dma_start3A_45] : memref<16x160x2x128xi32, #tpu.memory_space<hbm>> -> memref<1x160x2x128xi32, #tpu.memory_space<hbm>>
    %dma_start3A_47 = tpu.memref_squeeze %dma_start3A_46 : memref<1x160x2x128xi32, #tpu.memory_space<hbm>> -> memref<160x2x128xi32, #tpu.memory_space<hbm>>
    %dma_start3A_48 = arith.constant 0 : i32
    %dma_start3A_49 = arith.constant 0 : i32
    %dma_start3A_50 = tpu.memref_slice %dma_start3A_47[%dma_start3A_42, %dma_start3A_48, %dma_start3A_49] : memref<160x2x128xi32, #tpu.memory_space<hbm>> -> memref<1x2x128xi32, #tpu.memory_space<hbm>>
    %dma_start3A_51 = tpu.memref_squeeze %dma_start3A_50 : memref<1x2x128xi32, #tpu.memory_space<hbm>> -> memref<2x128xi32, #tpu.memory_space<hbm>>
    %dma_start3A_52 = arith.constant 0 : i32
    %dma_start3A_53 = arith.constant 0 : i32
    %dma_start3A_54 = arith.constant 0 : i32
    %dma_start3A_55 = tpu.memref_slice %arg3[%arg1, %dma_start3A_52, %dma_start3A_53, %dma_start3A_54] : memref<16x160x2x128xi32, #tpu.memory_space<hbm>> -> memref<1x160x2x128xi32, #tpu.memory_space<hbm>>
    %dma_start3A_56 = tpu.memref_squeeze %dma_start3A_55 : memref<1x160x2x128xi32, #tpu.memory_space<hbm>> -> memref<160x2x128xi32, #tpu.memory_space<hbm>>
    %dma_start3A_57 = arith.constant 0 : i32
    %dma_start3A_58 = arith.constant 0 : i32
    %dma_start3A_59 = tpu.memref_slice %dma_start3A_56[%dma_start3A_42, %dma_start3A_57, %dma_start3A_58] : memref<160x2x128xi32, #tpu.memory_space<hbm>> -> memref<1x2x128xi32, #tpu.memory_space<hbm>>
    %dma_start3A_60 = tpu.memref_squeeze %dma_start3A_59 : memref<1x2x128xi32, #tpu.memory_space<hbm>> -> memref<2x128xi32, #tpu.memory_space<hbm>>
    tpu.enqueue_dma source(%dma_start3A_60 : memref<2x128xi32, #tpu.memory_space<hbm>>) target(%arg6 : memref<2x128xi32, #tpu.memory_space<vmem>>) target_semaphore(%arg21 : memref<!tpu.dma_semaphore, #tpu.memory_space<semaphore_mem>>)
    %dma_start3A_61 = arith.constant 2 : i32
    %dma_start3A_62 = arith.constant 0 : i32
    %dma_start3A_63 = arith.constant 0 : i32
    %dma_start3A_64 = arith.constant 0 : i32
    %dma_start3A_65 = tpu.memref_slice %arg3[%arg1, %dma_start3A_62, %dma_start3A_63, %dma_start3A_64] : memref<16x160x2x128xi32, #tpu.memory_space<hbm>> -> memref<1x160x2x128xi32, #tpu.memory_space<hbm>>
    %dma_start3A_66 = tpu.memref_squeeze %dma_start3A_65 : memref<1x160x2x128xi32, #tpu.memory_space<hbm>> -> memref<160x2x128xi32, #tpu.memory_space<hbm>>
    %dma_start3A_67 = arith.constant 0 : i32
    %dma_start3A_68 = arith.constant 0 : i32
    %dma_start3A_69 = tpu.memref_slice %dma_start3A_66[%dma_start3A_61, %dma_start3A_67, %dma_start3A_68] : memref<160x2x128xi32, #tpu.memory_space<hbm>> -> memref<1x2x128xi32, #tpu.memory_space<hbm>>
    %dma_start3A_70 = tpu.memref_squeeze %dma_start3A_69 : memref<1x2x128xi32, #tpu.memory_space<hbm>> -> memref<2x128xi32, #tpu.memory_space<hbm>>
    %dma_start3A_71 = arith.constant 0 : i32
    %dma_start3A_72 = arith.constant 0 : i32
    %dma_start3A_73 = arith.constant 0 : i32
    %dma_start3A_74 = tpu.memref_slice %arg3[%arg1, %dma_start3A_71, %dma_start3A_72, %dma_start3A_73] : memref<16x160x2x128xi32, #tpu.memory_space<hbm>> -> memref<1x160x2x128xi32, #tpu.memory_space<hbm>>
    %dma_start3A_75 = tpu.memref_squeeze %dma_start3A_74 : memref<1x160x2x128xi32, #tpu.memory_space<hbm>> -> memref<160x2x128xi32, #tpu.memory_space<hbm>>
    %dma_start3A_76 = arith.constant 0 : i32
    %dma_start3A_77 = arith.constant 0 : i32
    %dma_start3A_78 = tpu.memref_slice %dma_start3A_75[%dma_start3A_61, %dma_start3A_76, %dma_start3A_77] : memref<160x2x128xi32, #tpu.memory_space<hbm>> -> memref<1x2x128xi32, #tpu.memory_space<hbm>>
    %dma_start3A_79 = tpu.memref_squeeze %dma_start3A_78 : memref<1x2x128xi32, #tpu.memory_space<hbm>> -> memref<2x128xi32, #tpu.memory_space<hbm>>
    tpu.enqueue_dma source(%dma_start3A_79 : memref<2x128xi32, #tpu.memory_space<hbm>>) target(%arg7 : memref<2x128xi32, #tpu.memory_space<vmem>>) target_semaphore(%arg22 : memref<!tpu.dma_semaphore, #tpu.memory_space<semaphore_mem>>)
    %dma_start3A_80 = arith.constant 3 : i32
    %dma_start3A_81 = arith.constant 0 : i32
    %dma_start3A_82 = arith.constant 0 : i32
    %dma_start3A_83 = arith.constant 0 : i32
    %dma_start3A_84 = tpu.memref_slice %arg3[%arg1, %dma_start3A_81, %dma_start3A_82, %dma_start3A_83] : memref<16x160x2x128xi32, #tpu.memory_space<hbm>> -> memref<1x160x2x128xi32, #tpu.memory_space<hbm>>
    %dma_start3A_85 = tpu.memref_squeeze %dma_start3A_84 : memref<1x160x2x128xi32, #tpu.memory_space<hbm>> -> memref<160x2x128xi32, #tpu.memory_space<hbm>>
    %dma_start3A_86 = arith.constant 0 : i32
    %dma_start3A_87 = arith.constant 0 : i32
    %dma_start3A_88 = tpu.memref_slice %dma_start3A_85[%dma_start3A_80, %dma_start3A_86, %dma_start3A_87] : memref<160x2x128xi32, #tpu.memory_space<hbm>> -> memref<1x2x128xi32, #tpu.memory_space<hbm>>
    %dma_start3A_89 = tpu.memref_squeeze %dma_start3A_88 : memref<1x2x128xi32, #tpu.memory_space<hbm>> -> memref<2x128xi32, #tpu.memory_space<hbm>>
    %dma_start3A_90 = arith.constant 0 : i32
    %dma_start3A_91 = arith.constant 0 : i32
    %dma_start3A_92 = arith.constant 0 : i32
    %dma_start3A_93 = tpu.memref_slice %arg3[%arg1, %dma_start3A_90, %dma_start3A_91, %dma_start3A_92] : memref<16x160x2x128xi32, #tpu.memory_space<hbm>> -> memref<1x160x2x128xi32, #tpu.memory_space<hbm>>
    %dma_start3A_94 = tpu.memref_squeeze %dma_start3A_93 : memref<1x160x2x128xi32, #tpu.memory_space<hbm>> -> memref<160x2x128xi32, #tpu.memory_space<hbm>>
    %dma_start3A_95 = arith.constant 0 : i32
    %dma_start3A_96 = arith.constant 0 : i32
    %dma_start3A_97 = tpu.memref_slice %dma_start3A_94[%dma_start3A_80, %dma_start3A_95, %dma_start3A_96] : memref<160x2x128xi32, #tpu.memory_space<hbm>> -> memref<1x2x128xi32, #tpu.memory_space<hbm>>
    %dma_start3A_98 = tpu.memref_squeeze %dma_start3A_97 : memref<1x2x128xi32, #tpu.memory_space<hbm>> -> memref<2x128xi32, #tpu.memory_space<hbm>>
    tpu.enqueue_dma source(%dma_start3A_98 : memref<2x128xi32, #tpu.memory_space<hbm>>) target(%arg8 : memref<2x128xi32, #tpu.memory_space<vmem>>) target_semaphore(%arg23 : memref<!tpu.dma_semaphore, #tpu.memory_space<semaphore_mem>>)
    %dma_wait3A_99 = arith.constant 0 : i32
    %dma_wait3A_100 = arith.constant 0 : i32
    %dma_wait3A_101 = arith.constant 0 : i32
    %dma_wait3A_102 = arith.constant 0 : i32
    %dma_wait3A_103 = tpu.memref_slice %arg3[%arg1, %dma_wait3A_100, %dma_wait3A_101, %dma_wait3A_102] : memref<16x160x2x128xi32, #tpu.memory_space<hbm>> -> memref<1x160x2x128xi32, #tpu.memory_space<hbm>>
    %dma_wait3A_104 = tpu.memref_squeeze %dma_wait3A_103 : memref<1x160x2x128xi32, #tpu.memory_space<hbm>> -> memref<160x2x128xi32, #tpu.memory_space<hbm>>
    %dma_wait3A_105 = arith.constant 0 : i32
    %dma_wait3A_106 = arith.constant 0 : i32
    %dma_wait3A_107 = tpu.memref_slice %dma_wait3A_104[%dma_wait3A_99, %dma_wait3A_105, %dma_wait3A_106] : memref<160x2x128xi32, #tpu.memory_space<hbm>> -> memref<1x2x128xi32, #tpu.memory_space<hbm>>
    %dma_wait3A_108 = tpu.memref_squeeze %dma_wait3A_107 : memref<1x2x128xi32, #tpu.memory_space<hbm>> -> memref<2x128xi32, #tpu.memory_space<hbm>>
    %dma_wait3A_109 = arith.constant 0 : i32
    %dma_wait3A_110 = arith.constant 0 : i32
    %dma_wait3A_111 = arith.constant 0 : i32
    %dma_wait3A_112 = tpu.memref_slice %arg3[%arg1, %dma_wait3A_109, %dma_wait3A_110, %dma_wait3A_111] : memref<16x160x2x128xi32, #tpu.memory_space<hbm>> -> memref<1x160x2x128xi32, #tpu.memory_space<hbm>>
    %dma_wait3A_113 = tpu.memref_squeeze %dma_wait3A_112 : memref<1x160x2x128xi32, #tpu.memory_space<hbm>> -> memref<160x2x128xi32, #tpu.memory_space<hbm>>
    %dma_wait3A_114 = arith.constant 0 : i32
    %dma_wait3A_115 = arith.constant 0 : i32
    %dma_wait3A_116 = tpu.memref_slice %dma_wait3A_113[%dma_wait3A_99, %dma_wait3A_114, %dma_wait3A_115] : memref<160x2x128xi32, #tpu.memory_space<hbm>> -> memref<1x2x128xi32, #tpu.memory_space<hbm>>
    %dma_wait3A_117 = tpu.memref_squeeze %dma_wait3A_116 : memref<1x2x128xi32, #tpu.memory_space<hbm>> -> memref<2x128xi32, #tpu.memory_space<hbm>>
    tpu.wait_dma2 semaphore(%arg20 : memref<!tpu.dma_semaphore, #tpu.memory_space<semaphore_mem>>) src(%dma_wait3A_117 : memref<2x128xi32, #tpu.memory_space<hbm>>) dst(%arg5 : memref<2x128xi32, #tpu.memory_space<vmem>>)
    %dma_start3A_118 = arith.constant 0 : i32
    %dma_start3A_119 = arith.constant 0 : i32
    %dma_start3A_120 = tpu.memref_slice %arg5[%dma_start3A_118, %dma_start3A_119] : memref<2x128xi32, #tpu.memory_space<vmem>> -> memref<1x128xi32, #tpu.memory_space<vmem>>
    %dma_start3A_121 = tpu.memref_squeeze %dma_start3A_120 : memref<1x128xi32, #tpu.memory_space<vmem>> -> memref<128xi32, #tpu.memory_space<vmem>>
    %dma_start3A_122 = arith.constant 0 : i32
    %dma_start3A_123 = arith.constant 0 : i32
    %dma_start3A_124 = tpu.memref_slice %arg18[%dma_start3A_122, %dma_start3A_123] : memref<10240x64xf32, #tpu.memory_space<vmem_shared>> -> memref<10240x64xf32, #tpu.memory_space<vmem_shared>>
    tpu.enqueue_indirect_dma source(%dma_start3A_124 : memref<10240x64xf32, #tpu.memory_space<vmem_shared>>) target(%arg13 : memref<128x64xf32, #tpu.memory_space<vmem>>) offsets(%dma_start3A_121 : memref<128xi32, #tpu.memory_space<vmem>>) semaphore(%arg28 : memref<!tpu.dma_semaphore, #tpu.memory_space<semaphore_mem>>)
    %scan3A_125 = arith.constant 0 : i32
    %scan3A_126 = arith.constant 0 : i32
    %scan3A_127 = arith.constant 20 : i32
    %scan3A_128 = arith.addi %scan3A_126, %scan3A_127 : i32
    %scan3A_129 = arith.constant 1 : i32
    %scan3A_130 = scf.for %scan3A_171 = %scan3A_126 to %scan3A_128 step %scan3A_129 iter_args(%scan3A_172 = %scan3A_125) -> (i32)  : i32 {
      %mul3A_173 = arith.constant 8 : i32
      %mul3A_174 = arith.muli %scan3A_171, %mul3A_173 : i32
      %add3A_175 = arith.constant 0 : i32
      %add3A_176 = arith.addi %mul3A_174, %add3A_175 : i32
      %dma_wait3A_177 = arith.constant 0 : i32
      %dma_wait3A_178 = arith.constant 0 : i32
      %dma_wait3A_179 = tpu.memref_slice %arg5[%dma_wait3A_177, %dma_wait3A_178] : memref<2x128xi32, #tpu.memory_space<vmem>> -> memref<1x128xi32, #tpu.memory_space<vmem>>
      %dma_wait3A_180 = tpu.memref_squeeze %dma_wait3A_179 : memref<1x128xi32, #tpu.memory_space<vmem>> -> memref<128xi32, #tpu.memory_space<vmem>>
      %dma_wait3A_181 = arith.constant 0 : i32
      %dma_wait3A_182 = arith.constant 0 : i32
      %dma_wait3A_183 = tpu.memref_slice %arg18[%dma_wait3A_181, %dma_wait3A_182] : memref<10240x64xf32, #tpu.memory_space<vmem_shared>> -> memref<10240x64xf32, #tpu.memory_space<vmem_shared>>
      tpu.wait_indirect_dma semaphore(%arg28 : memref<!tpu.dma_semaphore, #tpu.memory_space<semaphore_mem>>) src(%dma_wait3A_183 : memref<10240x64xf32, #tpu.memory_space<vmem_shared>>) dst(%arg13 : memref<128x64xf32, #tpu.memory_space<vmem>>)
      %dma_start3A_184 = arith.constant 1 : i32
      %dma_start3A_185 = arith.constant 0 : i32
      %dma_start3A_186 = tpu.memref_slice %arg5[%dma_start3A_184, %dma_start3A_185] : memref<2x128xi32, #tpu.memory_space<vmem>> -> memref<1x128xi32, #tpu.memory_space<vmem>>
      %dma_start3A_187 = tpu.memref_squeeze %dma_start3A_186 : memref<1x128xi32, #tpu.memory_space<vmem>> -> memref<128xi32, #tpu.memory_space<vmem>>
      %dma_start3A_188 = arith.constant 0 : i32
      %dma_start3A_189 = arith.constant 0 : i32
      %dma_start3A_190 = tpu.memref_slice %arg19[%dma_start3A_188, %dma_start3A_189] : memref<10240x64xf32, #tpu.memory_space<vmem_shared>> -> memref<10240x64xf32, #tpu.memory_space<vmem_shared>>
      tpu.enqueue_indirect_dma source(%arg13 : memref<128x64xf32, #tpu.memory_space<vmem>>) target(%dma_start3A_190 : memref<10240x64xf32, #tpu.memory_space<vmem_shared>>) offsets(%dma_start3A_187 : memref<128xi32, #tpu.memory_space<vmem>>) semaphore(%arg32 : memref<!tpu.dma_semaphore, #tpu.memory_space<semaphore_mem>>) {add = true}
      %add3A_191 = arith.constant 2 : i32
      %add3A_192 = arith.addi %add3A_176, %add3A_191 : i32
      %lt3A = arith.constant 160 : i32
      %lt3A_193 = arith.cmpi slt, %add3A_192, %lt3A : i32
      %convert_element_type3A = arith.extui %lt3A_193 : i1 to i32
      %cond3A = arith.constant 0 : i32
      %cond3A_194 = arith.cmpi ne, %convert_element_type3A, %cond3A : i32
      scf.if %cond3A_194 {
        %sub3A = arith.constant 2 : i32
        %sub3A_469 = arith.subi %add3A_176, %sub3A : i32
        %ge3A = arith.constant 0 : i32
        %ge3A_470 = arith.cmpi sge, %sub3A_469, %ge3A : i32
        %convert_element_type3A_471 = arith.extui %ge3A_470 : i1 to i32
        %cond3A_472 = arith.constant 0 : i32
        %cond3A_473 = arith.cmpi ne, %convert_element_type3A_471, %cond3A_472 : i32
        scf.if %cond3A_473 {
          %dma_wait3A_474 = arith.constant 1 : i32
          %dma_wait3A_475 = arith.constant 0 : i32
          %dma_wait3A_476 = tpu.memref_slice %arg11[%dma_wait3A_474, %dma_wait3A_475] : memref<2x128xi32, #tpu.memory_space<vmem>> -> memref<1x128xi32, #tpu.memory_space<vmem>>
          %dma_wait3A_477 = tpu.memref_squeeze %dma_wait3A_476 : memref<1x128xi32, #tpu.memory_space<vmem>> -> memref<128xi32, #tpu.memory_space<vmem>>
          %dma_wait3A_478 = arith.constant 0 : i32
          %dma_wait3A_479 = arith.constant 0 : i32
          %dma_wait3A_480 = tpu.memref_slice %arg19[%dma_wait3A_478, %dma_wait3A_479] : memref<10240x64xf32, #tpu.memory_space<vmem_shared>> -> memref<10240x64xf32, #tpu.memory_space<vmem_shared>>
          tpu.wait_indirect_dma semaphore(%arg34 : memref<!tpu.dma_semaphore, #tpu.memory_space<semaphore_mem>>) src(%arg15 : memref<128x64xf32, #tpu.memory_space<vmem>>) dst(%dma_wait3A_480 : memref<10240x64xf32, #tpu.memory_space<vmem_shared>>)
        } else {
        }
      } else {
      }
      %add3A_195 = arith.constant 4 : i32
      %add3A_196 = arith.addi %add3A_176, %add3A_195 : i32
      %lt3A_197 = arith.constant 160 : i32
      %lt3A_198 = arith.cmpi slt, %add3A_196, %lt3A_197 : i32
      %convert_element_type3A_199 = arith.extui %lt3A_198 : i1 to i32
      %cond3A_200 = arith.constant 0 : i32
      %cond3A_201 = arith.cmpi ne, %convert_element_type3A_199, %cond3A_200 : i32
      scf.if %cond3A_201 {
        %add3A_469 = arith.constant 4 : i32
        %add3A_470 = arith.addi %add3A_176, %add3A_469 : i32
        %dma_start3A_471 = arith.constant 0 : i32
        %dma_start3A_472 = arith.constant 0 : i32
        %dma_start3A_473 = arith.constant 0 : i32
        %dma_start3A_474 = tpu.memref_slice %arg3[%arg1, %dma_start3A_471, %dma_start3A_472, %dma_start3A_473] : memref<16x160x2x128xi32, #tpu.memory_space<hbm>> -> memref<1x160x2x128xi32, #tpu.memory_space<hbm>>
        %dma_start3A_475 = tpu.memref_squeeze %dma_start3A_474 : memref<1x160x2x128xi32, #tpu.memory_space<hbm>> -> memref<160x2x128xi32, #tpu.memory_space<hbm>>
        %dma_start3A_476 = arith.constant 0 : i32
        %dma_start3A_477 = arith.constant 0 : i32
        %dma_start3A_478 = tpu.memref_slice %dma_start3A_475[%add3A_470, %dma_start3A_476, %dma_start3A_477] : memref<160x2x128xi32, #tpu.memory_space<hbm>> -> memref<1x2x128xi32, #tpu.memory_space<hbm>>
        %dma_start3A_479 = tpu.memref_squeeze %dma_start3A_478 : memref<1x2x128xi32, #tpu.memory_space<hbm>> -> memref<2x128xi32, #tpu.memory_space<hbm>>
        %dma_start3A_480 = arith.constant 0 : i32
        %dma_start3A_481 = arith.constant 0 : i32
        %dma_start3A_482 = arith.constant 0 : i32
        %dma_start3A_483 = tpu.memref_slice %arg3[%arg1, %dma_start3A_480, %dma_start3A_481, %dma_start3A_482] : memref<16x160x2x128xi32, #tpu.memory_space<hbm>> -> memref<1x160x2x128xi32, #tpu.memory_space<hbm>>
        %dma_start3A_484 = tpu.memref_squeeze %dma_start3A_483 : memref<1x160x2x128xi32, #tpu.memory_space<hbm>> -> memref<160x2x128xi32, #tpu.memory_space<hbm>>
        %dma_start3A_485 = arith.constant 0 : i32
        %dma_start3A_486 = arith.constant 0 : i32
        %dma_start3A_487 = tpu.memref_slice %dma_start3A_484[%add3A_470, %dma_start3A_485, %dma_start3A_486] : memref<160x2x128xi32, #tpu.memory_space<hbm>> -> memref<1x2x128xi32, #tpu.memory_space<hbm>>
        %dma_start3A_488 = tpu.memref_squeeze %dma_start3A_487 : memref<1x2x128xi32, #tpu.memory_space<hbm>> -> memref<2x128xi32, #tpu.memory_space<hbm>>
        tpu.enqueue_dma source(%dma_start3A_488 : memref<2x128xi32, #tpu.memory_space<hbm>>) target(%arg9 : memref<2x128xi32, #tpu.memory_space<vmem>>) target_semaphore(%arg24 : memref<!tpu.dma_semaphore, #tpu.memory_space<semaphore_mem>>)
      } else {
      }
      %add3A_202 = arith.constant 1 : i32
      %add3A_203 = arith.addi %add3A_176, %add3A_202 : i32
      %lt3A_204 = arith.constant 160 : i32
      %lt3A_205 = arith.cmpi slt, %add3A_203, %lt3A_204 : i32
      %convert_element_type3A_206 = arith.extui %lt3A_205 : i1 to i32
      %cond3A_207 = arith.constant 0 : i32
      %cond3A_208 = arith.cmpi ne, %convert_element_type3A_206, %cond3A_207 : i32
      scf.if %cond3A_208 {
        %add3A_469 = arith.constant 1 : i32
        %add3A_470 = arith.addi %add3A_176, %add3A_469 : i32
        %dma_wait3A_471 = arith.constant 0 : i32
        %dma_wait3A_472 = arith.constant 0 : i32
        %dma_wait3A_473 = arith.constant 0 : i32
        %dma_wait3A_474 = tpu.memref_slice %arg3[%arg1, %dma_wait3A_471, %dma_wait3A_472, %dma_wait3A_473] : memref<16x160x2x128xi32, #tpu.memory_space<hbm>> -> memref<1x160x2x128xi32, #tpu.memory_space<hbm>>
        %dma_wait3A_475 = tpu.memref_squeeze %dma_wait3A_474 : memref<1x160x2x128xi32, #tpu.memory_space<hbm>> -> memref<160x2x128xi32, #tpu.memory_space<hbm>>
        %dma_wait3A_476 = arith.constant 0 : i32
        %dma_wait3A_477 = arith.constant 0 : i32
        %dma_wait3A_478 = tpu.memref_slice %dma_wait3A_475[%add3A_470, %dma_wait3A_476, %dma_wait3A_477] : memref<160x2x128xi32, #tpu.memory_space<hbm>> -> memref<1x2x128xi32, #tpu.memory_space<hbm>>
        %dma_wait3A_479 = tpu.memref_squeeze %dma_wait3A_478 : memref<1x2x128xi32, #tpu.memory_space<hbm>> -> memref<2x128xi32, #tpu.memory_space<hbm>>
        %dma_wait3A_480 = arith.constant 0 : i32
        %dma_wait3A_481 = arith.constant 0 : i32
        %dma_wait3A_482 = arith.constant 0 : i32
        %dma_wait3A_483 = tpu.memref_slice %arg3[%arg1, %dma_wait3A_480, %dma_wait3A_481, %dma_wait3A_482] : memref<16x160x2x128xi32, #tpu.memory_space<hbm>> -> memref<1x160x2x128xi32, #tpu.memory_space<hbm>>
        %dma_wait3A_484 = tpu.memref_squeeze %dma_wait3A_483 : memref<1x160x2x128xi32, #tpu.memory_space<hbm>> -> memref<160x2x128xi32, #tpu.memory_space<hbm>>
        %dma_wait3A_485 = arith.constant 0 : i32
        %dma_wait3A_486 = arith.constant 0 : i32
        %dma_wait3A_487 = tpu.memref_slice %dma_wait3A_484[%add3A_470, %dma_wait3A_485, %dma_wait3A_486] : memref<160x2x128xi32, #tpu.memory_space<hbm>> -> memref<1x2x128xi32, #tpu.memory_space<hbm>>
        %dma_wait3A_488 = tpu.memref_squeeze %dma_wait3A_487 : memref<1x2x128xi32, #tpu.memory_space<hbm>> -> memref<2x128xi32, #tpu.memory_space<hbm>>
        tpu.wait_dma2 semaphore(%arg21 : memref<!tpu.dma_semaphore, #tpu.memory_space<semaphore_mem>>) src(%dma_wait3A_488 : memref<2x128xi32, #tpu.memory_space<hbm>>) dst(%arg6 : memref<2x128xi32, #tpu.memory_space<vmem>>)
        %dma_start3A_489 = arith.constant 0 : i32
        %dma_start3A_490 = arith.constant 0 : i32
        %dma_start3A_491 = tpu.memref_slice %arg6[%dma_start3A_489, %dma_start3A_490] : memref<2x128xi32, #tpu.memory_space<vmem>> -> memref<1x128xi32, #tpu.memory_space<vmem>>
        %dma_start3A_492 = tpu.memref_squeeze %dma_start3A_491 : memref<1x128xi32, #tpu.memory_space<vmem>> -> memref<128xi32, #tpu.memory_space<vmem>>
        %dma_start3A_493 = arith.constant 0 : i32
        %dma_start3A_494 = arith.constant 0 : i32
        %dma_start3A_495 = tpu.memref_slice %arg18[%dma_start3A_493, %dma_start3A_494] : memref<10240x64xf32, #tpu.memory_space<vmem_shared>> -> memref<10240x64xf32, #tpu.memory_space<vmem_shared>>
        tpu.enqueue_indirect_dma source(%dma_start3A_495 : memref<10240x64xf32, #tpu.memory_space<vmem_shared>>) target(%arg14 : memref<128x64xf32, #tpu.memory_space<vmem>>) offsets(%dma_start3A_492 : memref<128xi32, #tpu.memory_space<vmem>>) semaphore(%arg29 : memref<!tpu.dma_semaphore, #tpu.memory_space<semaphore_mem>>)
      } else {
      }
      %add3A_209 = arith.constant 1 : i32
      %add3A_210 = arith.addi %mul3A_174, %add3A_209 : i32
      %dma_wait3A_211 = arith.constant 0 : i32
      %dma_wait3A_212 = arith.constant 0 : i32
      %dma_wait3A_213 = tpu.memref_slice %arg6[%dma_wait3A_211, %dma_wait3A_212] : memref<2x128xi32, #tpu.memory_space<vmem>> -> memref<1x128xi32, #tpu.memory_space<vmem>>
      %dma_wait3A_214 = tpu.memref_squeeze %dma_wait3A_213 : memref<1x128xi32, #tpu.memory_space<vmem>> -> memref<128xi32, #tpu.memory_space<vmem>>
      %dma_wait3A_215 = arith.constant 0 : i32
      %dma_wait3A_216 = arith.constant 0 : i32
      %dma_wait3A_217 = tpu.memref_slice %arg18[%dma_wait3A_215, %dma_wait3A_216] : memref<10240x64xf32, #tpu.memory_space<vmem_shared>> -> memref<10240x64xf32, #tpu.memory_space<vmem_shared>>
      tpu.wait_indirect_dma semaphore(%arg29 : memref<!tpu.dma_semaphore, #tpu.memory_space<semaphore_mem>>) src(%dma_wait3A_217 : memref<10240x64xf32, #tpu.memory_space<vmem_shared>>) dst(%arg14 : memref<128x64xf32, #tpu.memory_space<vmem>>)
      %dma_start3A_218 = arith.constant 1 : i32
      %dma_start3A_219 = arith.constant 0 : i32
      %dma_start3A_220 = tpu.memref_slice %arg6[%dma_start3A_218, %dma_start3A_219] : memref<2x128xi32, #tpu.memory_space<vmem>> -> memref<1x128xi32, #tpu.memory_space<vmem>>
      %dma_start3A_221 = tpu.memref_squeeze %dma_start3A_220 : memref<1x128xi32, #tpu.memory_space<vmem>> -> memref<128xi32, #tpu.memory_space<vmem>>
      %dma_start3A_222 = arith.constant 0 : i32
      %dma_start3A_223 = arith.constant 0 : i32
      %dma_start3A_224 = tpu.memref_slice %arg19[%dma_start3A_222, %dma_start3A_223] : memref<10240x64xf32, #tpu.memory_space<vmem_shared>> -> memref<10240x64xf32, #tpu.memory_space<vmem_shared>>
      tpu.enqueue_indirect_dma source(%arg14 : memref<128x64xf32, #tpu.memory_space<vmem>>) target(%dma_start3A_224 : memref<10240x64xf32, #tpu.memory_space<vmem_shared>>) offsets(%dma_start3A_221 : memref<128xi32, #tpu.memory_space<vmem>>) semaphore(%arg33 : memref<!tpu.dma_semaphore, #tpu.memory_space<semaphore_mem>>) {add = true}
      %add3A_225 = arith.constant 2 : i32
      %add3A_226 = arith.addi %add3A_210, %add3A_225 : i32
      %lt3A_227 = arith.constant 160 : i32
      %lt3A_228 = arith.cmpi slt, %add3A_226, %lt3A_227 : i32
      %convert_element_type3A_229 = arith.extui %lt3A_228 : i1 to i32
      %cond3A_230 = arith.constant 0 : i32
      %cond3A_231 = arith.cmpi ne, %convert_element_type3A_229, %cond3A_230 : i32
      scf.if %cond3A_231 {
        %sub3A = arith.constant 2 : i32
        %sub3A_469 = arith.subi %add3A_210, %sub3A : i32
        %ge3A = arith.constant 0 : i32
        %ge3A_470 = arith.cmpi sge, %sub3A_469, %ge3A : i32
        %convert_element_type3A_471 = arith.extui %ge3A_470 : i1 to i32
        %cond3A_472 = arith.constant 0 : i32
        %cond3A_473 = arith.cmpi ne, %convert_element_type3A_471, %cond3A_472 : i32
        scf.if %cond3A_473 {
          %dma_wait3A_474 = arith.constant 1 : i32
          %dma_wait3A_475 = arith.constant 0 : i32
          %dma_wait3A_476 = tpu.memref_slice %arg12[%dma_wait3A_474, %dma_wait3A_475] : memref<2x128xi32, #tpu.memory_space<vmem>> -> memref<1x128xi32, #tpu.memory_space<vmem>>
          %dma_wait3A_477 = tpu.memref_squeeze %dma_wait3A_476 : memref<1x128xi32, #tpu.memory_space<vmem>> -> memref<128xi32, #tpu.memory_space<vmem>>
          %dma_wait3A_478 = arith.constant 0 : i32
          %dma_wait3A_479 = arith.constant 0 : i32
          %dma_wait3A_480 = tpu.memref_slice %arg19[%dma_wait3A_478, %dma_wait3A_479] : memref<10240x64xf32, #tpu.memory_space<vmem_shared>> -> memref<10240x64xf32, #tpu.memory_space<vmem_shared>>
          tpu.wait_indirect_dma semaphore(%arg35 : memref<!tpu.dma_semaphore, #tpu.memory_space<semaphore_mem>>) src(%arg16 : memref<128x64xf32, #tpu.memory_space<vmem>>) dst(%dma_wait3A_480 : memref<10240x64xf32, #tpu.memory_space<vmem_shared>>)
        } else {
        }
      } else {
      }
      %add3A_232 = arith.constant 4 : i32
      %add3A_233 = arith.addi %add3A_210, %add3A_232 : i32
      %lt3A_234 = arith.constant 160 : i32
      %lt3A_235 = arith.cmpi slt, %add3A_233, %lt3A_234 : i32
      %convert_element_type3A_236 = arith.extui %lt3A_235 : i1 to i32
      %cond3A_237 = arith.constant 0 : i32
      %cond3A_238 = arith.cmpi ne, %convert_element_type3A_236, %cond3A_237 : i32
      scf.if %cond3A_238 {
        %add3A_469 = arith.constant 4 : i32
        %add3A_470 = arith.addi %add3A_210, %add3A_469 : i32
        %dma_start3A_471 = arith.constant 0 : i32
        %dma_start3A_472 = arith.constant 0 : i32
        %dma_start3A_473 = arith.constant 0 : i32
        %dma_start3A_474 = tpu.memref_slice %arg3[%arg1, %dma_start3A_471, %dma_start3A_472, %dma_start3A_473] : memref<16x160x2x128xi32, #tpu.memory_space<hbm>> -> memref<1x160x2x128xi32, #tpu.memory_space<hbm>>
        %dma_start3A_475 = tpu.memref_squeeze %dma_start3A_474 : memref<1x160x2x128xi32, #tpu.memory_space<hbm>> -> memref<160x2x128xi32, #tpu.memory_space<hbm>>
        %dma_start3A_476 = arith.constant 0 : i32
        %dma_start3A_477 = arith.constant 0 : i32
        %dma_start3A_478 = tpu.memref_slice %dma_start3A_475[%add3A_470, %dma_start3A_476, %dma_start3A_477] : memref<160x2x128xi32, #tpu.memory_space<hbm>> -> memref<1x2x128xi32, #tpu.memory_space<hbm>>
        %dma_start3A_479 = tpu.memref_squeeze %dma_start3A_478 : memref<1x2x128xi32, #tpu.memory_space<hbm>> -> memref<2x128xi32, #tpu.memory_space<hbm>>
        %dma_start3A_480 = arith.constant 0 : i32
        %dma_start3A_481 = arith.constant 0 : i32
        %dma_start3A_482 = arith.constant 0 : i32
        %dma_start3A_483 = tpu.memref_slice %arg3[%arg1, %dma_start3A_480, %dma_start3A_481, %dma_start3A_482] : memref<16x160x2x128xi32, #tpu.memory_space<hbm>> -> memref<1x160x2x128xi32, #tpu.memory_space<hbm>>
        %dma_start3A_484 = tpu.memref_squeeze %dma_start3A_483 : memref<1x160x2x128xi32, #tpu.memory_space<hbm>> -> memref<160x2x128xi32, #tpu.memory_space<hbm>>
        %dma_start3A_485 = arith.constant 0 : i32
        %dma_start3A_486 = arith.constant 0 : i32
        %dma_start3A_487 = tpu.memref_slice %dma_start3A_484[%add3A_470, %dma_start3A_485, %dma_start3A_486] : memref<160x2x128xi32, #tpu.memory_space<hbm>> -> memref<1x2x128xi32, #tpu.memory_space<hbm>>
        %dma_start3A_488 = tpu.memref_squeeze %dma_start3A_487 : memref<1x2x128xi32, #tpu.memory_space<hbm>> -> memref<2x128xi32, #tpu.memory_space<hbm>>
        tpu.enqueue_dma source(%dma_start3A_488 : memref<2x128xi32, #tpu.memory_space<hbm>>) target(%arg10 : memref<2x128xi32, #tpu.memory_space<vmem>>) target_semaphore(%arg25 : memref<!tpu.dma_semaphore, #tpu.memory_space<semaphore_mem>>)
      } else {
      }
      %add3A_239 = arith.constant 1 : i32
      %add3A_240 = arith.addi %add3A_210, %add3A_239 : i32
      %lt3A_241 = arith.constant 160 : i32
      %lt3A_242 = arith.cmpi slt, %add3A_240, %lt3A_241 : i32
      %convert_element_type3A_243 = arith.extui %lt3A_242 : i1 to i32
      %cond3A_244 = arith.constant 0 : i32
      %cond3A_245 = arith.cmpi ne, %convert_element_type3A_243, %cond3A_244 : i32
      scf.if %cond3A_245 {
        %add3A_469 = arith.constant 1 : i32
        %add3A_470 = arith.addi %add3A_210, %add3A_469 : i32
        %dma_wait3A_471 = arith.constant 0 : i32
        %dma_wait3A_472 = arith.constant 0 : i32
        %dma_wait3A_473 = arith.constant 0 : i32
        %dma_wait3A_474 = tpu.memref_slice %arg3[%arg1, %dma_wait3A_471, %dma_wait3A_472, %dma_wait3A_473] : memref<16x160x2x128xi32, #tpu.memory_space<hbm>> -> memref<1x160x2x128xi32, #tpu.memory_space<hbm>>
        %dma_wait3A_475 = tpu.memref_squeeze %dma_wait3A_474 : memref<1x160x2x128xi32, #tpu.memory_space<hbm>> -> memref<160x2x128xi32, #tpu.memory_space<hbm>>
        %dma_wait3A_476 = arith.constant 0 : i32
        %dma_wait3A_477 = arith.constant 0 : i32
        %dma_wait3A_478 = tpu.memref_slice %dma_wait3A_475[%add3A_470, %dma_wait3A_476, %dma_wait3A_477] : memref<160x2x128xi32, #tpu.memory_space<hbm>> -> memref<1x2x128xi32, #tpu.memory_space<hbm>>
        %dma_wait3A_479 = tpu.memref_squeeze %dma_wait3A_478 : memref<1x2x128xi32, #tpu.memory_space<hbm>> -> memref<2x128xi32, #tpu.memory_space<hbm>>
        %dma_wait3A_480 = arith.constant 0 : i32
        %dma_wait3A_481 = arith.constant 0 : i32
        %dma_wait3A_482 = arith.constant 0 : i32
        %dma_wait3A_483 = tpu.memref_slice %arg3[%arg1, %dma_wait3A_480, %dma_wait3A_481, %dma_wait3A_482] : memref<16x160x2x128xi32, #tpu.memory_space<hbm>> -> memref<1x160x2x128xi32, #tpu.memory_space<hbm>>
        %dma_wait3A_484 = tpu.memref_squeeze %dma_wait3A_483 : memref<1x160x2x128xi32, #tpu.memory_space<hbm>> -> memref<160x2x128xi32, #tpu.memory_space<hbm>>
        %dma_wait3A_485 = arith.constant 0 : i32
        %dma_wait3A_486 = arith.constant 0 : i32
        %dma_wait3A_487 = tpu.memref_slice %dma_wait3A_484[%add3A_470, %dma_wait3A_485, %dma_wait3A_486] : memref<160x2x128xi32, #tpu.memory_space<hbm>> -> memref<1x2x128xi32, #tpu.memory_space<hbm>>
        %dma_wait3A_488 = tpu.memref_squeeze %dma_wait3A_487 : memref<1x2x128xi32, #tpu.memory_space<hbm>> -> memref<2x128xi32, #tpu.memory_space<hbm>>
        tpu.wait_dma2 semaphore(%arg22 : memref<!tpu.dma_semaphore, #tpu.memory_space<semaphore_mem>>) src(%dma_wait3A_488 : memref<2x128xi32, #tpu.memory_space<hbm>>) dst(%arg7 : memref<2x128xi32, #tpu.memory_space<vmem>>)
        %dma_start3A_489 = arith.constant 0 : i32
        %dma_start3A_490 = arith.constant 0 : i32
        %dma_start3A_491 = tpu.memref_slice %arg7[%dma_start3A_489, %dma_start3A_490] : memref<2x128xi32, #tpu.memory_space<vmem>> -> memref<1x128xi32, #tpu.memory_space<vmem>>
        %dma_start3A_492 = tpu.memref_squeeze %dma_start3A_491 : memref<1x128xi32, #tpu.memory_space<vmem>> -> memref<128xi32, #tpu.memory_space<vmem>>
        %dma_start3A_493 = arith.constant 0 : i32
        %dma_start3A_494 = arith.constant 0 : i32
        %dma_start3A_495 = tpu.memref_slice %arg18[%dma_start3A_493, %dma_start3A_494] : memref<10240x64xf32, #tpu.memory_space<vmem_shared>> -> memref<10240x64xf32, #tpu.memory_space<vmem_shared>>
        tpu.enqueue_indirect_dma source(%dma_start3A_495 : memref<10240x64xf32, #tpu.memory_space<vmem_shared>>) target(%arg15 : memref<128x64xf32, #tpu.memory_space<vmem>>) offsets(%dma_start3A_492 : memref<128xi32, #tpu.memory_space<vmem>>) semaphore(%arg30 : memref<!tpu.dma_semaphore, #tpu.memory_space<semaphore_mem>>)
      } else {
      }
      %add3A_246 = arith.constant 2 : i32
      %add3A_247 = arith.addi %mul3A_174, %add3A_246 : i32
      %dma_wait3A_248 = arith.constant 0 : i32
      %dma_wait3A_249 = arith.constant 0 : i32
      %dma_wait3A_250 = tpu.memref_slice %arg7[%dma_wait3A_248, %dma_wait3A_249] : memref<2x128xi32, #tpu.memory_space<vmem>> -> memref<1x128xi32, #tpu.memory_space<vmem>>
      %dma_wait3A_251 = tpu.memref_squeeze %dma_wait3A_250 : memref<1x128xi32, #tpu.memory_space<vmem>> -> memref<128xi32, #tpu.memory_space<vmem>>
      %dma_wait3A_252 = arith.constant 0 : i32
      %dma_wait3A_253 = arith.constant 0 : i32
      %dma_wait3A_254 = tpu.memref_slice %arg18[%dma_wait3A_252, %dma_wait3A_253] : memref<10240x64xf32, #tpu.memory_space<vmem_shared>> -> memref<10240x64xf32, #tpu.memory_space<vmem_shared>>
      tpu.wait_indirect_dma semaphore(%arg30 : memref<!tpu.dma_semaphore, #tpu.memory_space<semaphore_mem>>) src(%dma_wait3A_254 : memref<10240x64xf32, #tpu.memory_space<vmem_shared>>) dst(%arg15 : memref<128x64xf32, #tpu.memory_space<vmem>>)
      %dma_start3A_255 = arith.constant 1 : i32
      %dma_start3A_256 = arith.constant 0 : i32
      %dma_start3A_257 = tpu.memref_slice %arg7[%dma_start3A_255, %dma_start3A_256] : memref<2x128xi32, #tpu.memory_space<vmem>> -> memref<1x128xi32, #tpu.memory_space<vmem>>
      %dma_start3A_258 = tpu.memref_squeeze %dma_start3A_257 : memref<1x128xi32, #tpu.memory_space<vmem>> -> memref<128xi32, #tpu.memory_space<vmem>>
      %dma_start3A_259 = arith.constant 0 : i32
      %dma_start3A_260 = arith.constant 0 : i32
      %dma_start3A_261 = tpu.memref_slice %arg19[%dma_start3A_259, %dma_start3A_260] : memref<10240x64xf32, #tpu.memory_space<vmem_shared>> -> memref<10240x64xf32, #tpu.memory_space<vmem_shared>>
      tpu.enqueue_indirect_dma source(%arg15 : memref<128x64xf32, #tpu.memory_space<vmem>>) target(%dma_start3A_261 : memref<10240x64xf32, #tpu.memory_space<vmem_shared>>) offsets(%dma_start3A_258 : memref<128xi32, #tpu.memory_space<vmem>>) semaphore(%arg34 : memref<!tpu.dma_semaphore, #tpu.memory_space<semaphore_mem>>) {add = true}
      %add3A_262 = arith.constant 2 : i32
      %add3A_263 = arith.addi %add3A_247, %add3A_262 : i32
      %lt3A_264 = arith.constant 160 : i32
      %lt3A_265 = arith.cmpi slt, %add3A_263, %lt3A_264 : i32
      %convert_element_type3A_266 = arith.extui %lt3A_265 : i1 to i32
      %cond3A_267 = arith.constant 0 : i32
      %cond3A_268 = arith.cmpi ne, %convert_element_type3A_266, %cond3A_267 : i32
      scf.if %cond3A_268 {
        %sub3A = arith.constant 2 : i32
        %sub3A_469 = arith.subi %add3A_247, %sub3A : i32
        %ge3A = arith.constant 0 : i32
        %ge3A_470 = arith.cmpi sge, %sub3A_469, %ge3A : i32
        %convert_element_type3A_471 = arith.extui %ge3A_470 : i1 to i32
        %cond3A_472 = arith.constant 0 : i32
        %cond3A_473 = arith.cmpi ne, %convert_element_type3A_471, %cond3A_472 : i32
        scf.if %cond3A_473 {
          %dma_wait3A_474 = arith.constant 1 : i32
          %dma_wait3A_475 = arith.constant 0 : i32
          %dma_wait3A_476 = tpu.memref_slice %arg5[%dma_wait3A_474, %dma_wait3A_475] : memref<2x128xi32, #tpu.memory_space<vmem>> -> memref<1x128xi32, #tpu.memory_space<vmem>>
          %dma_wait3A_477 = tpu.memref_squeeze %dma_wait3A_476 : memref<1x128xi32, #tpu.memory_space<vmem>> -> memref<128xi32, #tpu.memory_space<vmem>>
          %dma_wait3A_478 = arith.constant 0 : i32
          %dma_wait3A_479 = arith.constant 0 : i32
          %dma_wait3A_480 = tpu.memref_slice %arg19[%dma_wait3A_478, %dma_wait3A_479] : memref<10240x64xf32, #tpu.memory_space<vmem_shared>> -> memref<10240x64xf32, #tpu.memory_space<vmem_shared>>
          tpu.wait_indirect_dma semaphore(%arg32 : memref<!tpu.dma_semaphore, #tpu.memory_space<semaphore_mem>>) src(%arg13 : memref<128x64xf32, #tpu.memory_space<vmem>>) dst(%dma_wait3A_480 : memref<10240x64xf32, #tpu.memory_space<vmem_shared>>)
        } else {
        }
      } else {
      }
      %add3A_269 = arith.constant 4 : i32
      %add3A_270 = arith.addi %add3A_247, %add3A_269 : i32
      %lt3A_271 = arith.constant 160 : i32
      %lt3A_272 = arith.cmpi slt, %add3A_270, %lt3A_271 : i32
      %convert_element_type3A_273 = arith.extui %lt3A_272 : i1 to i32
      %cond3A_274 = arith.constant 0 : i32
      %cond3A_275 = arith.cmpi ne, %convert_element_type3A_273, %cond3A_274 : i32
      scf.if %cond3A_275 {
        %add3A_469 = arith.constant 4 : i32
        %add3A_470 = arith.addi %add3A_247, %add3A_469 : i32
        %dma_start3A_471 = arith.constant 0 : i32
        %dma_start3A_472 = arith.constant 0 : i32
        %dma_start3A_473 = arith.constant 0 : i32
        %dma_start3A_474 = tpu.memref_slice %arg3[%arg1, %dma_start3A_471, %dma_start3A_472, %dma_start3A_473] : memref<16x160x2x128xi32, #tpu.memory_space<hbm>> -> memref<1x160x2x128xi32, #tpu.memory_space<hbm>>
        %dma_start3A_475 = tpu.memref_squeeze %dma_start3A_474 : memref<1x160x2x128xi32, #tpu.memory_space<hbm>> -> memref<160x2x128xi32, #tpu.memory_space<hbm>>
        %dma_start3A_476 = arith.constant 0 : i32
        %dma_start3A_477 = arith.constant 0 : i32
        %dma_start3A_478 = tpu.memref_slice %dma_start3A_475[%add3A_470, %dma_start3A_476, %dma_start3A_477] : memref<160x2x128xi32, #tpu.memory_space<hbm>> -> memref<1x2x128xi32, #tpu.memory_space<hbm>>
        %dma_start3A_479 = tpu.memref_squeeze %dma_start3A_478 : memref<1x2x128xi32, #tpu.memory_space<hbm>> -> memref<2x128xi32, #tpu.memory_space<hbm>>
        %dma_start3A_480 = arith.constant 0 : i32
        %dma_start3A_481 = arith.constant 0 : i32
        %dma_start3A_482 = arith.constant 0 : i32
        %dma_start3A_483 = tpu.memref_slice %arg3[%arg1, %dma_start3A_480, %dma_start3A_481, %dma_start3A_482] : memref<16x160x2x128xi32, #tpu.memory_space<hbm>> -> memref<1x160x2x128xi32, #tpu.memory_space<hbm>>
        %dma_start3A_484 = tpu.memref_squeeze %dma_start3A_483 : memref<1x160x2x128xi32, #tpu.memory_space<hbm>> -> memref<160x2x128xi32, #tpu.memory_space<hbm>>
        %dma_start3A_485 = arith.constant 0 : i32
        %dma_start3A_486 = arith.constant 0 : i32
        %dma_start3A_487 = tpu.memref_slice %dma_start3A_484[%add3A_470, %dma_start3A_485, %dma_start3A_486] : memref<160x2x128xi32, #tpu.memory_space<hbm>> -> memref<1x2x128xi32, #tpu.memory_space<hbm>>
        %dma_start3A_488 = tpu.memref_squeeze %dma_start3A_487 : memref<1x2x128xi32, #tpu.memory_space<hbm>> -> memref<2x128xi32, #tpu.memory_space<hbm>>
        tpu.enqueue_dma source(%dma_start3A_488 : memref<2x128xi32, #tpu.memory_space<hbm>>) target(%arg11 : memref<2x128xi32, #tpu.memory_space<vmem>>) target_semaphore(%arg26 : memref<!tpu.dma_semaphore, #tpu.memory_space<semaphore_mem>>)
      } else {
      }
      %add3A_276 = arith.constant 1 : i32
      %add3A_277 = arith.addi %add3A_247, %add3A_276 : i32
      %lt3A_278 = arith.constant 160 : i32
      %lt3A_279 = arith.cmpi slt, %add3A_277, %lt3A_278 : i32
      %convert_element_type3A_280 = arith.extui %lt3A_279 : i1 to i32
      %cond3A_281 = arith.constant 0 : i32
      %cond3A_282 = arith.cmpi ne, %convert_element_type3A_280, %cond3A_281 : i32
      scf.if %cond3A_282 {
        %add3A_469 = arith.constant 1 : i32
        %add3A_470 = arith.addi %add3A_247, %add3A_469 : i32
        %dma_wait3A_471 = arith.constant 0 : i32
        %dma_wait3A_472 = arith.constant 0 : i32
        %dma_wait3A_473 = arith.constant 0 : i32
        %dma_wait3A_474 = tpu.memref_slice %arg3[%arg1, %dma_wait3A_471, %dma_wait3A_472, %dma_wait3A_473] : memref<16x160x2x128xi32, #tpu.memory_space<hbm>> -> memref<1x160x2x128xi32, #tpu.memory_space<hbm>>
        %dma_wait3A_475 = tpu.memref_squeeze %dma_wait3A_474 : memref<1x160x2x128xi32, #tpu.memory_space<hbm>> -> memref<160x2x128xi32, #tpu.memory_space<hbm>>
        %dma_wait3A_476 = arith.constant 0 : i32
        %dma_wait3A_477 = arith.constant 0 : i32
        %dma_wait3A_478 = tpu.memref_slice %dma_wait3A_475[%add3A_470, %dma_wait3A_476, %dma_wait3A_477] : memref<160x2x128xi32, #tpu.memory_space<hbm>> -> memref<1x2x128xi32, #tpu.memory_space<hbm>>
        %dma_wait3A_479 = tpu.memref_squeeze %dma_wait3A_478 : memref<1x2x128xi32, #tpu.memory_space<hbm>> -> memref<2x128xi32, #tpu.memory_space<hbm>>
        %dma_wait3A_480 = arith.constant 0 : i32
        %dma_wait3A_481 = arith.constant 0 : i32
        %dma_wait3A_482 = arith.constant 0 : i32
        %dma_wait3A_483 = tpu.memref_slice %arg3[%arg1, %dma_wait3A_480, %dma_wait3A_481, %dma_wait3A_482] : memref<16x160x2x128xi32, #tpu.memory_space<hbm>> -> memref<1x160x2x128xi32, #tpu.memory_space<hbm>>
        %dma_wait3A_484 = tpu.memref_squeeze %dma_wait3A_483 : memref<1x160x2x128xi32, #tpu.memory_space<hbm>> -> memref<160x2x128xi32, #tpu.memory_space<hbm>>
        %dma_wait3A_485 = arith.constant 0 : i32
        %dma_wait3A_486 = arith.constant 0 : i32
        %dma_wait3A_487 = tpu.memref_slice %dma_wait3A_484[%add3A_470, %dma_wait3A_485, %dma_wait3A_486] : memref<160x2x128xi32, #tpu.memory_space<hbm>> -> memref<1x2x128xi32, #tpu.memory_space<hbm>>
        %dma_wait3A_488 = tpu.memref_squeeze %dma_wait3A_487 : memref<1x2x128xi32, #tpu.memory_space<hbm>> -> memref<2x128xi32, #tpu.memory_space<hbm>>
        tpu.wait_dma2 semaphore(%arg23 : memref<!tpu.dma_semaphore, #tpu.memory_space<semaphore_mem>>) src(%dma_wait3A_488 : memref<2x128xi32, #tpu.memory_space<hbm>>) dst(%arg8 : memref<2x128xi32, #tpu.memory_space<vmem>>)
        %dma_start3A_489 = arith.constant 0 : i32
        %dma_start3A_490 = arith.constant 0 : i32
        %dma_start3A_491 = tpu.memref_slice %arg8[%dma_start3A_489, %dma_start3A_490] : memref<2x128xi32, #tpu.memory_space<vmem>> -> memref<1x128xi32, #tpu.memory_space<vmem>>
        %dma_start3A_492 = tpu.memref_squeeze %dma_start3A_491 : memref<1x128xi32, #tpu.memory_space<vmem>> -> memref<128xi32, #tpu.memory_space<vmem>>
        %dma_start3A_493 = arith.constant 0 : i32
        %dma_start3A_494 = arith.constant 0 : i32
        %dma_start3A_495 = tpu.memref_slice %arg18[%dma_start3A_493, %dma_start3A_494] : memref<10240x64xf32, #tpu.memory_space<vmem_shared>> -> memref<10240x64xf32, #tpu.memory_space<vmem_shared>>
        tpu.enqueue_indirect_dma source(%dma_start3A_495 : memref<10240x64xf32, #tpu.memory_space<vmem_shared>>) target(%arg16 : memref<128x64xf32, #tpu.memory_space<vmem>>) offsets(%dma_start3A_492 : memref<128xi32, #tpu.memory_space<vmem>>) semaphore(%arg31 : memref<!tpu.dma_semaphore, #tpu.memory_space<semaphore_mem>>)
      } else {
      }
      %add3A_283 = arith.constant 3 : i32
      %add3A_284 = arith.addi %mul3A_174, %add3A_283 : i32
      %dma_wait3A_285 = arith.constant 0 : i32
      %dma_wait3A_286 = arith.constant 0 : i32
      %dma_wait3A_287 = tpu.memref_slice %arg8[%dma_wait3A_285, %dma_wait3A_286] : memref<2x128xi32, #tpu.memory_space<vmem>> -> memref<1x128xi32, #tpu.memory_space<vmem>>
      %dma_wait3A_288 = tpu.memref_squeeze %dma_wait3A_287 : memref<1x128xi32, #tpu.memory_space<vmem>> -> memref<128xi32, #tpu.memory_space<vmem>>
      %dma_wait3A_289 = arith.constant 0 : i32
      %dma_wait3A_290 = arith.constant 0 : i32
      %dma_wait3A_291 = tpu.memref_slice %arg18[%dma_wait3A_289, %dma_wait3A_290] : memref<10240x64xf32, #tpu.memory_space<vmem_shared>> -> memref<10240x64xf32, #tpu.memory_space<vmem_shared>>
      tpu.wait_indirect_dma semaphore(%arg31 : memref<!tpu.dma_semaphore, #tpu.memory_space<semaphore_mem>>) src(%dma_wait3A_291 : memref<10240x64xf32, #tpu.memory_space<vmem_shared>>) dst(%arg16 : memref<128x64xf32, #tpu.memory_space<vmem>>)
      %dma_start3A_292 = arith.constant 1 : i32
      %dma_start3A_293 = arith.constant 0 : i32
      %dma_start3A_294 = tpu.memref_slice %arg8[%dma_start3A_292, %dma_start3A_293] : memref<2x128xi32, #tpu.memory_space<vmem>> -> memref<1x128xi32, #tpu.memory_space<vmem>>
      %dma_start3A_295 = tpu.memref_squeeze %dma_start3A_294 : memref<1x128xi32, #tpu.memory_space<vmem>> -> memref<128xi32, #tpu.memory_space<vmem>>
      %dma_start3A_296 = arith.constant 0 : i32
      %dma_start3A_297 = arith.constant 0 : i32
      %dma_start3A_298 = tpu.memref_slice %arg19[%dma_start3A_296, %dma_start3A_297] : memref<10240x64xf32, #tpu.memory_space<vmem_shared>> -> memref<10240x64xf32, #tpu.memory_space<vmem_shared>>
      tpu.enqueue_indirect_dma source(%arg16 : memref<128x64xf32, #tpu.memory_space<vmem>>) target(%dma_start3A_298 : memref<10240x64xf32, #tpu.memory_space<vmem_shared>>) offsets(%dma_start3A_295 : memref<128xi32, #tpu.memory_space<vmem>>) semaphore(%arg35 : memref<!tpu.dma_semaphore, #tpu.memory_space<semaphore_mem>>) {add = true}
      %add3A_299 = arith.constant 2 : i32
      %add3A_300 = arith.addi %add3A_284, %add3A_299 : i32
      %lt3A_301 = arith.constant 160 : i32
      %lt3A_302 = arith.cmpi slt, %add3A_300, %lt3A_301 : i32
      %convert_element_type3A_303 = arith.extui %lt3A_302 : i1 to i32
      %cond3A_304 = arith.constant 0 : i32
      %cond3A_305 = arith.cmpi ne, %convert_element_type3A_303, %cond3A_304 : i32
      scf.if %cond3A_305 {
        %sub3A = arith.constant 2 : i32
        %sub3A_469 = arith.subi %add3A_284, %sub3A : i32
        %ge3A = arith.constant 0 : i32
        %ge3A_470 = arith.cmpi sge, %sub3A_469, %ge3A : i32
        %convert_element_type3A_471 = arith.extui %ge3A_470 : i1 to i32
        %cond3A_472 = arith.constant 0 : i32
        %cond3A_473 = arith.cmpi ne, %convert_element_type3A_471, %cond3A_472 : i32
        scf.if %cond3A_473 {
          %dma_wait3A_474 = arith.constant 1 : i32
          %dma_wait3A_475 = arith.constant 0 : i32
          %dma_wait3A_476 = tpu.memref_slice %arg6[%dma_wait3A_474, %dma_wait3A_475] : memref<2x128xi32, #tpu.memory_space<vmem>> -> memref<1x128xi32, #tpu.memory_space<vmem>>
          %dma_wait3A_477 = tpu.memref_squeeze %dma_wait3A_476 : memref<1x128xi32, #tpu.memory_space<vmem>> -> memref<128xi32, #tpu.memory_space<vmem>>
          %dma_wait3A_478 = arith.constant 0 : i32
          %dma_wait3A_479 = arith.constant 0 : i32
          %dma_wait3A_480 = tpu.memref_slice %arg19[%dma_wait3A_478, %dma_wait3A_479] : memref<10240x64xf32, #tpu.memory_space<vmem_shared>> -> memref<10240x64xf32, #tpu.memory_space<vmem_shared>>
          tpu.wait_indirect_dma semaphore(%arg33 : memref<!tpu.dma_semaphore, #tpu.memory_space<semaphore_mem>>) src(%arg14 : memref<128x64xf32, #tpu.memory_space<vmem>>) dst(%dma_wait3A_480 : memref<10240x64xf32, #tpu.memory_space<vmem_shared>>)
        } else {
        }
      } else {
      }
      %add3A_306 = arith.constant 4 : i32
      %add3A_307 = arith.addi %add3A_284, %add3A_306 : i32
      %lt3A_308 = arith.constant 160 : i32
      %lt3A_309 = arith.cmpi slt, %add3A_307, %lt3A_308 : i32
      %convert_element_type3A_310 = arith.extui %lt3A_309 : i1 to i32
      %cond3A_311 = arith.constant 0 : i32
      %cond3A_312 = arith.cmpi ne, %convert_element_type3A_310, %cond3A_311 : i32
      scf.if %cond3A_312 {
        %add3A_469 = arith.constant 4 : i32
        %add3A_470 = arith.addi %add3A_284, %add3A_469 : i32
        %dma_start3A_471 = arith.constant 0 : i32
        %dma_start3A_472 = arith.constant 0 : i32
        %dma_start3A_473 = arith.constant 0 : i32
        %dma_start3A_474 = tpu.memref_slice %arg3[%arg1, %dma_start3A_471, %dma_start3A_472, %dma_start3A_473] : memref<16x160x2x128xi32, #tpu.memory_space<hbm>> -> memref<1x160x2x128xi32, #tpu.memory_space<hbm>>
        %dma_start3A_475 = tpu.memref_squeeze %dma_start3A_474 : memref<1x160x2x128xi32, #tpu.memory_space<hbm>> -> memref<160x2x128xi32, #tpu.memory_space<hbm>>
        %dma_start3A_476 = arith.constant 0 : i32
        %dma_start3A_477 = arith.constant 0 : i32
        %dma_start3A_478 = tpu.memref_slice %dma_start3A_475[%add3A_470, %dma_start3A_476, %dma_start3A_477] : memref<160x2x128xi32, #tpu.memory_space<hbm>> -> memref<1x2x128xi32, #tpu.memory_space<hbm>>
        %dma_start3A_479 = tpu.memref_squeeze %dma_start3A_478 : memref<1x2x128xi32, #tpu.memory_space<hbm>> -> memref<2x128xi32, #tpu.memory_space<hbm>>
        %dma_start3A_480 = arith.constant 0 : i32
        %dma_start3A_481 = arith.constant 0 : i32
        %dma_start3A_482 = arith.constant 0 : i32
        %dma_start3A_483 = tpu.memref_slice %arg3[%arg1, %dma_start3A_480, %dma_start3A_481, %dma_start3A_482] : memref<16x160x2x128xi32, #tpu.memory_space<hbm>> -> memref<1x160x2x128xi32, #tpu.memory_space<hbm>>
        %dma_start3A_484 = tpu.memref_squeeze %dma_start3A_483 : memref<1x160x2x128xi32, #tpu.memory_space<hbm>> -> memref<160x2x128xi32, #tpu.memory_space<hbm>>
        %dma_start3A_485 = arith.constant 0 : i32
        %dma_start3A_486 = arith.constant 0 : i32
        %dma_start3A_487 = tpu.memref_slice %dma_start3A_484[%add3A_470, %dma_start3A_485, %dma_start3A_486] : memref<160x2x128xi32, #tpu.memory_space<hbm>> -> memref<1x2x128xi32, #tpu.memory_space<hbm>>
        %dma_start3A_488 = tpu.memref_squeeze %dma_start3A_487 : memref<1x2x128xi32, #tpu.memory_space<hbm>> -> memref<2x128xi32, #tpu.memory_space<hbm>>
        tpu.enqueue_dma source(%dma_start3A_488 : memref<2x128xi32, #tpu.memory_space<hbm>>) target(%arg12 : memref<2x128xi32, #tpu.memory_space<vmem>>) target_semaphore(%arg27 : memref<!tpu.dma_semaphore, #tpu.memory_space<semaphore_mem>>)
      } else {
      }
      %add3A_313 = arith.constant 1 : i32
      %add3A_314 = arith.addi %add3A_284, %add3A_313 : i32
      %lt3A_315 = arith.constant 160 : i32
      %lt3A_316 = arith.cmpi slt, %add3A_314, %lt3A_315 : i32
      %convert_element_type3A_317 = arith.extui %lt3A_316 : i1 to i32
      %cond3A_318 = arith.constant 0 : i32
      %cond3A_319 = arith.cmpi ne, %convert_element_type3A_317, %cond3A_318 : i32
      scf.if %cond3A_319 {
        %add3A_469 = arith.constant 1 : i32
        %add3A_470 = arith.addi %add3A_284, %add3A_469 : i32
        %dma_wait3A_471 = arith.constant 0 : i32
        %dma_wait3A_472 = arith.constant 0 : i32
        %dma_wait3A_473 = arith.constant 0 : i32
        %dma_wait3A_474 = tpu.memref_slice %arg3[%arg1, %dma_wait3A_471, %dma_wait3A_472, %dma_wait3A_473] : memref<16x160x2x128xi32, #tpu.memory_space<hbm>> -> memref<1x160x2x128xi32, #tpu.memory_space<hbm>>
        %dma_wait3A_475 = tpu.memref_squeeze %dma_wait3A_474 : memref<1x160x2x128xi32, #tpu.memory_space<hbm>> -> memref<160x2x128xi32, #tpu.memory_space<hbm>>
        %dma_wait3A_476 = arith.constant 0 : i32
        %dma_wait3A_477 = arith.constant 0 : i32
        %dma_wait3A_478 = tpu.memref_slice %dma_wait3A_475[%add3A_470, %dma_wait3A_476, %dma_wait3A_477] : memref<160x2x128xi32, #tpu.memory_space<hbm>> -> memref<1x2x128xi32, #tpu.memory_space<hbm>>
        %dma_wait3A_479 = tpu.memref_squeeze %dma_wait3A_478 : memref<1x2x128xi32, #tpu.memory_space<hbm>> -> memref<2x128xi32, #tpu.memory_space<hbm>>
        %dma_wait3A_480 = arith.constant 0 : i32
        %dma_wait3A_481 = arith.constant 0 : i32
        %dma_wait3A_482 = arith.constant 0 : i32
        %dma_wait3A_483 = tpu.memref_slice %arg3[%arg1, %dma_wait3A_480, %dma_wait3A_481, %dma_wait3A_482] : memref<16x160x2x128xi32, #tpu.memory_space<hbm>> -> memref<1x160x2x128xi32, #tpu.memory_space<hbm>>
        %dma_wait3A_484 = tpu.memref_squeeze %dma_wait3A_483 : memref<1x160x2x128xi32, #tpu.memory_space<hbm>> -> memref<160x2x128xi32, #tpu.memory_space<hbm>>
        %dma_wait3A_485 = arith.constant 0 : i32
        %dma_wait3A_486 = arith.constant 0 : i32
        %dma_wait3A_487 = tpu.memref_slice %dma_wait3A_484[%add3A_470, %dma_wait3A_485, %dma_wait3A_486] : memref<160x2x128xi32, #tpu.memory_space<hbm>> -> memref<1x2x128xi32, #tpu.memory_space<hbm>>
        %dma_wait3A_488 = tpu.memref_squeeze %dma_wait3A_487 : memref<1x2x128xi32, #tpu.memory_space<hbm>> -> memref<2x128xi32, #tpu.memory_space<hbm>>
        tpu.wait_dma2 semaphore(%arg24 : memref<!tpu.dma_semaphore, #tpu.memory_space<semaphore_mem>>) src(%dma_wait3A_488 : memref<2x128xi32, #tpu.memory_space<hbm>>) dst(%arg9 : memref<2x128xi32, #tpu.memory_space<vmem>>)
        %dma_start3A_489 = arith.constant 0 : i32
        %dma_start3A_490 = arith.constant 0 : i32
        %dma_start3A_491 = tpu.memref_slice %arg9[%dma_start3A_489, %dma_start3A_490] : memref<2x128xi32, #tpu.memory_space<vmem>> -> memref<1x128xi32, #tpu.memory_space<vmem>>
        %dma_start3A_492 = tpu.memref_squeeze %dma_start3A_491 : memref<1x128xi32, #tpu.memory_space<vmem>> -> memref<128xi32, #tpu.memory_space<vmem>>
        %dma_start3A_493 = arith.constant 0 : i32
        %dma_start3A_494 = arith.constant 0 : i32
        %dma_start3A_495 = tpu.memref_slice %arg18[%dma_start3A_493, %dma_start3A_494] : memref<10240x64xf32, #tpu.memory_space<vmem_shared>> -> memref<10240x64xf32, #tpu.memory_space<vmem_shared>>
        tpu.enqueue_indirect_dma source(%dma_start3A_495 : memref<10240x64xf32, #tpu.memory_space<vmem_shared>>) target(%arg13 : memref<128x64xf32, #tpu.memory_space<vmem>>) offsets(%dma_start3A_492 : memref<128xi32, #tpu.memory_space<vmem>>) semaphore(%arg28 : memref<!tpu.dma_semaphore, #tpu.memory_space<semaphore_mem>>)
      } else {
      }
      %add3A_320 = arith.constant 4 : i32
      %add3A_321 = arith.addi %mul3A_174, %add3A_320 : i32
      %dma_wait3A_322 = arith.constant 0 : i32
      %dma_wait3A_323 = arith.constant 0 : i32
      %dma_wait3A_324 = tpu.memref_slice %arg9[%dma_wait3A_322, %dma_wait3A_323] : memref<2x128xi32, #tpu.memory_space<vmem>> -> memref<1x128xi32, #tpu.memory_space<vmem>>
      %dma_wait3A_325 = tpu.memref_squeeze %dma_wait3A_324 : memref<1x128xi32, #tpu.memory_space<vmem>> -> memref<128xi32, #tpu.memory_space<vmem>>
      %dma_wait3A_326 = arith.constant 0 : i32
      %dma_wait3A_327 = arith.constant 0 : i32
      %dma_wait3A_328 = tpu.memref_slice %arg18[%dma_wait3A_326, %dma_wait3A_327] : memref<10240x64xf32, #tpu.memory_space<vmem_shared>> -> memref<10240x64xf32, #tpu.memory_space<vmem_shared>>
      tpu.wait_indirect_dma semaphore(%arg28 : memref<!tpu.dma_semaphore, #tpu.memory_space<semaphore_mem>>) src(%dma_wait3A_328 : memref<10240x64xf32, #tpu.memory_space<vmem_shared>>) dst(%arg13 : memref<128x64xf32, #tpu.memory_space<vmem>>)
      %dma_start3A_329 = arith.constant 1 : i32
      %dma_start3A_330 = arith.constant 0 : i32
      %dma_start3A_331 = tpu.memref_slice %arg9[%dma_start3A_329, %dma_start3A_330] : memref<2x128xi32, #tpu.memory_space<vmem>> -> memref<1x128xi32, #tpu.memory_space<vmem>>
      %dma_start3A_332 = tpu.memref_squeeze %dma_start3A_331 : memref<1x128xi32, #tpu.memory_space<vmem>> -> memref<128xi32, #tpu.memory_space<vmem>>
      %dma_start3A_333 = arith.constant 0 : i32
      %dma_start3A_334 = arith.constant 0 : i32
      %dma_start3A_335 = tpu.memref_slice %arg19[%dma_start3A_333, %dma_start3A_334] : memref<10240x64xf32, #tpu.memory_space<vmem_shared>> -> memref<10240x64xf32, #tpu.memory_space<vmem_shared>>
      tpu.enqueue_indirect_dma source(%arg13 : memref<128x64xf32, #tpu.memory_space<vmem>>) target(%dma_start3A_335 : memref<10240x64xf32, #tpu.memory_space<vmem_shared>>) offsets(%dma_start3A_332 : memref<128xi32, #tpu.memory_space<vmem>>) semaphore(%arg32 : memref<!tpu.dma_semaphore, #tpu.memory_space<semaphore_mem>>) {add = true}
      %add3A_336 = arith.constant 2 : i32
      %add3A_337 = arith.addi %add3A_321, %add3A_336 : i32
      %lt3A_338 = arith.constant 160 : i32
      %lt3A_339 = arith.cmpi slt, %add3A_337, %lt3A_338 : i32
      %convert_element_type3A_340 = arith.extui %lt3A_339 : i1 to i32
      %cond3A_341 = arith.constant 0 : i32
      %cond3A_342 = arith.cmpi ne, %convert_element_type3A_340, %cond3A_341 : i32
      scf.if %cond3A_342 {
        %sub3A = arith.constant 2 : i32
        %sub3A_469 = arith.subi %add3A_321, %sub3A : i32
        %ge3A = arith.constant 0 : i32
        %ge3A_470 = arith.cmpi sge, %sub3A_469, %ge3A : i32
        %convert_element_type3A_471 = arith.extui %ge3A_470 : i1 to i32
        %cond3A_472 = arith.constant 0 : i32
        %cond3A_473 = arith.cmpi ne, %convert_element_type3A_471, %cond3A_472 : i32
        scf.if %cond3A_473 {
          %dma_wait3A_474 = arith.constant 1 : i32
          %dma_wait3A_475 = arith.constant 0 : i32
          %dma_wait3A_476 = tpu.memref_slice %arg7[%dma_wait3A_474, %dma_wait3A_475] : memref<2x128xi32, #tpu.memory_space<vmem>> -> memref<1x128xi32, #tpu.memory_space<vmem>>
          %dma_wait3A_477 = tpu.memref_squeeze %dma_wait3A_476 : memref<1x128xi32, #tpu.memory_space<vmem>> -> memref<128xi32, #tpu.memory_space<vmem>>
          %dma_wait3A_478 = arith.constant 0 : i32
          %dma_wait3A_479 = arith.constant 0 : i32
          %dma_wait3A_480 = tpu.memref_slice %arg19[%dma_wait3A_478, %dma_wait3A_479] : memref<10240x64xf32, #tpu.memory_space<vmem_shared>> -> memref<10240x64xf32, #tpu.memory_space<vmem_shared>>
          tpu.wait_indirect_dma semaphore(%arg34 : memref<!tpu.dma_semaphore, #tpu.memory_space<semaphore_mem>>) src(%arg15 : memref<128x64xf32, #tpu.memory_space<vmem>>) dst(%dma_wait3A_480 : memref<10240x64xf32, #tpu.memory_space<vmem_shared>>)
        } else {
        }
      } else {
      }
      %add3A_343 = arith.constant 4 : i32
      %add3A_344 = arith.addi %add3A_321, %add3A_343 : i32
      %lt3A_345 = arith.constant 160 : i32
      %lt3A_346 = arith.cmpi slt, %add3A_344, %lt3A_345 : i32
      %convert_element_type3A_347 = arith.extui %lt3A_346 : i1 to i32
      %cond3A_348 = arith.constant 0 : i32
      %cond3A_349 = arith.cmpi ne, %convert_element_type3A_347, %cond3A_348 : i32
      scf.if %cond3A_349 {
        %add3A_469 = arith.constant 4 : i32
        %add3A_470 = arith.addi %add3A_321, %add3A_469 : i32
        %dma_start3A_471 = arith.constant 0 : i32
        %dma_start3A_472 = arith.constant 0 : i32
        %dma_start3A_473 = arith.constant 0 : i32
        %dma_start3A_474 = tpu.memref_slice %arg3[%arg1, %dma_start3A_471, %dma_start3A_472, %dma_start3A_473] : memref<16x160x2x128xi32, #tpu.memory_space<hbm>> -> memref<1x160x2x128xi32, #tpu.memory_space<hbm>>
        %dma_start3A_475 = tpu.memref_squeeze %dma_start3A_474 : memref<1x160x2x128xi32, #tpu.memory_space<hbm>> -> memref<160x2x128xi32, #tpu.memory_space<hbm>>
        %dma_start3A_476 = arith.constant 0 : i32
        %dma_start3A_477 = arith.constant 0 : i32
        %dma_start3A_478 = tpu.memref_slice %dma_start3A_475[%add3A_470, %dma_start3A_476, %dma_start3A_477] : memref<160x2x128xi32, #tpu.memory_space<hbm>> -> memref<1x2x128xi32, #tpu.memory_space<hbm>>
        %dma_start3A_479 = tpu.memref_squeeze %dma_start3A_478 : memref<1x2x128xi32, #tpu.memory_space<hbm>> -> memref<2x128xi32, #tpu.memory_space<hbm>>
        %dma_start3A_480 = arith.constant 0 : i32
        %dma_start3A_481 = arith.constant 0 : i32
        %dma_start3A_482 = arith.constant 0 : i32
        %dma_start3A_483 = tpu.memref_slice %arg3[%arg1, %dma_start3A_480, %dma_start3A_481, %dma_start3A_482] : memref<16x160x2x128xi32, #tpu.memory_space<hbm>> -> memref<1x160x2x128xi32, #tpu.memory_space<hbm>>
        %dma_start3A_484 = tpu.memref_squeeze %dma_start3A_483 : memref<1x160x2x128xi32, #tpu.memory_space<hbm>> -> memref<160x2x128xi32, #tpu.memory_space<hbm>>
        %dma_start3A_485 = arith.constant 0 : i32
        %dma_start3A_486 = arith.constant 0 : i32
        %dma_start3A_487 = tpu.memref_slice %dma_start3A_484[%add3A_470, %dma_start3A_485, %dma_start3A_486] : memref<160x2x128xi32, #tpu.memory_space<hbm>> -> memref<1x2x128xi32, #tpu.memory_space<hbm>>
        %dma_start3A_488 = tpu.memref_squeeze %dma_start3A_487 : memref<1x2x128xi32, #tpu.memory_space<hbm>> -> memref<2x128xi32, #tpu.memory_space<hbm>>
        tpu.enqueue_dma source(%dma_start3A_488 : memref<2x128xi32, #tpu.memory_space<hbm>>) target(%arg5 : memref<2x128xi32, #tpu.memory_space<vmem>>) target_semaphore(%arg20 : memref<!tpu.dma_semaphore, #tpu.memory_space<semaphore_mem>>)
      } else {
      }
      %add3A_350 = arith.constant 1 : i32
      %add3A_351 = arith.addi %add3A_321, %add3A_350 : i32
      %lt3A_352 = arith.constant 160 : i32
      %lt3A_353 = arith.cmpi slt, %add3A_351, %lt3A_352 : i32
      %convert_element_type3A_354 = arith.extui %lt3A_353 : i1 to i32
      %cond3A_355 = arith.constant 0 : i32
      %cond3A_356 = arith.cmpi ne, %convert_element_type3A_354, %cond3A_355 : i32
      scf.if %cond3A_356 {
        %add3A_469 = arith.constant 1 : i32
        %add3A_470 = arith.addi %add3A_321, %add3A_469 : i32
        %dma_wait3A_471 = arith.constant 0 : i32
        %dma_wait3A_472 = arith.constant 0 : i32
        %dma_wait3A_473 = arith.constant 0 : i32
        %dma_wait3A_474 = tpu.memref_slice %arg3[%arg1, %dma_wait3A_471, %dma_wait3A_472, %dma_wait3A_473] : memref<16x160x2x128xi32, #tpu.memory_space<hbm>> -> memref<1x160x2x128xi32, #tpu.memory_space<hbm>>
        %dma_wait3A_475 = tpu.memref_squeeze %dma_wait3A_474 : memref<1x160x2x128xi32, #tpu.memory_space<hbm>> -> memref<160x2x128xi32, #tpu.memory_space<hbm>>
        %dma_wait3A_476 = arith.constant 0 : i32
        %dma_wait3A_477 = arith.constant 0 : i32
        %dma_wait3A_478 = tpu.memref_slice %dma_wait3A_475[%add3A_470, %dma_wait3A_476, %dma_wait3A_477] : memref<160x2x128xi32, #tpu.memory_space<hbm>> -> memref<1x2x128xi32, #tpu.memory_space<hbm>>
        %dma_wait3A_479 = tpu.memref_squeeze %dma_wait3A_478 : memref<1x2x128xi32, #tpu.memory_space<hbm>> -> memref<2x128xi32, #tpu.memory_space<hbm>>
        %dma_wait3A_480 = arith.constant 0 : i32
        %dma_wait3A_481 = arith.constant 0 : i32
        %dma_wait3A_482 = arith.constant 0 : i32
        %dma_wait3A_483 = tpu.memref_slice %arg3[%arg1, %dma_wait3A_480, %dma_wait3A_481, %dma_wait3A_482] : memref<16x160x2x128xi32, #tpu.memory_space<hbm>> -> memref<1x160x2x128xi32, #tpu.memory_space<hbm>>
        %dma_wait3A_484 = tpu.memref_squeeze %dma_wait3A_483 : memref<1x160x2x128xi32, #tpu.memory_space<hbm>> -> memref<160x2x128xi32, #tpu.memory_space<hbm>>
        %dma_wait3A_485 = arith.constant 0 : i32
        %dma_wait3A_486 = arith.constant 0 : i32
        %dma_wait3A_487 = tpu.memref_slice %dma_wait3A_484[%add3A_470, %dma_wait3A_485, %dma_wait3A_486] : memref<160x2x128xi32, #tpu.memory_space<hbm>> -> memref<1x2x128xi32, #tpu.memory_space<hbm>>
        %dma_wait3A_488 = tpu.memref_squeeze %dma_wait3A_487 : memref<1x2x128xi32, #tpu.memory_space<hbm>> -> memref<2x128xi32, #tpu.memory_space<hbm>>
        tpu.wait_dma2 semaphore(%arg25 : memref<!tpu.dma_semaphore, #tpu.memory_space<semaphore_mem>>) src(%dma_wait3A_488 : memref<2x128xi32, #tpu.memory_space<hbm>>) dst(%arg10 : memref<2x128xi32, #tpu.memory_space<vmem>>)
        %dma_start3A_489 = arith.constant 0 : i32
        %dma_start3A_490 = arith.constant 0 : i32
        %dma_start3A_491 = tpu.memref_slice %arg10[%dma_start3A_489, %dma_start3A_490] : memref<2x128xi32, #tpu.memory_space<vmem>> -> memref<1x128xi32, #tpu.memory_space<vmem>>
        %dma_start3A_492 = tpu.memref_squeeze %dma_start3A_491 : memref<1x128xi32, #tpu.memory_space<vmem>> -> memref<128xi32, #tpu.memory_space<vmem>>
        %dma_start3A_493 = arith.constant 0 : i32
        %dma_start3A_494 = arith.constant 0 : i32
        %dma_start3A_495 = tpu.memref_slice %arg18[%dma_start3A_493, %dma_start3A_494] : memref<10240x64xf32, #tpu.memory_space<vmem_shared>> -> memref<10240x64xf32, #tpu.memory_space<vmem_shared>>
        tpu.enqueue_indirect_dma source(%dma_start3A_495 : memref<10240x64xf32, #tpu.memory_space<vmem_shared>>) target(%arg14 : memref<128x64xf32, #tpu.memory_space<vmem>>) offsets(%dma_start3A_492 : memref<128xi32, #tpu.memory_space<vmem>>) semaphore(%arg29 : memref<!tpu.dma_semaphore, #tpu.memory_space<semaphore_mem>>)
      } else {
      }
      %add3A_357 = arith.constant 5 : i32
      %add3A_358 = arith.addi %mul3A_174, %add3A_357 : i32
      %dma_wait3A_359 = arith.constant 0 : i32
      %dma_wait3A_360 = arith.constant 0 : i32
      %dma_wait3A_361 = tpu.memref_slice %arg10[%dma_wait3A_359, %dma_wait3A_360] : memref<2x128xi32, #tpu.memory_space<vmem>> -> memref<1x128xi32, #tpu.memory_space<vmem>>
      %dma_wait3A_362 = tpu.memref_squeeze %dma_wait3A_361 : memref<1x128xi32, #tpu.memory_space<vmem>> -> memref<128xi32, #tpu.memory_space<vmem>>
      %dma_wait3A_363 = arith.constant 0 : i32
      %dma_wait3A_364 = arith.constant 0 : i32
      %dma_wait3A_365 = tpu.memref_slice %arg18[%dma_wait3A_363, %dma_wait3A_364] : memref<10240x64xf32, #tpu.memory_space<vmem_shared>> -> memref<10240x64xf32, #tpu.memory_space<vmem_shared>>
      tpu.wait_indirect_dma semaphore(%arg29 : memref<!tpu.dma_semaphore, #tpu.memory_space<semaphore_mem>>) src(%dma_wait3A_365 : memref<10240x64xf32, #tpu.memory_space<vmem_shared>>) dst(%arg14 : memref<128x64xf32, #tpu.memory_space<vmem>>)
      %dma_start3A_366 = arith.constant 1 : i32
      %dma_start3A_367 = arith.constant 0 : i32
      %dma_start3A_368 = tpu.memref_slice %arg10[%dma_start3A_366, %dma_start3A_367] : memref<2x128xi32, #tpu.memory_space<vmem>> -> memref<1x128xi32, #tpu.memory_space<vmem>>
      %dma_start3A_369 = tpu.memref_squeeze %dma_start3A_368 : memref<1x128xi32, #tpu.memory_space<vmem>> -> memref<128xi32, #tpu.memory_space<vmem>>
      %dma_start3A_370 = arith.constant 0 : i32
      %dma_start3A_371 = arith.constant 0 : i32
      %dma_start3A_372 = tpu.memref_slice %arg19[%dma_start3A_370, %dma_start3A_371] : memref<10240x64xf32, #tpu.memory_space<vmem_shared>> -> memref<10240x64xf32, #tpu.memory_space<vmem_shared>>
      tpu.enqueue_indirect_dma source(%arg14 : memref<128x64xf32, #tpu.memory_space<vmem>>) target(%dma_start3A_372 : memref<10240x64xf32, #tpu.memory_space<vmem_shared>>) offsets(%dma_start3A_369 : memref<128xi32, #tpu.memory_space<vmem>>) semaphore(%arg33 : memref<!tpu.dma_semaphore, #tpu.memory_space<semaphore_mem>>) {add = true}
      %add3A_373 = arith.constant 2 : i32
      %add3A_374 = arith.addi %add3A_358, %add3A_373 : i32
      %lt3A_375 = arith.constant 160 : i32
      %lt3A_376 = arith.cmpi slt, %add3A_374, %lt3A_375 : i32
      %convert_element_type3A_377 = arith.extui %lt3A_376 : i1 to i32
      %cond3A_378 = arith.constant 0 : i32
      %cond3A_379 = arith.cmpi ne, %convert_element_type3A_377, %cond3A_378 : i32
      scf.if %cond3A_379 {
        %sub3A = arith.constant 2 : i32
        %sub3A_469 = arith.subi %add3A_358, %sub3A : i32
        %ge3A = arith.constant 0 : i32
        %ge3A_470 = arith.cmpi sge, %sub3A_469, %ge3A : i32
        %convert_element_type3A_471 = arith.extui %ge3A_470 : i1 to i32
        %cond3A_472 = arith.constant 0 : i32
        %cond3A_473 = arith.cmpi ne, %convert_element_type3A_471, %cond3A_472 : i32
        scf.if %cond3A_473 {
          %dma_wait3A_474 = arith.constant 1 : i32
          %dma_wait3A_475 = arith.constant 0 : i32
          %dma_wait3A_476 = tpu.memref_slice %arg8[%dma_wait3A_474, %dma_wait3A_475] : memref<2x128xi32, #tpu.memory_space<vmem>> -> memref<1x128xi32, #tpu.memory_space<vmem>>
          %dma_wait3A_477 = tpu.memref_squeeze %dma_wait3A_476 : memref<1x128xi32, #tpu.memory_space<vmem>> -> memref<128xi32, #tpu.memory_space<vmem>>
          %dma_wait3A_478 = arith.constant 0 : i32
          %dma_wait3A_479 = arith.constant 0 : i32
          %dma_wait3A_480 = tpu.memref_slice %arg19[%dma_wait3A_478, %dma_wait3A_479] : memref<10240x64xf32, #tpu.memory_space<vmem_shared>> -> memref<10240x64xf32, #tpu.memory_space<vmem_shared>>
          tpu.wait_indirect_dma semaphore(%arg35 : memref<!tpu.dma_semaphore, #tpu.memory_space<semaphore_mem>>) src(%arg16 : memref<128x64xf32, #tpu.memory_space<vmem>>) dst(%dma_wait3A_480 : memref<10240x64xf32, #tpu.memory_space<vmem_shared>>)
        } else {
        }
      } else {
      }
      %add3A_380 = arith.constant 4 : i32
      %add3A_381 = arith.addi %add3A_358, %add3A_380 : i32
      %lt3A_382 = arith.constant 160 : i32
      %lt3A_383 = arith.cmpi slt, %add3A_381, %lt3A_382 : i32
      %convert_element_type3A_384 = arith.extui %lt3A_383 : i1 to i32
      %cond3A_385 = arith.constant 0 : i32
      %cond3A_386 = arith.cmpi ne, %convert_element_type3A_384, %cond3A_385 : i32
      scf.if %cond3A_386 {
        %add3A_469 = arith.constant 4 : i32
        %add3A_470 = arith.addi %add3A_358, %add3A_469 : i32
        %dma_start3A_471 = arith.constant 0 : i32
        %dma_start3A_472 = arith.constant 0 : i32
        %dma_start3A_473 = arith.constant 0 : i32
        %dma_start3A_474 = tpu.memref_slice %arg3[%arg1, %dma_start3A_471, %dma_start3A_472, %dma_start3A_473] : memref<16x160x2x128xi32, #tpu.memory_space<hbm>> -> memref<1x160x2x128xi32, #tpu.memory_space<hbm>>
        %dma_start3A_475 = tpu.memref_squeeze %dma_start3A_474 : memref<1x160x2x128xi32, #tpu.memory_space<hbm>> -> memref<160x2x128xi32, #tpu.memory_space<hbm>>
        %dma_start3A_476 = arith.constant 0 : i32
        %dma_start3A_477 = arith.constant 0 : i32
        %dma_start3A_478 = tpu.memref_slice %dma_start3A_475[%add3A_470, %dma_start3A_476, %dma_start3A_477] : memref<160x2x128xi32, #tpu.memory_space<hbm>> -> memref<1x2x128xi32, #tpu.memory_space<hbm>>
        %dma_start3A_479 = tpu.memref_squeeze %dma_start3A_478 : memref<1x2x128xi32, #tpu.memory_space<hbm>> -> memref<2x128xi32, #tpu.memory_space<hbm>>
        %dma_start3A_480 = arith.constant 0 : i32
        %dma_start3A_481 = arith.constant 0 : i32
        %dma_start3A_482 = arith.constant 0 : i32
        %dma_start3A_483 = tpu.memref_slice %arg3[%arg1, %dma_start3A_480, %dma_start3A_481, %dma_start3A_482] : memref<16x160x2x128xi32, #tpu.memory_space<hbm>> -> memref<1x160x2x128xi32, #tpu.memory_space<hbm>>
        %dma_start3A_484 = tpu.memref_squeeze %dma_start3A_483 : memref<1x160x2x128xi32, #tpu.memory_space<hbm>> -> memref<160x2x128xi32, #tpu.memory_space<hbm>>
        %dma_start3A_485 = arith.constant 0 : i32
        %dma_start3A_486 = arith.constant 0 : i32
        %dma_start3A_487 = tpu.memref_slice %dma_start3A_484[%add3A_470, %dma_start3A_485, %dma_start3A_486] : memref<160x2x128xi32, #tpu.memory_space<hbm>> -> memref<1x2x128xi32, #tpu.memory_space<hbm>>
        %dma_start3A_488 = tpu.memref_squeeze %dma_start3A_487 : memref<1x2x128xi32, #tpu.memory_space<hbm>> -> memref<2x128xi32, #tpu.memory_space<hbm>>
        tpu.enqueue_dma source(%dma_start3A_488 : memref<2x128xi32, #tpu.memory_space<hbm>>) target(%arg6 : memref<2x128xi32, #tpu.memory_space<vmem>>) target_semaphore(%arg21 : memref<!tpu.dma_semaphore, #tpu.memory_space<semaphore_mem>>)
      } else {
      }
      %add3A_387 = arith.constant 1 : i32
      %add3A_388 = arith.addi %add3A_358, %add3A_387 : i32
      %lt3A_389 = arith.constant 160 : i32
      %lt3A_390 = arith.cmpi slt, %add3A_388, %lt3A_389 : i32
      %convert_element_type3A_391 = arith.extui %lt3A_390 : i1 to i32
      %cond3A_392 = arith.constant 0 : i32
      %cond3A_393 = arith.cmpi ne, %convert_element_type3A_391, %cond3A_392 : i32
      scf.if %cond3A_393 {
        %add3A_469 = arith.constant 1 : i32
        %add3A_470 = arith.addi %add3A_358, %add3A_469 : i32
        %dma_wait3A_471 = arith.constant 0 : i32
        %dma_wait3A_472 = arith.constant 0 : i32
        %dma_wait3A_473 = arith.constant 0 : i32
        %dma_wait3A_474 = tpu.memref_slice %arg3[%arg1, %dma_wait3A_471, %dma_wait3A_472, %dma_wait3A_473] : memref<16x160x2x128xi32, #tpu.memory_space<hbm>> -> memref<1x160x2x128xi32, #tpu.memory_space<hbm>>
        %dma_wait3A_475 = tpu.memref_squeeze %dma_wait3A_474 : memref<1x160x2x128xi32, #tpu.memory_space<hbm>> -> memref<160x2x128xi32, #tpu.memory_space<hbm>>
        %dma_wait3A_476 = arith.constant 0 : i32
        %dma_wait3A_477 = arith.constant 0 : i32
        %dma_wait3A_478 = tpu.memref_slice %dma_wait3A_475[%add3A_470, %dma_wait3A_476, %dma_wait3A_477] : memref<160x2x128xi32, #tpu.memory_space<hbm>> -> memref<1x2x128xi32, #tpu.memory_space<hbm>>
        %dma_wait3A_479 = tpu.memref_squeeze %dma_wait3A_478 : memref<1x2x128xi32, #tpu.memory_space<hbm>> -> memref<2x128xi32, #tpu.memory_space<hbm>>
        %dma_wait3A_480 = arith.constant 0 : i32
        %dma_wait3A_481 = arith.constant 0 : i32
        %dma_wait3A_482 = arith.constant 0 : i32
        %dma_wait3A_483 = tpu.memref_slice %arg3[%arg1, %dma_wait3A_480, %dma_wait3A_481, %dma_wait3A_482] : memref<16x160x2x128xi32, #tpu.memory_space<hbm>> -> memref<1x160x2x128xi32, #tpu.memory_space<hbm>>
        %dma_wait3A_484 = tpu.memref_squeeze %dma_wait3A_483 : memref<1x160x2x128xi32, #tpu.memory_space<hbm>> -> memref<160x2x128xi32, #tpu.memory_space<hbm>>
        %dma_wait3A_485 = arith.constant 0 : i32
        %dma_wait3A_486 = arith.constant 0 : i32
        %dma_wait3A_487 = tpu.memref_slice %dma_wait3A_484[%add3A_470, %dma_wait3A_485, %dma_wait3A_486] : memref<160x2x128xi32, #tpu.memory_space<hbm>> -> memref<1x2x128xi32, #tpu.memory_space<hbm>>
        %dma_wait3A_488 = tpu.memref_squeeze %dma_wait3A_487 : memref<1x2x128xi32, #tpu.memory_space<hbm>> -> memref<2x128xi32, #tpu.memory_space<hbm>>
        tpu.wait_dma2 semaphore(%arg26 : memref<!tpu.dma_semaphore, #tpu.memory_space<semaphore_mem>>) src(%dma_wait3A_488 : memref<2x128xi32, #tpu.memory_space<hbm>>) dst(%arg11 : memref<2x128xi32, #tpu.memory_space<vmem>>)
        %dma_start3A_489 = arith.constant 0 : i32
        %dma_start3A_490 = arith.constant 0 : i32
        %dma_start3A_491 = tpu.memref_slice %arg11[%dma_start3A_489, %dma_start3A_490] : memref<2x128xi32, #tpu.memory_space<vmem>> -> memref<1x128xi32, #tpu.memory_space<vmem>>
        %dma_start3A_492 = tpu.memref_squeeze %dma_start3A_491 : memref<1x128xi32, #tpu.memory_space<vmem>> -> memref<128xi32, #tpu.memory_space<vmem>>
        %dma_start3A_493 = arith.constant 0 : i32
        %dma_start3A_494 = arith.constant 0 : i32
        %dma_start3A_495 = tpu.memref_slice %arg18[%dma_start3A_493, %dma_start3A_494] : memref<10240x64xf32, #tpu.memory_space<vmem_shared>> -> memref<10240x64xf32, #tpu.memory_space<vmem_shared>>
        tpu.enqueue_indirect_dma source(%dma_start3A_495 : memref<10240x64xf32, #tpu.memory_space<vmem_shared>>) target(%arg15 : memref<128x64xf32, #tpu.memory_space<vmem>>) offsets(%dma_start3A_492 : memref<128xi32, #tpu.memory_space<vmem>>) semaphore(%arg30 : memref<!tpu.dma_semaphore, #tpu.memory_space<semaphore_mem>>)
      } else {
      }
      %add3A_394 = arith.constant 6 : i32
      %add3A_395 = arith.addi %mul3A_174, %add3A_394 : i32
      %dma_wait3A_396 = arith.constant 0 : i32
      %dma_wait3A_397 = arith.constant 0 : i32
      %dma_wait3A_398 = tpu.memref_slice %arg11[%dma_wait3A_396, %dma_wait3A_397] : memref<2x128xi32, #tpu.memory_space<vmem>> -> memref<1x128xi32, #tpu.memory_space<vmem>>
      %dma_wait3A_399 = tpu.memref_squeeze %dma_wait3A_398 : memref<1x128xi32, #tpu.memory_space<vmem>> -> memref<128xi32, #tpu.memory_space<vmem>>
      %dma_wait3A_400 = arith.constant 0 : i32
      %dma_wait3A_401 = arith.constant 0 : i32
      %dma_wait3A_402 = tpu.memref_slice %arg18[%dma_wait3A_400, %dma_wait3A_401] : memref<10240x64xf32, #tpu.memory_space<vmem_shared>> -> memref<10240x64xf32, #tpu.memory_space<vmem_shared>>
      tpu.wait_indirect_dma semaphore(%arg30 : memref<!tpu.dma_semaphore, #tpu.memory_space<semaphore_mem>>) src(%dma_wait3A_402 : memref<10240x64xf32, #tpu.memory_space<vmem_shared>>) dst(%arg15 : memref<128x64xf32, #tpu.memory_space<vmem>>)
      %dma_start3A_403 = arith.constant 1 : i32
      %dma_start3A_404 = arith.constant 0 : i32
      %dma_start3A_405 = tpu.memref_slice %arg11[%dma_start3A_403, %dma_start3A_404] : memref<2x128xi32, #tpu.memory_space<vmem>> -> memref<1x128xi32, #tpu.memory_space<vmem>>
      %dma_start3A_406 = tpu.memref_squeeze %dma_start3A_405 : memref<1x128xi32, #tpu.memory_space<vmem>> -> memref<128xi32, #tpu.memory_space<vmem>>
      %dma_start3A_407 = arith.constant 0 : i32
      %dma_start3A_408 = arith.constant 0 : i32
      %dma_start3A_409 = tpu.memref_slice %arg19[%dma_start3A_407, %dma_start3A_408] : memref<10240x64xf32, #tpu.memory_space<vmem_shared>> -> memref<10240x64xf32, #tpu.memory_space<vmem_shared>>
      tpu.enqueue_indirect_dma source(%arg15 : memref<128x64xf32, #tpu.memory_space<vmem>>) target(%dma_start3A_409 : memref<10240x64xf32, #tpu.memory_space<vmem_shared>>) offsets(%dma_start3A_406 : memref<128xi32, #tpu.memory_space<vmem>>) semaphore(%arg34 : memref<!tpu.dma_semaphore, #tpu.memory_space<semaphore_mem>>) {add = true}
      %add3A_410 = arith.constant 2 : i32
      %add3A_411 = arith.addi %add3A_395, %add3A_410 : i32
      %lt3A_412 = arith.constant 160 : i32
      %lt3A_413 = arith.cmpi slt, %add3A_411, %lt3A_412 : i32
      %convert_element_type3A_414 = arith.extui %lt3A_413 : i1 to i32
      %cond3A_415 = arith.constant 0 : i32
      %cond3A_416 = arith.cmpi ne, %convert_element_type3A_414, %cond3A_415 : i32
      scf.if %cond3A_416 {
        %sub3A = arith.constant 2 : i32
        %sub3A_469 = arith.subi %add3A_395, %sub3A : i32
        %ge3A = arith.constant 0 : i32
        %ge3A_470 = arith.cmpi sge, %sub3A_469, %ge3A : i32
        %convert_element_type3A_471 = arith.extui %ge3A_470 : i1 to i32
        %cond3A_472 = arith.constant 0 : i32
        %cond3A_473 = arith.cmpi ne, %convert_element_type3A_471, %cond3A_472 : i32
        scf.if %cond3A_473 {
          %dma_wait3A_474 = arith.constant 1 : i32
          %dma_wait3A_475 = arith.constant 0 : i32
          %dma_wait3A_476 = tpu.memref_slice %arg9[%dma_wait3A_474, %dma_wait3A_475] : memref<2x128xi32, #tpu.memory_space<vmem>> -> memref<1x128xi32, #tpu.memory_space<vmem>>
          %dma_wait3A_477 = tpu.memref_squeeze %dma_wait3A_476 : memref<1x128xi32, #tpu.memory_space<vmem>> -> memref<128xi32, #tpu.memory_space<vmem>>
          %dma_wait3A_478 = arith.constant 0 : i32
          %dma_wait3A_479 = arith.constant 0 : i32
          %dma_wait3A_480 = tpu.memref_slice %arg19[%dma_wait3A_478, %dma_wait3A_479] : memref<10240x64xf32, #tpu.memory_space<vmem_shared>> -> memref<10240x64xf32, #tpu.memory_space<vmem_shared>>
          tpu.wait_indirect_dma semaphore(%arg32 : memref<!tpu.dma_semaphore, #tpu.memory_space<semaphore_mem>>) src(%arg13 : memref<128x64xf32, #tpu.memory_space<vmem>>) dst(%dma_wait3A_480 : memref<10240x64xf32, #tpu.memory_space<vmem_shared>>)
        } else {
        }
      } else {
      }
      %add3A_417 = arith.constant 4 : i32
      %add3A_418 = arith.addi %add3A_395, %add3A_417 : i32
      %lt3A_419 = arith.constant 160 : i32
      %lt3A_420 = arith.cmpi slt, %add3A_418, %lt3A_419 : i32
      %convert_element_type3A_421 = arith.extui %lt3A_420 : i1 to i32
      %cond3A_422 = arith.constant 0 : i32
      %cond3A_423 = arith.cmpi ne, %convert_element_type3A_421, %cond3A_422 : i32
      scf.if %cond3A_423 {
        %add3A_469 = arith.constant 4 : i32
        %add3A_470 = arith.addi %add3A_395, %add3A_469 : i32
        %dma_start3A_471 = arith.constant 0 : i32
        %dma_start3A_472 = arith.constant 0 : i32
        %dma_start3A_473 = arith.constant 0 : i32
        %dma_start3A_474 = tpu.memref_slice %arg3[%arg1, %dma_start3A_471, %dma_start3A_472, %dma_start3A_473] : memref<16x160x2x128xi32, #tpu.memory_space<hbm>> -> memref<1x160x2x128xi32, #tpu.memory_space<hbm>>
        %dma_start3A_475 = tpu.memref_squeeze %dma_start3A_474 : memref<1x160x2x128xi32, #tpu.memory_space<hbm>> -> memref<160x2x128xi32, #tpu.memory_space<hbm>>
        %dma_start3A_476 = arith.constant 0 : i32
        %dma_start3A_477 = arith.constant 0 : i32
        %dma_start3A_478 = tpu.memref_slice %dma_start3A_475[%add3A_470, %dma_start3A_476, %dma_start3A_477] : memref<160x2x128xi32, #tpu.memory_space<hbm>> -> memref<1x2x128xi32, #tpu.memory_space<hbm>>
        %dma_start3A_479 = tpu.memref_squeeze %dma_start3A_478 : memref<1x2x128xi32, #tpu.memory_space<hbm>> -> memref<2x128xi32, #tpu.memory_space<hbm>>
        %dma_start3A_480 = arith.constant 0 : i32
        %dma_start3A_481 = arith.constant 0 : i32
        %dma_start3A_482 = arith.constant 0 : i32
        %dma_start3A_483 = tpu.memref_slice %arg3[%arg1, %dma_start3A_480, %dma_start3A_481, %dma_start3A_482] : memref<16x160x2x128xi32, #tpu.memory_space<hbm>> -> memref<1x160x2x128xi32, #tpu.memory_space<hbm>>
        %dma_start3A_484 = tpu.memref_squeeze %dma_start3A_483 : memref<1x160x2x128xi32, #tpu.memory_space<hbm>> -> memref<160x2x128xi32, #tpu.memory_space<hbm>>
        %dma_start3A_485 = arith.constant 0 : i32
        %dma_start3A_486 = arith.constant 0 : i32
        %dma_start3A_487 = tpu.memref_slice %dma_start3A_484[%add3A_470, %dma_start3A_485, %dma_start3A_486] : memref<160x2x128xi32, #tpu.memory_space<hbm>> -> memref<1x2x128xi32, #tpu.memory_space<hbm>>
        %dma_start3A_488 = tpu.memref_squeeze %dma_start3A_487 : memref<1x2x128xi32, #tpu.memory_space<hbm>> -> memref<2x128xi32, #tpu.memory_space<hbm>>
        tpu.enqueue_dma source(%dma_start3A_488 : memref<2x128xi32, #tpu.memory_space<hbm>>) target(%arg7 : memref<2x128xi32, #tpu.memory_space<vmem>>) target_semaphore(%arg22 : memref<!tpu.dma_semaphore, #tpu.memory_space<semaphore_mem>>)
      } else {
      }
      %add3A_424 = arith.constant 1 : i32
      %add3A_425 = arith.addi %add3A_395, %add3A_424 : i32
      %lt3A_426 = arith.constant 160 : i32
      %lt3A_427 = arith.cmpi slt, %add3A_425, %lt3A_426 : i32
      %convert_element_type3A_428 = arith.extui %lt3A_427 : i1 to i32
      %cond3A_429 = arith.constant 0 : i32
      %cond3A_430 = arith.cmpi ne, %convert_element_type3A_428, %cond3A_429 : i32
      scf.if %cond3A_430 {
        %add3A_469 = arith.constant 1 : i32
        %add3A_470 = arith.addi %add3A_395, %add3A_469 : i32
        %dma_wait3A_471 = arith.constant 0 : i32
        %dma_wait3A_472 = arith.constant 0 : i32
        %dma_wait3A_473 = arith.constant 0 : i32
        %dma_wait3A_474 = tpu.memref_slice %arg3[%arg1, %dma_wait3A_471, %dma_wait3A_472, %dma_wait3A_473] : memref<16x160x2x128xi32, #tpu.memory_space<hbm>> -> memref<1x160x2x128xi32, #tpu.memory_space<hbm>>
        %dma_wait3A_475 = tpu.memref_squeeze %dma_wait3A_474 : memref<1x160x2x128xi32, #tpu.memory_space<hbm>> -> memref<160x2x128xi32, #tpu.memory_space<hbm>>
        %dma_wait3A_476 = arith.constant 0 : i32
        %dma_wait3A_477 = arith.constant 0 : i32
        %dma_wait3A_478 = tpu.memref_slice %dma_wait3A_475[%add3A_470, %dma_wait3A_476, %dma_wait3A_477] : memref<160x2x128xi32, #tpu.memory_space<hbm>> -> memref<1x2x128xi32, #tpu.memory_space<hbm>>
        %dma_wait3A_479 = tpu.memref_squeeze %dma_wait3A_478 : memref<1x2x128xi32, #tpu.memory_space<hbm>> -> memref<2x128xi32, #tpu.memory_space<hbm>>
        %dma_wait3A_480 = arith.constant 0 : i32
        %dma_wait3A_481 = arith.constant 0 : i32
        %dma_wait3A_482 = arith.constant 0 : i32
        %dma_wait3A_483 = tpu.memref_slice %arg3[%arg1, %dma_wait3A_480, %dma_wait3A_481, %dma_wait3A_482] : memref<16x160x2x128xi32, #tpu.memory_space<hbm>> -> memref<1x160x2x128xi32, #tpu.memory_space<hbm>>
        %dma_wait3A_484 = tpu.memref_squeeze %dma_wait3A_483 : memref<1x160x2x128xi32, #tpu.memory_space<hbm>> -> memref<160x2x128xi32, #tpu.memory_space<hbm>>
        %dma_wait3A_485 = arith.constant 0 : i32
        %dma_wait3A_486 = arith.constant 0 : i32
        %dma_wait3A_487 = tpu.memref_slice %dma_wait3A_484[%add3A_470, %dma_wait3A_485, %dma_wait3A_486] : memref<160x2x128xi32, #tpu.memory_space<hbm>> -> memref<1x2x128xi32, #tpu.memory_space<hbm>>
        %dma_wait3A_488 = tpu.memref_squeeze %dma_wait3A_487 : memref<1x2x128xi32, #tpu.memory_space<hbm>> -> memref<2x128xi32, #tpu.memory_space<hbm>>
        tpu.wait_dma2 semaphore(%arg27 : memref<!tpu.dma_semaphore, #tpu.memory_space<semaphore_mem>>) src(%dma_wait3A_488 : memref<2x128xi32, #tpu.memory_space<hbm>>) dst(%arg12 : memref<2x128xi32, #tpu.memory_space<vmem>>)
        %dma_start3A_489 = arith.constant 0 : i32
        %dma_start3A_490 = arith.constant 0 : i32
        %dma_start3A_491 = tpu.memref_slice %arg12[%dma_start3A_489, %dma_start3A_490] : memref<2x128xi32, #tpu.memory_space<vmem>> -> memref<1x128xi32, #tpu.memory_space<vmem>>
        %dma_start3A_492 = tpu.memref_squeeze %dma_start3A_491 : memref<1x128xi32, #tpu.memory_space<vmem>> -> memref<128xi32, #tpu.memory_space<vmem>>
        %dma_start3A_493 = arith.constant 0 : i32
        %dma_start3A_494 = arith.constant 0 : i32
        %dma_start3A_495 = tpu.memref_slice %arg18[%dma_start3A_493, %dma_start3A_494] : memref<10240x64xf32, #tpu.memory_space<vmem_shared>> -> memref<10240x64xf32, #tpu.memory_space<vmem_shared>>
        tpu.enqueue_indirect_dma source(%dma_start3A_495 : memref<10240x64xf32, #tpu.memory_space<vmem_shared>>) target(%arg16 : memref<128x64xf32, #tpu.memory_space<vmem>>) offsets(%dma_start3A_492 : memref<128xi32, #tpu.memory_space<vmem>>) semaphore(%arg31 : memref<!tpu.dma_semaphore, #tpu.memory_space<semaphore_mem>>)
      } else {
      }
      %add3A_431 = arith.constant 7 : i32
      %add3A_432 = arith.addi %mul3A_174, %add3A_431 : i32
      %dma_wait3A_433 = arith.constant 0 : i32
      %dma_wait3A_434 = arith.constant 0 : i32
      %dma_wait3A_435 = tpu.memref_slice %arg12[%dma_wait3A_433, %dma_wait3A_434] : memref<2x128xi32, #tpu.memory_space<vmem>> -> memref<1x128xi32, #tpu.memory_space<vmem>>
      %dma_wait3A_436 = tpu.memref_squeeze %dma_wait3A_435 : memref<1x128xi32, #tpu.memory_space<vmem>> -> memref<128xi32, #tpu.memory_space<vmem>>
      %dma_wait3A_437 = arith.constant 0 : i32
      %dma_wait3A_438 = arith.constant 0 : i32
      %dma_wait3A_439 = tpu.memref_slice %arg18[%dma_wait3A_437, %dma_wait3A_438] : memref<10240x64xf32, #tpu.memory_space<vmem_shared>> -> memref<10240x64xf32, #tpu.memory_space<vmem_shared>>
      tpu.wait_indirect_dma semaphore(%arg31 : memref<!tpu.dma_semaphore, #tpu.memory_space<semaphore_mem>>) src(%dma_wait3A_439 : memref<10240x64xf32, #tpu.memory_space<vmem_shared>>) dst(%arg16 : memref<128x64xf32, #tpu.memory_space<vmem>>)
      %dma_start3A_440 = arith.constant 1 : i32
      %dma_start3A_441 = arith.constant 0 : i32
      %dma_start3A_442 = tpu.memref_slice %arg12[%dma_start3A_440, %dma_start3A_441] : memref<2x128xi32, #tpu.memory_space<vmem>> -> memref<1x128xi32, #tpu.memory_space<vmem>>
      %dma_start3A_443 = tpu.memref_squeeze %dma_start3A_442 : memref<1x128xi32, #tpu.memory_space<vmem>> -> memref<128xi32, #tpu.memory_space<vmem>>
      %dma_start3A_444 = arith.constant 0 : i32
      %dma_start3A_445 = arith.constant 0 : i32
      %dma_start3A_446 = tpu.memref_slice %arg19[%dma_start3A_444, %dma_start3A_445] : memref<10240x64xf32, #tpu.memory_space<vmem_shared>> -> memref<10240x64xf32, #tpu.memory_space<vmem_shared>>
      tpu.enqueue_indirect_dma source(%arg16 : memref<128x64xf32, #tpu.memory_space<vmem>>) target(%dma_start3A_446 : memref<10240x64xf32, #tpu.memory_space<vmem_shared>>) offsets(%dma_start3A_443 : memref<128xi32, #tpu.memory_space<vmem>>) semaphore(%arg35 : memref<!tpu.dma_semaphore, #tpu.memory_space<semaphore_mem>>) {add = true}
      %add3A_447 = arith.constant 2 : i32
      %add3A_448 = arith.addi %add3A_432, %add3A_447 : i32
      %lt3A_449 = arith.constant 160 : i32
      %lt3A_450 = arith.cmpi slt, %add3A_448, %lt3A_449 : i32
      %convert_element_type3A_451 = arith.extui %lt3A_450 : i1 to i32
      %cond3A_452 = arith.constant 0 : i32
      %cond3A_453 = arith.cmpi ne, %convert_element_type3A_451, %cond3A_452 : i32
      scf.if %cond3A_453 {
        %sub3A = arith.constant 2 : i32
        %sub3A_469 = arith.subi %add3A_432, %sub3A : i32
        %ge3A = arith.constant 0 : i32
        %ge3A_470 = arith.cmpi sge, %sub3A_469, %ge3A : i32
        %convert_element_type3A_471 = arith.extui %ge3A_470 : i1 to i32
        %cond3A_472 = arith.constant 0 : i32
        %cond3A_473 = arith.cmpi ne, %convert_element_type3A_471, %cond3A_472 : i32
        scf.if %cond3A_473 {
          %dma_wait3A_474 = arith.constant 1 : i32
          %dma_wait3A_475 = arith.constant 0 : i32
          %dma_wait3A_476 = tpu.memref_slice %arg10[%dma_wait3A_474, %dma_wait3A_475] : memref<2x128xi32, #tpu.memory_space<vmem>> -> memref<1x128xi32, #tpu.memory_space<vmem>>
          %dma_wait3A_477 = tpu.memref_squeeze %dma_wait3A_476 : memref<1x128xi32, #tpu.memory_space<vmem>> -> memref<128xi32, #tpu.memory_space<vmem>>
          %dma_wait3A_478 = arith.constant 0 : i32
          %dma_wait3A_479 = arith.constant 0 : i32
          %dma_wait3A_480 = tpu.memref_slice %arg19[%dma_wait3A_478, %dma_wait3A_479] : memref<10240x64xf32, #tpu.memory_space<vmem_shared>> -> memref<10240x64xf32, #tpu.memory_space<vmem_shared>>
          tpu.wait_indirect_dma semaphore(%arg33 : memref<!tpu.dma_semaphore, #tpu.memory_space<semaphore_mem>>) src(%arg14 : memref<128x64xf32, #tpu.memory_space<vmem>>) dst(%dma_wait3A_480 : memref<10240x64xf32, #tpu.memory_space<vmem_shared>>)
        } else {
        }
      } else {
      }
      %add3A_454 = arith.constant 4 : i32
      %add3A_455 = arith.addi %add3A_432, %add3A_454 : i32
      %lt3A_456 = arith.constant 160 : i32
      %lt3A_457 = arith.cmpi slt, %add3A_455, %lt3A_456 : i32
      %convert_element_type3A_458 = arith.extui %lt3A_457 : i1 to i32
      %cond3A_459 = arith.constant 0 : i32
      %cond3A_460 = arith.cmpi ne, %convert_element_type3A_458, %cond3A_459 : i32
      scf.if %cond3A_460 {
        %add3A_469 = arith.constant 4 : i32
        %add3A_470 = arith.addi %add3A_432, %add3A_469 : i32
        %dma_start3A_471 = arith.constant 0 : i32
        %dma_start3A_472 = arith.constant 0 : i32
        %dma_start3A_473 = arith.constant 0 : i32
        %dma_start3A_474 = tpu.memref_slice %arg3[%arg1, %dma_start3A_471, %dma_start3A_472, %dma_start3A_473] : memref<16x160x2x128xi32, #tpu.memory_space<hbm>> -> memref<1x160x2x128xi32, #tpu.memory_space<hbm>>
        %dma_start3A_475 = tpu.memref_squeeze %dma_start3A_474 : memref<1x160x2x128xi32, #tpu.memory_space<hbm>> -> memref<160x2x128xi32, #tpu.memory_space<hbm>>
        %dma_start3A_476 = arith.constant 0 : i32
        %dma_start3A_477 = arith.constant 0 : i32
        %dma_start3A_478 = tpu.memref_slice %dma_start3A_475[%add3A_470, %dma_start3A_476, %dma_start3A_477] : memref<160x2x128xi32, #tpu.memory_space<hbm>> -> memref<1x2x128xi32, #tpu.memory_space<hbm>>
        %dma_start3A_479 = tpu.memref_squeeze %dma_start3A_478 : memref<1x2x128xi32, #tpu.memory_space<hbm>> -> memref<2x128xi32, #tpu.memory_space<hbm>>
        %dma_start3A_480 = arith.constant 0 : i32
        %dma_start3A_481 = arith.constant 0 : i32
        %dma_start3A_482 = arith.constant 0 : i32
        %dma_start3A_483 = tpu.memref_slice %arg3[%arg1, %dma_start3A_480, %dma_start3A_481, %dma_start3A_482] : memref<16x160x2x128xi32, #tpu.memory_space<hbm>> -> memref<1x160x2x128xi32, #tpu.memory_space<hbm>>
        %dma_start3A_484 = tpu.memref_squeeze %dma_start3A_483 : memref<1x160x2x128xi32, #tpu.memory_space<hbm>> -> memref<160x2x128xi32, #tpu.memory_space<hbm>>
        %dma_start3A_485 = arith.constant 0 : i32
        %dma_start3A_486 = arith.constant 0 : i32
        %dma_start3A_487 = tpu.memref_slice %dma_start3A_484[%add3A_470, %dma_start3A_485, %dma_start3A_486] : memref<160x2x128xi32, #tpu.memory_space<hbm>> -> memref<1x2x128xi32, #tpu.memory_space<hbm>>
        %dma_start3A_488 = tpu.memref_squeeze %dma_start3A_487 : memref<1x2x128xi32, #tpu.memory_space<hbm>> -> memref<2x128xi32, #tpu.memory_space<hbm>>
        tpu.enqueue_dma source(%dma_start3A_488 : memref<2x128xi32, #tpu.memory_space<hbm>>) target(%arg8 : memref<2x128xi32, #tpu.memory_space<vmem>>) target_semaphore(%arg23 : memref<!tpu.dma_semaphore, #tpu.memory_space<semaphore_mem>>)
      } else {
      }
      %add3A_461 = arith.constant 1 : i32
      %add3A_462 = arith.addi %add3A_432, %add3A_461 : i32
      %lt3A_463 = arith.constant 160 : i32
      %lt3A_464 = arith.cmpi slt, %add3A_462, %lt3A_463 : i32
      %convert_element_type3A_465 = arith.extui %lt3A_464 : i1 to i32
      %cond3A_466 = arith.constant 0 : i32
      %cond3A_467 = arith.cmpi ne, %convert_element_type3A_465, %cond3A_466 : i32
      scf.if %cond3A_467 {
        %add3A_469 = arith.constant 1 : i32
        %add3A_470 = arith.addi %add3A_432, %add3A_469 : i32
        %dma_wait3A_471 = arith.constant 0 : i32
        %dma_wait3A_472 = arith.constant 0 : i32
        %dma_wait3A_473 = arith.constant 0 : i32
        %dma_wait3A_474 = tpu.memref_slice %arg3[%arg1, %dma_wait3A_471, %dma_wait3A_472, %dma_wait3A_473] : memref<16x160x2x128xi32, #tpu.memory_space<hbm>> -> memref<1x160x2x128xi32, #tpu.memory_space<hbm>>
        %dma_wait3A_475 = tpu.memref_squeeze %dma_wait3A_474 : memref<1x160x2x128xi32, #tpu.memory_space<hbm>> -> memref<160x2x128xi32, #tpu.memory_space<hbm>>
        %dma_wait3A_476 = arith.constant 0 : i32
        %dma_wait3A_477 = arith.constant 0 : i32
        %dma_wait3A_478 = tpu.memref_slice %dma_wait3A_475[%add3A_470, %dma_wait3A_476, %dma_wait3A_477] : memref<160x2x128xi32, #tpu.memory_space<hbm>> -> memref<1x2x128xi32, #tpu.memory_space<hbm>>
        %dma_wait3A_479 = tpu.memref_squeeze %dma_wait3A_478 : memref<1x2x128xi32, #tpu.memory_space<hbm>> -> memref<2x128xi32, #tpu.memory_space<hbm>>
        %dma_wait3A_480 = arith.constant 0 : i32
        %dma_wait3A_481 = arith.constant 0 : i32
        %dma_wait3A_482 = arith.constant 0 : i32
        %dma_wait3A_483 = tpu.memref_slice %arg3[%arg1, %dma_wait3A_480, %dma_wait3A_481, %dma_wait3A_482] : memref<16x160x2x128xi32, #tpu.memory_space<hbm>> -> memref<1x160x2x128xi32, #tpu.memory_space<hbm>>
        %dma_wait3A_484 = tpu.memref_squeeze %dma_wait3A_483 : memref<1x160x2x128xi32, #tpu.memory_space<hbm>> -> memref<160x2x128xi32, #tpu.memory_space<hbm>>
        %dma_wait3A_485 = arith.constant 0 : i32
        %dma_wait3A_486 = arith.constant 0 : i32
        %dma_wait3A_487 = tpu.memref_slice %dma_wait3A_484[%add3A_470, %dma_wait3A_485, %dma_wait3A_486] : memref<160x2x128xi32, #tpu.memory_space<hbm>> -> memref<1x2x128xi32, #tpu.memory_space<hbm>>
        %dma_wait3A_488 = tpu.memref_squeeze %dma_wait3A_487 : memref<1x2x128xi32, #tpu.memory_space<hbm>> -> memref<2x128xi32, #tpu.memory_space<hbm>>
        tpu.wait_dma2 semaphore(%arg20 : memref<!tpu.dma_semaphore, #tpu.memory_space<semaphore_mem>>) src(%dma_wait3A_488 : memref<2x128xi32, #tpu.memory_space<hbm>>) dst(%arg5 : memref<2x128xi32, #tpu.memory_space<vmem>>)
        %dma_start3A_489 = arith.constant 0 : i32
        %dma_start3A_490 = arith.constant 0 : i32
        %dma_start3A_491 = tpu.memref_slice %arg5[%dma_start3A_489, %dma_start3A_490] : memref<2x128xi32, #tpu.memory_space<vmem>> -> memref<1x128xi32, #tpu.memory_space<vmem>>
        %dma_start3A_492 = tpu.memref_squeeze %dma_start3A_491 : memref<1x128xi32, #tpu.memory_space<vmem>> -> memref<128xi32, #tpu.memory_space<vmem>>
        %dma_start3A_493 = arith.constant 0 : i32
        %dma_start3A_494 = arith.constant 0 : i32
        %dma_start3A_495 = tpu.memref_slice %arg18[%dma_start3A_493, %dma_start3A_494] : memref<10240x64xf32, #tpu.memory_space<vmem_shared>> -> memref<10240x64xf32, #tpu.memory_space<vmem_shared>>
        tpu.enqueue_indirect_dma source(%dma_start3A_495 : memref<10240x64xf32, #tpu.memory_space<vmem_shared>>) target(%arg13 : memref<128x64xf32, #tpu.memory_space<vmem>>) offsets(%dma_start3A_492 : memref<128xi32, #tpu.memory_space<vmem>>) semaphore(%arg28 : memref<!tpu.dma_semaphore, #tpu.memory_space<semaphore_mem>>)
      } else {
      }
      %scan3A_468 = arith.constant 0 : i32
      scf.yield %scan3A_468 : i32
    }
    %scan3A_131 = arith.constant 20 : i32
    %dma_wait3A_132 = arith.constant 1 : i32
    %dma_wait3A_133 = arith.constant 0 : i32
    %dma_wait3A_134 = tpu.memref_slice %arg9[%dma_wait3A_132, %dma_wait3A_133] : memref<2x128xi32, #tpu.memory_space<vmem>> -> memref<1x128xi32, #tpu.memory_space<vmem>>
    %dma_wait3A_135 = tpu.memref_squeeze %dma_wait3A_134 : memref<1x128xi32, #tpu.memory_space<vmem>> -> memref<128xi32, #tpu.memory_space<vmem>>
    %dma_wait3A_136 = arith.constant 0 : i32
    %dma_wait3A_137 = arith.constant 0 : i32
    %dma_wait3A_138 = tpu.memref_slice %arg19[%dma_wait3A_136, %dma_wait3A_137] : memref<10240x64xf32, #tpu.memory_space<vmem_shared>> -> memref<10240x64xf32, #tpu.memory_space<vmem_shared>>
    tpu.wait_indirect_dma semaphore(%arg32 : memref<!tpu.dma_semaphore, #tpu.memory_space<semaphore_mem>>) src(%arg13 : memref<128x64xf32, #tpu.memory_space<vmem>>) dst(%dma_wait3A_138 : memref<10240x64xf32, #tpu.memory_space<vmem_shared>>)
    %dma_wait3A_139 = arith.constant 1 : i32
    %dma_wait3A_140 = arith.constant 0 : i32
    %dma_wait3A_141 = tpu.memref_slice %arg10[%dma_wait3A_139, %dma_wait3A_140] : memref<2x128xi32, #tpu.memory_space<vmem>> -> memref<1x128xi32, #tpu.memory_space<vmem>>
    %dma_wait3A_142 = tpu.memref_squeeze %dma_wait3A_141 : memref<1x128xi32, #tpu.memory_space<vmem>> -> memref<128xi32, #tpu.memory_space<vmem>>
    %dma_wait3A_143 = arith.constant 0 : i32
    %dma_wait3A_144 = arith.constant 0 : i32
    %dma_wait3A_145 = tpu.memref_slice %arg19[%dma_wait3A_143, %dma_wait3A_144] : memref<10240x64xf32, #tpu.memory_space<vmem_shared>> -> memref<10240x64xf32, #tpu.memory_space<vmem_shared>>
    tpu.wait_indirect_dma semaphore(%arg33 : memref<!tpu.dma_semaphore, #tpu.memory_space<semaphore_mem>>) src(%arg14 : memref<128x64xf32, #tpu.memory_space<vmem>>) dst(%dma_wait3A_145 : memref<10240x64xf32, #tpu.memory_space<vmem_shared>>)
    %dma_wait3A_146 = arith.constant 1 : i32
    %dma_wait3A_147 = arith.constant 0 : i32
    %dma_wait3A_148 = tpu.memref_slice %arg11[%dma_wait3A_146, %dma_wait3A_147] : memref<2x128xi32, #tpu.memory_space<vmem>> -> memref<1x128xi32, #tpu.memory_space<vmem>>
    %dma_wait3A_149 = tpu.memref_squeeze %dma_wait3A_148 : memref<1x128xi32, #tpu.memory_space<vmem>> -> memref<128xi32, #tpu.memory_space<vmem>>
    %dma_wait3A_150 = arith.constant 0 : i32
    %dma_wait3A_151 = arith.constant 0 : i32
    %dma_wait3A_152 = tpu.memref_slice %arg19[%dma_wait3A_150, %dma_wait3A_151] : memref<10240x64xf32, #tpu.memory_space<vmem_shared>> -> memref<10240x64xf32, #tpu.memory_space<vmem_shared>>
    tpu.wait_indirect_dma semaphore(%arg34 : memref<!tpu.dma_semaphore, #tpu.memory_space<semaphore_mem>>) src(%arg15 : memref<128x64xf32, #tpu.memory_space<vmem>>) dst(%dma_wait3A_152 : memref<10240x64xf32, #tpu.memory_space<vmem_shared>>)
    %dma_wait3A_153 = arith.constant 1 : i32
    %dma_wait3A_154 = arith.constant 0 : i32
    %dma_wait3A_155 = tpu.memref_slice %arg12[%dma_wait3A_153, %dma_wait3A_154] : memref<2x128xi32, #tpu.memory_space<vmem>> -> memref<1x128xi32, #tpu.memory_space<vmem>>
    %dma_wait3A_156 = tpu.memref_squeeze %dma_wait3A_155 : memref<1x128xi32, #tpu.memory_space<vmem>> -> memref<128xi32, #tpu.memory_space<vmem>>
    %dma_wait3A_157 = arith.constant 0 : i32
    %dma_wait3A_158 = arith.constant 0 : i32
    %dma_wait3A_159 = tpu.memref_slice %arg19[%dma_wait3A_157, %dma_wait3A_158] : memref<10240x64xf32, #tpu.memory_space<vmem_shared>> -> memref<10240x64xf32, #tpu.memory_space<vmem_shared>>
    tpu.wait_indirect_dma semaphore(%arg35 : memref<!tpu.dma_semaphore, #tpu.memory_space<semaphore_mem>>) src(%arg16 : memref<128x64xf32, #tpu.memory_space<vmem>>) dst(%dma_wait3A_159 : memref<10240x64xf32, #tpu.memory_space<vmem_shared>>)
    %barrier3A_160 = arith.constant 0 : index
    tpu.barrier barrier_id(%barrier3A_160)
    %add3A_161 = arith.constant 0 : i32
    %add3A_162 = arith.addi %mul3A_0, %add3A_161 : i32
    "tpu.region"() ({
      %run_scoped3A = tpu.sem_alloc : memref<!tpu.dma_semaphore, #tpu.memory_space<semaphore_mem>>
      %dma_start3A_171 = tpu.memref_slice %arg4[%add3A_162, %mul3A_2] : memref<10240x128xf32, #tpu.memory_space<hbm>> -> memref<128x64xf32, #tpu.memory_space<hbm>>
      %dma_start3A_172 = arith.constant 0 : i32
      %dma_start3A_173 = tpu.memref_slice %arg19[%add3A_162, %dma_start3A_172] : memref<10240x64xf32, #tpu.memory_space<vmem_shared>> -> memref<128x64xf32, #tpu.memory_space<vmem_shared>>
      tpu.enqueue_dma source(%dma_start3A_173 : memref<128x64xf32, #tpu.memory_space<vmem_shared>>) target(%dma_start3A_171 : memref<128x64xf32, #tpu.memory_space<hbm>>) target_semaphore(%run_scoped3A : memref<!tpu.dma_semaphore, #tpu.memory_space<semaphore_mem>>)
      %dma_wait3A_174 = tpu.memref_slice %arg4[%add3A_162, %mul3A_2] : memref<10240x128xf32, #tpu.memory_space<hbm>> -> memref<128x64xf32, #tpu.memory_space<hbm>>
      %dma_wait3A_175 = arith.constant 0 : i32
      %dma_wait3A_176 = tpu.memref_slice %arg19[%add3A_162, %dma_wait3A_175] : memref<10240x64xf32, #tpu.memory_space<vmem_shared>> -> memref<128x64xf32, #tpu.memory_space<vmem_shared>>
      tpu.wait_dma2 semaphore(%run_scoped3A : memref<!tpu.dma_semaphore, #tpu.memory_space<semaphore_mem>>) src(%dma_wait3A_176 : memref<128x64xf32, #tpu.memory_space<vmem_shared>>) dst(%dma_wait3A_174 : memref<128x64xf32, #tpu.memory_space<hbm>>)
      tpu.yield
    }) : () -> ()
    %add3A_163 = arith.constant 128 : i32
    %add3A_164 = arith.addi %mul3A_0, %add3A_163 : i32
    "tpu.region"() ({
      %run_scoped3A = tpu.sem_alloc : memref<!tpu.dma_semaphore, #tpu.memory_space<semaphore_mem>>
      %dma_start3A_171 = tpu.memref_slice %arg4[%add3A_164, %mul3A_2] : memref<10240x128xf32, #tpu.memory_space<hbm>> -> memref<128x64xf32, #tpu.memory_space<hbm>>
      %dma_start3A_172 = arith.constant 0 : i32
      %dma_start3A_173 = tpu.memref_slice %arg19[%add3A_164, %dma_start3A_172] : memref<10240x64xf32, #tpu.memory_space<vmem_shared>> -> memref<128x64xf32, #tpu.memory_space<vmem_shared>>
      tpu.enqueue_dma source(%dma_start3A_173 : memref<128x64xf32, #tpu.memory_space<vmem_shared>>) target(%dma_start3A_171 : memref<128x64xf32, #tpu.memory_space<hbm>>) target_semaphore(%run_scoped3A : memref<!tpu.dma_semaphore, #tpu.memory_space<semaphore_mem>>)
      %dma_wait3A_174 = tpu.memref_slice %arg4[%add3A_164, %mul3A_2] : memref<10240x128xf32, #tpu.memory_space<hbm>> -> memref<128x64xf32, #tpu.memory_space<hbm>>
      %dma_wait3A_175 = arith.constant 0 : i32
      %dma_wait3A_176 = tpu.memref_slice %arg19[%add3A_164, %dma_wait3A_175] : memref<10240x64xf32, #tpu.memory_space<vmem_shared>> -> memref<128x64xf32, #tpu.memory_space<vmem_shared>>
      tpu.wait_dma2 semaphore(%run_scoped3A : memref<!tpu.dma_semaphore, #tpu.memory_space<semaphore_mem>>) src(%dma_wait3A_176 : memref<128x64xf32, #tpu.memory_space<vmem_shared>>) dst(%dma_wait3A_174 : memref<128x64xf32, #tpu.memory_space<hbm>>)
      tpu.yield
    }) : () -> ()
    %add3A_165 = arith.constant 256 : i32
    %add3A_166 = arith.addi %mul3A_0, %add3A_165 : i32
    "tpu.region"() ({
      %run_scoped3A = tpu.sem_alloc : memref<!tpu.dma_semaphore, #tpu.memory_space<semaphore_mem>>
      %dma_start3A_171 = tpu.memref_slice %arg4[%add3A_166, %mul3A_2] : memref<10240x128xf32, #tpu.memory_space<hbm>> -> memref<128x64xf32, #tpu.memory_space<hbm>>
      %dma_start3A_172 = arith.constant 0 : i32
      %dma_start3A_173 = tpu.memref_slice %arg19[%add3A_166, %dma_start3A_172] : memref<10240x64xf32, #tpu.memory_space<vmem_shared>> -> memref<128x64xf32, #tpu.memory_space<vmem_shared>>
      tpu.enqueue_dma source(%dma_start3A_173 : memref<128x64xf32, #tpu.memory_space<vmem_shared>>) target(%dma_start3A_171 : memref<128x64xf32, #tpu.memory_space<hbm>>) target_semaphore(%run_scoped3A : memref<!tpu.dma_semaphore, #tpu.memory_space<semaphore_mem>>)
      %dma_wait3A_174 = tpu.memref_slice %arg4[%add3A_166, %mul3A_2] : memref<10240x128xf32, #tpu.memory_space<hbm>> -> memref<128x64xf32, #tpu.memory_space<hbm>>
      %dma_wait3A_175 = arith.constant 0 : i32
      %dma_wait3A_176 = tpu.memref_slice %arg19[%add3A_166, %dma_wait3A_175] : memref<10240x64xf32, #tpu.memory_space<vmem_shared>> -> memref<128x64xf32, #tpu.memory_space<vmem_shared>>
      tpu.wait_dma2 semaphore(%run_scoped3A : memref<!tpu.dma_semaphore, #tpu.memory_space<semaphore_mem>>) src(%dma_wait3A_176 : memref<128x64xf32, #tpu.memory_space<vmem_shared>>) dst(%dma_wait3A_174 : memref<128x64xf32, #tpu.memory_space<hbm>>)
      tpu.yield
    }) : () -> ()
    %add3A_167 = arith.constant 384 : i32
    %add3A_168 = arith.addi %mul3A_0, %add3A_167 : i32
    "tpu.region"() ({
      %run_scoped3A = tpu.sem_alloc : memref<!tpu.dma_semaphore, #tpu.memory_space<semaphore_mem>>
      %dma_start3A_171 = tpu.memref_slice %arg4[%add3A_168, %mul3A_2] : memref<10240x128xf32, #tpu.memory_space<hbm>> -> memref<128x64xf32, #tpu.memory_space<hbm>>
      %dma_start3A_172 = arith.constant 0 : i32
      %dma_start3A_173 = tpu.memref_slice %arg19[%add3A_168, %dma_start3A_172] : memref<10240x64xf32, #tpu.memory_space<vmem_shared>> -> memref<128x64xf32, #tpu.memory_space<vmem_shared>>
      tpu.enqueue_dma source(%dma_start3A_173 : memref<128x64xf32, #tpu.memory_space<vmem_shared>>) target(%dma_start3A_171 : memref<128x64xf32, #tpu.memory_space<hbm>>) target_semaphore(%run_scoped3A : memref<!tpu.dma_semaphore, #tpu.memory_space<semaphore_mem>>)
      %dma_wait3A_174 = tpu.memref_slice %arg4[%add3A_168, %mul3A_2] : memref<10240x128xf32, #tpu.memory_space<hbm>> -> memref<128x64xf32, #tpu.memory_space<hbm>>
      %dma_wait3A_175 = arith.constant 0 : i32
      %dma_wait3A_176 = tpu.memref_slice %arg19[%add3A_168, %dma_wait3A_175] : memref<10240x64xf32, #tpu.memory_space<vmem_shared>> -> memref<128x64xf32, #tpu.memory_space<vmem_shared>>
      tpu.wait_dma2 semaphore(%run_scoped3A : memref<!tpu.dma_semaphore, #tpu.memory_space<semaphore_mem>>) src(%dma_wait3A_176 : memref<128x64xf32, #tpu.memory_space<vmem_shared>>) dst(%dma_wait3A_174 : memref<128x64xf32, #tpu.memory_space<hbm>>)
      tpu.yield
    }) : () -> ()
    %add3A_169 = arith.constant 512 : i32
    %add3A_170 = arith.addi %mul3A_0, %add3A_169 : i32
    "tpu.region"() ({
      %run_scoped3A = tpu.sem_alloc : memref<!tpu.dma_semaphore, #tpu.memory_space<semaphore_mem>>
      %dma_start3A_171 = tpu.memref_slice %arg4[%add3A_170, %mul3A_2] : memref<10240x128xf32, #tpu.memory_space<hbm>> -> memref<128x64xf32, #tpu.memory_space<hbm>>
      %dma_start3A_172 = arith.constant 0 : i32
      %dma_start3A_173 = tpu.memref_slice %arg19[%add3A_170, %dma_start3A_172] : memref<10240x64xf32, #tpu.memory_space<vmem_shared>> -> memref<128x64xf32, #tpu.memory_space<vmem_shared>>
      tpu.enqueue_dma source(%dma_start3A_173 : memref<128x64xf32, #tpu.memory_space<vmem_shared>>) target(%dma_start3A_171 : memref<128x64xf32, #tpu.memory_space<hbm>>) target_semaphore(%run_scoped3A : memref<!tpu.dma_semaphore, #tpu.memory_space<semaphore_mem>>)
      %dma_wait3A_174 = tpu.memref_slice %arg4[%add3A_170, %mul3A_2] : memref<10240x128xf32, #tpu.memory_space<hbm>> -> memref<128x64xf32, #tpu.memory_space<hbm>>
      %dma_wait3A_175 = arith.constant 0 : i32
      %dma_wait3A_176 = tpu.memref_slice %arg19[%add3A_170, %dma_wait3A_175] : memref<10240x64xf32, #tpu.memory_space<vmem_shared>> -> memref<128x64xf32, #tpu.memory_space<vmem_shared>>
      tpu.wait_dma2 semaphore(%run_scoped3A : memref<!tpu.dma_semaphore, #tpu.memory_space<semaphore_mem>>) src(%dma_wait3A_176 : memref<128x64xf32, #tpu.memory_space<vmem_shared>>) dst(%dma_wait3A_174 : memref<128x64xf32, #tpu.memory_space<hbm>>)
      tpu.yield
    }) : () -> ()
    return
  }
}

module attributes {stable_mosaic.version = 14 : i64} {
  func.func @_prep1_body(%arg0: i32, %arg1: memref<512x128xf32, #tpu.memory_space<vmem>>, %arg2: memref<1x128xf32, #tpu.memory_space<vmem>>, %arg3: memref<128x128xf32, #tpu.memory_space<vmem>>, %arg4: memref<1x128xf32, #tpu.memory_space<vmem>>, %arg5: memref<512x16xf32, #tpu.memory_space<vmem>>, %arg6: memref<512x128xf32, #tpu.memory_space<vmem>>) attributes {dimension_semantics = [#tpu.dimension_semantics<arbitrary>], iteration_bounds = array<i64: 20>, scalar_prefetch = 0 : i64, scratch_operands = 0 : i64, tpu.core_type = #tpu.core_type<tc>, window_params = [{transform_indices = @transform_0, window_bounds = array<i64: 512, 128>}, {pipeline_mode = #tpu.pipeline_mode<synchronous>, transform_indices = @transform_1, window_bounds = array<i64: 1, 128>}, {pipeline_mode = #tpu.pipeline_mode<synchronous>, transform_indices = @transform_2, window_bounds = array<i64: 128, 128>}, {pipeline_mode = #tpu.pipeline_mode<synchronous>, transform_indices = @transform_3, window_bounds = array<i64: 1, 128>}, {transform_indices = @transform_4, window_bounds = array<i64: 512, 16>}, {transform_indices = @transform_5, window_bounds = array<i64: 512, 128>}]} {
    %get3A = arith.constant 0 : index
    %get3A_0 = arith.constant 0 : index
    %get3A_1 = vector.load %arg1[%get3A, %get3A_0] : memref<512x128xf32, #tpu.memory_space<vmem>>, vector<512x128xf32>
    %get3A_2 = arith.constant 0 : index
    %get3A_3 = arith.constant 0 : index
    %get3A_4 = vector.load %arg2[%get3A_2, %get3A_3] : memref<1x128xf32, #tpu.memory_space<vmem>>, vector<1x128xf32>
    %mul3A = vector.broadcast %get3A_4 : vector<1x128xf32> to vector<512x128xf32>
    %mul3A_5 = arith.mulf %get3A_1, %mul3A : vector<512x128xf32>
    %get3A_6 = arith.constant 0 : index
    %get3A_7 = arith.constant 0 : index
    %get3A_8 = vector.load %arg3[%get3A_6, %get3A_7] : memref<128x128xf32, #tpu.memory_space<vmem>>, vector<128x128xf32>
    %dot_general3A = arith.constant dense<0.000000e+00> : vector<512x128xf32>
    %dot_general3A_9 = tpu.matmul %mul3A_5, %get3A_8, %dot_general3A {dimension_numbers = #tpu.dot_dimension_numbers<[1], [0], [0], [1], [0, 0, 1, 1], [], []>, transpose_lhs_hint = false} : vector<512x128xf32>, vector<128x128xf32>, vector<512x128xf32> -> vector<512x128xf32>
    %get3A_10 = arith.constant 0 : index
    %get3A_11 = arith.constant 0 : index
    %get3A_12 = vector.load %arg4[%get3A_10, %get3A_11] : memref<1x128xf32, #tpu.memory_space<vmem>>, vector<1x128xf32>
    %add3A = vector.broadcast %get3A_12 : vector<1x128xf32> to vector<512x128xf32>
    %add3A_13 = arith.addf %dot_general3A_9, %add3A : vector<512x128xf32>
    %get3A_14 = arith.constant 0 : index
    %get3A_15 = arith.constant 0 : index
    %get3A_16 = vector.load %arg5[%get3A_14, %get3A_15] : memref<512x16xf32, #tpu.memory_space<vmem>>, vector<512x1xf32>
    %add3A_17 = arith.constant 1.000000e+00 : f32
    %add3A_18 = vector.broadcast %add3A_17 : f32 to vector<512x1xf32>
    %add3A_19 = arith.addf %get3A_16, %add3A_18 : vector<512x1xf32>
    %rsqrt3A = math.rsqrt %add3A_19 : vector<512x1xf32>
    %mul3A_20 = arith.constant 512 : i32
    %mul3A_21 = arith.muli %arg0, %mul3A_20 : i32
    %iota3A = tpu.iota {dimensions = array<i32: 0>} : vector<512x1xi32>
    %add3A_22 = vector.broadcast %mul3A_21 : i32 to vector<512x1xi32>
    %add3A_23 = arith.addi %add3A_22, %iota3A : vector<512x1xi32>
    %lt3A = arith.constant 10000 : i32
    %lt3A_24 = vector.broadcast %lt3A : i32 to vector<512x1xi32>
    %lt3A_25 = arith.cmpi slt, %add3A_23, %lt3A_24 : vector<512x1xi32>
    %mul3A_26 = vector.broadcast %rsqrt3A : vector<512x1xf32> to vector<512x128xf32>
    %mul3A_27 = arith.mulf %mul3A_26, %add3A_13 : vector<512x128xf32>
    %jit3A = arith.constant 0.000000e+00 : f32
    %broadcast_in_dim3A = vector.shape_cast %lt3A_25 : vector<512x1xi1> to vector<512x1xi1>
    %broadcast_in_dim3A_28 = vector.broadcast %broadcast_in_dim3A : vector<512x1xi1> to vector<512x128xi1>
    %broadcast_in_dim3A_29 = vector.broadcast %jit3A : f32 to vector<512x128xf32>
    %select_n3A = arith.select %broadcast_in_dim3A_28, %mul3A_27, %broadcast_in_dim3A_29 : vector<512x128xi1>, vector<512x128xf32>
    %swap3A = arith.constant 0 : index
    %swap3A_30 = arith.constant 0 : index
    %swap3A_31 = vector.load %arg6[%swap3A, %swap3A_30] : memref<512x128xf32, #tpu.memory_space<vmem>>, vector<512x128xf32>
    tpu.vector_store %arg6[%swap3A, %swap3A_30], %select_n3A {strides = array<i32>} : memref<512x128xf32, #tpu.memory_space<vmem>>, vector<512x128xf32>,
    return
  }
  func.func @transform_0(%arg0: i32) -> (i32, i32) {
    %c0_i32 = arith.constant 0 : i32
    %c0_i32_0 = arith.constant 0 : i32
    return %arg0, %c0_i32 : i32, i32
  }
  func.func @transform_1(%arg0: i32) -> (i32, i32) {
    %c0_i32 = arith.constant 0 : i32
    %c0_i32_0 = arith.constant 0 : i32
    %c0_i32_1 = arith.constant 0 : i32
    return %c0_i32, %c0_i32_0 : i32, i32
  }
  func.func @transform_2(%arg0: i32) -> (i32, i32) {
    %c0_i32 = arith.constant 0 : i32
    %c0_i32_0 = arith.constant 0 : i32
    %c0_i32_1 = arith.constant 0 : i32
    return %c0_i32, %c0_i32_0 : i32, i32
  }
  func.func @transform_3(%arg0: i32) -> (i32, i32) {
    %c0_i32 = arith.constant 0 : i32
    %c0_i32_0 = arith.constant 0 : i32
    %c0_i32_1 = arith.constant 0 : i32
    return %c0_i32, %c0_i32_0 : i32, i32
  }
  func.func @transform_4(%arg0: i32) -> (i32, i32) {
    %c0_i32 = arith.constant 0 : i32
    %c0_i32_0 = arith.constant 0 : i32
    return %arg0, %c0_i32 : i32, i32
  }
  func.func @transform_5(%arg0: i32) -> (i32, i32) {
    %c0_i32 = arith.constant 0 : i32
    %c0_i32_0 = arith.constant 0 : i32
    return %arg0, %c0_i32 : i32, i32
  }
}

module attributes {stable_mosaic.version = 14 : i64} {
  func.func @_mid_body(%arg0: i32, %arg1: memref<512x128xf32, #tpu.memory_space<vmem>>, %arg2: memref<512x128xf32, #tpu.memory_space<vmem>>, %arg3: memref<512x16xf32, #tpu.memory_space<vmem>>, %arg4: memref<1x128xf32, #tpu.memory_space<vmem>>, %arg5: memref<128x128xf32, #tpu.memory_space<vmem>>, %arg6: memref<1x128xf32, #tpu.memory_space<vmem>>, %arg7: memref<512x128xf32, #tpu.memory_space<vmem>>) attributes {dimension_semantics = [#tpu.dimension_semantics<arbitrary>], iteration_bounds = array<i64: 20>, scalar_prefetch = 0 : i64, scratch_operands = 0 : i64, tpu.core_type = #tpu.core_type<tc>, window_params = [{transform_indices = @transform_0, window_bounds = array<i64: 512, 128>}, {transform_indices = @transform_1, window_bounds = array<i64: 512, 128>}, {transform_indices = @transform_2, window_bounds = array<i64: 512, 16>}, {pipeline_mode = #tpu.pipeline_mode<synchronous>, transform_indices = @transform_3, window_bounds = array<i64: 1, 128>}, {pipeline_mode = #tpu.pipeline_mode<synchronous>, transform_indices = @transform_4, window_bounds = array<i64: 128, 128>}, {pipeline_mode = #tpu.pipeline_mode<synchronous>, transform_indices = @transform_5, window_bounds = array<i64: 1, 128>}, {transform_indices = @transform_6, window_bounds = array<i64: 512, 128>}]} {
    %get3A = arith.constant 0 : index
    %get3A_0 = arith.constant 0 : index
    %get3A_1 = vector.load %arg3[%get3A, %get3A_0] : memref<512x16xf32, #tpu.memory_space<vmem>>, vector<512x1xf32>
    %add3A = arith.constant 1.000000e+00 : f32
    %add3A_2 = vector.broadcast %add3A : f32 to vector<512x1xf32>
    %add3A_3 = arith.addf %get3A_1, %add3A_2 : vector<512x1xf32>
    %rsqrt3A = math.rsqrt %add3A_3 : vector<512x1xf32>
    %get3A_4 = arith.constant 0 : index
    %get3A_5 = arith.constant 0 : index
    %get3A_6 = vector.load %arg1[%get3A_4, %get3A_5] : memref<512x128xf32, #tpu.memory_space<vmem>>, vector<512x128xf32>
    %get3A_7 = arith.constant 0 : index
    %get3A_8 = arith.constant 0 : index
    %get3A_9 = vector.load %arg2[%get3A_7, %get3A_8] : memref<512x128xf32, #tpu.memory_space<vmem>>, vector<512x128xf32>
    %add3A_10 = arith.addf %get3A_6, %get3A_9 : vector<512x128xf32>
    %div3A = arith.divf %rsqrt3A, %add3A_3 : vector<512x1xf32>
    %mul3A = vector.broadcast %div3A : vector<512x1xf32> to vector<512x128xf32>
    %mul3A_11 = arith.mulf %add3A_10, %mul3A : vector<512x128xf32>
    %get3A_12 = arith.constant 0 : index
    %get3A_13 = arith.constant 0 : index
    %get3A_14 = vector.load %arg4[%get3A_12, %get3A_13] : memref<1x128xf32, #tpu.memory_space<vmem>>, vector<1x128xf32>
    %add3A_15 = vector.broadcast %get3A_14 : vector<1x128xf32> to vector<512x128xf32>
    %add3A_16 = arith.addf %mul3A_11, %add3A_15 : vector<512x128xf32>
    %max3A = arith.constant 0.000000e+00 : f32
    %max3A_17 = vector.broadcast %max3A : f32 to vector<512x128xf32>
    %max3A_18 = arith.maximumf %add3A_16, %max3A_17 : vector<512x128xf32>
    %get3A_19 = arith.constant 0 : index
    %get3A_20 = arith.constant 0 : index
    %get3A_21 = vector.load %arg5[%get3A_19, %get3A_20] : memref<128x128xf32, #tpu.memory_space<vmem>>, vector<128x128xf32>
    %dot_general3A = arith.constant dense<0.000000e+00> : vector<512x128xf32>
    %dot_general3A_22 = tpu.matmul %max3A_18, %get3A_21, %dot_general3A {dimension_numbers = #tpu.dot_dimension_numbers<[1], [0], [0], [1], [0, 0, 1, 1], [], []>, transpose_lhs_hint = false} : vector<512x128xf32>, vector<128x128xf32>, vector<512x128xf32> -> vector<512x128xf32>
    %get3A_23 = arith.constant 0 : index
    %get3A_24 = arith.constant 0 : index
    %get3A_25 = vector.load %arg6[%get3A_23, %get3A_24] : memref<1x128xf32, #tpu.memory_space<vmem>>, vector<1x128xf32>
    %add3A_26 = vector.broadcast %get3A_25 : vector<1x128xf32> to vector<512x128xf32>
    %add3A_27 = arith.addf %dot_general3A_22, %add3A_26 : vector<512x128xf32>
    %mul3A_28 = arith.constant 512 : i32
    %mul3A_29 = arith.muli %arg0, %mul3A_28 : i32
    %iota3A = tpu.iota {dimensions = array<i32: 0>} : vector<512x1xi32>
    %add3A_30 = vector.broadcast %mul3A_29 : i32 to vector<512x1xi32>
    %add3A_31 = arith.addi %add3A_30, %iota3A : vector<512x1xi32>
    %lt3A = arith.constant 10000 : i32
    %lt3A_32 = vector.broadcast %lt3A : i32 to vector<512x1xi32>
    %lt3A_33 = arith.cmpi slt, %add3A_31, %lt3A_32 : vector<512x1xi32>
    %mul3A_34 = vector.broadcast %rsqrt3A : vector<512x1xf32> to vector<512x128xf32>
    %mul3A_35 = arith.mulf %mul3A_34, %add3A_27 : vector<512x128xf32>
    %jit3A = arith.constant 0.000000e+00 : f32
    %broadcast_in_dim3A = vector.shape_cast %lt3A_33 : vector<512x1xi1> to vector<512x1xi1>
    %broadcast_in_dim3A_36 = vector.broadcast %broadcast_in_dim3A : vector<512x1xi1> to vector<512x128xi1>
    %broadcast_in_dim3A_37 = vector.broadcast %jit3A : f32 to vector<512x128xf32>
    %select_n3A = arith.select %broadcast_in_dim3A_36, %mul3A_35, %broadcast_in_dim3A_37 : vector<512x128xi1>, vector<512x128xf32>
    %swap3A = arith.constant 0 : index
    %swap3A_38 = arith.constant 0 : index
    %swap3A_39 = vector.load %arg7[%swap3A, %swap3A_38] : memref<512x128xf32, #tpu.memory_space<vmem>>, vector<512x128xf32>
    tpu.vector_store %arg7[%swap3A, %swap3A_38], %select_n3A {strides = array<i32>} : memref<512x128xf32, #tpu.memory_space<vmem>>, vector<512x128xf32>,
    return
  }
  func.func @transform_0(%arg0: i32) -> (i32, i32) {
    %c0_i32 = arith.constant 0 : i32
    %c0_i32_0 = arith.constant 0 : i32
    return %arg0, %c0_i32 : i32, i32
  }
  func.func @transform_1(%arg0: i32) -> (i32, i32) {
    %c0_i32 = arith.constant 0 : i32
    %c0_i32_0 = arith.constant 0 : i32
    return %arg0, %c0_i32 : i32, i32
  }
  func.func @transform_2(%arg0: i32) -> (i32, i32) {
    %c0_i32 = arith.constant 0 : i32
    %c0_i32_0 = arith.constant 0 : i32
    return %arg0, %c0_i32 : i32, i32
  }
  func.func @transform_3(%arg0: i32) -> (i32, i32) {
    %c0_i32 = arith.constant 0 : i32
    %c0_i32_0 = arith.constant 0 : i32
    %c0_i32_1 = arith.constant 0 : i32
    return %c0_i32, %c0_i32_0 : i32, i32
  }
  func.func @transform_4(%arg0: i32) -> (i32, i32) {
    %c0_i32 = arith.constant 0 : i32
    %c0_i32_0 = arith.constant 0 : i32
    %c0_i32_1 = arith.constant 0 : i32
    return %c0_i32, %c0_i32_0 : i32, i32
  }
  func.func @transform_5(%arg0: i32) -> (i32, i32) {
    %c0_i32 = arith.constant 0 : i32
    %c0_i32_0 = arith.constant 0 : i32
    %c0_i32_1 = arith.constant 0 : i32
    return %c0_i32, %c0_i32_0 : i32, i32
  }
  func.func @transform_6(%arg0: i32) -> (i32, i32) {
    %c0_i32 = arith.constant 0 : i32
    %c0_i32_0 = arith.constant 0 : i32
    return %arg0, %c0_i32 : i32, i32
  }
}

module attributes {stable_mosaic.version = 14 : i64} {
  func.func @_final_body(%arg0: i32, %arg1: memref<512x128xf32, #tpu.memory_space<vmem>>, %arg2: memref<512x128xf32, #tpu.memory_space<vmem>>, %arg3: memref<512x16xf32, #tpu.memory_space<vmem>>, %arg4: memref<1x128xf32, #tpu.memory_space<vmem>>, %arg5: memref<128x128xf32, #tpu.memory_space<vmem>>, %arg6: memref<1x128xf32, #tpu.memory_space<vmem>>, %arg7: memref<128x128xf32, #tpu.memory_space<vmem>>, %arg8: memref<1x128xf32, #tpu.memory_space<vmem>>, %arg9: memref<512x128xf32, #tpu.memory_space<vmem>>) attributes {dimension_semantics = [#tpu.dimension_semantics<arbitrary>], iteration_bounds = array<i64: 20>, scalar_prefetch = 0 : i64, scratch_operands = 0 : i64, tpu.core_type = #tpu.core_type<tc>, window_params = [{transform_indices = @transform_0, window_bounds = array<i64: 512, 128>}, {transform_indices = @transform_1, window_bounds = array<i64: 512, 128>}, {transform_indices = @transform_2, window_bounds = array<i64: 512, 16>}, {pipeline_mode = #tpu.pipeline_mode<synchronous>, transform_indices = @transform_3, window_bounds = array<i64: 1, 128>}, {pipeline_mode = #tpu.pipeline_mode<synchronous>, transform_indices = @transform_4, window_bounds = array<i64: 128, 128>}, {pipeline_mode = #tpu.pipeline_mode<synchronous>, transform_indices = @transform_5, window_bounds = array<i64: 1, 128>}, {pipeline_mode = #tpu.pipeline_mode<synchronous>, transform_indices = @transform_6, window_bounds = array<i64: 128, 128>}, {pipeline_mode = #tpu.pipeline_mode<synchronous>, transform_indices = @transform_7, window_bounds = array<i64: 1, 128>}, {transform_indices = @transform_8, window_bounds = array<i64: 512, 128>}]} {
    %get3A = arith.constant 0 : index
    %get3A_0 = arith.constant 0 : index
    %get3A_1 = vector.load %arg3[%get3A, %get3A_0] : memref<512x16xf32, #tpu.memory_space<vmem>>, vector<512x1xf32>
    %add3A = arith.constant 1.000000e+00 : f32
    %add3A_2 = vector.broadcast %add3A : f32 to vector<512x1xf32>
    %add3A_3 = arith.addf %get3A_1, %add3A_2 : vector<512x1xf32>
    %rsqrt3A = math.rsqrt %add3A_3 : vector<512x1xf32>
    %get3A_4 = arith.constant 0 : index
    %get3A_5 = arith.constant 0 : index
    %get3A_6 = vector.load %arg1[%get3A_4, %get3A_5] : memref<512x128xf32, #tpu.memory_space<vmem>>, vector<512x128xf32>
    %get3A_7 = arith.constant 0 : index
    %get3A_8 = arith.constant 0 : index
    %get3A_9 = vector.load %arg2[%get3A_7, %get3A_8] : memref<512x128xf32, #tpu.memory_space<vmem>>, vector<512x128xf32>
    %add3A_10 = arith.addf %get3A_6, %get3A_9 : vector<512x128xf32>
    %div3A = arith.divf %rsqrt3A, %add3A_3 : vector<512x1xf32>
    %mul3A = vector.broadcast %div3A : vector<512x1xf32> to vector<512x128xf32>
    %mul3A_11 = arith.mulf %add3A_10, %mul3A : vector<512x128xf32>
    %get3A_12 = arith.constant 0 : index
    %get3A_13 = arith.constant 0 : index
    %get3A_14 = vector.load %arg4[%get3A_12, %get3A_13] : memref<1x128xf32, #tpu.memory_space<vmem>>, vector<1x128xf32>
    %add3A_15 = vector.broadcast %get3A_14 : vector<1x128xf32> to vector<512x128xf32>
    %add3A_16 = arith.addf %mul3A_11, %add3A_15 : vector<512x128xf32>
    %max3A = arith.constant 0.000000e+00 : f32
    %max3A_17 = vector.broadcast %max3A : f32 to vector<512x128xf32>
    %max3A_18 = arith.maximumf %add3A_16, %max3A_17 : vector<512x128xf32>
    %get3A_19 = arith.constant 0 : index
    %get3A_20 = arith.constant 0 : index
    %get3A_21 = vector.load %arg5[%get3A_19, %get3A_20] : memref<128x128xf32, #tpu.memory_space<vmem>>, vector<128x128xf32>
    %dot_general3A = arith.constant dense<0.000000e+00> : vector<512x128xf32>
    %dot_general3A_22 = tpu.matmul %max3A_18, %get3A_21, %dot_general3A {dimension_numbers = #tpu.dot_dimension_numbers<[1], [0], [0], [1], [0, 0, 1, 1], [], []>, transpose_lhs_hint = false} : vector<512x128xf32>, vector<128x128xf32>, vector<512x128xf32> -> vector<512x128xf32>
    %get3A_23 = arith.constant 0 : index
    %get3A_24 = arith.constant 0 : index
    %get3A_25 = vector.load %arg6[%get3A_23, %get3A_24] : memref<1x128xf32, #tpu.memory_space<vmem>>, vector<1x128xf32>
    %add3A_26 = vector.broadcast %get3A_25 : vector<1x128xf32> to vector<512x128xf32>
    %add3A_27 = arith.addf %dot_general3A_22, %add3A_26 : vector<512x128xf32>
    %max3A_28 = arith.constant 0.000000e+00 : f32
    %max3A_29 = vector.broadcast %max3A_28 : f32 to vector<512x128xf32>
    %max3A_30 = arith.maximumf %add3A_27, %max3A_29 : vector<512x128xf32>
    %get3A_31 = arith.constant 0 : index
    %get3A_32 = arith.constant 0 : index
    %get3A_33 = vector.load %arg7[%get3A_31, %get3A_32] : memref<128x128xf32, #tpu.memory_space<vmem>>, vector<128x128xf32>
    %dot_general3A_34 = arith.constant dense<0.000000e+00> : vector<512x128xf32>
    %dot_general3A_35 = tpu.matmul %max3A_30, %get3A_33, %dot_general3A_34 {dimension_numbers = #tpu.dot_dimension_numbers<[1], [0], [0], [1], [0, 0, 1, 1], [], []>, transpose_lhs_hint = false} : vector<512x128xf32>, vector<128x128xf32>, vector<512x128xf32> -> vector<512x128xf32>
    %get3A_36 = arith.constant 0 : index
    %get3A_37 = arith.constant 0 : index
    %get3A_38 = vector.load %arg8[%get3A_36, %get3A_37] : memref<1x128xf32, #tpu.memory_space<vmem>>, vector<1x128xf32>
    %add3A_39 = vector.broadcast %get3A_38 : vector<1x128xf32> to vector<512x128xf32>
    %add3A_40 = arith.addf %dot_general3A_35, %add3A_39 : vector<512x128xf32>
    %iota3A = tpu.iota {dimensions = array<i32: 1>} : vector<512x128xi32>
    %lt3A = arith.constant 40 : i32
    %lt3A_41 = vector.broadcast %lt3A : i32 to vector<512x128xi32>
    %lt3A_42 = arith.cmpi slt, %iota3A, %lt3A_41 : vector<512x128xi32>
    %jit3A = arith.constant -1.000000e+30 : f32
    %broadcast_in_dim3A = vector.broadcast %jit3A : f32 to vector<512x128xf32>
    %select_n3A = arith.select %lt3A_42, %add3A_40, %broadcast_in_dim3A : vector<512x128xi1>, vector<512x128xf32>
    %reduce_max3A = arith.constant dense<0xFF800000> : vector<512xf32>
    %reduce_max3A_43 = vector.multi_reduction <maximumf>, %select_n3A, %reduce_max3A [1] : vector<512x128xf32> to vector<512xf32>
    %broadcast_in_dim3A_44 = vector.shape_cast %reduce_max3A_43 : vector<512xf32> to vector<512x1xf32>
    %sub3A = vector.broadcast %broadcast_in_dim3A_44 : vector<512x1xf32> to vector<512x128xf32>
    %sub3A_45 = arith.subf %add3A_40, %sub3A : vector<512x128xf32>
    %exp3A = math.exp %sub3A_45 : vector<512x128xf32>
    %jit3A_46 = arith.constant 0.000000e+00 : f32
    %broadcast_in_dim3A_47 = vector.broadcast %jit3A_46 : f32 to vector<512x128xf32>
    %select_n3A_48 = arith.select %lt3A_42, %exp3A, %broadcast_in_dim3A_47 : vector<512x128xi1>, vector<512x128xf32>
    %sub3A_49 = vector.broadcast %broadcast_in_dim3A_44 : vector<512x1xf32> to vector<512x128xf32>
    %sub3A_50 = arith.subf %add3A_40, %sub3A_49 : vector<512x128xf32>
    %reduce_sum3A = arith.constant dense<0.000000e+00> : vector<512xf32>
    %reduce_sum3A_51 = vector.multi_reduction <add>, %select_n3A_48, %reduce_sum3A [1] : vector<512x128xf32> to vector<512xf32>
    %broadcast_in_dim3A_52 = vector.shape_cast %reduce_sum3A_51 : vector<512xf32> to vector<512x1xf32>
    %log3A = math.log %broadcast_in_dim3A_52 : vector<512x1xf32>
    %sub3A_53 = vector.broadcast %log3A : vector<512x1xf32> to vector<512x128xf32>
    %sub3A_54 = arith.subf %sub3A_50, %sub3A_53 : vector<512x128xf32>
    %swap3A = arith.constant 0 : index
    %swap3A_55 = arith.constant 0 : index
    %swap3A_56 = vector.load %arg9[%swap3A, %swap3A_55] : memref<512x128xf32, #tpu.memory_space<vmem>>, vector<512x128xf32>
    tpu.vector_store %arg9[%swap3A, %swap3A_55], %sub3A_54 {strides = array<i32>} : memref<512x128xf32, #tpu.memory_space<vmem>>, vector<512x128xf32>,
    return
  }
  func.func @transform_0(%arg0: i32) -> (i32, i32) {
    %c0_i32 = arith.constant 0 : i32
    %c0_i32_0 = arith.constant 0 : i32
    return %arg0, %c0_i32 : i32, i32
  }
  func.func @transform_1(%arg0: i32) -> (i32, i32) {
    %c0_i32 = arith.constant 0 : i32
    %c0_i32_0 = arith.constant 0 : i32
    return %arg0, %c0_i32 : i32, i32
  }
  func.func @transform_2(%arg0: i32) -> (i32, i32) {
    %c0_i32 = arith.constant 0 : i32
    %c0_i32_0 = arith.constant 0 : i32
    return %arg0, %c0_i32 : i32, i32
  }
  func.func @transform_3(%arg0: i32) -> (i32, i32) {
    %c0_i32 = arith.constant 0 : i32
    %c0_i32_0 = arith.constant 0 : i32
    %c0_i32_1 = arith.constant 0 : i32
    return %c0_i32, %c0_i32_0 : i32, i32
  }
  func.func @transform_4(%arg0: i32) -> (i32, i32) {
    %c0_i32 = arith.constant 0 : i32
    %c0_i32_0 = arith.constant 0 : i32
    %c0_i32_1 = arith.constant 0 : i32
    return %c0_i32, %c0_i32_0 : i32, i32
  }
  func.func @transform_5(%arg0: i32) -> (i32, i32) {
    %c0_i32 = arith.constant 0 : i32
    %c0_i32_0 = arith.constant 0 : i32
    %c0_i32_1 = arith.constant 0 : i32
    return %c0_i32, %c0_i32_0 : i32, i32
  }
  func.func @transform_6(%arg0: i32) -> (i32, i32) {
    %c0_i32 = arith.constant 0 : i32
    %c0_i32_0 = arith.constant 0 : i32
    %c0_i32_1 = arith.constant 0 : i32
    return %c0_i32, %c0_i32_0 : i32, i32
  }
  func.func @transform_7(%arg0: i32) -> (i32, i32) {
    %c0_i32 = arith.constant 0 : i32
    %c0_i32_0 = arith.constant 0 : i32
    %c0_i32_1 = arith.constant 0 : i32
    return %c0_i32, %c0_i32_0 : i32, i32
  }
  func.func @transform_8(%arg0: i32) -> (i32, i32) {
    %c0_i32 = arith.constant 0 : i32
    %c0_i32_0 = arith.constant 0 : i32
    return %arg0, %c0_i32 : i32, i32
  }
}

</mosaic_0001>

<sc_bundles>
// kernel: kernel.10.cloned.1.call-start
scs
__scs_entry_jumppad:
0x0: {  	(pc) =	sbr.rel $0x88, $3  }
0x1: {  	(tag) =	ssettag $0x0;
	lr =	simm.s32 $0x1  }
0x2: {  	[smem:$0x3F91] =	sst lr;
	_ =	strace $0xD0000000  }
0x3: {  	_ = 	snop  }
0x4: {  	_ = 	snop  }
0x5: {  	_ = 	snop  }
0x6: {  	_ = 	snop  }
0x7: {  	_ = 	snop  }
__scs_overlays_trampoline_lowered:
0x8: {  	[smem:$0x3FA0] =	sst s0  }
0x9: {  	[smem:$0x3FA1] =	sst s1  }
0xa: {  	[smem:$0x3FA2] =	sst s2  }
0xb: {  	[smem:$0x3FA3] =	sst s3  }
0xc: {  	[smem:$0x3FA4] =	sst s4  }
0xd: {  	[smem:$0x3FA5] =	sst s5  }
0xe: {  	[smem:$0x3FA6] =	sst s6  }
0xf: {  	[smem:$0x3FA7] =	sst s7  }
0x10: {  	[smem:$0x3FA8] =	sst s8  }
0x11: {  	[smem:$0x3FA9] =	sst s9;
	s0 =	simm.s32 @!p0 $0x0  }
0x12: {  	s1 =	sld [smem:$0x3F8F];
	s0 =	simm.s32 @p0 $0x1  }
0x13: {  	[smem:$0x3FAA] =	sst s0;
	s0 =	simm.s32 @!p1 $0x0  }
0x14: {  	s2 =	sld [smem:$0x3F8E];
	s0 =	simm.s32 @p1 $0x1  }
0x15: {  	[smem:$0x3FAB] =	sst s0;
	s0 =	simm.s32 @!p2 $0x0  }
0x16: {  	s3 =	sld [smem:$0x3FDB];
	s0 =	simm.s32 @p2 $0x1  }
0x17: {  	s4 =	simm.s32 $0x1BF5;
	[smem:$0x3FAD] =	sst s0  }
0x18: {  	s0 =	sld [smem:$0x3F90];
	_ =	swait.ge [sflag:s4], $0x0  }
0x19: {  	s7 =	sld [smem:$0x3F91]  }
0x1a: {  	s8 =	sadd.s32 $0xFFFFE003, lr  }
0x1b: {  	s9 =	sadd.s32 $0xFFFFFEF7, lr;
	s5 =	simm.s32 $0xFFFFFFFF;
	p2 =	slt.u32 s8, $0xFFFFF086  }
0x1c: {  	p1 =	slt.u32 s9, $0xF7A;
	s5 =	simm.s32 @!p2 $0x0  }
0x1d: {  	s5 =	simm.s32 @p1 $0x1;
	p0 =	seq.s32 s7, s2  }
0x1e: {  	s7 =	smul.u32 @!p0 $0xF7A, s2;
	p2 =	seq.s32 @!p0 s5, $0x0  }
0x1f: {  	s9 =	smul.u32 $0xF7A, s1;
	s8 =	simm.s32 @!p0 $0x1BF5;
	p2 =	por !p2, p0  }
0x20: {  	[sflag:s8] =	ssyncset.s32 @!p0 $0xFFFFF086;
	s6 =	sadd.s32 @!p0 s3, s7;
	s7 =	simm.s32 @!p0 $0x108  }
0x21: {  	s3 =	sadd.s32 s3, s9;
	s6 =	sadd.s32 @!p0 $0x88, s6;
	s7 =	simm.s32 @p2 $0x1082  }
0x22: {  	[simem:s7], [sflag:s8] =	dma.local @!p0 [hbm:s6], $0xF7A  }
0x23: {  	s9 =	sor.u32 $0xD0000000, s2;
	s6 =	simm.s32 $0x108;
	_ =	swait.ge @!p0 [sflag:s8], $0x0  }
0x24: {  	s3 =	sadd.s32 $0x88, s3;
	s6 =	simm.s32 @!p1 $0x1082;
	[sflag:s4] =	ssyncset.s32 $0xFFFFF086  }
0x25: {  	[simem:s6], [sflag:s4] =	dma.local [hbm:s3], $0xF7A  }
0x26: {  	[smem:$0x3F91] =	sst s1;
	(tag) =	ssettag s2;
	_ =	strace s9  }
0x27: {  	s1 =	sld [smem:$0x3FA1]  }
0x28: {  	s2 =	sld [smem:$0x3FA2]  }
0x29: {  	s4 =	sld [smem:$0x3FA4]  }
0x2a: {  	p0 =	seq.s32 s5, $0x0;
	s5 =	sld [smem:$0x3FA5]  }
0x2b: {  	s6 =	sld [smem:$0x3FA6]  }
0x2c: {  	s7 =	sld [smem:$0x3FA7]  }
0x2d: {  	s3 =	simm.s32 $0x108;
	s8 =	sld [smem:$0x3FA8]  }
0x2e: {  	s3 =	simm.s32 @!p0 $0x1082;
	s9 =	sld [smem:$0x3FA9]  }
0x2f: {  	lr =	sadd.s32 s0, s3;
	s0 =	sld [smem:$0x3FA0]  }
0x30: {  	s3 =	sld [smem:$0x3FA3]  }
0x31: {  	[smem:$0x3FAC] =	sst s10  }
0x32: {  	s10 =	sld [smem:$0x3FAA];
	_ =	sdelay $0x3  }
0x33: {  	p0 =	seq.s32 s10, $0x1;
	s10 =	sld [smem:$0x3FAC];
	_ =	sdelay $0x3  }
0x34: {  	[smem:$0x3FAC] =	sst s10  }
0x35: {  	s10 =	sld [smem:$0x3FAB];
	_ =	sdelay $0x3  }
0x36: {  	p1 =	seq.s32 s10, $0x1;
	s10 =	sld [smem:$0x3FAC];
	_ =	sdelay $0x3  }
0x37: {  	[smem:$0x3FAC] =	sst s10  }
0x38: {  	s10 =	sld [smem:$0x3FAD]  }
0x39: {  	_ = 	snop;
	(pc) =	sbr.ind lr, $3  }
0x3a: {  	_ = 	snop  }
0x3b: {  	_ = 	snop  }
0x3c: {  	p2 =	seq.s32 s10, $0x1;
	s10 =	sld [smem:$0x3FAC]  }
0x3d: {  	_ =	shalt  }
0x3e: {  	_ =	shalt  }
0x3f: {  	_ =	shalt  }
0x40: {  	_ =	shalt  }
0x41: {  	_ =	shalt  }
0x42: {  	_ =	shalt  }
0x43: {  	_ =	shalt  }
0x44: {  	_ =	shalt  }
0x45: {  	_ =	shalt  }
0x46: {  	_ =	shalt  }
0x47: {  	_ =	shalt  }
0x48: {  	_ =	shalt  }
0x49: {  	_ =	shalt  }
0x4a: {  	_ =	shalt  }
0x4b: {  	_ =	shalt  }
0x4c: {  	_ =	shalt  }
0x4d: {  	_ =	shalt  }
0x4e: {  	_ =	shalt  }
0x4f: {  	_ =	shalt  }
0x50: {  	_ =	shalt  }
0x51: {  	_ =	shalt  }
0x52: {  	_ =	shalt  }
0x53: {  	_ =	shalt  }
0x54: {  	_ =	shalt  }
0x55: {  	_ =	shalt  }
0x56: {  	_ =	shalt  }
0x57: {  	_ =	shalt  }
0x58: {  	_ =	shalt  }
0x59: {  	_ =	shalt  }
0x5a: {  	_ =	shalt  }
0x5b: {  	_ =	shalt  }
0x5c: {  	_ =	shalt  }
0x5d: {  	_ =	shalt  }
0x5e: {  	_ =	shalt  }
0x5f: {  	_ =	shalt  }
0x60: {  	_ =	shalt  }
0x61: {  	_ =	shalt  }
0x62: {  	_ =	shalt  }
0x63: {  	_ =	shalt  }
0x64: {  	_ =	shalt  }
0x65: {  	_ =	shalt  }
0x66: {  	_ =	shalt  }
0x67: {  	_ =	shalt  }
0x68: {  	_ =	shalt  }
0x69: {  	_ =	shalt  }
0x6a: {  	_ =	shalt  }
0x6b: {  	_ =	shalt  }
0x6c: {  	_ =	shalt  }
0x6d: {  	_ =	shalt  }
0x6e: {  	_ =	shalt  }
0x6f: {  	_ =	shalt  }
0x70: {  	_ =	shalt  }
0x71: {  	_ =	shalt  }
0x72: {  	_ =	shalt  }
0x73: {  	_ =	shalt  }
0x74: {  	_ =	shalt  }
0x75: {  	_ =	shalt  }
0x76: {  	_ =	shalt  }
0x77: {  	_ =	shalt  }
0x78: {  	_ =	shalt  }
0x79: {  	_ =	shalt  }
0x7a: {  	_ =	shalt  }
0x7b: {  	_ =	shalt  }
0x7c: {  	_ =	shalt  }
0x7d: {  	_ =	shalt  }
0x7e: {  	_ =	shalt  }
0x7f: {  	_ =	shalt  }
0x80: {  	_ =	shalt  }
0x81: {  	_ =	shalt  }
0x82: {  	_ =	shalt  }
0x83: {  	_ =	shalt  }
0x84: {  	_ =	shalt  }
0x85: {  	_ =	shalt  }
0x86: {  	_ =	shalt  }
0x87: {  	_ =	shalt  }
.Lfunc_end0:
.L_simem_size_0:
called_computation_lowered:
.L_overlay_start_0:
0x88: {  	s2 =	sld [smem:$0x3FD9]  }
0x89: {  	s3 =	sld [smem:$0x3FFE];
	_ =	sdelay $0x1  }
0x8a: {  	s1 =	srdreg.scid  }
0x8b: {  	s0 =	sand.u32 $0x1, s1  }
0x8c: {  	s17 =	sshll.u32 s0, $0xA;
	s2 =	sadd.s32 s3, s2  }
0x8d: {  	s2 =	sadd.s32 s2, s17  }
0x8e: {  	[smem:$0x3FB8] =	sst s2  }
0x8f: {  	_ = 	snop  }
0x90: {  	s2 =	sld [smem:$0x3FD0];
	(tm) =	ssettm $0x1  }
0x91: {  	s18 =	sld [smem:$0x3FFB];
	_ =	sdelay $0x3  }
0x92: {  	_ =	strace s18  }
0x93: {  	s3 =	sld [smem:$0x3FFC];
	_ =	sdelay $0x3  }
0x94: {  	_ =	strace s3  }
0x95: {  	s3 =	sld [smem:$0x3FFD];
	_ =	sdelay $0x3  }
0x96: {  	_ =	strace s3  }
0x97: {  	_ =	strace $0x8FFFFFFF  }
0x98: {  	s19 =	sld [smem:$0x3FDB];
	_ =	sdelay $0x1  }
0x99: {  	s4 =	simm.s32 $_scs_section_size  }
0x9a: {  	s5 =	simm.s32 $_size__tile_overlayer_lowered;
	s6 =	simm.s32 $_tile_overlayer_lowered  }
0x9b: {  	s22 =	simm.s32 $0x1BFF;
	s21 =	sshll.u32 s6, $0x1;
	s3 =	sadd.s32 s4, s19  }
0x9c: {  	s7 =	simm.s32 $0x0;
	s20 =	sshll.u32 s5, $0x1;
	s5 =	sadd.s32 s21, s3  }
0x9d: {  	[timem:s7], [sflag:s22] =	dma.local [hbm:s5], s20  }
0x9e: {  	_ =	swait.ge [sflag:s22], s20  }
0x9f: {  	s4 =	ssub.s32 $0x0, s20;
	[sflag:s22] =	ssyncset.done $0x0  }
0xa0: {  	[sflag:s22] =	ssyncadd.s32 s4;
	_ =	sdelay $0x1  }
0xa1: {  	s23 =	simm.s32 $0x1B8B  }
0xa2: {  	_ =	swait.ge [sflag:s23], $0x1  }
0xa3: {  	[sflag:s23] =	ssyncset.done $0x0  }
0xa4: {  	s25 =	simm.s32 $0x1B8E;
	s24 =	sld [smem:$0x3FFE];
	[sflag:s23] =	ssyncadd.s32 $0xFFFFFFFF  }
0xa5: {  	s26 =	simm.s32 $execute0_lowered;
	[smem:$0x3FD2] =	sst s25  }
0xa6: {  	s5 =	sshll.u32 s26, $0x1;
	_ =	strace $0x80000046;
	[dreg:$0x1] =	wrdreg $0xFFFFFFFF  }
0xa7: {  	s28 =	simm.s32 $_size_execute0_lowered;
	s3 =	sadd.s32 s3, s5;
	[dreg:$0x0] =	wrdreg $0x0  }
0xa8: {  	s5 =	sshll.u32 s28, $0x1;
	[dreg:$0x2] =	wrdreg s3  }
0xa9: {  	[dreg:$0x3] =	wrdreg s5  }
0xaa: {  	[dreg:$0x4] =	wrdreg $0xC0  }
0xab: {  	_ =	task [dreg:s7], $0x5FFFF  }
0xac: {  	[dreg:$0x1] =	wrdreg $0xFFFFFFFF  }
0xad: {  	[dreg:$0x0] =	wrdreg $0x60  }
0xae: {  	[dreg:$0x2] =	wrdreg s2  }
0xaf: {  	[dreg:$0x3] =	wrdreg s24  }
0xb0: {  	[dreg:$0x4] =	wrdreg $0x60000  }
0xb1: {  	[dreg:$0x5] =	wrdreg $0x9  }
0xb2: {  	_ =	task.clear_ibuf [dreg:s7], $0x6FFFF;
	_ =	strace $0x90000046  }
0xb3: {  	s29 =	simm.s32 $0x9;
	_ =	strace $0x80000048  }
0xb4: {  	_ =	swait.ge [sflag:s29], $0x1  }
0xb5: {  	[sflag:s29] =	ssyncadd.s32 $0xFFFFFFFF  }
0xb6: {  	_ =	strace $0x90000048  }
0xb7: {  	_ =	sfence  }
0xb8: {  	s30 =	sld [smem:$0x0];
	_ =	sdelay $0x2  }
0xb9: {  	s31 =	sshll.u32 s1, $0xD;
	s1 =	sshrl.u32 s1, $0x2  }
0xba: {  	s3 =	sand.u32 $0x4000, s31;
	s1 =	sadd.s32 s1, s30  }
0xbb: {  	s0 =	sor.u32 s3, s0;
	s1 =	sshll.u32 s1, $0x11  }
0xbc: {  	s0 =	sor.u32 s1, s0  }
0xbd: {  	s0 =	sadd.s32 $0x8F2B, s0  }
0xbe: {  	[sflag:s0] =	ssyncadd.remote.s32 $0x1  }
0xbf: {  	_ =	sfence.sel $0xFFFF  }
0xc0: {  	[dreg:$0x0] =	wrdreg $0xFFFFFFFF;
	(pc) =	sbr.abs _section_cstart, $3  }
0xc1: {  	[dreg:$0x1] =	wrdreg $0xFFFFFFFF  }
0xc2: {  	_ =	task.clear_ibuf [dreg:s7], $0x2FFFF;
	_ =	strace $0x9FFFFFFF  }
0xc3: {  	(tm) =	ssettm $0x7FFFFFFF  }
tec
execute0_lowered:
.L_overlay_start_1:
0x0: {  	(tag) =	ssettag $0x1  }
0x1: {  	s4 =	rddreg [dreg:$0x0]  }
0x2: {  	s5 =	rddreg [dreg:$0x1]  }
0x3: {  	s2 =	rddreg [dreg:$0x2]  }
0x4: {  	s0 =	rddreg [dreg:$0x3]  }
0x5: {  	s6 =	srdreg.scid;
	s1 =	stileid.u32  }
0x6: {  	s3 =	simm.s32 $0x0;
	s19 =	simm.s32 $0x5000;
	s20 =	simm.s32 $0x0  }
0x7: {  	s6 =	sand.u32 $0x1, s6;
	s7 =	smul.u32 $0xA00, s1;
	[smem:$0x7FF] =	sst s3  }
0x8: {  	s9 =	smul.u32 $0x2800, s1;
	s14 =	sadd.s32 $0x5200, s5;
	s8 =	ssub.s32 $0x2, s6  }
0x9: {  	_ =	strace $0x80000047;
	s13 =	smul.u32 $0x28000, s6;
	s31 =	sshrl.u32 s8, $0x1  }
0xa: {  	s4 =	sadd.s32 s4, s7;
	s5 =	sadd.s32 s9, s2;
	s10 =	sadd.s32 $0x800, s9  }
0xb: {  	s12 =	sadd.s32 $0x1000, s9;
	s16 =	sadd.s32 $0x1800, s9;
	s17 =	sadd.s32 $0x2000, s9  }
0xc: {  	s15 =	ssub.s32 s8, s31;
	s6 =	sadd.s32 s10, s2;
	s7 =	sadd.s32 s12, s2  }
0xd: {  	s8 =	sadd.s32 s16, s2;
	s11 =	sadd.s32 s9, s13;
	s10 =	sadd.s32 s13, s10  }
0xe: {  	s9 =	sadd.s32 s17, s2;
	s12 =	sadd.s32 s13, s12;
	s16 =	sadd.s32 s13, s16  }
0xf: {  	s13 =	sadd.s32 s13, s17;
	s11 =	sshrl.u32 s11, $0x3;
	s18 =	sshrl.u32 s10, $0x3  }
0x10: {  	s12 =	sshrl.u32 s12, $0x3;
	s16 =	sshrl.u32 s16, $0x3;
	s17 =	sshrl.u32 s13, $0x3  }
0x11: {  	s15 =	smax.u32 s15, $0x1;
	s10 =	sadd.s32 s14, s11;
	s11 =	sadd.s32 s14, s18  }
0x12: {  	s12 =	sadd.s32 s14, s12;
	s13 =	sadd.s32 s14, s16;
	s14 =	sadd.s32 s14, s17  }
0x13: {  	v0 =	vimm.f32 $1.000000000e+00;
	v1 =	vimm.f32 $0.0e+00;
	s16 =	simm.s32 $0x1;
	s17 =	simm.s32 $0x5800;
	s18 =	simm.s32 $0x80  }
.LBB2_1:
0x14: {  	[tilespmem:s3], [sflag:$0x1] =	stream.linear.gather [hbm4b:s4+s3], $0x5000, $0x38;
	[tilespmem:$0x8800] =	vst v63  }
0x15: {  	_ =	swait.ge [sflag:s16], $0x5000  }
0x16: {  	[sflag:s16] =	ssyncset.done $0x0  }
0x17: {  	s21 =	simm.s32 $0x40;
	s22 =	simm.s32 $0x0;
	[sflag:s16] =	ssyncadd.s32 $0xFFFFB000  }
.LBB2_2:
0x18: {  	p0 =	sne.s32 s21, $0x1FC0;
	[tilespmem:s22+$0x5000] =	vst v0;
	s23 =	smov.u32 s21;
	s21 =	sadd.s32 $0x40, s21  }
.Ltmp0:
0x19: {  	[tilespmem:s22+$0x5800] =	vst v1;
	(pc) =	sbr.rel @p0 .LBB2_2-.Ltmp0, $2  }
0x1a: {  	_ =	sdelay $0x2  }
0x1b: {  	s22 =	sshra.s32 s23, $0x2  }
0x1c: {  	[tilespmem:s22+$0x5000] =	vst v0  }
0x1d: {  	[tilespmem:s22+$0x5800] =	vst v1  }
0x1e: {  	[spmem:s5] =	stream.linear.scatter [tilespmem:s17], [sflag:$0x1], $0x800, $0x38;
	[tilespmem:$0x8800] =	vst v63  }
0x1f: {  	_ =	swait.ge [sflag:s16], $0x800  }
0x20: {  	[sflag:s16] =	ssyncset.done $0x0  }
0x21: {  	[sflag:s16] =	ssyncadd.s32 $0xFFFFF800  }
0x22: {  	[spmem:s6] =	stream.linear.scatter [tilespmem:s17], [sflag:$0x1], $0x800, $0x38;
	[tilespmem:$0x8800] =	vst v63  }
0x23: {  	_ =	swait.ge [sflag:s16], $0x800  }
0x24: {  	[sflag:s16] =	ssyncset.done $0x0  }
0x25: {  	[sflag:s16] =	ssyncadd.s32 $0xFFFFF800  }
0x26: {  	[spmem:s7] =	stream.linear.scatter [tilespmem:s17], [sflag:$0x1], $0x800, $0x38;
	[tilespmem:$0x8800] =	vst v63  }
0x27: {  	_ =	swait.ge [sflag:s16], $0x800  }
0x28: {  	[sflag:s16] =	ssyncset.done $0x0  }
0x29: {  	[sflag:s16] =	ssyncadd.s32 $0xFFFFF800  }
0x2a: {  	[spmem:s8] =	stream.linear.scatter [tilespmem:s17], [sflag:$0x1], $0x800, $0x38;
	[tilespmem:$0x8800] =	vst v63  }
0x2b: {  	_ =	swait.ge [sflag:s16], $0x800  }
0x2c: {  	[sflag:s16] =	ssyncset.done $0x0  }
0x2d: {  	[sflag:s16] =	ssyncadd.s32 $0xFFFFF800  }
0x2e: {  	[spmem:s9] =	stream.linear.scatter [tilespmem:s17], [sflag:$0x1], $0x800, $0x38;
	[tilespmem:$0x8800] =	vst v63  }
0x2f: {  	_ =	swait.ge [sflag:s16], $0x800  }
0x30: {  	[sflag:s16] =	ssyncset.done $0x0  }
0x31: {  	[sflag:s16] =	ssyncadd.s32 $0xFFFFF800  }
0x32: {  	s21 =	simm.s32 $0x0;
	[bflag:$0x0] =	sbarrier.arrive $0xFFFF  }
0x33: {  	[spmem:s2] =	stream.indirect.scatter.add.f32 [tilespmem:s19], [sflag:$0x1], $0x10, s21, s18, $0xb8;
	[tilespmem:$0x8800] =	vst v63  }
0x34: {  	_ =	swait.ge [sflag:s16], $0x800  }
0x35: {  	s21 =	simm.s32 $0x200;
	[sflag:s16] =	ssyncset.done $0x0  }
.LBB2_4:
0x36: {  	s22 =	sshra.s32 s21, $0x2;
	[sflag:s16] =	ssyncadd.s32 $0xFFFFF800;
	p0 =	sne.s32 s21, $0x13E00  }
0x37: {  	[spmem:s2] =	stream.indirect.scatter.add.f32 [tilespmem:s19], [sflag:$0x1], $0x10, s22, s18, $0xb8;
	[tilespmem:$0x8800] =	vst v63  }
.Ltmp1:
0x38: {  	_ = 	snop;
	(pc) =	sbr.rel @p0 .LBB2_4-.Ltmp1, $4  }
0x39: {  	_ = 	snop  }
0x3a: {  	s21 =	sadd.s32 $0x200, s21  }
0x3b: {  	_ =	swait.ge [sflag:s16], $0x800  }
0x3c: {  	[sflag:s16] =	ssyncset.done $0x0  }
0x3d: {  	[sflag:s16] =	ssyncadd.s32 $0xFFFFF800;
	s21 =	sshll.u32 s1, $0x6  }
0x3e: {  	s22 =	sshrl.u32 s5, $0x3;
	[bflag:$0x0] =	sbarrier.arrive $0xFFFF;
	s21 =	sor.u32 $0x1C01, s21  }
0x3f: {  	[hbm:s10], [sflag:s21] =	dma.local [spmem:s22], $0x100  }
0x40: {  	_ =	swait.ge [sflag:s16], $0x100  }
0x41: {  	[sflag:s16] =	ssyncset.done $0x0  }
0x42: {  	s28 =	sshrl.u32 s6, $0x3;
	[sflag:s16] =	ssyncadd.s32 $0xFFFFFF00  }
0x43: {  	[hbm:s11], [sflag:s21] =	dma.local [spmem:s28], $0x100  }
0x44: {  	_ =	swait.ge [sflag:s16], $0x100  }
0x45: {  	[sflag:s16] =	ssyncset.done $0x0  }
0x46: {  	s29 =	sshrl.u32 s7, $0x3;
	[sflag:s16] =	ssyncadd.s32 $0xFFFFFF00  }
0x47: {  	[hbm:s12], [sflag:s21] =	dma.local [spmem:s29], $0x100  }
0x48: {  	_ =	swait.ge [sflag:s16], $0x100  }
0x49: {  	[sflag:s16] =	ssyncset.done $0x0  }
0x4a: {  	s30 =	sshrl.u32 s8, $0x3;
	[sflag:s16] =	ssyncadd.s32 $0xFFFFFF00  }
0x4b: {  	[hbm:s13], [sflag:s21] =	dma.local [spmem:s30], $0x100  }
0x4c: {  	s20 =	sadd.s32 $0x1, s20;
	_ =	swait.ge [sflag:s16], $0x100  }
0x4d: {  	p0 =	sne.s32 s20, s15;
	[sflag:s16] =	ssyncset.done $0x0  }
.Ltmp2:
0x4e: {  	s31 =	sshrl.u32 s9, $0x3;
	[sflag:s16] =	ssyncadd.s32 $0xFFFFFF00;
	(pc) =	sbr.rel @p0 .LBB2_1-.Ltmp2, $4  }
0x4f: {  	[hbm:s14], [sflag:s21] =	dma.local [spmem:s31], $0x100  }
0x50: {  	_ =	swait.ge [sflag:s16], $0x100  }
0x51: {  	[sflag:s16] =	ssyncset.done $0x0  }
0x52: {  	[sflag:s16] =	ssyncadd.s32 $0xFFFFFF00  }
0x53: {  	_ =	sfence.sel $0x180000  }
0x54: {  	[bflag:$0x0] =	sbarrier.arrive $0xFFFF  }
0x55: {  	p0 =	sne.s32 s1, $0x0;
	_ =	strace $0x90000047  }
0x56: {  	s0 =	sadd.s32 @!p0 $0x100000, s0;
	[bflag:$0x2] =	sbarrier.arrive $0xFFFF  }
0x57: {  	[sflag:s0] =	ssyncadd.tile.s32 @!p0 $0x1;
	_ =	shalt  }
.Lfunc_end2:
_tile_overlayer_lowered:
.L_overlay_start_2:
0x58: {  	(tag) =	ssettag $0x2  }
0x59: {  	s0 =	rddreg [dreg:$0x0];
	s2 =	stileid.u32  }
0x5a: {  	s1 =	rddreg [dreg:$0x1];
	p0 =	sne.s32 s2, $0x0  }
0x5b: {  	s3 =	rddreg [dreg:$0x2];
	[bflag:$0x3] =	sbarrier.arrive $0xFFFF;
	s2 =	simm.s32 @!p0 $0x1C01  }
0x5c: {  	[timem:s3], [sflag:s2] =	dma.local @!p0 [hbm:s0], s1  }
0x5d: {  	s0 =	simm.s32 @!p0 $0x1  }
0x5e: {  	_ =	swait.ge @!p0 [sflag:s0], s1  }
0x5f: {  	s1 =	ssub.s32 @!p0 $0x0, s1;
	[sflag:s0] =	ssyncset.done @!p0 $0x0  }
0x60: {  	[sflag:s0] =	ssyncadd.s32 @!p0 s1  }
0x61: {  	[bflag:$0x3] =	sbarrier.arrive $0xFFFF  }
0x62: {  	_ =	shalt  }

// kernel: kernel.13.cloned.1.call-start
scs
__scs_entry_jumppad:
0x0: {  	(pc) =	sbr.rel $0x88, $3  }
0x1: {  	(tag) =	ssettag $0x0;
	lr =	simm.s32 $0x1  }
0x2: {  	[smem:$0x3F91] =	sst lr;
	_ =	strace $0xD0000000  }
0x3: {  	_ = 	snop  }
0x4: {  	_ = 	snop  }
0x5: {  	_ = 	snop  }
0x6: {  	_ = 	snop  }
0x7: {  	_ = 	snop  }
__scs_overlays_trampoline_lowered:
0x8: {  	[smem:$0x3FA0] =	sst s0  }
0x9: {  	[smem:$0x3FA1] =	sst s1  }
0xa: {  	[smem:$0x3FA2] =	sst s2  }
0xb: {  	[smem:$0x3FA3] =	sst s3  }
0xc: {  	[smem:$0x3FA4] =	sst s4  }
0xd: {  	[smem:$0x3FA5] =	sst s5  }
0xe: {  	[smem:$0x3FA6] =	sst s6  }
0xf: {  	[smem:$0x3FA7] =	sst s7  }
0x10: {  	[smem:$0x3FA8] =	sst s8  }
0x11: {  	[smem:$0x3FA9] =	sst s9;
	s0 =	simm.s32 @!p0 $0x0  }
0x12: {  	s1 =	sld [smem:$0x3F8F];
	s0 =	simm.s32 @p0 $0x1  }
0x13: {  	[smem:$0x3FAA] =	sst s0;
	s0 =	simm.s32 @!p1 $0x0  }
0x14: {  	s2 =	sld [smem:$0x3F8E];
	s0 =	simm.s32 @p1 $0x1  }
0x15: {  	[smem:$0x3FAB] =	sst s0;
	s0 =	simm.s32 @!p2 $0x0  }
0x16: {  	s3 =	sld [smem:$0x3FDB];
	s0 =	simm.s32 @p2 $0x1  }
0x17: {  	s4 =	simm.s32 $0x1BF5;
	[smem:$0x3FAD] =	sst s0  }
0x18: {  	s0 =	sld [smem:$0x3F90];
	_ =	swait.ge [sflag:s4], $0x0  }
0x19: {  	s7 =	sld [smem:$0x3F91]  }
0x1a: {  	s8 =	sadd.s32 $0xFFFFE003, lr  }
0x1b: {  	s9 =	sadd.s32 $0xFFFFFEF7, lr;
	s5 =	simm.s32 $0xFFFFFFFF;
	p2 =	slt.u32 s8, $0xFFFFF086  }
0x1c: {  	p1 =	slt.u32 s9, $0xF7A;
	s5 =	simm.s32 @!p2 $0x0  }
0x1d: {  	s5 =	simm.s32 @p1 $0x1;
	p0 =	seq.s32 s7, s2  }
0x1e: {  	s7 =	smul.u32 @!p0 $0xF7A, s2;
	p2 =	seq.s32 @!p0 s5, $0x0  }
0x1f: {  	s9 =	smul.u32 $0xF7A, s1;
	s8 =	simm.s32 @!p0 $0x1BF5;
	p2 =	por !p2, p0  }
0x20: {  	[sflag:s8] =	ssyncset.s32 @!p0 $0xFFFFF086;
	s6 =	sadd.s32 @!p0 s3, s7;
	s7 =	simm.s32 @!p0 $0x108  }
0x21: {  	s3 =	sadd.s32 s3, s9;
	s6 =	sadd.s32 @!p0 $0x88, s6;
	s7 =	simm.s32 @p2 $0x1082  }
0x22: {  	[simem:s7], [sflag:s8] =	dma.local @!p0 [hbm:s6], $0xF7A  }
0x23: {  	s9 =	sor.u32 $0xD0000000, s2;
	s6 =	simm.s32 $0x108;
	_ =	swait.ge @!p0 [sflag:s8], $0x0  }
0x24: {  	s3 =	sadd.s32 $0x88, s3;
	s6 =	simm.s32 @!p1 $0x1082;
	[sflag:s4] =	ssyncset.s32 $0xFFFFF086  }
0x25: {  	[simem:s6], [sflag:s4] =	dma.local [hbm:s3], $0xF7A  }
0x26: {  	[smem:$0x3F91] =	sst s1;
	(tag) =	ssettag s2;
	_ =	strace s9  }
0x27: {  	s1 =	sld [smem:$0x3FA1]  }
0x28: {  	s2 =	sld [smem:$0x3FA2]  }
0x29: {  	s4 =	sld [smem:$0x3FA4]  }
0x2a: {  	p0 =	seq.s32 s5, $0x0;
	s5 =	sld [smem:$0x3FA5]  }
0x2b: {  	s6 =	sld [smem:$0x3FA6]  }
0x2c: {  	s7 =	sld [smem:$0x3FA7]  }
0x2d: {  	s3 =	simm.s32 $0x108;
	s8 =	sld [smem:$0x3FA8]  }
0x2e: {  	s3 =	simm.s32 @!p0 $0x1082;
	s9 =	sld [smem:$0x3FA9]  }
0x2f: {  	lr =	sadd.s32 s0, s3;
	s0 =	sld [smem:$0x3FA0]  }
0x30: {  	s3 =	sld [smem:$0x3FA3]  }
0x31: {  	[smem:$0x3FAC] =	sst s10  }
0x32: {  	s10 =	sld [smem:$0x3FAA];
	_ =	sdelay $0x3  }
0x33: {  	p0 =	seq.s32 s10, $0x1;
	s10 =	sld [smem:$0x3FAC];
	_ =	sdelay $0x3  }
0x34: {  	[smem:$0x3FAC] =	sst s10  }
0x35: {  	s10 =	sld [smem:$0x3FAB];
	_ =	sdelay $0x3  }
0x36: {  	p1 =	seq.s32 s10, $0x1;
	s10 =	sld [smem:$0x3FAC];
	_ =	sdelay $0x3  }
0x37: {  	[smem:$0x3FAC] =	sst s10  }
0x38: {  	s10 =	sld [smem:$0x3FAD]  }
0x39: {  	_ = 	snop;
	(pc) =	sbr.ind lr, $3  }
0x3a: {  	_ = 	snop  }
0x3b: {  	_ = 	snop  }
0x3c: {  	p2 =	seq.s32 s10, $0x1;
	s10 =	sld [smem:$0x3FAC]  }
0x3d: {  	_ =	shalt  }
0x3e: {  	_ =	shalt  }
0x3f: {  	_ =	shalt  }
0x40: {  	_ =	shalt  }
0x41: {  	_ =	shalt  }
0x42: {  	_ =	shalt  }
0x43: {  	_ =	shalt  }
0x44: {  	_ =	shalt  }
0x45: {  	_ =	shalt  }
0x46: {  	_ =	shalt  }
0x47: {  	_ =	shalt  }
0x48: {  	_ =	shalt  }
0x49: {  	_ =	shalt  }
0x4a: {  	_ =	shalt  }
0x4b: {  	_ =	shalt  }
0x4c: {  	_ =	shalt  }
0x4d: {  	_ =	shalt  }
0x4e: {  	_ =	shalt  }
0x4f: {  	_ =	shalt  }
0x50: {  	_ =	shalt  }
0x51: {  	_ =	shalt  }
0x52: {  	_ =	shalt  }
0x53: {  	_ =	shalt  }
0x54: {  	_ =	shalt  }
0x55: {  	_ =	shalt  }
0x56: {  	_ =	shalt  }
0x57: {  	_ =	shalt  }
0x58: {  	_ =	shalt  }
0x59: {  	_ =	shalt  }
0x5a: {  	_ =	shalt  }
0x5b: {  	_ =	shalt  }
0x5c: {  	_ =	shalt  }
0x5d: {  	_ =	shalt  }
0x5e: {  	_ =	shalt  }
0x5f: {  	_ =	shalt  }
0x60: {  	_ =	shalt  }
0x61: {  	_ =	shalt  }
0x62: {  	_ =	shalt  }
0x63: {  	_ =	shalt  }
0x64: {  	_ =	shalt  }
0x65: {  	_ =	shalt  }
0x66: {  	_ =	shalt  }
0x67: {  	_ =	shalt  }
0x68: {  	_ =	shalt  }
0x69: {  	_ =	shalt  }
0x6a: {  	_ =	shalt  }
0x6b: {  	_ =	shalt  }
0x6c: {  	_ =	shalt  }
0x6d: {  	_ =	shalt  }
0x6e: {  	_ =	shalt  }
0x6f: {  	_ =	shalt  }
0x70: {  	_ =	shalt  }
0x71: {  	_ =	shalt  }
0x72: {  	_ =	shalt  }
0x73: {  	_ =	shalt  }
0x74: {  	_ =	shalt  }
0x75: {  	_ =	shalt  }
0x76: {  	_ =	shalt  }
0x77: {  	_ =	shalt  }
0x78: {  	_ =	shalt  }
0x79: {  	_ =	shalt  }
0x7a: {  	_ =	shalt  }
0x7b: {  	_ =	shalt  }
0x7c: {  	_ =	shalt  }
0x7d: {  	_ =	shalt  }
0x7e: {  	_ =	shalt  }
0x7f: {  	_ =	shalt  }
0x80: {  	_ =	shalt  }
0x81: {  	_ =	shalt  }
0x82: {  	_ =	shalt  }
0x83: {  	_ =	shalt  }
0x84: {  	_ =	shalt  }
0x85: {  	_ =	shalt  }
0x86: {  	_ =	shalt  }
0x87: {  	_ =	shalt  }
.Lfunc_end0:
.L_simem_size_0:
called_computation.1_lowered:
.L_overlay_start_0:
0x88: {  	s2 =	sld [smem:$0x3FD9]  }
0x89: {  	s3 =	sld [smem:$0x3FFE];
	_ =	sdelay $0x1  }
0x8a: {  	s1 =	srdreg.scid  }
0x8b: {  	s0 =	sand.u32 $0x1, s1  }
0x8c: {  	s16 =	sshll.u32 s0, $0xA;
	s2 =	sadd.s32 s3, s2  }
0x8d: {  	s2 =	sadd.s32 s2, s16  }
0x8e: {  	[smem:$0x3FB8] =	sst s2  }
0x8f: {  	_ = 	snop  }
0x90: {  	(tm) =	ssettm $0x1  }
0x91: {  	s17 =	sld [smem:$0x3FFB];
	_ =	sdelay $0x3  }
0x92: {  	_ =	strace s17  }
0x93: {  	s2 =	sld [smem:$0x3FFC];
	_ =	sdelay $0x3  }
0x94: {  	_ =	strace s2  }
0x95: {  	s2 =	sld [smem:$0x3FFD];
	_ =	sdelay $0x3  }
0x96: {  	_ =	strace s2  }
0x97: {  	_ =	strace $0x8FFFFFFF  }
0x98: {  	s18 =	sld [smem:$0x3FDB];
	_ =	sdelay $0x1  }
0x99: {  	s19 =	simm.s32 $_scs_section_size  }
0x9a: {  	s4 =	simm.s32 $_size__tile_overlayer_lowered;
	s5 =	simm.s32 $_tile_overlayer_lowered  }
0x9b: {  	s22 =	simm.s32 $0x1BFF;
	s21 =	sshll.u32 s5, $0x1;
	s2 =	sadd.s32 s19, s18  }
0x9c: {  	s6 =	simm.s32 $0x0;
	s20 =	sshll.u32 s4, $0x1;
	s4 =	sadd.s32 s21, s2  }
0x9d: {  	[timem:s6], [sflag:s22] =	dma.local [hbm:s4], s20  }
0x9e: {  	_ =	swait.ge [sflag:s22], s20  }
0x9f: {  	s3 =	ssub.s32 $0x0, s20;
	[sflag:s22] =	ssyncset.done $0x0  }
0xa0: {  	[sflag:s22] =	ssyncadd.s32 s3;
	_ =	sdelay $0x1  }
0xa1: {  	s23 =	simm.s32 $0x1B8B  }
0xa2: {  	_ =	swait.ge [sflag:s23], $0x1  }
0xa3: {  	[sflag:s23] =	ssyncset.done $0x0  }
0xa4: {  	s25 =	simm.s32 $0x1B8E;
	s24 =	sld [smem:$0x3FFE];
	[sflag:s23] =	ssyncadd.s32 $0xFFFFFFFF  }
0xa5: {  	s26 =	simm.s32 $execute0_lowered;
	[smem:$0x3FD2] =	sst s25  }
0xa6: {  	s4 =	sshll.u32 s26, $0x1;
	_ =	strace $0x80000049;
	[dreg:$0x1] =	wrdreg $0xFFFFFFFF  }
0xa7: {  	s28 =	simm.s32 $_size_execute0_lowered;
	s2 =	sadd.s32 s2, s4;
	[dreg:$0x0] =	wrdreg $0x0  }
0xa8: {  	s4 =	sshll.u32 s28, $0x1;
	[dreg:$0x2] =	wrdreg s2  }
0xa9: {  	[dreg:$0x3] =	wrdreg s4  }
0xaa: {  	[dreg:$0x4] =	wrdreg $0xC0  }
0xab: {  	_ =	task [dreg:s6], $0x5FFFF  }
0xac: {  	[dreg:$0x1] =	wrdreg $0xFFFFFFFF  }
0xad: {  	[dreg:$0x0] =	wrdreg $0x60  }
0xae: {  	[dreg:$0x2] =	wrdreg s24  }
0xaf: {  	[dreg:$0x3] =	wrdreg $0xA8000  }
0xb0: {  	[dreg:$0x4] =	wrdreg $0x148000  }
0xb1: {  	[dreg:$0x5] =	wrdreg $0x9  }
0xb2: {  	_ =	task.clear_ibuf [dreg:s6], $0x6FFFF;
	_ =	strace $0x90000049  }
0xb3: {  	s29 =	simm.s32 $0x9;
	_ =	strace $0x8000004B  }
0xb4: {  	_ =	swait.ge [sflag:s29], $0x1  }
0xb5: {  	[sflag:s29] =	ssyncadd.s32 $0xFFFFFFFF  }
0xb6: {  	_ =	strace $0x9000004B  }
0xb7: {  	_ =	sfence  }
0xb8: {  	s30 =	sld [smem:$0x0];
	_ =	sdelay $0x2  }
0xb9: {  	s31 =	sshll.u32 s1, $0xD;
	s1 =	sshrl.u32 s1, $0x2  }
0xba: {  	s3 =	sand.u32 $0x4000, s31;
	s1 =	sadd.s32 s1, s30  }
0xbb: {  	s0 =	sor.u32 s3, s0;
	s1 =	sshll.u32 s1, $0x11  }
0xbc: {  	s0 =	sor.u32 s1, s0  }
0xbd: {  	s0 =	sadd.s32 $0x8F2B, s0  }
0xbe: {  	[sflag:s0] =	ssyncadd.remote.s32 $0x1  }
0xbf: {  	_ =	sfence.sel $0xFFFF  }
0xc0: {  	[dreg:$0x0] =	wrdreg $0xFFFFFFFF;
	(pc) =	sbr.abs _section_cstart, $3  }
0xc1: {  	[dreg:$0x1] =	wrdreg $0xFFFFFFFF  }
0xc2: {  	_ =	task.clear_ibuf [dreg:s6], $0x2FFFF;
	_ =	strace $0x9FFFFFFF  }
0xc3: {  	(tm) =	ssettm $0x7FFFFFFF  }
tec
execute0_lowered:
.L_overlay_start_1:
0x0: {  	(tag) =	ssettag $0x1  }
0x1: {  	s0 =	rddreg [dreg:$0x0];
	s1 =	srdreg.scid  }
0x2: {  	s12 =	stileid.u32;
	s2 =	rddreg [dreg:$0x1]  }
0x3: {  	s3 =	rddreg [dreg:$0x2];
	s4 =	simm.s32 $0x0;
	s5 =	smul.u32 $0x14000, s12  }
0x4: {  	s31 =	simm.s32 $0x80;
	s28 =	simm.s32 $0x5;
	s7 =	smul.u32 $0x1400, s12  }
0x5: {  	s29 =	simm.s32 $0xF;
	s1 =	sand.u32 $0x1, s1;
	s9 =	smul.u32 $0xA000, s12  }
0x6: {  	[smem:$0x7FF] =	sst s4;
	s11 =	smul.u32 $0x280, s12;
	s13 =	sshll.u32 s12, $0x6  }
0x7: {  	s6 =	sshll.u32 s1, $0x6;
	_ =	strace $0x8000004A;
	s1 =	ssub.s32 $0x2, s1  }
0x8: {  	[dreg:$0x5] =	wrdreg s13;
	s13 =	sor.u32 $0x1C11, s13;
	s5 =	sor.u32 s6, s5  }
0x9: {  	s7 =	sadd.s32 s7, s0;
	s10 =	sshrl.u32 s1, $0x1;
	s25 =	sadd.s32 $0x80, s11  }
0xa: {  	s26 =	sadd.s32 $0x100, s11;
	[dreg:$0x6] =	wrdreg s13;
	s16 =	sadd.s32 s9, s3  }
0xb: {  	s15 =	sadd.s32 $0x180, s11;
	s11 =	sadd.s32 $0x200, s11;
	s5 =	sshrl.u32 s5, $0x3  }
0xc: {  	s1 =	ssub.s32 s1, s10;
	s10 =	sadd.s32 s9, s2;
	s30 =	sshll.u32 s25, $0x6  }
0xd: {  	s14 =	sshll.u32 s26, $0x6;
	s17 =	sshll.u32 s15, $0x6;
	s19 =	sshll.u32 s11, $0x6  }
0xe: {  	s22 =	sshll.u32 s26, $0x7;
	s23 =	sshll.u32 s15, $0x7;
	s24 =	sshll.u32 s11, $0x7  }
0xf: {  	s9 =	simm.s32 $0x4;
	s11 =	simm.s32 $0xC;
	[dreg:$0x7] =	wrdreg s16  }
0x10: {  	s8 =	sadd.s32 s5, s0;
	s0 =	sadd.s32 $0x4B200, s0;
	s18 =	sadd.s32 s30, s3  }
0x11: {  	s14 =	sadd.s32 s14, s3;
	s13 =	sadd.s32 s17, s3;
	s20 =	sadd.s32 s19, s3  }
0x12: {  	s26 =	smax.u32 s1, $0x1;
	s30 =	sshrl.u32 s10, $0x3;
	[dreg:$0x9] =	wrdreg s14  }
0x13: {  	s1 =	simm.s32 $0x800;
	s17 =	simm.s32 $0x3;
	[dreg:$0xa] =	wrdreg s13  }
0x14: {  	s19 =	simm.s32 $0xB;
	s10 =	simm.s32 $0x6800;
	[dreg:$0xb] =	wrdreg s20  }
0x15: {  	s8 =	sadd.s32 $0x23200, s8;
	s13 =	sadd.s32 $0xF200, s7;
	[dreg:$0x11] =	wrdreg s26  }
0x16: {  	s5 =	sadd.s32 s0, s5;
	s7 =	sor.u32 s6, s23;
	[dreg:$0x12] =	wrdreg s30  }
0x17: {  	s23 =	simm.s32 $0x10;
	s14 =	simm.s32 $0xA;
	[dreg:$0x8] =	wrdreg s18  }
0x18: {  	s26 =	simm.s32 $0xD;
	s20 =	simm.s32 $0x6;
	[dreg:$0x4] =	wrdreg s8  }
0x19: {  	s8 =	sshll.u32 s25, $0x7;
	[dreg:$0xc] =	wrdreg s5;
	s5 =	sor.u32 s6, s22  }
0x1a: {  	s7 =	sshrl.u32 s7, $0x3;
	s22 =	simm.s32 $0x8;
	s8 =	sor.u32 s6, s8  }
0x1b: {  	s6 =	sor.u32 s6, s24;
	s5 =	sshrl.u32 s5, $0x3;
	s25 =	sadd.s32 s0, s7  }
.Ltmp0:
0x1c: {  	s24 =	simm.s32 $0xE;
	s7 =	simm.s32 $0x0;
	(pc) =	sbr.rel .LBB2_1-.Ltmp0, $4  }
0x1d: {  	s8 =	sshrl.u32 s8, $0x3;
	s5 =	sadd.s32 s0, s5;
	[dreg:$0xf] =	wrdreg s25  }
0x1e: {  	s6 =	sshrl.u32 s6, $0x3;
	s21 =	sadd.s32 s0, s8;
	[dreg:$0xe] =	wrdreg s5  }
0x1f: {  	s0 =	sadd.s32 s0, s6;
	s6 =	simm.s32 $0x2800;
	[dreg:$0xd] =	wrdreg s21  }
0x20: {  	v0 =	vimm.f32 $0.0e+00;
	[dreg:$0x10] =	wrdreg s0;
	s21 =	simm.s32 $0x1;
	s0 =	simm.s32 $0x9  }
.LBB2_6:
0x21: {  	_ =	swait.ge [sflag:s26], $0x2000  }
0x22: {  	[sflag:s26] =	ssyncset.done $0x0  }
0x23: {  	[sflag:s26] =	ssyncadd.s32 $0xFFFFE000  }
0x24: {  	_ =	swait.ge [sflag:s24], $0x2000  }
0x25: {  	[sflag:s24] =	ssyncset.done $0x0  }
0x26: {  	[sflag:s24] =	ssyncadd.s32 $0xFFFFE000  }
0x27: {  	_ =	swait.ge [sflag:s29], $0x2000  }
0x28: {  	[sflag:s29] =	ssyncset.done $0x0  }
0x29: {  	[sflag:s29] =	ssyncadd.s32 $0xFFFFE000  }
0x2a: {  	_ =	swait.ge [sflag:s23], $0x2000  }
0x2b: {  	[sflag:s23] =	ssyncset.done $0x0  }
0x2c: {  	[sflag:s23] =	ssyncadd.s32 $0xFFFFE000  }
0x2d: {  	[bflag:$0x0] =	sbarrier.arrive $0xFFFF  }
0x2e: {  	s5 =	rddreg [dreg:$0x5]  }
0x2f: {  	s15 =	simm.s32 $0x12;
	s16 =	rddreg [dreg:$0x7]  }
0x30: {  	s12 =	rddreg [dreg:$0xc];
	s5 =	sor.u32 $0x1C12, s5;
	s8 =	sshrl.u32 s16, $0x3  }
0x31: {  	[hbm:s12@s23], [sflag:s5] =	dma.strided [spmem:s8@s22], $0x400, s21, $0x8   }
0x32: {  	_ =	swait.ge [sflag:s15], $0x400  }
0x33: {  	[sflag:s15] =	ssyncset.done $0x0;
	s18 =	rddreg [dreg:$0x8]  }
0x34: {  	s7 =	rddreg [dreg:$0xd];
	[sflag:s15] =	ssyncadd.s32 $0xFFFFFC00;
	s30 =	sshrl.u32 s18, $0x3  }
0x35: {  	[hbm:s7@s23], [sflag:s5] =	dma.strided [spmem:s30@s22], $0x400, s21, $0x8   }
0x36: {  	_ =	swait.ge [sflag:s15], $0x400  }
0x37: {  	[sflag:s15] =	ssyncset.done $0x0;
	s12 =	rddreg [dreg:$0x9]  }
0x38: {  	s25 =	rddreg [dreg:$0xe];
	[sflag:s15] =	ssyncadd.s32 $0xFFFFFC00;
	s8 =	sshrl.u32 s12, $0x3  }
0x39: {  	[hbm:s25@s23], [sflag:s5] =	dma.strided [spmem:s8@s22], $0x400, s21, $0x8   }
0x3a: {  	_ =	swait.ge [sflag:s15], $0x400  }
0x3b: {  	[sflag:s15] =	ssyncset.done $0x0;
	s30 =	rddreg [dreg:$0xa]  }
0x3c: {  	s7 =	rddreg [dreg:$0xf];
	[sflag:s15] =	ssyncadd.s32 $0xFFFFFC00;
	s8 =	sshrl.u32 s30, $0x3  }
0x3d: {  	[hbm:s7@s23], [sflag:s5] =	dma.strided [spmem:s8@s22], $0x400, s21, $0x8   }
0x3e: {  	_ =	swait.ge [sflag:s15], $0x400  }
0x3f: {  	[sflag:s15] =	ssyncset.done $0x0;
	s12 =	rddreg [dreg:$0xb]  }
0x40: {  	s25 =	rddreg [dreg:$0x10];
	[sflag:s15] =	ssyncadd.s32 $0xFFFFFC00;
	s8 =	sshrl.u32 s12, $0x3  }
0x41: {  	[hbm:s25@s23], [sflag:s5] =	dma.strided [spmem:s8@s22], $0x400, s21, $0x8   }
0x42: {  	_ =	swait.ge [sflag:s15], $0x400  }
0x43: {  	s7 =	rddreg [dreg:$0x13]  }
0x44: {  	s30 =	rddreg [dreg:$0x11];
	s7 =	sadd.s32 $0x1, s7  }
0x45: {  	p0 =	sne.s32 s7, s30  }
.Ltmp1:
0x46: {  	_ = 	snop;
	(pc) =	sbr.rel @!p0 .LBB2_7-.Ltmp1, $3  }
0x47: {  	_ =	sdelay $0x1  }
0x48: {  	[sflag:s15] =	ssyncset.done $0x0  }
0x49: {  	[sflag:s15] =	ssyncadd.s32 $0xFFFFFC00  }
.LBB2_1:
0x4a: {  	[dreg:$0x13] =	wrdreg s7  }
0x4b: {  	s5 =	rddreg [dreg:$0x4]  }
0x4c: {  	s8 =	rddreg [dreg:$0x6]  }
0x4d: {  	s12 =	rddreg [dreg:$0x12];
	s25 =	sand.u32 $0x7F00, s4  }
0x4e: {  	[spmem:s12@s22], [sflag:s8] =	dma.strided [hbm:s5@s23], $0x1400, s21, $0x8   }
0x4f: {  	s30 =	sand.u32 $0x30, s4;
	s15 =	sshrl.u32 s25, $0x2  }
0x50: {  	s8 =	simm.s32 $0x40;
	s12 =	sor.u32 s30, s15;
	s15 =	simm.s32 $0x0  }
.LBB2_2:
0x51: {  	p0 =	sne.s32 s8, $0x7FC0  }
0x52: {  	[tilespmem:s12+$0x8800] =	vst v0;
	s15 =	sadd.s32 $0x10, s15;
	s12 =	smov.u32 s8;
	s8 =	sadd.s32 $0x40, s8  }
.Ltmp2:
0x53: {  	(pc) =	sbr.rel @p0 .LBB2_2-.Ltmp2, $4  }
0x54: {  	_ = 	snop  }
0x55: {  	s12 =	sand.u32 $0x7F00, s12  }
0x56: {  	s30 =	sand.u32 $0x30, s15;
	s12 =	sshrl.u32 s12, $0x2  }
0x57: {  	s12 =	sor.u32 s30, s12  }
0x58: {  	[tilespmem:s12+$0x8800] =	vst v0;
	s8 =	simm.s32 $0x8800;
	s25 =	simm.s32 $0x12  }
0x59: {  	[spmem:s16] =	stream.linear.scatter [tilespmem:s8], [sflag:$0x12], $0x2000, $0x38;
	[tilespmem:$0x1E800] =	vst v63  }
0x5a: {  	_ =	swait.ge [sflag:s25], $0x2000  }
0x5b: {  	[sflag:s25] =	ssyncset.done $0x0  }
0x5c: {  	[sflag:s25] =	ssyncadd.s32 $0xFFFFE000  }
0x5d: {  	[spmem:s18] =	stream.linear.scatter [tilespmem:s8], [sflag:$0x12], $0x2000, $0x38;
	[tilespmem:$0x1E800] =	vst v63  }
0x5e: {  	_ =	swait.ge [sflag:s25], $0x2000  }
0x5f: {  	[sflag:s25] =	ssyncset.done $0x0  }
0x60: {  	s5 =	rddreg [dreg:$0x9];
	[sflag:s25] =	ssyncadd.s32 $0xFFFFE000  }
0x61: {  	[spmem:s5] =	stream.linear.scatter [tilespmem:s8], [sflag:$0x12], $0x2000, $0x38;
	[tilespmem:$0x1E800] =	vst v63  }
0x62: {  	_ =	swait.ge [sflag:s25], $0x2000  }
0x63: {  	[sflag:s25] =	ssyncset.done $0x0  }
0x64: {  	s30 =	rddreg [dreg:$0xa];
	[sflag:s25] =	ssyncadd.s32 $0xFFFFE000  }
0x65: {  	[spmem:s30] =	stream.linear.scatter [tilespmem:s8], [sflag:$0x12], $0x2000, $0x38;
	[tilespmem:$0x1E800] =	vst v63  }
0x66: {  	_ =	swait.ge [sflag:s25], $0x2000  }
0x67: {  	[sflag:s25] =	ssyncset.done $0x0  }
0x68: {  	s7 =	rddreg [dreg:$0xb];
	[sflag:s25] =	ssyncadd.s32 $0xFFFFE000  }
0x69: {  	[spmem:s7] =	stream.linear.scatter [tilespmem:s8], [sflag:$0x12], $0x2000, $0x38;
	[tilespmem:$0x1E800] =	vst v63  }
0x6a: {  	_ =	swait.ge [sflag:s25], $0x2000  }
0x6b: {  	[sflag:s25] =	ssyncset.done $0x0  }
0x6c: {  	s8 =	simm.s32 $0x11;
	[sflag:s25] =	ssyncadd.s32 $0xFFFFE000  }
0x6d: {  	_ =	swait.ge [sflag:s8], $0x1400  }
0x6e: {  	[sflag:s8] =	ssyncset.done $0x0  }
0x6f: {  	[sflag:s8] =	ssyncadd.s32 $0xFFFFEC00  }
0x70: {  	s15 =	simm.s32 $0x0;
	[bflag:$0x0] =	sbarrier.arrive $0xFFFF  }
0x71: {  	[tilespmem:s15], [sflag:$0x1] =	stream.linear.gather [hbm4b:s13+s15], $0x100, $0x38;
	[tilespmem:$0x1E800] =	vst v63  }
0x72: {  	s12 =	sadd.s32 $0x20, s13;
	s16 =	simm.s32 $0x100  }
0x73: {  	[tilespmem:s16], [sflag:$0x2] =	stream.linear.gather [hbm4b:s12+s15], $0x100, $0x38;
	[tilespmem:$0x1E800] =	vst v63  }
0x74: {  	s18 =	sadd.s32 $0x40, s13;
	s25 =	simm.s32 $0x200  }
0x75: {  	[tilespmem:s25], [sflag:$0x3] =	stream.linear.gather [hbm4b:s18+s15], $0x100, $0x38;
	[tilespmem:$0x1E800] =	vst v63  }
0x76: {  	s30 =	sadd.s32 $0x60, s13;
	s16 =	simm.s32 $0x300  }
0x77: {  	[tilespmem:s16], [sflag:$0x4] =	stream.linear.gather [hbm4b:s30+s15], $0x100, $0x38;
	[tilespmem:$0x1E800] =	vst v63  }
0x78: {  	_ =	swait.ge [sflag:s21], $0x100  }
0x79: {  	[sflag:s21] =	ssyncset.done $0x0  }
0x7a: {  	[sflag:s21] =	ssyncadd.s32 $0xFFFFFF00  }
0x7b: {  	[tilespmem:s1], [sflag:$0x9] =	stream.indirect.gather [spmem:s2], $0x40, s15, s31, $0xb8;
	[tilespmem:$0x1E800] =	vst v63  }
.LBB2_4:
0x7c: {  	_ =	swait.ge [sflag:s0], $0x2000  }
0x7d: {  	p0 =	seq.s32 s15, $0x0;
	[sflag:s0] =	ssyncset.done $0x0  }
0x7e: {  	s12 =	simm.s32 @!p0 $0xF;
	[sflag:s0] =	ssyncadd.s32 $0xFFFFE000  }
0x7f: {  	[spmem:s3] =	stream.indirect.scatter.add.f32 [tilespmem:s1], [sflag:$0xD], $0x40, s31, s31, $0xb8;
	[tilespmem:$0x1E800] =	vst v63  }
0x80: {  	_ =	swait.ge @!p0 [sflag:s12], $0x2000  }
0x81: {  	s8 =	sadd.s32 s15, s13;
	s18 =	simm.s32 $0x400;
	[sflag:s12] =	ssyncset.done @!p0 $0x0  }
0x82: {  	s5 =	simm.s32 $0x2;
	s7 =	sadd.s32 $0x80, s8;
	[sflag:s12] =	ssyncadd.s32 @!p0 $0xFFFFE000  }
0x83: {  	[tilespmem:s18], [sflag:$0x5] =	stream.linear.gather [hbm4b:s7+s4], $0x100, $0x38;
	[tilespmem:$0x1E800] =	vst v63  }
0x84: {  	_ =	swait.ge [sflag:s5], $0x100  }
0x85: {  	[sflag:s5] =	ssyncset.done $0x0  }
0x86: {  	s25 =	simm.s32 $0x100;
	[sflag:s5] =	ssyncadd.s32 $0xFFFFFF00  }
0x87: {  	[tilespmem:s6], [sflag:$0xA] =	stream.indirect.gather [spmem:s2], $0x40, s25, s31, $0xb8;
	[tilespmem:$0x1E800] =	vst v63  }
0x88: {  	_ =	swait.ge [sflag:s14], $0x2000  }
0x89: {  	[sflag:s14] =	ssyncset.done $0x0  }
0x8a: {  	s30 =	simm.s32 $0x180;
	s12 =	simm.s32 @!p0 $0x10;
	[sflag:s14] =	ssyncadd.s32 $0xFFFFE000  }
0x8b: {  	[spmem:s3] =	stream.indirect.scatter.add.f32 [tilespmem:s6], [sflag:$0xE], $0x40, s30, s31, $0xb8;
	[tilespmem:$0x1E800] =	vst v63  }
0x8c: {  	_ =	swait.ge @!p0 [sflag:s12], $0x2000  }
0x8d: {  	[sflag:s12] =	ssyncset.done @!p0 $0x0  }
0x8e: {  	s7 =	sadd.s32 $0xA0, s8;
	s25 =	simm.s32 $0x500;
	[sflag:s12] =	ssyncadd.s32 @!p0 $0xFFFFE000  }
0x8f: {  	[tilespmem:s25], [sflag:$0x6] =	stream.linear.gather [hbm4b:s7+s4], $0x100, $0x38;
	[tilespmem:$0x1E800] =	vst v63  }
0x90: {  	_ =	swait.ge [sflag:s17], $0x100  }
0x91: {  	[sflag:s17] =	ssyncset.done $0x0  }
0x92: {  	s30 =	simm.s32 $0x200;
	s7 =	simm.s32 $0x4800;
	[sflag:s17] =	ssyncadd.s32 $0xFFFFFF00  }
0x93: {  	[tilespmem:s7], [sflag:$0xB] =	stream.indirect.gather [spmem:s2], $0x40, s30, s31, $0xb8;
	[tilespmem:$0x1E800] =	vst v63  }
0x94: {  	_ =	swait.ge [sflag:s19], $0x2000  }
0x95: {  	[sflag:s19] =	ssyncset.done $0x0  }
0x96: {  	s30 =	simm.s32 $0x280;
	[sflag:s19] =	ssyncadd.s32 $0xFFFFE000  }
0x97: {  	[spmem:s3] =	stream.indirect.scatter.add.f32 [tilespmem:s7], [sflag:$0xF], $0x40, s30, s31, $0xb8;
	[tilespmem:$0x1E800] =	vst v63  }
0x98: {  	_ =	swait.ge [sflag:s26], $0x2000  }
0x99: {  	[sflag:s26] =	ssyncset.done $0x0  }
0x9a: {  	s5 =	sadd.s32 $0xC0, s8;
	s7 =	simm.s32 $0x600;
	[sflag:s26] =	ssyncadd.s32 $0xFFFFE000  }
0x9b: {  	[tilespmem:s7], [sflag:$0x7] =	stream.linear.gather [hbm4b:s5+s4], $0x100, $0x38;
	[tilespmem:$0x1E800] =	vst v63  }
0x9c: {  	_ =	swait.ge [sflag:s9], $0x100  }
0x9d: {  	[sflag:s9] =	ssyncset.done $0x0  }
0x9e: {  	[sflag:s9] =	ssyncadd.s32 $0xFFFFFF00  }
0x9f: {  	[tilespmem:s10], [sflag:$0xC] =	stream.indirect.gather [spmem:s2], $0x40, s16, s31, $0xb8;
	[tilespmem:$0x1E800] =	vst v63  }
0xa0: {  	_ =	swait.ge [sflag:s11], $0x2000  }
0xa1: {  	[sflag:s11] =	ssyncset.done $0x0  }
0xa2: {  	s12 =	simm.s32 $0x380;
	[sflag:s11] =	ssyncadd.s32 $0xFFFFE000  }
0xa3: {  	[spmem:s3] =	stream.indirect.scatter.add.f32 [tilespmem:s10], [sflag:$0x10], $0x40, s12, s31, $0xb8;
	[tilespmem:$0x1E800] =	vst v63  }
0xa4: {  	_ =	swait.ge [sflag:s24], $0x2000  }
0xa5: {  	[sflag:s24] =	ssyncset.done $0x0  }
0xa6: {  	s7 =	simm.s32 $0x700;
	s16 =	sadd.s32 $0xE0, s8;
	[sflag:s24] =	ssyncadd.s32 $0xFFFFE000  }
0xa7: {  	[tilespmem:s7], [sflag:$0x8] =	stream.linear.gather [hbm4b:s16+s4], $0x100, $0x38;
	[tilespmem:$0x1E800] =	vst v63  }
0xa8: {  	_ =	swait.ge [sflag:s28], $0x100  }
0xa9: {  	[sflag:s28] =	ssyncset.done $0x0  }
0xaa: {  	[sflag:s28] =	ssyncadd.s32 $0xFFFFFF00  }
0xab: {  	[tilespmem:s1], [sflag:$0x9] =	stream.indirect.gather [spmem:s2], $0x40, s18, s31, $0xb8;
	[tilespmem:$0x1E800] =	vst v63  }
0xac: {  	_ =	swait.ge [sflag:s0], $0x2000  }
0xad: {  	[sflag:s0] =	ssyncset.done $0x0  }
0xae: {  	s18 =	simm.s32 $0x480;
	[sflag:s0] =	ssyncadd.s32 $0xFFFFE000  }
0xaf: {  	[spmem:s3] =	stream.indirect.scatter.add.f32 [tilespmem:s1], [sflag:$0xD], $0x40, s18, s31, $0xb8;
	[tilespmem:$0x1E800] =	vst v63  }
0xb0: {  	p0 =	seq.s32 s15, $0x1300;
	_ =	swait.ge [sflag:s29], $0x2000  }
0xb1: {  	s12 =	sadd.s32 @!p0 s15, s13;
	[sflag:s29] =	ssyncset.done $0x0  }
0xb2: {  	s5 =	simm.s32 @!p0 $0x0;
	s30 =	sadd.s32 @!p0 $0x100, s12;
	[sflag:s29] =	ssyncadd.s32 $0xFFFFE000  }
0xb3: {  	[tilespmem:s5], [sflag:$0x1] =	stream.linear.gather @!p0 [hbm4b:s30+s5], $0x100, $0x38;
	[tilespmem:$0x1E800] =	vst v63  }
0xb4: {  	_ =	swait.ge [sflag:s20], $0x100  }
0xb5: {  	[sflag:s20] =	ssyncset.done $0x0  }
0xb6: {  	[sflag:s20] =	ssyncadd.s32 $0xFFFFFF00  }
0xb7: {  	[tilespmem:s6], [sflag:$0xA] =	stream.indirect.gather [spmem:s2], $0x40, s25, s31, $0xb8;
	[tilespmem:$0x1E800] =	vst v63  }
0xb8: {  	_ =	swait.ge [sflag:s14], $0x2000  }
0xb9: {  	[sflag:s14] =	ssyncset.done $0x0  }
0xba: {  	s25 =	simm.s32 $0x580;
	[sflag:s14] =	ssyncadd.s32 $0xFFFFE000  }
0xbb: {  	[spmem:s3] =	stream.indirect.scatter.add.f32 [tilespmem:s6], [sflag:$0xE], $0x40, s25, s31, $0xb8;
	[tilespmem:$0x1E800] =	vst v63  }
0xbc: {  	_ =	swait.ge [sflag:s23], $0x2000  }
0xbd: {  	[sflag:s23] =	ssyncset.done $0x0  }
0xbe: {  	s30 =	simm.s32 @p0 $0x7;
	[sflag:s23] =	ssyncadd.s32 $0xFFFFE000  }
0xbf: {  	_ =	swait.ge @p0 [sflag:s30], $0x100  }
0xc0: {  	s16 =	simm.s32 @p0 $0x600;
	[sflag:s30] =	ssyncset.done @p0 $0x0  }
0xc1: {  	s18 =	simm.s32 @p0 $0x4800;
	[sflag:s30] =	ssyncadd.s32 @p0 $0xFFFFFF00;
	s30 =	simm.s32 @p0 $0x80  }
0xc2: {  	[tilespmem:s18], [sflag:$0xB] =	stream.indirect.gather @p0 [spmem:s2], $0x40, s16, s30, $0xb8;
	[tilespmem:$0x1E800] =	vst v63  }
0xc3: {  	s16 =	simm.s32 @p0 $0xB  }
0xc4: {  	_ =	swait.ge @p0 [sflag:s16], $0x2000  }
0xc5: {  	[sflag:s16] =	ssyncset.done @p0 $0x0  }
0xc6: {  	[sflag:s16] =	ssyncadd.s32 @p0 $0xFFFFE000;
	s16 =	simm.s32 @p0 $0x680  }
0xc7: {  	[spmem:s3] =	stream.indirect.scatter.add.f32 @p0 [tilespmem:s18], [sflag:$0xF], $0x40, s16, s30, $0xb8;
	[tilespmem:$0x1E800] =	vst v63  }
0xc8: {  	s16 =	sadd.s32 @!p0 $0x120, s12;
	s18 =	simm.s32 @!p0 $0x100  }
0xc9: {  	[tilespmem:s18], [sflag:$0x2] =	stream.linear.gather @!p0 [hbm4b:s16+s5], $0x100, $0x38;
	[tilespmem:$0x1E800] =	vst v63  }
0xca: {  	s16 =	simm.s32 @!p0 $0x7  }
0xcb: {  	_ =	swait.ge @!p0 [sflag:s16], $0x100  }
0xcc: {  	s30 =	simm.s32 @!p0 $0x4800;
	[sflag:s16] =	ssyncset.done @!p0 $0x0  }
0xcd: {  	s18 =	simm.s32 @!p0 $0x600;
	[sflag:s16] =	ssyncadd.s32 @!p0 $0xFFFFFF00;
	s16 =	simm.s32 @!p0 $0x80  }
0xce: {  	[tilespmem:s30], [sflag:$0xB] =	stream.indirect.gather @!p0 [spmem:s2], $0x40, s18, s16, $0xb8;
	[tilespmem:$0x1E800] =	vst v63  }
0xcf: {  	s18 =	simm.s32 @!p0 $0xB  }
0xd0: {  	_ =	swait.ge @!p0 [sflag:s18], $0x2000  }
0xd1: {  	[sflag:s18] =	ssyncset.done @!p0 $0x0  }
0xd2: {  	[sflag:s18] =	ssyncadd.s32 @!p0 $0xFFFFE000;
	s18 =	simm.s32 @!p0 $0x680  }
0xd3: {  	[spmem:s3] =	stream.indirect.scatter.add.f32 @!p0 [tilespmem:s30], [sflag:$0xF], $0x40, s18, s16, $0xb8;
	[tilespmem:$0x1E800] =	vst v63  }
0xd4: {  	s16 =	simm.s32 @!p0 $0xD  }
0xd5: {  	_ =	swait.ge @!p0 [sflag:s16], $0x2000  }
0xd6: {  	[sflag:s16] =	ssyncset.done @!p0 $0x0  }
0xd7: {  	s12 =	sadd.s32 @!p0 $0x140, s12;
	[sflag:s16] =	ssyncadd.s32 @!p0 $0xFFFFE000;
	s16 =	simm.s32 @!p0 $0x200  }
0xd8: {  	[tilespmem:s16], [sflag:$0x3] =	stream.linear.gather @!p0 [hbm4b:s12+s5], $0x100, $0x38;
	[tilespmem:$0x1E800] =	vst v63  }
0xd9: {  	_ =	swait.ge [sflag:s22], $0x100  }
0xda: {  	[sflag:s22] =	ssyncset.done $0x0  }
0xdb: {  	[sflag:s22] =	ssyncadd.s32 $0xFFFFFF00  }
0xdc: {  	[tilespmem:s10], [sflag:$0xC] =	stream.indirect.gather [spmem:s2], $0x40, s7, s31, $0xb8;
	[tilespmem:$0x1E800] =	vst v63  }
.Ltmp3:
0xdd: {  	_ = 	snop;
	(pc) =	sbr.rel @p0 .LBB2_6-.Ltmp3, $4  }
0xde: {  	_ =	swait.ge [sflag:s11], $0x2000  }
0xdf: {  	[sflag:s11] =	ssyncset.done $0x0  }
0xe0: {  	s25 =	simm.s32 $0x300;
	s30 =	simm.s32 $0x780;
	[sflag:s11] =	ssyncadd.s32 $0xFFFFE000  }
0xe1: {  	[spmem:s3] =	stream.indirect.scatter.add.f32 [tilespmem:s10], [sflag:$0x10], $0x40, s30, s31, $0xb8;
	[tilespmem:$0x1E800] =	vst v63  }
0xe2: {  	_ =	swait.ge [sflag:s24], $0x2000  }
0xe3: {  	[sflag:s24] =	ssyncset.done $0x0  }
0xe4: {  	s5 =	sadd.s32 $0x160, s8;
	[sflag:s24] =	ssyncadd.s32 $0xFFFFE000  }
0xe5: {  	[tilespmem:s25], [sflag:$0x4] =	stream.linear.gather [hbm4b:s5+s4], $0x100, $0x38;
	[tilespmem:$0x1E800] =	vst v63  }
.Ltmp4:
0xe6: {  	_ = 	snop;
	(pc) =	sbr.rel .LBB2_4-.Ltmp4, $4  }
0xe7: {  	_ =	swait.ge [sflag:s21], $0x100  }
0xe8: {  	[sflag:s21] =	ssyncset.done $0x0  }
0xe9: {  	s15 =	sadd.s32 $0x100, s15;
	s16 =	simm.s32 $0x300;
	[sflag:s21] =	ssyncadd.s32 $0xFFFFFF00  }
0xea: {  	[tilespmem:s1], [sflag:$0x9] =	stream.indirect.gather [spmem:s2], $0x40, s4, s31, $0xb8;
	[tilespmem:$0x1E800] =	vst v63  }
.LBB2_7:
0xeb: {  	_ =	sfence.sel $0x180000  }
0xec: {  	[bflag:$0x0] =	sbarrier.arrive $0xFFFF  }
0xed: {  	_ =	strace $0x9000004A  }
0xee: {  	s0 =	stileid.u32;
	[bflag:$0x2] =	sbarrier.arrive $0xFFFF  }
0xef: {  	p0 =	sne.s32 s0, $0x0;
	s0 =	rddreg [dreg:$0x3]  }
0xf0: {  	s0 =	sadd.s32 @!p0 $0x100000, s0  }
0xf1: {  	[sflag:s0] =	ssyncadd.tile.s32 @!p0 $0x1;
	_ =	shalt  }
.Lfunc_end2:
_tile_overlayer_lowered:
.L_overlay_start_2:
0xf2: {  	(tag) =	ssettag $0x2  }
0xf3: {  	s0 =	rddreg [dreg:$0x0];
	s2 =	stileid.u32  }
0xf4: {  	s1 =	rddreg [dreg:$0x1];
	p0 =	sne.s32 s2, $0x0  }
0xf5: {  	s3 =	rddreg [dreg:$0x2];
	[bflag:$0x3] =	sbarrier.arrive $0xFFFF;
	s2 =	simm.s32 @!p0 $0x1C12  }
0xf6: {  	[timem:s3], [sflag:s2] =	dma.local @!p0 [hbm:s0], s1  }
0xf7: {  	s0 =	simm.s32 @!p0 $0x12  }
0xf8: {  	_ =	swait.ge @!p0 [sflag:s0], s1  }
0xf9: {  	s1 =	ssub.s32 @!p0 $0x0, s1;
	[sflag:s0] =	ssyncset.done @!p0 $0x0  }
0xfa: {  	[sflag:s0] =	ssyncadd.s32 @!p0 s1  }
0xfb: {  	[bflag:$0x3] =	sbarrier.arrive $0xFFFF  }
0xfc: {  	_ =	shalt  }

// kernel: kernel.16.cloned.1.call-start
scs
__scs_entry_jumppad:
0x0: {  	(pc) =	sbr.rel $0x88, $3  }
0x1: {  	(tag) =	ssettag $0x0;
	lr =	simm.s32 $0x1  }
0x2: {  	[smem:$0x3F91] =	sst lr;
	_ =	strace $0xD0000000  }
0x3: {  	_ = 	snop  }
0x4: {  	_ = 	snop  }
0x5: {  	_ = 	snop  }
0x6: {  	_ = 	snop  }
0x7: {  	_ = 	snop  }
__scs_overlays_trampoline_lowered:
0x8: {  	[smem:$0x3FA0] =	sst s0  }
0x9: {  	[smem:$0x3FA1] =	sst s1  }
0xa: {  	[smem:$0x3FA2] =	sst s2  }
0xb: {  	[smem:$0x3FA3] =	sst s3  }
0xc: {  	[smem:$0x3FA4] =	sst s4  }
0xd: {  	[smem:$0x3FA5] =	sst s5  }
0xe: {  	[smem:$0x3FA6] =	sst s6  }
0xf: {  	[smem:$0x3FA7] =	sst s7  }
0x10: {  	[smem:$0x3FA8] =	sst s8  }
0x11: {  	[smem:$0x3FA9] =	sst s9;
	s0 =	simm.s32 @!p0 $0x0  }
0x12: {  	s1 =	sld [smem:$0x3F8F];
	s0 =	simm.s32 @p0 $0x1  }
0x13: {  	[smem:$0x3FAA] =	sst s0;
	s0 =	simm.s32 @!p1 $0x0  }
0x14: {  	s2 =	sld [smem:$0x3F8E];
	s0 =	simm.s32 @p1 $0x1  }
0x15: {  	[smem:$0x3FAB] =	sst s0;
	s0 =	simm.s32 @!p2 $0x0  }
0x16: {  	s3 =	sld [smem:$0x3FDB];
	s0 =	simm.s32 @p2 $0x1  }
0x17: {  	s4 =	simm.s32 $0x1BF5;
	[smem:$0x3FAD] =	sst s0  }
0x18: {  	s0 =	sld [smem:$0x3F90];
	_ =	swait.ge [sflag:s4], $0x0  }
0x19: {  	s7 =	sld [smem:$0x3F91]  }
0x1a: {  	s8 =	sadd.s32 $0xFFFFE003, lr  }
0x1b: {  	s9 =	sadd.s32 $0xFFFFFEF7, lr;
	s5 =	simm.s32 $0xFFFFFFFF;
	p2 =	slt.u32 s8, $0xFFFFF086  }
0x1c: {  	p1 =	slt.u32 s9, $0xF7A;
	s5 =	simm.s32 @!p2 $0x0  }
0x1d: {  	s5 =	simm.s32 @p1 $0x1;
	p0 =	seq.s32 s7, s2  }
0x1e: {  	s7 =	smul.u32 @!p0 $0xF7A, s2;
	p2 =	seq.s32 @!p0 s5, $0x0  }
0x1f: {  	s9 =	smul.u32 $0xF7A, s1;
	s8 =	simm.s32 @!p0 $0x1BF5;
	p2 =	por !p2, p0  }
0x20: {  	[sflag:s8] =	ssyncset.s32 @!p0 $0xFFFFF086;
	s6 =	sadd.s32 @!p0 s3, s7;
	s7 =	simm.s32 @!p0 $0x108  }
0x21: {  	s3 =	sadd.s32 s3, s9;
	s6 =	sadd.s32 @!p0 $0x88, s6;
	s7 =	simm.s32 @p2 $0x1082  }
0x22: {  	[simem:s7], [sflag:s8] =	dma.local @!p0 [hbm:s6], $0xF7A  }
0x23: {  	s9 =	sor.u32 $0xD0000000, s2;
	s6 =	simm.s32 $0x108;
	_ =	swait.ge @!p0 [sflag:s8], $0x0  }
0x24: {  	s3 =	sadd.s32 $0x88, s3;
	s6 =	simm.s32 @!p1 $0x1082;
	[sflag:s4] =	ssyncset.s32 $0xFFFFF086  }
0x25: {  	[simem:s6], [sflag:s4] =	dma.local [hbm:s3], $0xF7A  }
0x26: {  	[smem:$0x3F91] =	sst s1;
	(tag) =	ssettag s2;
	_ =	strace s9  }
0x27: {  	s1 =	sld [smem:$0x3FA1]  }
0x28: {  	s2 =	sld [smem:$0x3FA2]  }
0x29: {  	s4 =	sld [smem:$0x3FA4]  }
0x2a: {  	p0 =	seq.s32 s5, $0x0;
	s5 =	sld [smem:$0x3FA5]  }
0x2b: {  	s6 =	sld [smem:$0x3FA6]  }
0x2c: {  	s7 =	sld [smem:$0x3FA7]  }
0x2d: {  	s3 =	simm.s32 $0x108;
	s8 =	sld [smem:$0x3FA8]  }
0x2e: {  	s3 =	simm.s32 @!p0 $0x1082;
	s9 =	sld [smem:$0x3FA9]  }
0x2f: {  	lr =	sadd.s32 s0, s3;
	s0 =	sld [smem:$0x3FA0]  }
0x30: {  	s3 =	sld [smem:$0x3FA3]  }
0x31: {  	[smem:$0x3FAC] =	sst s10  }
0x32: {  	s10 =	sld [smem:$0x3FAA];
	_ =	sdelay $0x3  }
0x33: {  	p0 =	seq.s32 s10, $0x1;
	s10 =	sld [smem:$0x3FAC];
	_ =	sdelay $0x3  }
0x34: {  	[smem:$0x3FAC] =	sst s10  }
0x35: {  	s10 =	sld [smem:$0x3FAB];
	_ =	sdelay $0x3  }
0x36: {  	p1 =	seq.s32 s10, $0x1;
	s10 =	sld [smem:$0x3FAC];
	_ =	sdelay $0x3  }
0x37: {  	[smem:$0x3FAC] =	sst s10  }
0x38: {  	s10 =	sld [smem:$0x3FAD]  }
0x39: {  	_ = 	snop;
	(pc) =	sbr.ind lr, $3  }
0x3a: {  	_ = 	snop  }
0x3b: {  	_ = 	snop  }
0x3c: {  	p2 =	seq.s32 s10, $0x1;
	s10 =	sld [smem:$0x3FAC]  }
0x3d: {  	_ =	shalt  }
0x3e: {  	_ =	shalt  }
0x3f: {  	_ =	shalt  }
0x40: {  	_ =	shalt  }
0x41: {  	_ =	shalt  }
0x42: {  	_ =	shalt  }
0x43: {  	_ =	shalt  }
0x44: {  	_ =	shalt  }
0x45: {  	_ =	shalt  }
0x46: {  	_ =	shalt  }
0x47: {  	_ =	shalt  }
0x48: {  	_ =	shalt  }
0x49: {  	_ =	shalt  }
0x4a: {  	_ =	shalt  }
0x4b: {  	_ =	shalt  }
0x4c: {  	_ =	shalt  }
0x4d: {  	_ =	shalt  }
0x4e: {  	_ =	shalt  }
0x4f: {  	_ =	shalt  }
0x50: {  	_ =	shalt  }
0x51: {  	_ =	shalt  }
0x52: {  	_ =	shalt  }
0x53: {  	_ =	shalt  }
0x54: {  	_ =	shalt  }
0x55: {  	_ =	shalt  }
0x56: {  	_ =	shalt  }
0x57: {  	_ =	shalt  }
0x58: {  	_ =	shalt  }
0x59: {  	_ =	shalt  }
0x5a: {  	_ =	shalt  }
0x5b: {  	_ =	shalt  }
0x5c: {  	_ =	shalt  }
0x5d: {  	_ =	shalt  }
0x5e: {  	_ =	shalt  }
0x5f: {  	_ =	shalt  }
0x60: {  	_ =	shalt  }
0x61: {  	_ =	shalt  }
0x62: {  	_ =	shalt  }
0x63: {  	_ =	shalt  }
0x64: {  	_ =	shalt  }
0x65: {  	_ =	shalt  }
0x66: {  	_ =	shalt  }
0x67: {  	_ =	shalt  }
0x68: {  	_ =	shalt  }
0x69: {  	_ =	shalt  }
0x6a: {  	_ =	shalt  }
0x6b: {  	_ =	shalt  }
0x6c: {  	_ =	shalt  }
0x6d: {  	_ =	shalt  }
0x6e: {  	_ =	shalt  }
0x6f: {  	_ =	shalt  }
0x70: {  	_ =	shalt  }
0x71: {  	_ =	shalt  }
0x72: {  	_ =	shalt  }
0x73: {  	_ =	shalt  }
0x74: {  	_ =	shalt  }
0x75: {  	_ =	shalt  }
0x76: {  	_ =	shalt  }
0x77: {  	_ =	shalt  }
0x78: {  	_ =	shalt  }
0x79: {  	_ =	shalt  }
0x7a: {  	_ =	shalt  }
0x7b: {  	_ =	shalt  }
0x7c: {  	_ =	shalt  }
0x7d: {  	_ =	shalt  }
0x7e: {  	_ =	shalt  }
0x7f: {  	_ =	shalt  }
0x80: {  	_ =	shalt  }
0x81: {  	_ =	shalt  }
0x82: {  	_ =	shalt  }
0x83: {  	_ =	shalt  }
0x84: {  	_ =	shalt  }
0x85: {  	_ =	shalt  }
0x86: {  	_ =	shalt  }
0x87: {  	_ =	shalt  }
.Lfunc_end0:
.L_simem_size_0:
called_computation.2_lowered:
.L_overlay_start_0:
0x88: {  	s2 =	sld [smem:$0x3FD9]  }
0x89: {  	s3 =	sld [smem:$0x3FFE];
	_ =	sdelay $0x1  }
0x8a: {  	s1 =	srdreg.scid  }
0x8b: {  	s0 =	sand.u32 $0x1, s1  }
0x8c: {  	s16 =	sshll.u32 s0, $0xA;
	s2 =	sadd.s32 s3, s2  }
0x8d: {  	s2 =	sadd.s32 s2, s16  }
0x8e: {  	[smem:$0x3FB8] =	sst s2  }
0x8f: {  	_ = 	snop  }
0x90: {  	(tm) =	ssettm $0x1  }
0x91: {  	s17 =	sld [smem:$0x3FFB];
	_ =	sdelay $0x3  }
0x92: {  	_ =	strace s17  }
0x93: {  	s2 =	sld [smem:$0x3FFC];
	_ =	sdelay $0x3  }
0x94: {  	_ =	strace s2  }
0x95: {  	s2 =	sld [smem:$0x3FFD];
	_ =	sdelay $0x3  }
0x96: {  	_ =	strace s2  }
0x97: {  	_ =	strace $0x8FFFFFFF  }
0x98: {  	s18 =	sld [smem:$0x3FDB];
	_ =	sdelay $0x1  }
0x99: {  	s19 =	simm.s32 $_scs_section_size  }
0x9a: {  	s4 =	simm.s32 $_size__tile_overlayer_lowered;
	s5 =	simm.s32 $_tile_overlayer_lowered  }
0x9b: {  	s22 =	simm.s32 $0x1BFF;
	s21 =	sshll.u32 s5, $0x1;
	s2 =	sadd.s32 s19, s18  }
0x9c: {  	s6 =	simm.s32 $0x0;
	s20 =	sshll.u32 s4, $0x1;
	s4 =	sadd.s32 s21, s2  }
0x9d: {  	[timem:s6], [sflag:s22] =	dma.local [hbm:s4], s20  }
0x9e: {  	_ =	swait.ge [sflag:s22], s20  }
0x9f: {  	s3 =	ssub.s32 $0x0, s20;
	[sflag:s22] =	ssyncset.done $0x0  }
0xa0: {  	[sflag:s22] =	ssyncadd.s32 s3;
	_ =	sdelay $0x1  }
0xa1: {  	s23 =	simm.s32 $0x1B8B  }
0xa2: {  	_ =	swait.ge [sflag:s23], $0x1  }
0xa3: {  	[sflag:s23] =	ssyncset.done $0x0  }
0xa4: {  	s25 =	simm.s32 $0x1B8E;
	s24 =	sld [smem:$0x3FFE];
	[sflag:s23] =	ssyncadd.s32 $0xFFFFFFFF  }
0xa5: {  	s26 =	simm.s32 $execute0_lowered;
	[smem:$0x3FD2] =	sst s25  }
0xa6: {  	s4 =	sshll.u32 s26, $0x1;
	_ =	strace $0x8000004C;
	[dreg:$0x1] =	wrdreg $0xFFFFFFFF  }
0xa7: {  	s28 =	simm.s32 $_size_execute0_lowered;
	s2 =	sadd.s32 s2, s4;
	[dreg:$0x0] =	wrdreg $0x0  }
0xa8: {  	s4 =	sshll.u32 s28, $0x1;
	[dreg:$0x2] =	wrdreg s2  }
0xa9: {  	[dreg:$0x3] =	wrdreg s4  }
0xaa: {  	[dreg:$0x4] =	wrdreg $0xC0  }
0xab: {  	_ =	task [dreg:s6], $0x5FFFF  }
0xac: {  	[dreg:$0x1] =	wrdreg $0xFFFFFFFF  }
0xad: {  	[dreg:$0x0] =	wrdreg $0x60  }
0xae: {  	[dreg:$0x2] =	wrdreg s24  }
0xaf: {  	[dreg:$0x3] =	wrdreg $0xA8000  }
0xb0: {  	[dreg:$0x4] =	wrdreg $0x148000  }
0xb1: {  	[dreg:$0x5] =	wrdreg $0x9  }
0xb2: {  	_ =	task.clear_ibuf [dreg:s6], $0x6FFFF;
	_ =	strace $0x9000004C  }
0xb3: {  	s29 =	simm.s32 $0x9;
	_ =	strace $0x8000004E  }
0xb4: {  	_ =	swait.ge [sflag:s29], $0x1  }
0xb5: {  	[sflag:s29] =	ssyncadd.s32 $0xFFFFFFFF  }
0xb6: {  	_ =	strace $0x9000004E  }
0xb7: {  	_ =	sfence  }
0xb8: {  	s30 =	sld [smem:$0x0];
	_ =	sdelay $0x2  }
0xb9: {  	s31 =	sshll.u32 s1, $0xD;
	s1 =	sshrl.u32 s1, $0x2  }
0xba: {  	s3 =	sand.u32 $0x4000, s31;
	s1 =	sadd.s32 s1, s30  }
0xbb: {  	s0 =	sor.u32 s3, s0;
	s1 =	sshll.u32 s1, $0x11  }
0xbc: {  	s0 =	sor.u32 s1, s0  }
0xbd: {  	s0 =	sadd.s32 $0x8F2B, s0  }
0xbe: {  	[sflag:s0] =	ssyncadd.remote.s32 $0x1  }
0xbf: {  	_ =	sfence.sel $0xFFFF  }
0xc0: {  	[dreg:$0x0] =	wrdreg $0xFFFFFFFF;
	(pc) =	sbr.abs _section_cstart, $3  }
0xc1: {  	[dreg:$0x1] =	wrdreg $0xFFFFFFFF  }
0xc2: {  	_ =	task.clear_ibuf [dreg:s6], $0x2FFFF;
	_ =	strace $0x9FFFFFFF  }
0xc3: {  	(tm) =	ssettm $0x7FFFFFFF  }
tec
execute0_lowered:
.L_overlay_start_1:
0x0: {  	(tag) =	ssettag $0x1  }
0x1: {  	s0 =	rddreg [dreg:$0x0];
	s1 =	srdreg.scid  }
0x2: {  	s12 =	stileid.u32;
	s2 =	rddreg [dreg:$0x1]  }
0x3: {  	s3 =	rddreg [dreg:$0x2];
	s4 =	simm.s32 $0x0;
	s5 =	smul.u32 $0x14000, s12  }
0x4: {  	s31 =	simm.s32 $0x80;
	s28 =	simm.s32 $0x5;
	s7 =	smul.u32 $0x1400, s12  }
0x5: {  	s29 =	simm.s32 $0xF;
	s1 =	sand.u32 $0x1, s1;
	s9 =	smul.u32 $0xA000, s12  }
0x6: {  	[smem:$0x7FF] =	sst s4;
	s11 =	smul.u32 $0x280, s12;
	s13 =	sshll.u32 s12, $0x6  }
0x7: {  	s6 =	sshll.u32 s1, $0x6;
	_ =	strace $0x8000004D;
	s1 =	ssub.s32 $0x2, s1  }
0x8: {  	[dreg:$0x5] =	wrdreg s13;
	s13 =	sor.u32 $0x1C11, s13;
	s5 =	sor.u32 s6, s5  }
0x9: {  	s7 =	sadd.s32 s7, s0;
	s10 =	sshrl.u32 s1, $0x1;
	s25 =	sadd.s32 $0x80, s11  }
0xa: {  	s26 =	sadd.s32 $0x100, s11;
	[dreg:$0x6] =	wrdreg s13;
	s16 =	sadd.s32 s9, s3  }
0xb: {  	s15 =	sadd.s32 $0x180, s11;
	s11 =	sadd.s32 $0x200, s11;
	s5 =	sshrl.u32 s5, $0x3  }
0xc: {  	s1 =	ssub.s32 s1, s10;
	s10 =	sadd.s32 s9, s2;
	s30 =	sshll.u32 s25, $0x6  }
0xd: {  	s14 =	sshll.u32 s26, $0x6;
	s17 =	sshll.u32 s15, $0x6;
	s19 =	sshll.u32 s11, $0x6  }
0xe: {  	s22 =	sshll.u32 s26, $0x7;
	s23 =	sshll.u32 s15, $0x7;
	s24 =	sshll.u32 s11, $0x7  }
0xf: {  	s9 =	simm.s32 $0x4;
	s11 =	simm.s32 $0xC;
	[dreg:$0x7] =	wrdreg s16  }
0x10: {  	s8 =	sadd.s32 s5, s0;
	s0 =	sadd.s32 $0x4B200, s0;
	s18 =	sadd.s32 s30, s3  }
0x11: {  	s14 =	sadd.s32 s14, s3;
	s13 =	sadd.s32 s17, s3;
	s20 =	sadd.s32 s19, s3  }
0x12: {  	s26 =	smax.u32 s1, $0x1;
	s30 =	sshrl.u32 s10, $0x3;
	[dreg:$0x9] =	wrdreg s14  }
0x13: {  	s1 =	simm.s32 $0x800;
	s17 =	simm.s32 $0x3;
	[dreg:$0xa] =	wrdreg s13  }
0x14: {  	s19 =	simm.s32 $0xB;
	s10 =	simm.s32 $0x6800;
	[dreg:$0xb] =	wrdreg s20  }
0x15: {  	s8 =	sadd.s32 $0x23200, s8;
	s13 =	sadd.s32 $0xF200, s7;
	[dreg:$0x11] =	wrdreg s26  }
0x16: {  	s5 =	sadd.s32 s0, s5;
	s7 =	sor.u32 s6, s23;
	[dreg:$0x12] =	wrdreg s30  }
0x17: {  	s23 =	simm.s32 $0x10;
	s14 =	simm.s32 $0xA;
	[dreg:$0x8] =	wrdreg s18  }
0x18: {  	s26 =	simm.s32 $0xD;
	s20 =	simm.s32 $0x6;
	[dreg:$0x4] =	wrdreg s8  }
0x19: {  	s8 =	sshll.u32 s25, $0x7;
	[dreg:$0xc] =	wrdreg s5;
	s5 =	sor.u32 s6, s22  }
0x1a: {  	s7 =	sshrl.u32 s7, $0x3;
	s22 =	simm.s32 $0x8;
	s8 =	sor.u32 s6, s8  }
0x1b: {  	s6 =	sor.u32 s6, s24;
	s5 =	sshrl.u32 s5, $0x3;
	s25 =	sadd.s32 s0, s7  }
.Ltmp0:
0x1c: {  	s24 =	simm.s32 $0xE;
	s7 =	simm.s32 $0x0;
	(pc) =	sbr.rel .LBB2_1-.Ltmp0, $4  }
0x1d: {  	s8 =	sshrl.u32 s8, $0x3;
	s5 =	sadd.s32 s0, s5;
	[dreg:$0xf] =	wrdreg s25  }
0x1e: {  	s6 =	sshrl.u32 s6, $0x3;
	s21 =	sadd.s32 s0, s8;
	[dreg:$0xe] =	wrdreg s5  }
0x1f: {  	s0 =	sadd.s32 s0, s6;
	s6 =	simm.s32 $0x2800;
	[dreg:$0xd] =	wrdreg s21  }
0x20: {  	v0 =	vimm.f32 $0.0e+00;
	[dreg:$0x10] =	wrdreg s0;
	s21 =	simm.s32 $0x1;
	s0 =	simm.s32 $0x9  }
.LBB2_6:
0x21: {  	_ =	swait.ge [sflag:s26], $0x2000  }
0x22: {  	[sflag:s26] =	ssyncset.done $0x0  }
0x23: {  	[sflag:s26] =	ssyncadd.s32 $0xFFFFE000  }
0x24: {  	_ =	swait.ge [sflag:s24], $0x2000  }
0x25: {  	[sflag:s24] =	ssyncset.done $0x0  }
0x26: {  	[sflag:s24] =	ssyncadd.s32 $0xFFFFE000  }
0x27: {  	_ =	swait.ge [sflag:s29], $0x2000  }
0x28: {  	[sflag:s29] =	ssyncset.done $0x0  }
0x29: {  	[sflag:s29] =	ssyncadd.s32 $0xFFFFE000  }
0x2a: {  	_ =	swait.ge [sflag:s23], $0x2000  }
0x2b: {  	[sflag:s23] =	ssyncset.done $0x0  }
0x2c: {  	[sflag:s23] =	ssyncadd.s32 $0xFFFFE000  }
0x2d: {  	[bflag:$0x0] =	sbarrier.arrive $0xFFFF  }
0x2e: {  	s5 =	rddreg [dreg:$0x5]  }
0x2f: {  	s15 =	simm.s32 $0x12;
	s16 =	rddreg [dreg:$0x7]  }
0x30: {  	s12 =	rddreg [dreg:$0xc];
	s5 =	sor.u32 $0x1C12, s5;
	s8 =	sshrl.u32 s16, $0x3  }
0x31: {  	[hbm:s12@s23], [sflag:s5] =	dma.strided [spmem:s8@s22], $0x400, s21, $0x8   }
0x32: {  	_ =	swait.ge [sflag:s15], $0x400  }
0x33: {  	[sflag:s15] =	ssyncset.done $0x0;
	s18 =	rddreg [dreg:$0x8]  }
0x34: {  	s7 =	rddreg [dreg:$0xd];
	[sflag:s15] =	ssyncadd.s32 $0xFFFFFC00;
	s30 =	sshrl.u32 s18, $0x3  }
0x35: {  	[hbm:s7@s23], [sflag:s5] =	dma.strided [spmem:s30@s22], $0x400, s21, $0x8   }
0x36: {  	_ =	swait.ge [sflag:s15], $0x400  }
0x37: {  	[sflag:s15] =	ssyncset.done $0x0;
	s12 =	rddreg [dreg:$0x9]  }
0x38: {  	s25 =	rddreg [dreg:$0xe];
	[sflag:s15] =	ssyncadd.s32 $0xFFFFFC00;
	s8 =	sshrl.u32 s12, $0x3  }
0x39: {  	[hbm:s25@s23], [sflag:s5] =	dma.strided [spmem:s8@s22], $0x400, s21, $0x8   }
0x3a: {  	_ =	swait.ge [sflag:s15], $0x400  }
0x3b: {  	[sflag:s15] =	ssyncset.done $0x0;
	s30 =	rddreg [dreg:$0xa]  }
0x3c: {  	s7 =	rddreg [dreg:$0xf];
	[sflag:s15] =	ssyncadd.s32 $0xFFFFFC00;
	s8 =	sshrl.u32 s30, $0x3  }
0x3d: {  	[hbm:s7@s23], [sflag:s5] =	dma.strided [spmem:s8@s22], $0x400, s21, $0x8   }
0x3e: {  	_ =	swait.ge [sflag:s15], $0x400  }
0x3f: {  	[sflag:s15] =	ssyncset.done $0x0;
	s12 =	rddreg [dreg:$0xb]  }
0x40: {  	s25 =	rddreg [dreg:$0x10];
	[sflag:s15] =	ssyncadd.s32 $0xFFFFFC00;
	s8 =	sshrl.u32 s12, $0x3  }
0x41: {  	[hbm:s25@s23], [sflag:s5] =	dma.strided [spmem:s8@s22], $0x400, s21, $0x8   }
0x42: {  	_ =	swait.ge [sflag:s15], $0x400  }
0x43: {  	s7 =	rddreg [dreg:$0x13]  }
0x44: {  	s30 =	rddreg [dreg:$0x11];
	s7 =	sadd.s32 $0x1, s7  }
0x45: {  	p0 =	sne.s32 s7, s30  }
.Ltmp1:
0x46: {  	_ = 	snop;
	(pc) =	sbr.rel @!p0 .LBB2_7-.Ltmp1, $3  }
0x47: {  	_ =	sdelay $0x1  }
0x48: {  	[sflag:s15] =	ssyncset.done $0x0  }
0x49: {  	[sflag:s15] =	ssyncadd.s32 $0xFFFFFC00  }
.LBB2_1:
0x4a: {  	[dreg:$0x13] =	wrdreg s7  }
0x4b: {  	s5 =	rddreg [dreg:$0x4]  }
0x4c: {  	s8 =	rddreg [dreg:$0x6]  }
0x4d: {  	s12 =	rddreg [dreg:$0x12];
	s25 =	sand.u32 $0x7F00, s4  }
0x4e: {  	[spmem:s12@s22], [sflag:s8] =	dma.strided [hbm:s5@s23], $0x1400, s21, $0x8   }
0x4f: {  	s30 =	sand.u32 $0x30, s4;
	s15 =	sshrl.u32 s25, $0x2  }
0x50: {  	s8 =	simm.s32 $0x40;
	s12 =	sor.u32 s30, s15;
	s15 =	simm.s32 $0x0  }
.LBB2_2:
0x51: {  	p0 =	sne.s32 s8, $0x7FC0  }
0x52: {  	[tilespmem:s12+$0x8800] =	vst v0;
	s15 =	sadd.s32 $0x10, s15;
	s12 =	smov.u32 s8;
	s8 =	sadd.s32 $0x40, s8  }
.Ltmp2:
0x53: {  	(pc) =	sbr.rel @p0 .LBB2_2-.Ltmp2, $4  }
0x54: {  	_ = 	snop  }
0x55: {  	s12 =	sand.u32 $0x7F00, s12  }
0x56: {  	s30 =	sand.u32 $0x30, s15;
	s12 =	sshrl.u32 s12, $0x2  }
0x57: {  	s12 =	sor.u32 s30, s12  }
0x58: {  	[tilespmem:s12+$0x8800] =	vst v0;
	s8 =	simm.s32 $0x8800;
	s25 =	simm.s32 $0x12  }
0x59: {  	[spmem:s16] =	stream.linear.scatter [tilespmem:s8], [sflag:$0x12], $0x2000, $0x38;
	[tilespmem:$0x1E800] =	vst v63  }
0x5a: {  	_ =	swait.ge [sflag:s25], $0x2000  }
0x5b: {  	[sflag:s25] =	ssyncset.done $0x0  }
0x5c: {  	[sflag:s25] =	ssyncadd.s32 $0xFFFFE000  }
0x5d: {  	[spmem:s18] =	stream.linear.scatter [tilespmem:s8], [sflag:$0x12], $0x2000, $0x38;
	[tilespmem:$0x1E800] =	vst v63  }
0x5e: {  	_ =	swait.ge [sflag:s25], $0x2000  }
0x5f: {  	[sflag:s25] =	ssyncset.done $0x0  }
0x60: {  	s5 =	rddreg [dreg:$0x9];
	[sflag:s25] =	ssyncadd.s32 $0xFFFFE000  }
0x61: {  	[spmem:s5] =	stream.linear.scatter [tilespmem:s8], [sflag:$0x12], $0x2000, $0x38;
	[tilespmem:$0x1E800] =	vst v63  }
0x62: {  	_ =	swait.ge [sflag:s25], $0x2000  }
0x63: {  	[sflag:s25] =	ssyncset.done $0x0  }
0x64: {  	s30 =	rddreg [dreg:$0xa];
	[sflag:s25] =	ssyncadd.s32 $0xFFFFE000  }
0x65: {  	[spmem:s30] =	stream.linear.scatter [tilespmem:s8], [sflag:$0x12], $0x2000, $0x38;
	[tilespmem:$0x1E800] =	vst v63  }
0x66: {  	_ =	swait.ge [sflag:s25], $0x2000  }
0x67: {  	[sflag:s25] =	ssyncset.done $0x0  }
0x68: {  	s7 =	rddreg [dreg:$0xb];
	[sflag:s25] =	ssyncadd.s32 $0xFFFFE000  }
0x69: {  	[spmem:s7] =	stream.linear.scatter [tilespmem:s8], [sflag:$0x12], $0x2000, $0x38;
	[tilespmem:$0x1E800] =	vst v63  }
0x6a: {  	_ =	swait.ge [sflag:s25], $0x2000  }
0x6b: {  	[sflag:s25] =	ssyncset.done $0x0  }
0x6c: {  	s8 =	simm.s32 $0x11;
	[sflag:s25] =	ssyncadd.s32 $0xFFFFE000  }
0x6d: {  	_ =	swait.ge [sflag:s8], $0x1400  }
0x6e: {  	[sflag:s8] =	ssyncset.done $0x0  }
0x6f: {  	[sflag:s8] =	ssyncadd.s32 $0xFFFFEC00  }
0x70: {  	s15 =	simm.s32 $0x0;
	[bflag:$0x0] =	sbarrier.arrive $0xFFFF  }
0x71: {  	[tilespmem:s15], [sflag:$0x1] =	stream.linear.gather [hbm4b:s13+s15], $0x100, $0x38;
	[tilespmem:$0x1E800] =	vst v63  }
0x72: {  	s12 =	sadd.s32 $0x20, s13;
	s16 =	simm.s32 $0x100  }
0x73: {  	[tilespmem:s16], [sflag:$0x2] =	stream.linear.gather [hbm4b:s12+s15], $0x100, $0x38;
	[tilespmem:$0x1E800] =	vst v63  }
0x74: {  	s18 =	sadd.s32 $0x40, s13;
	s25 =	simm.s32 $0x200  }
0x75: {  	[tilespmem:s25], [sflag:$0x3] =	stream.linear.gather [hbm4b:s18+s15], $0x100, $0x38;
	[tilespmem:$0x1E800] =	vst v63  }
0x76: {  	s30 =	sadd.s32 $0x60, s13;
	s16 =	simm.s32 $0x300  }
0x77: {  	[tilespmem:s16], [sflag:$0x4] =	stream.linear.gather [hbm4b:s30+s15], $0x100, $0x38;
	[tilespmem:$0x1E800] =	vst v63  }
0x78: {  	_ =	swait.ge [sflag:s21], $0x100  }
0x79: {  	[sflag:s21] =	ssyncset.done $0x0  }
0x7a: {  	[sflag:s21] =	ssyncadd.s32 $0xFFFFFF00  }
0x7b: {  	[tilespmem:s1], [sflag:$0x9] =	stream.indirect.gather [spmem:s2], $0x40, s15, s31, $0xb8;
	[tilespmem:$0x1E800] =	vst v63  }
.LBB2_4:
0x7c: {  	_ =	swait.ge [sflag:s0], $0x2000  }
0x7d: {  	p0 =	seq.s32 s15, $0x0;
	[sflag:s0] =	ssyncset.done $0x0  }
0x7e: {  	s12 =	simm.s32 @!p0 $0xF;
	[sflag:s0] =	ssyncadd.s32 $0xFFFFE000  }
0x7f: {  	[spmem:s3] =	stream.indirect.scatter.add.f32 [tilespmem:s1], [sflag:$0xD], $0x40, s31, s31, $0xb8;
	[tilespmem:$0x1E800] =	vst v63  }
0x80: {  	_ =	swait.ge @!p0 [sflag:s12], $0x2000  }
0x81: {  	s8 =	sadd.s32 s15, s13;
	s18 =	simm.s32 $0x400;
	[sflag:s12] =	ssyncset.done @!p0 $0x0  }
0x82: {  	s5 =	simm.s32 $0x2;
	s7 =	sadd.s32 $0x80, s8;
	[sflag:s12] =	ssyncadd.s32 @!p0 $0xFFFFE000  }
0x83: {  	[tilespmem:s18], [sflag:$0x5] =	stream.linear.gather [hbm4b:s7+s4], $0x100, $0x38;
	[tilespmem:$0x1E800] =	vst v63  }
0x84: {  	_ =	swait.ge [sflag:s5], $0x100  }
0x85: {  	[sflag:s5] =	ssyncset.done $0x0  }
0x86: {  	s25 =	simm.s32 $0x100;
	[sflag:s5] =	ssyncadd.s32 $0xFFFFFF00  }
0x87: {  	[tilespmem:s6], [sflag:$0xA] =	stream.indirect.gather [spmem:s2], $0x40, s25, s31, $0xb8;
	[tilespmem:$0x1E800] =	vst v63  }
0x88: {  	_ =	swait.ge [sflag:s14], $0x2000  }
0x89: {  	[sflag:s14] =	ssyncset.done $0x0  }
0x8a: {  	s30 =	simm.s32 $0x180;
	s12 =	simm.s32 @!p0 $0x10;
	[sflag:s14] =	ssyncadd.s32 $0xFFFFE000  }
0x8b: {  	[spmem:s3] =	stream.indirect.scatter.add.f32 [tilespmem:s6], [sflag:$0xE], $0x40, s30, s31, $0xb8;
	[tilespmem:$0x1E800] =	vst v63  }
0x8c: {  	_ =	swait.ge @!p0 [sflag:s12], $0x2000  }
0x8d: {  	[sflag:s12] =	ssyncset.done @!p0 $0x0  }
0x8e: {  	s7 =	sadd.s32 $0xA0, s8;
	s25 =	simm.s32 $0x500;
	[sflag:s12] =	ssyncadd.s32 @!p0 $0xFFFFE000  }
0x8f: {  	[tilespmem:s25], [sflag:$0x6] =	stream.linear.gather [hbm4b:s7+s4], $0x100, $0x38;
	[tilespmem:$0x1E800] =	vst v63  }
0x90: {  	_ =	swait.ge [sflag:s17], $0x100  }
0x91: {  	[sflag:s17] =	ssyncset.done $0x0  }
0x92: {  	s30 =	simm.s32 $0x200;
	s7 =	simm.s32 $0x4800;
	[sflag:s17] =	ssyncadd.s32 $0xFFFFFF00  }
0x93: {  	[tilespmem:s7], [sflag:$0xB] =	stream.indirect.gather [spmem:s2], $0x40, s30, s31, $0xb8;
	[tilespmem:$0x1E800] =	vst v63  }
0x94: {  	_ =	swait.ge [sflag:s19], $0x2000  }
0x95: {  	[sflag:s19] =	ssyncset.done $0x0  }
0x96: {  	s30 =	simm.s32 $0x280;
	[sflag:s19] =	ssyncadd.s32 $0xFFFFE000  }
0x97: {  	[spmem:s3] =	stream.indirect.scatter.add.f32 [tilespmem:s7], [sflag:$0xF], $0x40, s30, s31, $0xb8;
	[tilespmem:$0x1E800] =	vst v63  }
0x98: {  	_ =	swait.ge [sflag:s26], $0x2000  }
0x99: {  	[sflag:s26] =	ssyncset.done $0x0  }
0x9a: {  	s5 =	sadd.s32 $0xC0, s8;
	s7 =	simm.s32 $0x600;
	[sflag:s26] =	ssyncadd.s32 $0xFFFFE000  }
0x9b: {  	[tilespmem:s7], [sflag:$0x7] =	stream.linear.gather [hbm4b:s5+s4], $0x100, $0x38;
	[tilespmem:$0x1E800] =	vst v63  }
0x9c: {  	_ =	swait.ge [sflag:s9], $0x100  }
0x9d: {  	[sflag:s9] =	ssyncset.done $0x0  }
0x9e: {  	[sflag:s9] =	ssyncadd.s32 $0xFFFFFF00  }
0x9f: {  	[tilespmem:s10], [sflag:$0xC] =	stream.indirect.gather [spmem:s2], $0x40, s16, s31, $0xb8;
	[tilespmem:$0x1E800] =	vst v63  }
0xa0: {  	_ =	swait.ge [sflag:s11], $0x2000  }
0xa1: {  	[sflag:s11] =	ssyncset.done $0x0  }
0xa2: {  	s12 =	simm.s32 $0x380;
	[sflag:s11] =	ssyncadd.s32 $0xFFFFE000  }
0xa3: {  	[spmem:s3] =	stream.indirect.scatter.add.f32 [tilespmem:s10], [sflag:$0x10], $0x40, s12, s31, $0xb8;
	[tilespmem:$0x1E800] =	vst v63  }
0xa4: {  	_ =	swait.ge [sflag:s24], $0x2000  }
0xa5: {  	[sflag:s24] =	ssyncset.done $0x0  }
0xa6: {  	s7 =	simm.s32 $0x700;
	s16 =	sadd.s32 $0xE0, s8;
	[sflag:s24] =	ssyncadd.s32 $0xFFFFE000  }
0xa7: {  	[tilespmem:s7], [sflag:$0x8] =	stream.linear.gather [hbm4b:s16+s4], $0x100, $0x38;
	[tilespmem:$0x1E800] =	vst v63  }
0xa8: {  	_ =	swait.ge [sflag:s28], $0x100  }
0xa9: {  	[sflag:s28] =	ssyncset.done $0x0  }
0xaa: {  	[sflag:s28] =	ssyncadd.s32 $0xFFFFFF00  }
0xab: {  	[tilespmem:s1], [sflag:$0x9] =	stream.indirect.gather [spmem:s2], $0x40, s18, s31, $0xb8;
	[tilespmem:$0x1E800] =	vst v63  }
0xac: {  	_ =	swait.ge [sflag:s0], $0x2000  }
0xad: {  	[sflag:s0] =	ssyncset.done $0x0  }
0xae: {  	s18 =	simm.s32 $0x480;
	[sflag:s0] =	ssyncadd.s32 $0xFFFFE000  }
0xaf: {  	[spmem:s3] =	stream.indirect.scatter.add.f32 [tilespmem:s1], [sflag:$0xD], $0x40, s18, s31, $0xb8;
	[tilespmem:$0x1E800] =	vst v63  }
0xb0: {  	p0 =	seq.s32 s15, $0x1300;
	_ =	swait.ge [sflag:s29], $0x2000  }
0xb1: {  	s12 =	sadd.s32 @!p0 s15, s13;
	[sflag:s29] =	ssyncset.done $0x0  }
0xb2: {  	s5 =	simm.s32 @!p0 $0x0;
	s30 =	sadd.s32 @!p0 $0x100, s12;
	[sflag:s29] =	ssyncadd.s32 $0xFFFFE000  }
0xb3: {  	[tilespmem:s5], [sflag:$0x1] =	stream.linear.gather @!p0 [hbm4b:s30+s5], $0x100, $0x38;
	[tilespmem:$0x1E800] =	vst v63  }
0xb4: {  	_ =	swait.ge [sflag:s20], $0x100  }
0xb5: {  	[sflag:s20] =	ssyncset.done $0x0  }
0xb6: {  	[sflag:s20] =	ssyncadd.s32 $0xFFFFFF00  }
0xb7: {  	[tilespmem:s6], [sflag:$0xA] =	stream.indirect.gather [spmem:s2], $0x40, s25, s31, $0xb8;
	[tilespmem:$0x1E800] =	vst v63  }
0xb8: {  	_ =	swait.ge [sflag:s14], $0x2000  }
0xb9: {  	[sflag:s14] =	ssyncset.done $0x0  }
0xba: {  	s25 =	simm.s32 $0x580;
	[sflag:s14] =	ssyncadd.s32 $0xFFFFE000  }
0xbb: {  	[spmem:s3] =	stream.indirect.scatter.add.f32 [tilespmem:s6], [sflag:$0xE], $0x40, s25, s31, $0xb8;
	[tilespmem:$0x1E800] =	vst v63  }
0xbc: {  	_ =	swait.ge [sflag:s23], $0x2000  }
0xbd: {  	[sflag:s23] =	ssyncset.done $0x0  }
0xbe: {  	s30 =	simm.s32 @p0 $0x7;
	[sflag:s23] =	ssyncadd.s32 $0xFFFFE000  }
0xbf: {  	_ =	swait.ge @p0 [sflag:s30], $0x100  }
0xc0: {  	s16 =	simm.s32 @p0 $0x600;
	[sflag:s30] =	ssyncset.done @p0 $0x0  }
0xc1: {  	s18 =	simm.s32 @p0 $0x4800;
	[sflag:s30] =	ssyncadd.s32 @p0 $0xFFFFFF00;
	s30 =	simm.s32 @p0 $0x80  }
0xc2: {  	[tilespmem:s18], [sflag:$0xB] =	stream.indirect.gather @p0 [spmem:s2], $0x40, s16, s30, $0xb8;
	[tilespmem:$0x1E800] =	vst v63  }
0xc3: {  	s16 =	simm.s32 @p0 $0xB  }
0xc4: {  	_ =	swait.ge @p0 [sflag:s16], $0x2000  }
0xc5: {  	[sflag:s16] =	ssyncset.done @p0 $0x0  }
0xc6: {  	[sflag:s16] =	ssyncadd.s32 @p0 $0xFFFFE000;
	s16 =	simm.s32 @p0 $0x680  }
0xc7: {  	[spmem:s3] =	stream.indirect.scatter.add.f32 @p0 [tilespmem:s18], [sflag:$0xF], $0x40, s16, s30, $0xb8;
	[tilespmem:$0x1E800] =	vst v63  }
0xc8: {  	s16 =	sadd.s32 @!p0 $0x120, s12;
	s18 =	simm.s32 @!p0 $0x100  }
0xc9: {  	[tilespmem:s18], [sflag:$0x2] =	stream.linear.gather @!p0 [hbm4b:s16+s5], $0x100, $0x38;
	[tilespmem:$0x1E800] =	vst v63  }
0xca: {  	s16 =	simm.s32 @!p0 $0x7  }
0xcb: {  	_ =	swait.ge @!p0 [sflag:s16], $0x100  }
0xcc: {  	s30 =	simm.s32 @!p0 $0x4800;
	[sflag:s16] =	ssyncset.done @!p0 $0x0  }
0xcd: {  	s18 =	simm.s32 @!p0 $0x600;
	[sflag:s16] =	ssyncadd.s32 @!p0 $0xFFFFFF00;
	s16 =	simm.s32 @!p0 $0x80  }
0xce: {  	[tilespmem:s30], [sflag:$0xB] =	stream.indirect.gather @!p0 [spmem:s2], $0x40, s18, s16, $0xb8;
	[tilespmem:$0x1E800] =	vst v63  }
0xcf: {  	s18 =	simm.s32 @!p0 $0xB  }
0xd0: {  	_ =	swait.ge @!p0 [sflag:s18], $0x2000  }
0xd1: {  	[sflag:s18] =	ssyncset.done @!p0 $0x0  }
0xd2: {  	[sflag:s18] =	ssyncadd.s32 @!p0 $0xFFFFE000;
	s18 =	simm.s32 @!p0 $0x680  }
0xd3: {  	[spmem:s3] =	stream.indirect.scatter.add.f32 @!p0 [tilespmem:s30], [sflag:$0xF], $0x40, s18, s16, $0xb8;
	[tilespmem:$0x1E800] =	vst v63  }
0xd4: {  	s16 =	simm.s32 @!p0 $0xD  }
0xd5: {  	_ =	swait.ge @!p0 [sflag:s16], $0x2000  }
0xd6: {  	[sflag:s16] =	ssyncset.done @!p0 $0x0  }
0xd7: {  	s12 =	sadd.s32 @!p0 $0x140, s12;
	[sflag:s16] =	ssyncadd.s32 @!p0 $0xFFFFE000;
	s16 =	simm.s32 @!p0 $0x200  }
0xd8: {  	[tilespmem:s16], [sflag:$0x3] =	stream.linear.gather @!p0 [hbm4b:s12+s5], $0x100, $0x38;
	[tilespmem:$0x1E800] =	vst v63  }
0xd9: {  	_ =	swait.ge [sflag:s22], $0x100  }
0xda: {  	[sflag:s22] =	ssyncset.done $0x0  }
0xdb: {  	[sflag:s22] =	ssyncadd.s32 $0xFFFFFF00  }
0xdc: {  	[tilespmem:s10], [sflag:$0xC] =	stream.indirect.gather [spmem:s2], $0x40, s7, s31, $0xb8;
	[tilespmem:$0x1E800] =	vst v63  }
.Ltmp3:
0xdd: {  	_ = 	snop;
	(pc) =	sbr.rel @p0 .LBB2_6-.Ltmp3, $4  }
0xde: {  	_ =	swait.ge [sflag:s11], $0x2000  }
0xdf: {  	[sflag:s11] =	ssyncset.done $0x0  }
0xe0: {  	s25 =	simm.s32 $0x300;
	s30 =	simm.s32 $0x780;
	[sflag:s11] =	ssyncadd.s32 $0xFFFFE000  }
0xe1: {  	[spmem:s3] =	stream.indirect.scatter.add.f32 [tilespmem:s10], [sflag:$0x10], $0x40, s30, s31, $0xb8;
	[tilespmem:$0x1E800] =	vst v63  }
0xe2: {  	_ =	swait.ge [sflag:s24], $0x2000  }
0xe3: {  	[sflag:s24] =	ssyncset.done $0x0  }
0xe4: {  	s5 =	sadd.s32 $0x160, s8;
	[sflag:s24] =	ssyncadd.s32 $0xFFFFE000  }
0xe5: {  	[tilespmem:s25], [sflag:$0x4] =	stream.linear.gather [hbm4b:s5+s4], $0x100, $0x38;
	[tilespmem:$0x1E800] =	vst v63  }
.Ltmp4:
0xe6: {  	_ = 	snop;
	(pc) =	sbr.rel .LBB2_4-.Ltmp4, $4  }
0xe7: {  	_ =	swait.ge [sflag:s21], $0x100  }
0xe8: {  	[sflag:s21] =	ssyncset.done $0x0  }
0xe9: {  	s15 =	sadd.s32 $0x100, s15;
	s16 =	simm.s32 $0x300;
	[sflag:s21] =	ssyncadd.s32 $0xFFFFFF00  }
0xea: {  	[tilespmem:s1], [sflag:$0x9] =	stream.indirect.gather [spmem:s2], $0x40, s4, s31, $0xb8;
	[tilespmem:$0x1E800] =	vst v63  }
.LBB2_7:
0xeb: {  	_ =	sfence.sel $0x180000  }
0xec: {  	[bflag:$0x0] =	sbarrier.arrive $0xFFFF  }
0xed: {  	_ =	strace $0x9000004D  }
0xee: {  	s0 =	stileid.u32;
	[bflag:$0x2] =	sbarrier.arrive $0xFFFF  }
0xef: {  	p0 =	sne.s32 s0, $0x0;
	s0 =	rddreg [dreg:$0x3]  }
0xf0: {  	s0 =	sadd.s32 @!p0 $0x100000, s0  }
0xf1: {  	[sflag:s0] =	ssyncadd.tile.s32 @!p0 $0x1;
	_ =	shalt  }
.Lfunc_end2:
_tile_overlayer_lowered:
.L_overlay_start_2:
0xf2: {  	(tag) =	ssettag $0x2  }
0xf3: {  	s0 =	rddreg [dreg:$0x0];
	s2 =	stileid.u32  }
0xf4: {  	s1 =	rddreg [dreg:$0x1];
	p0 =	sne.s32 s2, $0x0  }
0xf5: {  	s3 =	rddreg [dreg:$0x2];
	[bflag:$0x3] =	sbarrier.arrive $0xFFFF;
	s2 =	simm.s32 @!p0 $0x1C12  }
0xf6: {  	[timem:s3], [sflag:s2] =	dma.local @!p0 [hbm:s0], s1  }
0xf7: {  	s0 =	simm.s32 @!p0 $0x12  }
0xf8: {  	_ =	swait.ge @!p0 [sflag:s0], s1  }
0xf9: {  	s1 =	ssub.s32 @!p0 $0x0, s1;
	[sflag:s0] =	ssyncset.done @!p0 $0x0  }
0xfa: {  	[sflag:s0] =	ssyncadd.s32 @!p0 s1  }
0xfb: {  	[bflag:$0x3] =	sbarrier.arrive $0xFFFF  }
0xfc: {  	_ =	shalt  }

// kernel: kernel.19.cloned.1.call-start
scs
__scs_entry_jumppad:
0x0: {  	(pc) =	sbr.rel $0x88, $3  }
0x1: {  	(tag) =	ssettag $0x0;
	lr =	simm.s32 $0x1  }
0x2: {  	[smem:$0x3F91] =	sst lr;
	_ =	strace $0xD0000000  }
0x3: {  	_ = 	snop  }
0x4: {  	_ = 	snop  }
0x5: {  	_ = 	snop  }
0x6: {  	_ = 	snop  }
0x7: {  	_ = 	snop  }
__scs_overlays_trampoline_lowered:
0x8: {  	[smem:$0x3FA0] =	sst s0  }
0x9: {  	[smem:$0x3FA1] =	sst s1  }
0xa: {  	[smem:$0x3FA2] =	sst s2  }
0xb: {  	[smem:$0x3FA3] =	sst s3  }
0xc: {  	[smem:$0x3FA4] =	sst s4  }
0xd: {  	[smem:$0x3FA5] =	sst s5  }
0xe: {  	[smem:$0x3FA6] =	sst s6  }
0xf: {  	[smem:$0x3FA7] =	sst s7  }
0x10: {  	[smem:$0x3FA8] =	sst s8  }
0x11: {  	[smem:$0x3FA9] =	sst s9;
	s0 =	simm.s32 @!p0 $0x0  }
0x12: {  	s1 =	sld [smem:$0x3F8F];
	s0 =	simm.s32 @p0 $0x1  }
0x13: {  	[smem:$0x3FAA] =	sst s0;
	s0 =	simm.s32 @!p1 $0x0  }
0x14: {  	s2 =	sld [smem:$0x3F8E];
	s0 =	simm.s32 @p1 $0x1  }
0x15: {  	[smem:$0x3FAB] =	sst s0;
	s0 =	simm.s32 @!p2 $0x0  }
0x16: {  	s3 =	sld [smem:$0x3FDB];
	s0 =	simm.s32 @p2 $0x1  }
0x17: {  	s4 =	simm.s32 $0x1BF5;
	[smem:$0x3FAD] =	sst s0  }
0x18: {  	s0 =	sld [smem:$0x3F90];
	_ =	swait.ge [sflag:s4], $0x0  }
0x19: {  	s7 =	sld [smem:$0x3F91]  }
0x1a: {  	s8 =	sadd.s32 $0xFFFFE003, lr  }
0x1b: {  	s9 =	sadd.s32 $0xFFFFFEF7, lr;
	s5 =	simm.s32 $0xFFFFFFFF;
	p2 =	slt.u32 s8, $0xFFFFF086  }
0x1c: {  	p1 =	slt.u32 s9, $0xF7A;
	s5 =	simm.s32 @!p2 $0x0  }
0x1d: {  	s5 =	simm.s32 @p1 $0x1;
	p0 =	seq.s32 s7, s2  }
0x1e: {  	s7 =	smul.u32 @!p0 $0xF7A, s2;
	p2 =	seq.s32 @!p0 s5, $0x0  }
0x1f: {  	s9 =	smul.u32 $0xF7A, s1;
	s8 =	simm.s32 @!p0 $0x1BF5;
	p2 =	por !p2, p0  }
0x20: {  	[sflag:s8] =	ssyncset.s32 @!p0 $0xFFFFF086;
	s6 =	sadd.s32 @!p0 s3, s7;
	s7 =	simm.s32 @!p0 $0x108  }
0x21: {  	s3 =	sadd.s32 s3, s9;
	s6 =	sadd.s32 @!p0 $0x88, s6;
	s7 =	simm.s32 @p2 $0x1082  }
0x22: {  	[simem:s7], [sflag:s8] =	dma.local @!p0 [hbm:s6], $0xF7A  }
0x23: {  	s9 =	sor.u32 $0xD0000000, s2;
	s6 =	simm.s32 $0x108;
	_ =	swait.ge @!p0 [sflag:s8], $0x0  }
0x24: {  	s3 =	sadd.s32 $0x88, s3;
	s6 =	simm.s32 @!p1 $0x1082;
	[sflag:s4] =	ssyncset.s32 $0xFFFFF086  }
0x25: {  	[simem:s6], [sflag:s4] =	dma.local [hbm:s3], $0xF7A  }
0x26: {  	[smem:$0x3F91] =	sst s1;
	(tag) =	ssettag s2;
	_ =	strace s9  }
0x27: {  	s1 =	sld [smem:$0x3FA1]  }
0x28: {  	s2 =	sld [smem:$0x3FA2]  }
0x29: {  	s4 =	sld [smem:$0x3FA4]  }
0x2a: {  	p0 =	seq.s32 s5, $0x0;
	s5 =	sld [smem:$0x3FA5]  }
0x2b: {  	s6 =	sld [smem:$0x3FA6]  }
0x2c: {  	s7 =	sld [smem:$0x3FA7]  }
0x2d: {  	s3 =	simm.s32 $0x108;
	s8 =	sld [smem:$0x3FA8]  }
0x2e: {  	s3 =	simm.s32 @!p0 $0x1082;
	s9 =	sld [smem:$0x3FA9]  }
0x2f: {  	lr =	sadd.s32 s0, s3;
	s0 =	sld [smem:$0x3FA0]  }
0x30: {  	s3 =	sld [smem:$0x3FA3]  }
0x31: {  	[smem:$0x3FAC] =	sst s10  }
0x32: {  	s10 =	sld [smem:$0x3FAA];
	_ =	sdelay $0x3  }
0x33: {  	p0 =	seq.s32 s10, $0x1;
	s10 =	sld [smem:$0x3FAC];
	_ =	sdelay $0x3  }
0x34: {  	[smem:$0x3FAC] =	sst s10  }
0x35: {  	s10 =	sld [smem:$0x3FAB];
	_ =	sdelay $0x3  }
0x36: {  	p1 =	seq.s32 s10, $0x1;
	s10 =	sld [smem:$0x3FAC];
	_ =	sdelay $0x3  }
0x37: {  	[smem:$0x3FAC] =	sst s10  }
0x38: {  	s10 =	sld [smem:$0x3FAD]  }
0x39: {  	_ = 	snop;
	(pc) =	sbr.ind lr, $3  }
0x3a: {  	_ = 	snop  }
0x3b: {  	_ = 	snop  }
0x3c: {  	p2 =	seq.s32 s10, $0x1;
	s10 =	sld [smem:$0x3FAC]  }
0x3d: {  	_ =	shalt  }
0x3e: {  	_ =	shalt  }
0x3f: {  	_ =	shalt  }
0x40: {  	_ =	shalt  }
0x41: {  	_ =	shalt  }
0x42: {  	_ =	shalt  }
0x43: {  	_ =	shalt  }
0x44: {  	_ =	shalt  }
0x45: {  	_ =	shalt  }
0x46: {  	_ =	shalt  }
0x47: {  	_ =	shalt  }
0x48: {  	_ =	shalt  }
0x49: {  	_ =	shalt  }
0x4a: {  	_ =	shalt  }
0x4b: {  	_ =	shalt  }
0x4c: {  	_ =	shalt  }
0x4d: {  	_ =	shalt  }
0x4e: {  	_ =	shalt  }
0x4f: {  	_ =	shalt  }
0x50: {  	_ =	shalt  }
0x51: {  	_ =	shalt  }
0x52: {  	_ =	shalt  }
0x53: {  	_ =	shalt  }
0x54: {  	_ =	shalt  }
0x55: {  	_ =	shalt  }
0x56: {  	_ =	shalt  }
0x57: {  	_ =	shalt  }
0x58: {  	_ =	shalt  }
0x59: {  	_ =	shalt  }
0x5a: {  	_ =	shalt  }
0x5b: {  	_ =	shalt  }
0x5c: {  	_ =	shalt  }
0x5d: {  	_ =	shalt  }
0x5e: {  	_ =	shalt  }
0x5f: {  	_ =	shalt  }
0x60: {  	_ =	shalt  }
0x61: {  	_ =	shalt  }
0x62: {  	_ =	shalt  }
0x63: {  	_ =	shalt  }
0x64: {  	_ =	shalt  }
0x65: {  	_ =	shalt  }
0x66: {  	_ =	shalt  }
0x67: {  	_ =	shalt  }
0x68: {  	_ =	shalt  }
0x69: {  	_ =	shalt  }
0x6a: {  	_ =	shalt  }
0x6b: {  	_ =	shalt  }
0x6c: {  	_ =	shalt  }
0x6d: {  	_ =	shalt  }
0x6e: {  	_ =	shalt  }
0x6f: {  	_ =	shalt  }
0x70: {  	_ =	shalt  }
0x71: {  	_ =	shalt  }
0x72: {  	_ =	shalt  }
0x73: {  	_ =	shalt  }
0x74: {  	_ =	shalt  }
0x75: {  	_ =	shalt  }
0x76: {  	_ =	shalt  }
0x77: {  	_ =	shalt  }
0x78: {  	_ =	shalt  }
0x79: {  	_ =	shalt  }
0x7a: {  	_ =	shalt  }
0x7b: {  	_ =	shalt  }
0x7c: {  	_ =	shalt  }
0x7d: {  	_ =	shalt  }
0x7e: {  	_ =	shalt  }
0x7f: {  	_ =	shalt  }
0x80: {  	_ =	shalt  }
0x81: {  	_ =	shalt  }
0x82: {  	_ =	shalt  }
0x83: {  	_ =	shalt  }
0x84: {  	_ =	shalt  }
0x85: {  	_ =	shalt  }
0x86: {  	_ =	shalt  }
0x87: {  	_ =	shalt  }
.Lfunc_end0:
.L_simem_size_0:
called_computation.3_lowered:
.L_overlay_start_0:
0x88: {  	s2 =	sld [smem:$0x3FD9]  }
0x89: {  	s3 =	sld [smem:$0x3FFE];
	_ =	sdelay $0x1  }
0x8a: {  	s1 =	srdreg.scid  }
0x8b: {  	s0 =	sand.u32 $0x1, s1  }
0x8c: {  	s16 =	sshll.u32 s0, $0xA;
	s2 =	sadd.s32 s3, s2  }
0x8d: {  	s2 =	sadd.s32 s2, s16  }
0x8e: {  	[smem:$0x3FB8] =	sst s2  }
0x8f: {  	_ = 	snop  }
0x90: {  	(tm) =	ssettm $0x1  }
0x91: {  	s17 =	sld [smem:$0x3FFB];
	_ =	sdelay $0x3  }
0x92: {  	_ =	strace s17  }
0x93: {  	s2 =	sld [smem:$0x3FFC];
	_ =	sdelay $0x3  }
0x94: {  	_ =	strace s2  }
0x95: {  	s2 =	sld [smem:$0x3FFD];
	_ =	sdelay $0x3  }
0x96: {  	_ =	strace s2  }
0x97: {  	_ =	strace $0x8FFFFFFF  }
0x98: {  	s18 =	sld [smem:$0x3FDB];
	_ =	sdelay $0x1  }
0x99: {  	s19 =	simm.s32 $_scs_section_size  }
0x9a: {  	s4 =	simm.s32 $_size__tile_overlayer_lowered;
	s5 =	simm.s32 $_tile_overlayer_lowered  }
0x9b: {  	s22 =	simm.s32 $0x1BFF;
	s21 =	sshll.u32 s5, $0x1;
	s2 =	sadd.s32 s19, s18  }
0x9c: {  	s6 =	simm.s32 $0x0;
	s20 =	sshll.u32 s4, $0x1;
	s4 =	sadd.s32 s21, s2  }
0x9d: {  	[timem:s6], [sflag:s22] =	dma.local [hbm:s4], s20  }
0x9e: {  	_ =	swait.ge [sflag:s22], s20  }
0x9f: {  	s3 =	ssub.s32 $0x0, s20;
	[sflag:s22] =	ssyncset.done $0x0  }
0xa0: {  	[sflag:s22] =	ssyncadd.s32 s3;
	_ =	sdelay $0x1  }
0xa1: {  	s23 =	simm.s32 $0x1B8B  }
0xa2: {  	_ =	swait.ge [sflag:s23], $0x1  }
0xa3: {  	[sflag:s23] =	ssyncset.done $0x0  }
0xa4: {  	s25 =	simm.s32 $0x1B8E;
	s24 =	sld [smem:$0x3FFE];
	[sflag:s23] =	ssyncadd.s32 $0xFFFFFFFF  }
0xa5: {  	s26 =	simm.s32 $execute0_lowered;
	[smem:$0x3FD2] =	sst s25  }
0xa6: {  	s4 =	sshll.u32 s26, $0x1;
	_ =	strace $0x8000004F;
	[dreg:$0x1] =	wrdreg $0xFFFFFFFF  }
0xa7: {  	s28 =	simm.s32 $_size_execute0_lowered;
	s2 =	sadd.s32 s2, s4;
	[dreg:$0x0] =	wrdreg $0x0  }
0xa8: {  	s4 =	sshll.u32 s28, $0x1;
	[dreg:$0x2] =	wrdreg s2  }
0xa9: {  	[dreg:$0x3] =	wrdreg s4  }
0xaa: {  	[dreg:$0x4] =	wrdreg $0xC0  }
0xab: {  	_ =	task [dreg:s6], $0x5FFFF  }
0xac: {  	[dreg:$0x1] =	wrdreg $0xFFFFFFFF  }
0xad: {  	[dreg:$0x0] =	wrdreg $0x60  }
0xae: {  	[dreg:$0x2] =	wrdreg s24  }
0xaf: {  	[dreg:$0x3] =	wrdreg $0xA8000  }
0xb0: {  	[dreg:$0x4] =	wrdreg $0x148000  }
0xb1: {  	[dreg:$0x5] =	wrdreg $0x9  }
0xb2: {  	_ =	task.clear_ibuf [dreg:s6], $0x6FFFF;
	_ =	strace $0x9000004F  }
0xb3: {  	s29 =	simm.s32 $0x9;
	_ =	strace $0x80000051  }
0xb4: {  	_ =	swait.ge [sflag:s29], $0x1  }
0xb5: {  	[sflag:s29] =	ssyncadd.s32 $0xFFFFFFFF  }
0xb6: {  	_ =	strace $0x90000051  }
0xb7: {  	_ =	sfence  }
0xb8: {  	s30 =	sld [smem:$0x0];
	_ =	sdelay $0x2  }
0xb9: {  	s31 =	sshll.u32 s1, $0xD;
	s1 =	sshrl.u32 s1, $0x2  }
0xba: {  	s3 =	sand.u32 $0x4000, s31;
	s1 =	sadd.s32 s1, s30  }
0xbb: {  	s0 =	sor.u32 s3, s0;
	s1 =	sshll.u32 s1, $0x11  }
0xbc: {  	s0 =	sor.u32 s1, s0  }
0xbd: {  	s0 =	sadd.s32 $0x8F2B, s0  }
0xbe: {  	[sflag:s0] =	ssyncadd.remote.s32 $0x1  }
0xbf: {  	_ =	sfence.sel $0xFFFF  }
0xc0: {  	[dreg:$0x0] =	wrdreg $0xFFFFFFFF;
	(pc) =	sbr.abs _section_cstart, $3  }
0xc1: {  	[dreg:$0x1] =	wrdreg $0xFFFFFFFF  }
0xc2: {  	_ =	task.clear_ibuf [dreg:s6], $0x2FFFF;
	_ =	strace $0x9FFFFFFF  }
0xc3: {  	(tm) =	ssettm $0x7FFFFFFF  }
tec
execute0_lowered:
.L_overlay_start_1:
0x0: {  	(tag) =	ssettag $0x1  }
0x1: {  	s0 =	rddreg [dreg:$0x0];
	s1 =	srdreg.scid  }
0x2: {  	s12 =	stileid.u32;
	s2 =	rddreg [dreg:$0x1]  }
0x3: {  	s3 =	rddreg [dreg:$0x2];
	s4 =	simm.s32 $0x0;
	s5 =	smul.u32 $0x14000, s12  }
0x4: {  	s31 =	simm.s32 $0x80;
	s28 =	simm.s32 $0x5;
	s7 =	smul.u32 $0x1400, s12  }
0x5: {  	s29 =	simm.s32 $0xF;
	s1 =	sand.u32 $0x1, s1;
	s9 =	smul.u32 $0xA000, s12  }
0x6: {  	[smem:$0x7FF] =	sst s4;
	s11 =	smul.u32 $0x280, s12;
	s13 =	sshll.u32 s12, $0x6  }
0x7: {  	s6 =	sshll.u32 s1, $0x6;
	_ =	strace $0x80000050;
	s1 =	ssub.s32 $0x2, s1  }
0x8: {  	[dreg:$0x5] =	wrdreg s13;
	s13 =	sor.u32 $0x1C11, s13;
	s5 =	sor.u32 s6, s5  }
0x9: {  	s7 =	sadd.s32 s7, s0;
	s10 =	sshrl.u32 s1, $0x1;
	s25 =	sadd.s32 $0x80, s11  }
0xa: {  	s26 =	sadd.s32 $0x100, s11;
	[dreg:$0x6] =	wrdreg s13;
	s16 =	sadd.s32 s9, s3  }
0xb: {  	s15 =	sadd.s32 $0x180, s11;
	s11 =	sadd.s32 $0x200, s11;
	s5 =	sshrl.u32 s5, $0x3  }
0xc: {  	s1 =	ssub.s32 s1, s10;
	s10 =	sadd.s32 s9, s2;
	s30 =	sshll.u32 s25, $0x6  }
0xd: {  	s14 =	sshll.u32 s26, $0x6;
	s17 =	sshll.u32 s15, $0x6;
	s19 =	sshll.u32 s11, $0x6  }
0xe: {  	s22 =	sshll.u32 s26, $0x7;
	s23 =	sshll.u32 s15, $0x7;
	s24 =	sshll.u32 s11, $0x7  }
0xf: {  	s9 =	simm.s32 $0x4;
	s11 =	simm.s32 $0xC;
	[dreg:$0x7] =	wrdreg s16  }
0x10: {  	s8 =	sadd.s32 s5, s0;
	s0 =	sadd.s32 $0x4B200, s0;
	s18 =	sadd.s32 s30, s3  }
0x11: {  	s14 =	sadd.s32 s14, s3;
	s13 =	sadd.s32 s17, s3;
	s20 =	sadd.s32 s19, s3  }
0x12: {  	s26 =	smax.u32 s1, $0x1;
	s30 =	sshrl.u32 s10, $0x3;
	[dreg:$0x9] =	wrdreg s14  }
0x13: {  	s1 =	simm.s32 $0x800;
	s17 =	simm.s32 $0x3;
	[dreg:$0xa] =	wrdreg s13  }
0x14: {  	s19 =	simm.s32 $0xB;
	s10 =	simm.s32 $0x6800;
	[dreg:$0xb] =	wrdreg s20  }
0x15: {  	s8 =	sadd.s32 $0x23200, s8;
	s13 =	sadd.s32 $0xF200, s7;
	[dreg:$0x11] =	wrdreg s26  }
0x16: {  	s5 =	sadd.s32 s0, s5;
	s7 =	sor.u32 s6, s23;
	[dreg:$0x12] =	wrdreg s30  }
0x17: {  	s23 =	simm.s32 $0x10;
	s14 =	simm.s32 $0xA;
	[dreg:$0x8] =	wrdreg s18  }
0x18: {  	s26 =	simm.s32 $0xD;
	s20 =	simm.s32 $0x6;
	[dreg:$0x4] =	wrdreg s8  }
0x19: {  	s8 =	sshll.u32 s25, $0x7;
	[dreg:$0xc] =	wrdreg s5;
	s5 =	sor.u32 s6, s22  }
0x1a: {  	s7 =	sshrl.u32 s7, $0x3;
	s22 =	simm.s32 $0x8;
	s8 =	sor.u32 s6, s8  }
0x1b: {  	s6 =	sor.u32 s6, s24;
	s5 =	sshrl.u32 s5, $0x3;
	s25 =	sadd.s32 s0, s7  }
.Ltmp0:
0x1c: {  	s24 =	simm.s32 $0xE;
	s7 =	simm.s32 $0x0;
	(pc) =	sbr.rel .LBB2_1-.Ltmp0, $4  }
0x1d: {  	s8 =	sshrl.u32 s8, $0x3;
	s5 =	sadd.s32 s0, s5;
	[dreg:$0xf] =	wrdreg s25  }
0x1e: {  	s6 =	sshrl.u32 s6, $0x3;
	s21 =	sadd.s32 s0, s8;
	[dreg:$0xe] =	wrdreg s5  }
0x1f: {  	s0 =	sadd.s32 s0, s6;
	s6 =	simm.s32 $0x2800;
	[dreg:$0xd] =	wrdreg s21  }
0x20: {  	v0 =	vimm.f32 $0.0e+00;
	[dreg:$0x10] =	wrdreg s0;
	s21 =	simm.s32 $0x1;
	s0 =	simm.s32 $0x9  }
.LBB2_6:
0x21: {  	_ =	swait.ge [sflag:s26], $0x2000  }
0x22: {  	[sflag:s26] =	ssyncset.done $0x0  }
0x23: {  	[sflag:s26] =	ssyncadd.s32 $0xFFFFE000  }
0x24: {  	_ =	swait.ge [sflag:s24], $0x2000  }
0x25: {  	[sflag:s24] =	ssyncset.done $0x0  }
0x26: {  	[sflag:s24] =	ssyncadd.s32 $0xFFFFE000  }
0x27: {  	_ =	swait.ge [sflag:s29], $0x2000  }
0x28: {  	[sflag:s29] =	ssyncset.done $0x0  }
0x29: {  	[sflag:s29] =	ssyncadd.s32 $0xFFFFE000  }
0x2a: {  	_ =	swait.ge [sflag:s23], $0x2000  }
0x2b: {  	[sflag:s23] =	ssyncset.done $0x0  }
0x2c: {  	[sflag:s23] =	ssyncadd.s32 $0xFFFFE000  }
0x2d: {  	[bflag:$0x0] =	sbarrier.arrive $0xFFFF  }
0x2e: {  	s5 =	rddreg [dreg:$0x5]  }
0x2f: {  	s15 =	simm.s32 $0x12;
	s16 =	rddreg [dreg:$0x7]  }
0x30: {  	s12 =	rddreg [dreg:$0xc];
	s5 =	sor.u32 $0x1C12, s5;
	s8 =	sshrl.u32 s16, $0x3  }
0x31: {  	[hbm:s12@s23], [sflag:s5] =	dma.strided [spmem:s8@s22], $0x400, s21, $0x8   }
0x32: {  	_ =	swait.ge [sflag:s15], $0x400  }
0x33: {  	[sflag:s15] =	ssyncset.done $0x0;
	s18 =	rddreg [dreg:$0x8]  }
0x34: {  	s7 =	rddreg [dreg:$0xd];
	[sflag:s15] =	ssyncadd.s32 $0xFFFFFC00;
	s30 =	sshrl.u32 s18, $0x3  }
0x35: {  	[hbm:s7@s23], [sflag:s5] =	dma.strided [spmem:s30@s22], $0x400, s21, $0x8   }
0x36: {  	_ =	swait.ge [sflag:s15], $0x400  }
0x37: {  	[sflag:s15] =	ssyncset.done $0x0;
	s12 =	rddreg [dreg:$0x9]  }
0x38: {  	s25 =	rddreg [dreg:$0xe];
	[sflag:s15] =	ssyncadd.s32 $0xFFFFFC00;
	s8 =	sshrl.u32 s12, $0x3  }
0x39: {  	[hbm:s25@s23], [sflag:s5] =	dma.strided [spmem:s8@s22], $0x400, s21, $0x8   }
0x3a: {  	_ =	swait.ge [sflag:s15], $0x400  }
0x3b: {  	[sflag:s15] =	ssyncset.done $0x0;
	s30 =	rddreg [dreg:$0xa]  }
0x3c: {  	s7 =	rddreg [dreg:$0xf];
	[sflag:s15] =	ssyncadd.s32 $0xFFFFFC00;
	s8 =	sshrl.u32 s30, $0x3  }
0x3d: {  	[hbm:s7@s23], [sflag:s5] =	dma.strided [spmem:s8@s22], $0x400, s21, $0x8   }
0x3e: {  	_ =	swait.ge [sflag:s15], $0x400  }
0x3f: {  	[sflag:s15] =	ssyncset.done $0x0;
	s12 =	rddreg [dreg:$0xb]  }
0x40: {  	s25 =	rddreg [dreg:$0x10];
	[sflag:s15] =	ssyncadd.s32 $0xFFFFFC00;
	s8 =	sshrl.u32 s12, $0x3  }
0x41: {  	[hbm:s25@s23], [sflag:s5] =	dma.strided [spmem:s8@s22], $0x400, s21, $0x8   }
0x42: {  	_ =	swait.ge [sflag:s15], $0x400  }
0x43: {  	s7 =	rddreg [dreg:$0x13]  }
0x44: {  	s30 =	rddreg [dreg:$0x11];
	s7 =	sadd.s32 $0x1, s7  }
0x45: {  	p0 =	sne.s32 s7, s30  }
.Ltmp1:
0x46: {  	_ = 	snop;
	(pc) =	sbr.rel @!p0 .LBB2_7-.Ltmp1, $3  }
0x47: {  	_ =	sdelay $0x1  }
0x48: {  	[sflag:s15] =	ssyncset.done $0x0  }
0x49: {  	[sflag:s15] =	ssyncadd.s32 $0xFFFFFC00  }
.LBB2_1:
0x4a: {  	[dreg:$0x13] =	wrdreg s7  }
0x4b: {  	s5 =	rddreg [dreg:$0x4]  }
0x4c: {  	s8 =	rddreg [dreg:$0x6]  }
0x4d: {  	s12 =	rddreg [dreg:$0x12];
	s25 =	sand.u32 $0x7F00, s4  }
0x4e: {  	[spmem:s12@s22], [sflag:s8] =	dma.strided [hbm:s5@s23], $0x1400, s21, $0x8   }
0x4f: {  	s30 =	sand.u32 $0x30, s4;
	s15 =	sshrl.u32 s25, $0x2  }
0x50: {  	s8 =	simm.s32 $0x40;
	s12 =	sor.u32 s30, s15;
	s15 =	simm.s32 $0x0  }
.LBB2_2:
0x51: {  	p0 =	sne.s32 s8, $0x7FC0  }
0x52: {  	[tilespmem:s12+$0x8800] =	vst v0;
	s15 =	sadd.s32 $0x10, s15;
	s12 =	smov.u32 s8;
	s8 =	sadd.s32 $0x40, s8  }
.Ltmp2:
0x53: {  	(pc) =	sbr.rel @p0 .LBB2_2-.Ltmp2, $4  }
0x54: {  	_ = 	snop  }
0x55: {  	s12 =	sand.u32 $0x7F00, s12  }
0x56: {  	s30 =	sand.u32 $0x30, s15;
	s12 =	sshrl.u32 s12, $0x2  }
0x57: {  	s12 =	sor.u32 s30, s12  }
0x58: {  	[tilespmem:s12+$0x8800] =	vst v0;
	s8 =	simm.s32 $0x8800;
	s25 =	simm.s32 $0x12  }
0x59: {  	[spmem:s16] =	stream.linear.scatter [tilespmem:s8], [sflag:$0x12], $0x2000, $0x38;
	[tilespmem:$0x1E800] =	vst v63  }
0x5a: {  	_ =	swait.ge [sflag:s25], $0x2000  }
0x5b: {  	[sflag:s25] =	ssyncset.done $0x0  }
0x5c: {  	[sflag:s25] =	ssyncadd.s32 $0xFFFFE000  }
0x5d: {  	[spmem:s18] =	stream.linear.scatter [tilespmem:s8], [sflag:$0x12], $0x2000, $0x38;
	[tilespmem:$0x1E800] =	vst v63  }
0x5e: {  	_ =	swait.ge [sflag:s25], $0x2000  }
0x5f: {  	[sflag:s25] =	ssyncset.done $0x0  }
0x60: {  	s5 =	rddreg [dreg:$0x9];
	[sflag:s25] =	ssyncadd.s32 $0xFFFFE000  }
0x61: {  	[spmem:s5] =	stream.linear.scatter [tilespmem:s8], [sflag:$0x12], $0x2000, $0x38;
	[tilespmem:$0x1E800] =	vst v63  }
0x62: {  	_ =	swait.ge [sflag:s25], $0x2000  }
0x63: {  	[sflag:s25] =	ssyncset.done $0x0  }
0x64: {  	s30 =	rddreg [dreg:$0xa];
	[sflag:s25] =	ssyncadd.s32 $0xFFFFE000  }
0x65: {  	[spmem:s30] =	stream.linear.scatter [tilespmem:s8], [sflag:$0x12], $0x2000, $0x38;
	[tilespmem:$0x1E800] =	vst v63  }
0x66: {  	_ =	swait.ge [sflag:s25], $0x2000  }
0x67: {  	[sflag:s25] =	ssyncset.done $0x0  }
0x68: {  	s7 =	rddreg [dreg:$0xb];
	[sflag:s25] =	ssyncadd.s32 $0xFFFFE000  }
0x69: {  	[spmem:s7] =	stream.linear.scatter [tilespmem:s8], [sflag:$0x12], $0x2000, $0x38;
	[tilespmem:$0x1E800] =	vst v63  }
0x6a: {  	_ =	swait.ge [sflag:s25], $0x2000  }
0x6b: {  	[sflag:s25] =	ssyncset.done $0x0  }
0x6c: {  	s8 =	simm.s32 $0x11;
	[sflag:s25] =	ssyncadd.s32 $0xFFFFE000  }
0x6d: {  	_ =	swait.ge [sflag:s8], $0x1400  }
0x6e: {  	[sflag:s8] =	ssyncset.done $0x0  }
0x6f: {  	[sflag:s8] =	ssyncadd.s32 $0xFFFFEC00  }
0x70: {  	s15 =	simm.s32 $0x0;
	[bflag:$0x0] =	sbarrier.arrive $0xFFFF  }
0x71: {  	[tilespmem:s15], [sflag:$0x1] =	stream.linear.gather [hbm4b:s13+s15], $0x100, $0x38;
	[tilespmem:$0x1E800] =	vst v63  }
0x72: {  	s12 =	sadd.s32 $0x20, s13;
	s16 =	simm.s32 $0x100  }
0x73: {  	[tilespmem:s16], [sflag:$0x2] =	stream.linear.gather [hbm4b:s12+s15], $0x100, $0x38;
	[tilespmem:$0x1E800] =	vst v63  }
0x74: {  	s18 =	sadd.s32 $0x40, s13;
	s25 =	simm.s32 $0x200  }
0x75: {  	[tilespmem:s25], [sflag:$0x3] =	stream.linear.gather [hbm4b:s18+s15], $0x100, $0x38;
	[tilespmem:$0x1E800] =	vst v63  }
0x76: {  	s30 =	sadd.s32 $0x60, s13;
	s16 =	simm.s32 $0x300  }
0x77: {  	[tilespmem:s16], [sflag:$0x4] =	stream.linear.gather [hbm4b:s30+s15], $0x100, $0x38;
	[tilespmem:$0x1E800] =	vst v63  }
0x78: {  	_ =	swait.ge [sflag:s21], $0x100  }
0x79: {  	[sflag:s21] =	ssyncset.done $0x0  }
0x7a: {  	[sflag:s21] =	ssyncadd.s32 $0xFFFFFF00  }
0x7b: {  	[tilespmem:s1], [sflag:$0x9] =	stream.indirect.gather [spmem:s2], $0x40, s15, s31, $0xb8;
	[tilespmem:$0x1E800] =	vst v63  }
.LBB2_4:
0x7c: {  	_ =	swait.ge [sflag:s0], $0x2000  }
0x7d: {  	p0 =	seq.s32 s15, $0x0;
	[sflag:s0] =	ssyncset.done $0x0  }
0x7e: {  	s12 =	simm.s32 @!p0 $0xF;
	[sflag:s0] =	ssyncadd.s32 $0xFFFFE000  }
0x7f: {  	[spmem:s3] =	stream.indirect.scatter.add.f32 [tilespmem:s1], [sflag:$0xD], $0x40, s31, s31, $0xb8;
	[tilespmem:$0x1E800] =	vst v63  }
0x80: {  	_ =	swait.ge @!p0 [sflag:s12], $0x2000  }
0x81: {  	s8 =	sadd.s32 s15, s13;
	s18 =	simm.s32 $0x400;
	[sflag:s12] =	ssyncset.done @!p0 $0x0  }
0x82: {  	s5 =	simm.s32 $0x2;
	s7 =	sadd.s32 $0x80, s8;
	[sflag:s12] =	ssyncadd.s32 @!p0 $0xFFFFE000  }
0x83: {  	[tilespmem:s18], [sflag:$0x5] =	stream.linear.gather [hbm4b:s7+s4], $0x100, $0x38;
	[tilespmem:$0x1E800] =	vst v63  }
0x84: {  	_ =	swait.ge [sflag:s5], $0x100  }
0x85: {  	[sflag:s5] =	ssyncset.done $0x0  }
0x86: {  	s25 =	simm.s32 $0x100;
	[sflag:s5] =	ssyncadd.s32 $0xFFFFFF00  }
0x87: {  	[tilespmem:s6], [sflag:$0xA] =	stream.indirect.gather [spmem:s2], $0x40, s25, s31, $0xb8;
	[tilespmem:$0x1E800] =	vst v63  }
0x88: {  	_ =	swait.ge [sflag:s14], $0x2000  }
0x89: {  	[sflag:s14] =	ssyncset.done $0x0  }
0x8a: {  	s30 =	simm.s32 $0x180;
	s12 =	simm.s32 @!p0 $0x10;
	[sflag:s14] =	ssyncadd.s32 $0xFFFFE000  }
0x8b: {  	[spmem:s3] =	stream.indirect.scatter.add.f32 [tilespmem:s6], [sflag:$0xE], $0x40, s30, s31, $0xb8;
	[tilespmem:$0x1E800] =	vst v63  }
0x8c: {  	_ =	swait.ge @!p0 [sflag:s12], $0x2000  }
0x8d: {  	[sflag:s12] =	ssyncset.done @!p0 $0x0  }
0x8e: {  	s7 =	sadd.s32 $0xA0, s8;
	s25 =	simm.s32 $0x500;
	[sflag:s12] =	ssyncadd.s32 @!p0 $0xFFFFE000  }
0x8f: {  	[tilespmem:s25], [sflag:$0x6] =	stream.linear.gather [hbm4b:s7+s4], $0x100, $0x38;
	[tilespmem:$0x1E800] =	vst v63  }
0x90: {  	_ =	swait.ge [sflag:s17], $0x100  }
0x91: {  	[sflag:s17] =	ssyncset.done $0x0  }
0x92: {  	s30 =	simm.s32 $0x200;
	s7 =	simm.s32 $0x4800;
	[sflag:s17] =	ssyncadd.s32 $0xFFFFFF00  }
0x93: {  	[tilespmem:s7], [sflag:$0xB] =	stream.indirect.gather [spmem:s2], $0x40, s30, s31, $0xb8;
	[tilespmem:$0x1E800] =	vst v63  }
0x94: {  	_ =	swait.ge [sflag:s19], $0x2000  }
0x95: {  	[sflag:s19] =	ssyncset.done $0x0  }
0x96: {  	s30 =	simm.s32 $0x280;
	[sflag:s19] =	ssyncadd.s32 $0xFFFFE000  }
0x97: {  	[spmem:s3] =	stream.indirect.scatter.add.f32 [tilespmem:s7], [sflag:$0xF], $0x40, s30, s31, $0xb8;
	[tilespmem:$0x1E800] =	vst v63  }
0x98: {  	_ =	swait.ge [sflag:s26], $0x2000  }
0x99: {  	[sflag:s26] =	ssyncset.done $0x0  }
0x9a: {  	s5 =	sadd.s32 $0xC0, s8;
	s7 =	simm.s32 $0x600;
	[sflag:s26] =	ssyncadd.s32 $0xFFFFE000  }
0x9b: {  	[tilespmem:s7], [sflag:$0x7] =	stream.linear.gather [hbm4b:s5+s4], $0x100, $0x38;
	[tilespmem:$0x1E800] =	vst v63  }
0x9c: {  	_ =	swait.ge [sflag:s9], $0x100  }
0x9d: {  	[sflag:s9] =	ssyncset.done $0x0  }
0x9e: {  	[sflag:s9] =	ssyncadd.s32 $0xFFFFFF00  }
0x9f: {  	[tilespmem:s10], [sflag:$0xC] =	stream.indirect.gather [spmem:s2], $0x40, s16, s31, $0xb8;
	[tilespmem:$0x1E800] =	vst v63  }
0xa0: {  	_ =	swait.ge [sflag:s11], $0x2000  }
0xa1: {  	[sflag:s11] =	ssyncset.done $0x0  }
0xa2: {  	s12 =	simm.s32 $0x380;
	[sflag:s11] =	ssyncadd.s32 $0xFFFFE000  }
0xa3: {  	[spmem:s3] =	stream.indirect.scatter.add.f32 [tilespmem:s10], [sflag:$0x10], $0x40, s12, s31, $0xb8;
	[tilespmem:$0x1E800] =	vst v63  }
0xa4: {  	_ =	swait.ge [sflag:s24], $0x2000  }
0xa5: {  	[sflag:s24] =	ssyncset.done $0x0  }
0xa6: {  	s7 =	simm.s32 $0x700;
	s16 =	sadd.s32 $0xE0, s8;
	[sflag:s24] =	ssyncadd.s32 $0xFFFFE000  }
0xa7: {  	[tilespmem:s7], [sflag:$0x8] =	stream.linear.gather [hbm4b:s16+s4], $0x100, $0x38;
	[tilespmem:$0x1E800] =	vst v63  }
0xa8: {  	_ =	swait.ge [sflag:s28], $0x100  }
0xa9: {  	[sflag:s28] =	ssyncset.done $0x0  }
0xaa: {  	[sflag:s28] =	ssyncadd.s32 $0xFFFFFF00  }
0xab: {  	[tilespmem:s1], [sflag:$0x9] =	stream.indirect.gather [spmem:s2], $0x40, s18, s31, $0xb8;
	[tilespmem:$0x1E800] =	vst v63  }
0xac: {  	_ =	swait.ge [sflag:s0], $0x2000  }
0xad: {  	[sflag:s0] =	ssyncset.done $0x0  }
0xae: {  	s18 =	simm.s32 $0x480;
	[sflag:s0] =	ssyncadd.s32 $0xFFFFE000  }
0xaf: {  	[spmem:s3] =	stream.indirect.scatter.add.f32 [tilespmem:s1], [sflag:$0xD], $0x40, s18, s31, $0xb8;
	[tilespmem:$0x1E800] =	vst v63  }
0xb0: {  	p0 =	seq.s32 s15, $0x1300;
	_ =	swait.ge [sflag:s29], $0x2000  }
0xb1: {  	s12 =	sadd.s32 @!p0 s15, s13;
	[sflag:s29] =	ssyncset.done $0x0  }
0xb2: {  	s5 =	simm.s32 @!p0 $0x0;
	s30 =	sadd.s32 @!p0 $0x100, s12;
	[sflag:s29] =	ssyncadd.s32 $0xFFFFE000  }
0xb3: {  	[tilespmem:s5], [sflag:$0x1] =	stream.linear.gather @!p0 [hbm4b:s30+s5], $0x100, $0x38;
	[tilespmem:$0x1E800] =	vst v63  }
0xb4: {  	_ =	swait.ge [sflag:s20], $0x100  }
0xb5: {  	[sflag:s20] =	ssyncset.done $0x0  }
0xb6: {  	[sflag:s20] =	ssyncadd.s32 $0xFFFFFF00  }
0xb7: {  	[tilespmem:s6], [sflag:$0xA] =	stream.indirect.gather [spmem:s2], $0x40, s25, s31, $0xb8;
	[tilespmem:$0x1E800] =	vst v63  }
0xb8: {  	_ =	swait.ge [sflag:s14], $0x2000  }
0xb9: {  	[sflag:s14] =	ssyncset.done $0x0  }
0xba: {  	s25 =	simm.s32 $0x580;
	[sflag:s14] =	ssyncadd.s32 $0xFFFFE000  }
0xbb: {  	[spmem:s3] =	stream.indirect.scatter.add.f32 [tilespmem:s6], [sflag:$0xE], $0x40, s25, s31, $0xb8;
	[tilespmem:$0x1E800] =	vst v63  }
0xbc: {  	_ =	swait.ge [sflag:s23], $0x2000  }
0xbd: {  	[sflag:s23] =	ssyncset.done $0x0  }
0xbe: {  	s30 =	simm.s32 @p0 $0x7;
	[sflag:s23] =	ssyncadd.s32 $0xFFFFE000  }
0xbf: {  	_ =	swait.ge @p0 [sflag:s30], $0x100  }
0xc0: {  	s16 =	simm.s32 @p0 $0x600;
	[sflag:s30] =	ssyncset.done @p0 $0x0  }
0xc1: {  	s18 =	simm.s32 @p0 $0x4800;
	[sflag:s30] =	ssyncadd.s32 @p0 $0xFFFFFF00;
	s30 =	simm.s32 @p0 $0x80  }
0xc2: {  	[tilespmem:s18], [sflag:$0xB] =	stream.indirect.gather @p0 [spmem:s2], $0x40, s16, s30, $0xb8;
	[tilespmem:$0x1E800] =	vst v63  }
0xc3: {  	s16 =	simm.s32 @p0 $0xB  }
0xc4: {  	_ =	swait.ge @p0 [sflag:s16], $0x2000  }
0xc5: {  	[sflag:s16] =	ssyncset.done @p0 $0x0  }
0xc6: {  	[sflag:s16] =	ssyncadd.s32 @p0 $0xFFFFE000;
	s16 =	simm.s32 @p0 $0x680  }
0xc7: {  	[spmem:s3] =	stream.indirect.scatter.add.f32 @p0 [tilespmem:s18], [sflag:$0xF], $0x40, s16, s30, $0xb8;
	[tilespmem:$0x1E800] =	vst v63  }
0xc8: {  	s16 =	sadd.s32 @!p0 $0x120, s12;
	s18 =	simm.s32 @!p0 $0x100  }
0xc9: {  	[tilespmem:s18], [sflag:$0x2] =	stream.linear.gather @!p0 [hbm4b:s16+s5], $0x100, $0x38;
	[tilespmem:$0x1E800] =	vst v63  }
0xca: {  	s16 =	simm.s32 @!p0 $0x7  }
0xcb: {  	_ =	swait.ge @!p0 [sflag:s16], $0x100  }
0xcc: {  	s30 =	simm.s32 @!p0 $0x4800;
	[sflag:s16] =	ssyncset.done @!p0 $0x0  }
0xcd: {  	s18 =	simm.s32 @!p0 $0x600;
	[sflag:s16] =	ssyncadd.s32 @!p0 $0xFFFFFF00;
	s16 =	simm.s32 @!p0 $0x80  }
0xce: {  	[tilespmem:s30], [sflag:$0xB] =	stream.indirect.gather @!p0 [spmem:s2], $0x40, s18, s16, $0xb8;
	[tilespmem:$0x1E800] =	vst v63  }
0xcf: {  	s18 =	simm.s32 @!p0 $0xB  }
0xd0: {  	_ =	swait.ge @!p0 [sflag:s18], $0x2000  }
0xd1: {  	[sflag:s18] =	ssyncset.done @!p0 $0x0  }
0xd2: {  	[sflag:s18] =	ssyncadd.s32 @!p0 $0xFFFFE000;
	s18 =	simm.s32 @!p0 $0x680  }
0xd3: {  	[spmem:s3] =	stream.indirect.scatter.add.f32 @!p0 [tilespmem:s30], [sflag:$0xF], $0x40, s18, s16, $0xb8;
	[tilespmem:$0x1E800] =	vst v63  }
0xd4: {  	s16 =	simm.s32 @!p0 $0xD  }
0xd5: {  	_ =	swait.ge @!p0 [sflag:s16], $0x2000  }
0xd6: {  	[sflag:s16] =	ssyncset.done @!p0 $0x0  }
0xd7: {  	s12 =	sadd.s32 @!p0 $0x140, s12;
	[sflag:s16] =	ssyncadd.s32 @!p0 $0xFFFFE000;
	s16 =	simm.s32 @!p0 $0x200  }
0xd8: {  	[tilespmem:s16], [sflag:$0x3] =	stream.linear.gather @!p0 [hbm4b:s12+s5], $0x100, $0x38;
	[tilespmem:$0x1E800] =	vst v63  }
0xd9: {  	_ =	swait.ge [sflag:s22], $0x100  }
0xda: {  	[sflag:s22] =	ssyncset.done $0x0  }
0xdb: {  	[sflag:s22] =	ssyncadd.s32 $0xFFFFFF00  }
0xdc: {  	[tilespmem:s10], [sflag:$0xC] =	stream.indirect.gather [spmem:s2], $0x40, s7, s31, $0xb8;
	[tilespmem:$0x1E800] =	vst v63  }
.Ltmp3:
0xdd: {  	_ = 	snop;
	(pc) =	sbr.rel @p0 .LBB2_6-.Ltmp3, $4  }
0xde: {  	_ =	swait.ge [sflag:s11], $0x2000  }
0xdf: {  	[sflag:s11] =	ssyncset.done $0x0  }
0xe0: {  	s25 =	simm.s32 $0x300;
	s30 =	simm.s32 $0x780;
	[sflag:s11] =	ssyncadd.s32 $0xFFFFE000  }
0xe1: {  	[spmem:s3] =	stream.indirect.scatter.add.f32 [tilespmem:s10], [sflag:$0x10], $0x40, s30, s31, $0xb8;
	[tilespmem:$0x1E800] =	vst v63  }
0xe2: {  	_ =	swait.ge [sflag:s24], $0x2000  }
0xe3: {  	[sflag:s24] =	ssyncset.done $0x0  }
0xe4: {  	s5 =	sadd.s32 $0x160, s8;
	[sflag:s24] =	ssyncadd.s32 $0xFFFFE000  }
0xe5: {  	[tilespmem:s25], [sflag:$0x4] =	stream.linear.gather [hbm4b:s5+s4], $0x100, $0x38;
	[tilespmem:$0x1E800] =	vst v63  }
.Ltmp4:
0xe6: {  	_ = 	snop;
	(pc) =	sbr.rel .LBB2_4-.Ltmp4, $4  }
0xe7: {  	_ =	swait.ge [sflag:s21], $0x100  }
0xe8: {  	[sflag:s21] =	ssyncset.done $0x0  }
0xe9: {  	s15 =	sadd.s32 $0x100, s15;
	s16 =	simm.s32 $0x300;
	[sflag:s21] =	ssyncadd.s32 $0xFFFFFF00  }
0xea: {  	[tilespmem:s1], [sflag:$0x9] =	stream.indirect.gather [spmem:s2], $0x40, s4, s31, $0xb8;
	[tilespmem:$0x1E800] =	vst v63  }
.LBB2_7:
0xeb: {  	_ =	sfence.sel $0x180000  }
0xec: {  	[bflag:$0x0] =	sbarrier.arrive $0xFFFF  }
0xed: {  	_ =	strace $0x90000050  }
0xee: {  	s0 =	stileid.u32;
	[bflag:$0x2] =	sbarrier.arrive $0xFFFF  }
0xef: {  	p0 =	sne.s32 s0, $0x0;
	s0 =	rddreg [dreg:$0x3]  }
0xf0: {  	s0 =	sadd.s32 @!p0 $0x100000, s0  }
0xf1: {  	[sflag:s0] =	ssyncadd.tile.s32 @!p0 $0x1;
	_ =	shalt  }
.Lfunc_end2:
_tile_overlayer_lowered:
.L_overlay_start_2:
0xf2: {  	(tag) =	ssettag $0x2  }
0xf3: {  	s0 =	rddreg [dreg:$0x0];
	s2 =	stileid.u32  }
0xf4: {  	s1 =	rddreg [dreg:$0x1];
	p0 =	sne.s32 s2, $0x0  }
0xf5: {  	s3 =	rddreg [dreg:$0x2];
	[bflag:$0x3] =	sbarrier.arrive $0xFFFF;
	s2 =	simm.s32 @!p0 $0x1C12  }
0xf6: {  	[timem:s3], [sflag:s2] =	dma.local @!p0 [hbm:s0], s1  }
0xf7: {  	s0 =	simm.s32 @!p0 $0x12  }
0xf8: {  	_ =	swait.ge @!p0 [sflag:s0], s1  }
0xf9: {  	s1 =	ssub.s32 @!p0 $0x0, s1;
	[sflag:s0] =	ssyncset.done @!p0 $0x0  }
0xfa: {  	[sflag:s0] =	ssyncadd.s32 @!p0 s1  }
0xfb: {  	[bflag:$0x3] =	sbarrier.arrive $0xFFFF  }
0xfc: {  	_ =	shalt  }

</sc_bundles>
